<compile_context>
chip_gen: v7x
topology: tpu7x:2x2x1
jax: 0.10.2.dev20260603
libtpu: 0.0.44.dev20260713+nightly
codegen_flags: <defaults>
</compile_context>

<pallas_src>
import functools

import jax
import jax.numpy as jnp
from jax import lax
from jax.experimental import pallas as pl
from jax.experimental.pallas import tpu as pltpu
from jax.experimental.pallas import tpu_sc as plsc

_N = 10000
_NP = 10240
_E = 320000
_FI = 128
_HID = 32
_NC = 40
_DP = 48
_CH = 125
_KW = _E // 32 // _CH
_RPT = _NP // 16
_NBUF = 8
_NGRP = _KW // _NBUF

_mesh = plsc.VectorSubcoreMesh(core_axis_name="c", subcore_axis_name="s")
_sc_params = pltpu.CompilerParams(use_tc_tiling_on_sc=False)



@functools.partial(
    pl.kernel,
    mesh=_mesh,
    compiler_params=_sc_params,
    out_type=jax.ShapeDtypeStruct((2 * _NP,), jnp.float32),
    scratch_types=[
        pltpu.VMEM((_KW, _CH), jnp.int32),
        pltpu.VMEM((128,), jnp.float32),
        pltpu.VMEM((_RPT,), jnp.float32),
        pltpu.VMEM_SHARED((_NP,), jnp.float32),
    ] + [pltpu.SemaphoreType.DMA] * _NBUF,
)
def _deg_sc(e_hbm, out_hbm, idx_v, ones_v, buf_v, deg_sh, *ssem):
    c = lax.axis_index("c")
    s = lax.axis_index("s")
    w = c * 16 + s
    ones16 = jnp.ones((16,), jnp.float32)
    zero16 = jnp.zeros((16,), jnp.float32)
    for k in range(8):
        ones_v[pl.ds(k * 16, 16)] = ones16
    ones_c = ones_v.at[pl.ds(0, _CH)]

    def zb(i, _):
        buf_v[pl.ds(i * 16, 16)] = zero16
        return 0

    lax.fori_loop(0, _RPT // 16, zb, 0)
    pltpu.sync_copy(buf_v, deg_sh.at[pl.ds(s * _RPT, _RPT)])
    pltpu.sync_copy(e_hbm.at[1, w], idx_v)
    plsc.subcore_barrier()

    def grp(i, _):
        for b in range(_NBUF):
            j = i * _NBUF + b

            @pl.when(i > 0)
            def _():
                pltpu.make_async_copy(
                    ones_c, deg_sh.at[idx_v.at[j]], ssem[b]).wait()

            pltpu.async_copy(ones_c, deg_sh.at[idx_v.at[j]], ssem[b],
                             add=True)
        return 0

    lax.fori_loop(0, _NGRP, grp, 0)
    for b in range(_NBUF):
        pltpu.make_async_copy(ones_c, deg_sh.at[idx_v.at[b]], ssem[b]).wait()
    plsc.subcore_barrier()
    pltpu.sync_copy(deg_sh.at[pl.ds(s * _RPT, _RPT)], buf_v)
    pltpu.sync_copy(buf_v, out_hbm.at[pl.ds(c * _NP + s * _RPT, _RPT)])


def _make_agg(D):
    @functools.partial(
        pl.kernel,
        mesh=_mesh,
        compiler_params=_sc_params,
        out_type=jax.ShapeDtypeStruct((2 * _NP, D), jnp.float32),
        scratch_types=[
            pltpu.VMEM((_KW, _CH), jnp.int32),
            pltpu.VMEM((_KW, _CH), jnp.int32),
            pltpu.VMEM((_NBUF, _CH, D), jnp.float32),
            pltpu.VMEM((_RPT, D), jnp.float32),
            pltpu.VMEM_SHARED((_NP, D), jnp.float32),
        ] + [pltpu.SemaphoreType.DMA] * (2 * _NBUF),
    )
    def agg_k(e_hbm, m_hbm, out_hbm, si_v, di_v, rows_v, buf_v,
              agg_sh, *sems):
        gsem = sems[:_NBUF]
        ssem = sems[_NBUF:]
        c = lax.axis_index("c")
        s = lax.axis_index("s")
        w = c * 16 + s
        zero16 = jnp.zeros((16,), jnp.float32)

        def zb(i, _):
            for k in range(D // 16):
                buf_v[i, pl.ds(k * 16, 16)] = zero16
            return 0

        lax.fori_loop(0, _RPT, zb, 0)
        pltpu.sync_copy(buf_v, agg_sh.at[pl.ds(s * _RPT, _RPT)])
        pltpu.sync_copy(e_hbm.at[0, w], si_v)
        pltpu.sync_copy(e_hbm.at[1, w], di_v)
        plsc.subcore_barrier()

        def _wait_gather(j, b):
            pltpu.make_async_copy(
                m_hbm.at[si_v.at[j]], rows_v.at[b], gsem[b]).wait()

        def _wait_scatter(j, b):
            pltpu.make_async_copy(
                rows_v.at[b], agg_sh.at[di_v.at[j]], ssem[b]).wait()

        for b in range(_NBUF):
            pltpu.async_copy(m_hbm.at[si_v.at[b]], rows_v.at[b], gsem[b])

        def grp(i, _):
            for b in range(_NBUF):
                j = i * _NBUF + b
                _wait_gather(j, b)
                pltpu.async_copy(rows_v.at[b], agg_sh.at[di_v.at[j]],
                                 ssem[b], add=True)
            for b in range(_NBUF):
                j = i * _NBUF + b
                jn = j + _NBUF
                _wait_scatter(j, b)
                pltpu.async_copy(m_hbm.at[si_v.at[jn]], rows_v.at[b], gsem[b])
            return 0

        lax.fori_loop(0, _NGRP - 1, grp, 0)
        for b in range(_NBUF):
            j = (_NGRP - 1) * _NBUF + b
            _wait_gather(j, b)
            pltpu.async_copy(rows_v.at[b], agg_sh.at[di_v.at[j]],
                             ssem[b], add=True)
        for b in range(_NBUF):
            j = (_NGRP - 1) * _NBUF + b
            _wait_scatter(j, b)
        plsc.subcore_barrier()
        pltpu.sync_copy(agg_sh.at[pl.ds(s * _RPT, _RPT)], buf_v)
        pltpu.sync_copy(buf_v, out_hbm.at[pl.ds(c * _NP + s * _RPT, _RPT)])

    return agg_k


_agg32 = _make_agg(_HID)
_agg48 = _make_agg(_DP)



def _tc1_body(deg_ref, x_ref, w_ref, m_ref, dinv_ref):
    deg = deg_ref[pl.ds(0, _NP)] + deg_ref[pl.ds(_NP, _NP)] + 1.0
    dinv = lax.rsqrt(deg)
    h = jnp.dot(x_ref[...], w_ref[...], preferred_element_type=jnp.float32)
    m_ref[pl.ds(0, _N), :] = h * dinv[:_N, None]
    m_ref[pl.ds(_N, _NP - _N), :] = jnp.zeros((_NP - _N, _HID), jnp.float32)
    dinv_ref[...] = dinv


def _tc1(degp, x, w1):
    return pl.pallas_call(
        _tc1_body,
        out_shape=[
            jax.ShapeDtypeStruct((_NP, _HID), jnp.float32),
            jax.ShapeDtypeStruct((_NP,), jnp.float32),
        ],
    )(degp, x, w1)


def _tc2_body(p_ref, m_ref, dinv_ref, b1_ref, w2_ref, out_ref):
    agg = p_ref[pl.ds(0, _NP), :] + p_ref[pl.ds(_NP, _NP), :] + m_ref[...]
    dinv = dinv_ref[...]
    o1 = agg * dinv[:, None] + b1_ref[...][None, :]
    h = jax.nn.sigmoid(o1)
    w2p = jnp.concatenate(
        [w2_ref[...], jnp.zeros((_HID, _DP - _NC), jnp.float32)], axis=1)
    h2 = jnp.dot(h, w2p, preferred_element_type=jnp.float32)
    out_ref[...] = h2 * dinv[:, None]


def _tc2(p1, m1, dinv, b1, w2):
    return pl.pallas_call(
        _tc2_body,
        out_shape=jax.ShapeDtypeStruct((_NP, _DP), jnp.float32),
    )(p1, m1, dinv, b1, w2)


def _tc3_body(p_ref, m_ref, dinv_ref, b_ref, out_ref):
    agg = (p_ref[pl.ds(0, _N), :] + p_ref[pl.ds(_NP, _N), :]
           + m_ref[pl.ds(0, _N), :])
    o = agg * dinv_ref[pl.ds(0, _N)][:, None]
    out_ref[...] = o[:, : _NC] + b_ref[...][None, :]


def _tc3(p2, m2, dinv, b2):
    return pl.pallas_call(
        _tc3_body,
        out_shape=jax.ShapeDtypeStruct((_N, _NC), jnp.float32),
    )(p2, m2, dinv, b2)



def kernel(x, edge_index, W1, b1, W2, b2):
    e3d = edge_index.reshape(2, 32, _KW, _CH)
    degp = _deg_sc(e3d)
    m1, dinv = _tc1(degp, x, W1)
    p1 = _agg32(e3d, m1)
    m2 = _tc2(p1, m1, dinv, b1, W2)
    p2 = _agg48(e3d, m2)
    return _tc3(p2, m2, dinv, b2)

# --- scband reference (transcript-rebuilt; emitter-appended) ---
"""Pipeline reference for scband-simple-gnn-51711406243928 (READ-ONLY COPY).

The authoritative reference and input builder live on the scoring server;
editing this copy changes nothing except your own understanding.
"""

import jax, jax.numpy as jnp
import numpy as np

N = 10000
E = 320000
F_IN = 128
HID = 32
N_CLS = 40


def setup_inputs(seed: int = 0) -> dict:
    key = jax.random.key(seed)
    k1, k2, k3, k4 = jax.random.split(key, 4)
    x = jax.random.normal(k1, (N, F_IN), dtype=jnp.float32)
    edge_index = jax.random.randint(k2, (2, E), 0, N, dtype=jnp.int32)
    W1 = jax.random.normal(k3, (F_IN, HID), dtype=jnp.float32) * (1.0 / np.sqrt(F_IN))
    b1 = jnp.zeros((HID,), dtype=jnp.float32)
    W2 = jax.random.normal(k4, (HID, N_CLS), dtype=jnp.float32) * (1.0 / np.sqrt(HID))
    b2 = jnp.zeros((N_CLS,), dtype=jnp.float32)
    return {"x": x, "edge_index": edge_index, "W1": W1, "b1": b1, "W2": W2, "b2": b2}


def _gcn_conv(x, edge_index, W, b):
    # Faithful PyG GCNConv: add self-loops, symmetric degree normalization,
    # linear transform, scatter-add aggregation, bias.
    src = edge_index[0]
    dst = edge_index[1]
    loop = jnp.arange(N, dtype=src.dtype)
    src = jnp.concatenate([src, loop])
    dst = jnp.concatenate([dst, loop])
    deg = jax.ops.segment_sum(jnp.ones_like(dst, dtype=x.dtype), dst, num_segments=N)
    dinv = jnp.where(deg > 0, jax.lax.rsqrt(jnp.maximum(deg, 1e-12)), 0.0)
    norm = dinv[src] * dinv[dst]
    h = x @ W
    msg = h[src] * norm[:, None]
    out = jax.ops.segment_sum(msg, dst, num_segments=N)
    return out + b


def reference(x, edge_index, W1, b1, W2, b2):
    h = _gcn_conv(x, edge_index, W1, b1)
    h = jax.nn.sigmoid(h)
    out = _gcn_conv(h, edge_index, W2, b2)
    return out

if __name__ == "__main__":
    import jax
    _d = setup_inputs()
    print(jax.jit(kernel)(*tuple(_d.values())))

</pallas_src>

<mosaic_0001>
#map = affine_map<(d0, d1) -> (0, 0, 0, 0)>
#map1 = affine_map<(d0, d1) -> (0, 0)>
module attributes {stable_mosaic.version = 14 : i64} {
  func.func @agg_k(%arg0: i32, %arg1: i32, %arg2: memref<2x32x80x125xi32, #tpu.memory_space<hbm>>, %arg3: memref<10240x32xf32, #tpu.memory_space<hbm>>, %arg4: memref<20480x32xf32, #tpu.memory_space<hbm>>, %arg5: memref<80x125xi32, #tpu.memory_space<vmem>>, %arg6: memref<80x125xi32, #tpu.memory_space<vmem>>, %arg7: memref<8x125x32xf32, #tpu.memory_space<vmem>>, %arg8: memref<640x32xf32, #tpu.memory_space<vmem>>, %arg9: memref<10240x32xf32, #tpu.memory_space<vmem_shared>>, %arg10: memref<!tpu.dma_semaphore, #tpu.memory_space<semaphore_mem>>, %arg11: memref<!tpu.dma_semaphore, #tpu.memory_space<semaphore_mem>>, %arg12: memref<!tpu.dma_semaphore, #tpu.memory_space<semaphore_mem>>, %arg13: memref<!tpu.dma_semaphore, #tpu.memory_space<semaphore_mem>>, %arg14: memref<!tpu.dma_semaphore, #tpu.memory_space<semaphore_mem>>, %arg15: memref<!tpu.dma_semaphore, #tpu.memory_space<semaphore_mem>>, %arg16: memref<!tpu.dma_semaphore, #tpu.memory_space<semaphore_mem>>, %arg17: memref<!tpu.dma_semaphore, #tpu.memory_space<semaphore_mem>>, %arg18: memref<!tpu.dma_semaphore, #tpu.memory_space<semaphore_mem>>, %arg19: memref<!tpu.dma_semaphore, #tpu.memory_space<semaphore_mem>>, %arg20: memref<!tpu.dma_semaphore, #tpu.memory_space<semaphore_mem>>, %arg21: memref<!tpu.dma_semaphore, #tpu.memory_space<semaphore_mem>>, %arg22: memref<!tpu.dma_semaphore, #tpu.memory_space<semaphore_mem>>, %arg23: memref<!tpu.dma_semaphore, #tpu.memory_space<semaphore_mem>>, %arg24: memref<!tpu.dma_semaphore, #tpu.memory_space<semaphore_mem>>, %arg25: memref<!tpu.dma_semaphore, #tpu.memory_space<semaphore_mem>>) attributes {dimension_semantics = [#tpu.dimension_semantics<core_parallel>, #tpu.dimension_semantics<subcore_parallel>], iteration_bounds = array<i64: 2, 16>, scalar_prefetch = 0 : i64, scratch_operands = 21 : i64, tpu.core_type = #tpu.core_type<sc_vector_subcore>, window_params = [{transform_indices = #map}, {transform_indices = #map1}, {transform_indices = #map1}]} {
    %mul3A = arith.constant 16 : i32
    %mul3A_0 = arith.muli %arg0, %mul3A : i32
    %add3A = arith.addi %mul3A_0, %arg1 : i32
    %broadcast_in_dim3A = arith.constant 0.000000e+00 : f32
    %broadcast_in_dim3A_1 = vector.broadcast %broadcast_in_dim3A : f32 to vector<16xf32>
    %scan3A = arith.constant 0 : i32
    %scan3A_2 = arith.constant 0 : i32
    %scan3A_3 = arith.constant 640 : i32
    %scan3A_4 = arith.addi %scan3A_2, %scan3A_3 : i32
    %scan3A_5 = arith.constant 1 : i32
    %scan3A_6 = scf.for %scan3A_408 = %scan3A_2 to %scan3A_4 step %scan3A_5 iter_args(%scan3A_409 = %scan3A) -> (i32)  : i32 {
      %swap3A = arith.index_cast %scan3A_408 : i32 to index
      %swap3A_410 = arith.constant 0 : index
      %swap3A_411 = tpu.vector_load %arg8[%swap3A, %swap3A_410] {strides = array<i32>} : memref<640x32xf32, #tpu.memory_space<vmem>>, vector<1x16xf32>,
      %swap3A_412 = vector.shape_cast %swap3A_411 : vector<1x16xf32> to vector<16xf32>
      %swap3A_413 = vector.shape_cast %broadcast_in_dim3A_1 : vector<16xf32> to vector<1x16xf32>
      tpu.vector_store %arg8[%swap3A, %swap3A_410], %swap3A_413 {strides = array<i32>} : memref<640x32xf32, #tpu.memory_space<vmem>>, vector<1x16xf32>,
      %swap3A_414 = arith.index_cast %scan3A_408 : i32 to index
      %swap3A_415 = arith.constant 16 : index
      %swap3A_416 = tpu.vector_load %arg8[%swap3A_414, %swap3A_415] {strides = array<i32>} : memref<640x32xf32, #tpu.memory_space<vmem>>, vector<1x16xf32>,
      %swap3A_417 = vector.shape_cast %swap3A_416 : vector<1x16xf32> to vector<16xf32>
      %swap3A_418 = vector.shape_cast %broadcast_in_dim3A_1 : vector<16xf32> to vector<1x16xf32>
      tpu.vector_store %arg8[%swap3A_414, %swap3A_415], %swap3A_418 {strides = array<i32>} : memref<640x32xf32, #tpu.memory_space<vmem>>, vector<1x16xf32>,
      %scan3A_419 = arith.constant 0 : i32
      scf.yield %scan3A_419 : i32
    }
    %scan3A_7 = arith.constant 640 : i32
    %mul3A_8 = arith.constant 640 : i32
    %mul3A_9 = arith.muli %arg1, %mul3A_8 : i32
    "tpu.region"() ({
      %run_scoped3A_408 = tpu.sem_alloc : memref<!tpu.dma_semaphore, #tpu.memory_space<semaphore_mem>>
      %dma_start3A_409 = arith.constant 0 : i32
      %dma_start3A_410 = tpu.memref_slice %arg9[%mul3A_9, %dma_start3A_409] : memref<10240x32xf32, #tpu.memory_space<vmem_shared>> -> memref<640x32xf32, #tpu.memory_space<vmem_shared>>
      %dma_start3A_411 = arith.constant 0 : i32
      %dma_start3A_412 = tpu.memref_slice %arg9[%mul3A_9, %dma_start3A_411] : memref<10240x32xf32, #tpu.memory_space<vmem_shared>> -> memref<640x32xf32, #tpu.memory_space<vmem_shared>>
      tpu.enqueue_dma source(%arg8 : memref<640x32xf32, #tpu.memory_space<vmem>>) target(%dma_start3A_412 : memref<640x32xf32, #tpu.memory_space<vmem_shared>>) target_semaphore(%run_scoped3A_408 : memref<!tpu.dma_semaphore, #tpu.memory_space<semaphore_mem>>)
      %dma_wait3A_413 = arith.constant 0 : i32
      %dma_wait3A_414 = tpu.memref_slice %arg9[%mul3A_9, %dma_wait3A_413] : memref<10240x32xf32, #tpu.memory_space<vmem_shared>> -> memref<640x32xf32, #tpu.memory_space<vmem_shared>>
      %dma_wait3A_415 = arith.constant 0 : i32
      %dma_wait3A_416 = tpu.memref_slice %arg9[%mul3A_9, %dma_wait3A_415] : memref<10240x32xf32, #tpu.memory_space<vmem_shared>> -> memref<640x32xf32, #tpu.memory_space<vmem_shared>>
      tpu.wait_dma2 semaphore(%run_scoped3A_408 : memref<!tpu.dma_semaphore, #tpu.memory_space<semaphore_mem>>) src(%arg8 : memref<640x32xf32, #tpu.memory_space<vmem>>) dst(%dma_wait3A_416 : memref<640x32xf32, #tpu.memory_space<vmem_shared>>)
      tpu.yield
    }) : () -> ()
    %run_scoped3A = arith.constant 0 : i32
    "tpu.region"() ({
      %run_scoped3A_408 = tpu.sem_alloc : memref<!tpu.dma_semaphore, #tpu.memory_space<semaphore_mem>>
      %dma_start3A_409 = arith.constant 0 : i32
      %dma_start3A_410 = arith.constant 0 : i32
      %dma_start3A_411 = tpu.memref_slice %arg2[%run_scoped3A, %add3A, %dma_start3A_409, %dma_start3A_410] : memref<2x32x80x125xi32, #tpu.memory_space<hbm>> -> memref<1x1x80x125xi32, #tpu.memory_space<hbm>>
      %dma_start3A_412 = tpu.memref_squeeze %dma_start3A_411 : memref<1x1x80x125xi32, #tpu.memory_space<hbm>> -> memref<80x125xi32, #tpu.memory_space<hbm>>
      %dma_start3A_413 = arith.constant 0 : i32
      %dma_start3A_414 = arith.constant 0 : i32
      %dma_start3A_415 = tpu.memref_slice %arg2[%run_scoped3A, %add3A, %dma_start3A_413, %dma_start3A_414] : memref<2x32x80x125xi32, #tpu.memory_space<hbm>> -> memref<1x1x80x125xi32, #tpu.memory_space<hbm>>
      %dma_start3A_416 = tpu.memref_squeeze %dma_start3A_415 : memref<1x1x80x125xi32, #tpu.memory_space<hbm>> -> memref<80x125xi32, #tpu.memory_space<hbm>>
      tpu.enqueue_dma source(%dma_start3A_416 : memref<80x125xi32, #tpu.memory_space<hbm>>) target(%arg5 : memref<80x125xi32, #tpu.memory_space<vmem>>) target_semaphore(%run_scoped3A_408 : memref<!tpu.dma_semaphore, #tpu.memory_space<semaphore_mem>>)
      %dma_wait3A_417 = arith.constant 0 : i32
      %dma_wait3A_418 = arith.constant 0 : i32
      %dma_wait3A_419 = tpu.memref_slice %arg2[%run_scoped3A, %add3A, %dma_wait3A_417, %dma_wait3A_418] : memref<2x32x80x125xi32, #tpu.memory_space<hbm>> -> memref<1x1x80x125xi32, #tpu.memory_space<hbm>>
      %dma_wait3A_420 = tpu.memref_squeeze %dma_wait3A_419 : memref<1x1x80x125xi32, #tpu.memory_space<hbm>> -> memref<80x125xi32, #tpu.memory_space<hbm>>
      %dma_wait3A_421 = arith.constant 0 : i32
      %dma_wait3A_422 = arith.constant 0 : i32
      %dma_wait3A_423 = tpu.memref_slice %arg2[%run_scoped3A, %add3A, %dma_wait3A_421, %dma_wait3A_422] : memref<2x32x80x125xi32, #tpu.memory_space<hbm>> -> memref<1x1x80x125xi32, #tpu.memory_space<hbm>>
      %dma_wait3A_424 = tpu.memref_squeeze %dma_wait3A_423 : memref<1x1x80x125xi32, #tpu.memory_space<hbm>> -> memref<80x125xi32, #tpu.memory_space<hbm>>
      tpu.wait_dma2 semaphore(%run_scoped3A_408 : memref<!tpu.dma_semaphore, #tpu.memory_space<semaphore_mem>>) src(%dma_wait3A_424 : memref<80x125xi32, #tpu.memory_space<hbm>>) dst(%arg5 : memref<80x125xi32, #tpu.memory_space<vmem>>)
      tpu.yield
    }) : () -> ()
    %run_scoped3A_10 = arith.constant 1 : i32
    "tpu.region"() ({
      %run_scoped3A_408 = tpu.sem_alloc : memref<!tpu.dma_semaphore, #tpu.memory_space<semaphore_mem>>
      %dma_start3A_409 = arith.constant 0 : i32
      %dma_start3A_410 = arith.constant 0 : i32
      %dma_start3A_411 = tpu.memref_slice %arg2[%run_scoped3A_10, %add3A, %dma_start3A_409, %dma_start3A_410] : memref<2x32x80x125xi32, #tpu.memory_space<hbm>> -> memref<1x1x80x125xi32, #tpu.memory_space<hbm>>
      %dma_start3A_412 = tpu.memref_squeeze %dma_start3A_411 : memref<1x1x80x125xi32, #tpu.memory_space<hbm>> -> memref<80x125xi32, #tpu.memory_space<hbm>>
      %dma_start3A_413 = arith.constant 0 : i32
      %dma_start3A_414 = arith.constant 0 : i32
      %dma_start3A_415 = tpu.memref_slice %arg2[%run_scoped3A_10, %add3A, %dma_start3A_413, %dma_start3A_414] : memref<2x32x80x125xi32, #tpu.memory_space<hbm>> -> memref<1x1x80x125xi32, #tpu.memory_space<hbm>>
      %dma_start3A_416 = tpu.memref_squeeze %dma_start3A_415 : memref<1x1x80x125xi32, #tpu.memory_space<hbm>> -> memref<80x125xi32, #tpu.memory_space<hbm>>
      tpu.enqueue_dma source(%dma_start3A_416 : memref<80x125xi32, #tpu.memory_space<hbm>>) target(%arg6 : memref<80x125xi32, #tpu.memory_space<vmem>>) target_semaphore(%run_scoped3A_408 : memref<!tpu.dma_semaphore, #tpu.memory_space<semaphore_mem>>)
      %dma_wait3A_417 = arith.constant 0 : i32
      %dma_wait3A_418 = arith.constant 0 : i32
      %dma_wait3A_419 = tpu.memref_slice %arg2[%run_scoped3A_10, %add3A, %dma_wait3A_417, %dma_wait3A_418] : memref<2x32x80x125xi32, #tpu.memory_space<hbm>> -> memref<1x1x80x125xi32, #tpu.memory_space<hbm>>
      %dma_wait3A_420 = tpu.memref_squeeze %dma_wait3A_419 : memref<1x1x80x125xi32, #tpu.memory_space<hbm>> -> memref<80x125xi32, #tpu.memory_space<hbm>>
      %dma_wait3A_421 = arith.constant 0 : i32
      %dma_wait3A_422 = arith.constant 0 : i32
      %dma_wait3A_423 = tpu.memref_slice %arg2[%run_scoped3A_10, %add3A, %dma_wait3A_421, %dma_wait3A_422] : memref<2x32x80x125xi32, #tpu.memory_space<hbm>> -> memref<1x1x80x125xi32, #tpu.memory_space<hbm>>
      %dma_wait3A_424 = tpu.memref_squeeze %dma_wait3A_423 : memref<1x1x80x125xi32, #tpu.memory_space<hbm>> -> memref<80x125xi32, #tpu.memory_space<hbm>>
      tpu.wait_dma2 semaphore(%run_scoped3A_408 : memref<!tpu.dma_semaphore, #tpu.memory_space<semaphore_mem>>) src(%dma_wait3A_424 : memref<80x125xi32, #tpu.memory_space<hbm>>) dst(%arg6 : memref<80x125xi32, #tpu.memory_space<vmem>>)
      tpu.yield
    }) : () -> ()
    %barrier3A = arith.constant 0 : index
    tpu.barrier barrier_id(%barrier3A)
    %dma_start3A = arith.constant 0 : i32
    %dma_start3A_11 = arith.constant 0 : i32
    %dma_start3A_12 = arith.constant 0 : i32
    %dma_start3A_13 = arith.constant 0 : i32
    %dma_start3A_14 = tpu.memref_slice %arg7[%dma_start3A_11, %dma_start3A_12, %dma_start3A_13] : memref<8x125x32xf32, #tpu.memory_space<vmem>> -> memref<1x125x32xf32, #tpu.memory_space<vmem>>
    %dma_start3A_15 = tpu.memref_squeeze %dma_start3A_14 : memref<1x125x32xf32, #tpu.memory_space<vmem>> -> memref<125x32xf32, #tpu.memory_space<vmem>>
    %dma_start3A_16 = arith.constant 0 : i32
    %dma_start3A_17 = tpu.memref_slice %arg5[%dma_start3A, %dma_start3A_16] : memref<80x125xi32, #tpu.memory_space<vmem>> -> memref<1x125xi32, #tpu.memory_space<vmem>>
    %dma_start3A_18 = tpu.memref_squeeze %dma_start3A_17 : memref<1x125xi32, #tpu.memory_space<vmem>> -> memref<125xi32, #tpu.memory_space<vmem>>
    %dma_start3A_19 = arith.constant 0 : i32
    %dma_start3A_20 = arith.constant 0 : i32
    %dma_start3A_21 = tpu.memref_slice %arg3[%dma_start3A_19, %dma_start3A_20] : memref<10240x32xf32, #tpu.memory_space<hbm>> -> memref<10240x32xf32, #tpu.memory_space<hbm>>
    tpu.enqueue_indirect_dma source(%dma_start3A_21 : memref<10240x32xf32, #tpu.memory_space<hbm>>) target(%dma_start3A_15 : memref<125x32xf32, #tpu.memory_space<vmem>>) offsets(%dma_start3A_18 : memref<125xi32, #tpu.memory_space<vmem>>) semaphore(%arg10 : memref<!tpu.dma_semaphore, #tpu.memory_space<semaphore_mem>>)
    %dma_start3A_22 = arith.constant 1 : i32
    %dma_start3A_23 = arith.constant 1 : i32
    %dma_start3A_24 = arith.constant 0 : i32
    %dma_start3A_25 = arith.constant 0 : i32
    %dma_start3A_26 = tpu.memref_slice %arg7[%dma_start3A_23, %dma_start3A_24, %dma_start3A_25] : memref<8x125x32xf32, #tpu.memory_space<vmem>> -> memref<1x125x32xf32, #tpu.memory_space<vmem>>
    %dma_start3A_27 = tpu.memref_squeeze %dma_start3A_26 : memref<1x125x32xf32, #tpu.memory_space<vmem>> -> memref<125x32xf32, #tpu.memory_space<vmem>>
    %dma_start3A_28 = arith.constant 0 : i32
    %dma_start3A_29 = tpu.memref_slice %arg5[%dma_start3A_22, %dma_start3A_28] : memref<80x125xi32, #tpu.memory_space<vmem>> -> memref<1x125xi32, #tpu.memory_space<vmem>>
    %dma_start3A_30 = tpu.memref_squeeze %dma_start3A_29 : memref<1x125xi32, #tpu.memory_space<vmem>> -> memref<125xi32, #tpu.memory_space<vmem>>
    %dma_start3A_31 = arith.constant 0 : i32
    %dma_start3A_32 = arith.constant 0 : i32
    %dma_start3A_33 = tpu.memref_slice %arg3[%dma_start3A_31, %dma_start3A_32] : memref<10240x32xf32, #tpu.memory_space<hbm>> -> memref<10240x32xf32, #tpu.memory_space<hbm>>
    tpu.enqueue_indirect_dma source(%dma_start3A_33 : memref<10240x32xf32, #tpu.memory_space<hbm>>) target(%dma_start3A_27 : memref<125x32xf32, #tpu.memory_space<vmem>>) offsets(%dma_start3A_30 : memref<125xi32, #tpu.memory_space<vmem>>) semaphore(%arg11 : memref<!tpu.dma_semaphore, #tpu.memory_space<semaphore_mem>>)
    %dma_start3A_34 = arith.constant 2 : i32
    %dma_start3A_35 = arith.constant 2 : i32
    %dma_start3A_36 = arith.constant 0 : i32
    %dma_start3A_37 = arith.constant 0 : i32
    %dma_start3A_38 = tpu.memref_slice %arg7[%dma_start3A_35, %dma_start3A_36, %dma_start3A_37] : memref<8x125x32xf32, #tpu.memory_space<vmem>> -> memref<1x125x32xf32, #tpu.memory_space<vmem>>
    %dma_start3A_39 = tpu.memref_squeeze %dma_start3A_38 : memref<1x125x32xf32, #tpu.memory_space<vmem>> -> memref<125x32xf32, #tpu.memory_space<vmem>>
    %dma_start3A_40 = arith.constant 0 : i32
    %dma_start3A_41 = tpu.memref_slice %arg5[%dma_start3A_34, %dma_start3A_40] : memref<80x125xi32, #tpu.memory_space<vmem>> -> memref<1x125xi32, #tpu.memory_space<vmem>>
    %dma_start3A_42 = tpu.memref_squeeze %dma_start3A_41 : memref<1x125xi32, #tpu.memory_space<vmem>> -> memref<125xi32, #tpu.memory_space<vmem>>
    %dma_start3A_43 = arith.constant 0 : i32
    %dma_start3A_44 = arith.constant 0 : i32
    %dma_start3A_45 = tpu.memref_slice %arg3[%dma_start3A_43, %dma_start3A_44] : memref<10240x32xf32, #tpu.memory_space<hbm>> -> memref<10240x32xf32, #tpu.memory_space<hbm>>
    tpu.enqueue_indirect_dma source(%dma_start3A_45 : memref<10240x32xf32, #tpu.memory_space<hbm>>) target(%dma_start3A_39 : memref<125x32xf32, #tpu.memory_space<vmem>>) offsets(%dma_start3A_42 : memref<125xi32, #tpu.memory_space<vmem>>) semaphore(%arg12 : memref<!tpu.dma_semaphore, #tpu.memory_space<semaphore_mem>>)
    %dma_start3A_46 = arith.constant 3 : i32
    %dma_start3A_47 = arith.constant 3 : i32
    %dma_start3A_48 = arith.constant 0 : i32
    %dma_start3A_49 = arith.constant 0 : i32
    %dma_start3A_50 = tpu.memref_slice %arg7[%dma_start3A_47, %dma_start3A_48, %dma_start3A_49] : memref<8x125x32xf32, #tpu.memory_space<vmem>> -> memref<1x125x32xf32, #tpu.memory_space<vmem>>
    %dma_start3A_51 = tpu.memref_squeeze %dma_start3A_50 : memref<1x125x32xf32, #tpu.memory_space<vmem>> -> memref<125x32xf32, #tpu.memory_space<vmem>>
    %dma_start3A_52 = arith.constant 0 : i32
    %dma_start3A_53 = tpu.memref_slice %arg5[%dma_start3A_46, %dma_start3A_52] : memref<80x125xi32, #tpu.memory_space<vmem>> -> memref<1x125xi32, #tpu.memory_space<vmem>>
    %dma_start3A_54 = tpu.memref_squeeze %dma_start3A_53 : memref<1x125xi32, #tpu.memory_space<vmem>> -> memref<125xi32, #tpu.memory_space<vmem>>
    %dma_start3A_55 = arith.constant 0 : i32
    %dma_start3A_56 = arith.constant 0 : i32
    %dma_start3A_57 = tpu.memref_slice %arg3[%dma_start3A_55, %dma_start3A_56] : memref<10240x32xf32, #tpu.memory_space<hbm>> -> memref<10240x32xf32, #tpu.memory_space<hbm>>
    tpu.enqueue_indirect_dma source(%dma_start3A_57 : memref<10240x32xf32, #tpu.memory_space<hbm>>) target(%dma_start3A_51 : memref<125x32xf32, #tpu.memory_space<vmem>>) offsets(%dma_start3A_54 : memref<125xi32, #tpu.memory_space<vmem>>) semaphore(%arg13 : memref<!tpu.dma_semaphore, #tpu.memory_space<semaphore_mem>>)
    %dma_start3A_58 = arith.constant 4 : i32
    %dma_start3A_59 = arith.constant 4 : i32
    %dma_start3A_60 = arith.constant 0 : i32
    %dma_start3A_61 = arith.constant 0 : i32
    %dma_start3A_62 = tpu.memref_slice %arg7[%dma_start3A_59, %dma_start3A_60, %dma_start3A_61] : memref<8x125x32xf32, #tpu.memory_space<vmem>> -> memref<1x125x32xf32, #tpu.memory_space<vmem>>
    %dma_start3A_63 = tpu.memref_squeeze %dma_start3A_62 : memref<1x125x32xf32, #tpu.memory_space<vmem>> -> memref<125x32xf32, #tpu.memory_space<vmem>>
    %dma_start3A_64 = arith.constant 0 : i32
    %dma_start3A_65 = tpu.memref_slice %arg5[%dma_start3A_58, %dma_start3A_64] : memref<80x125xi32, #tpu.memory_space<vmem>> -> memref<1x125xi32, #tpu.memory_space<vmem>>
    %dma_start3A_66 = tpu.memref_squeeze %dma_start3A_65 : memref<1x125xi32, #tpu.memory_space<vmem>> -> memref<125xi32, #tpu.memory_space<vmem>>
    %dma_start3A_67 = arith.constant 0 : i32
    %dma_start3A_68 = arith.constant 0 : i32
    %dma_start3A_69 = tpu.memref_slice %arg3[%dma_start3A_67, %dma_start3A_68] : memref<10240x32xf32, #tpu.memory_space<hbm>> -> memref<10240x32xf32, #tpu.memory_space<hbm>>
    tpu.enqueue_indirect_dma source(%dma_start3A_69 : memref<10240x32xf32, #tpu.memory_space<hbm>>) target(%dma_start3A_63 : memref<125x32xf32, #tpu.memory_space<vmem>>) offsets(%dma_start3A_66 : memref<125xi32, #tpu.memory_space<vmem>>) semaphore(%arg14 : memref<!tpu.dma_semaphore, #tpu.memory_space<semaphore_mem>>)
    %dma_start3A_70 = arith.constant 5 : i32
    %dma_start3A_71 = arith.constant 5 : i32
    %dma_start3A_72 = arith.constant 0 : i32
    %dma_start3A_73 = arith.constant 0 : i32
    %dma_start3A_74 = tpu.memref_slice %arg7[%dma_start3A_71, %dma_start3A_72, %dma_start3A_73] : memref<8x125x32xf32, #tpu.memory_space<vmem>> -> memref<1x125x32xf32, #tpu.memory_space<vmem>>
    %dma_start3A_75 = tpu.memref_squeeze %dma_start3A_74 : memref<1x125x32xf32, #tpu.memory_space<vmem>> -> memref<125x32xf32, #tpu.memory_space<vmem>>
    %dma_start3A_76 = arith.constant 0 : i32
    %dma_start3A_77 = tpu.memref_slice %arg5[%dma_start3A_70, %dma_start3A_76] : memref<80x125xi32, #tpu.memory_space<vmem>> -> memref<1x125xi32, #tpu.memory_space<vmem>>
    %dma_start3A_78 = tpu.memref_squeeze %dma_start3A_77 : memref<1x125xi32, #tpu.memory_space<vmem>> -> memref<125xi32, #tpu.memory_space<vmem>>
    %dma_start3A_79 = arith.constant 0 : i32
    %dma_start3A_80 = arith.constant 0 : i32
    %dma_start3A_81 = tpu.memref_slice %arg3[%dma_start3A_79, %dma_start3A_80] : memref<10240x32xf32, #tpu.memory_space<hbm>> -> memref<10240x32xf32, #tpu.memory_space<hbm>>
    tpu.enqueue_indirect_dma source(%dma_start3A_81 : memref<10240x32xf32, #tpu.memory_space<hbm>>) target(%dma_start3A_75 : memref<125x32xf32, #tpu.memory_space<vmem>>) offsets(%dma_start3A_78 : memref<125xi32, #tpu.memory_space<vmem>>) semaphore(%arg15 : memref<!tpu.dma_semaphore, #tpu.memory_space<semaphore_mem>>)
    %dma_start3A_82 = arith.constant 6 : i32
    %dma_start3A_83 = arith.constant 6 : i32
    %dma_start3A_84 = arith.constant 0 : i32
    %dma_start3A_85 = arith.constant 0 : i32
    %dma_start3A_86 = tpu.memref_slice %arg7[%dma_start3A_83, %dma_start3A_84, %dma_start3A_85] : memref<8x125x32xf32, #tpu.memory_space<vmem>> -> memref<1x125x32xf32, #tpu.memory_space<vmem>>
    %dma_start3A_87 = tpu.memref_squeeze %dma_start3A_86 : memref<1x125x32xf32, #tpu.memory_space<vmem>> -> memref<125x32xf32, #tpu.memory_space<vmem>>
    %dma_start3A_88 = arith.constant 0 : i32
    %dma_start3A_89 = tpu.memref_slice %arg5[%dma_start3A_82, %dma_start3A_88] : memref<80x125xi32, #tpu.memory_space<vmem>> -> memref<1x125xi32, #tpu.memory_space<vmem>>
    %dma_start3A_90 = tpu.memref_squeeze %dma_start3A_89 : memref<1x125xi32, #tpu.memory_space<vmem>> -> memref<125xi32, #tpu.memory_space<vmem>>
    %dma_start3A_91 = arith.constant 0 : i32
    %dma_start3A_92 = arith.constant 0 : i32
    %dma_start3A_93 = tpu.memref_slice %arg3[%dma_start3A_91, %dma_start3A_92] : memref<10240x32xf32, #tpu.memory_space<hbm>> -> memref<10240x32xf32, #tpu.memory_space<hbm>>
    tpu.enqueue_indirect_dma source(%dma_start3A_93 : memref<10240x32xf32, #tpu.memory_space<hbm>>) target(%dma_start3A_87 : memref<125x32xf32, #tpu.memory_space<vmem>>) offsets(%dma_start3A_90 : memref<125xi32, #tpu.memory_space<vmem>>) semaphore(%arg16 : memref<!tpu.dma_semaphore, #tpu.memory_space<semaphore_mem>>)
    %dma_start3A_94 = arith.constant 7 : i32
    %dma_start3A_95 = arith.constant 7 : i32
    %dma_start3A_96 = arith.constant 0 : i32
    %dma_start3A_97 = arith.constant 0 : i32
    %dma_start3A_98 = tpu.memref_slice %arg7[%dma_start3A_95, %dma_start3A_96, %dma_start3A_97] : memref<8x125x32xf32, #tpu.memory_space<vmem>> -> memref<1x125x32xf32, #tpu.memory_space<vmem>>
    %dma_start3A_99 = tpu.memref_squeeze %dma_start3A_98 : memref<1x125x32xf32, #tpu.memory_space<vmem>> -> memref<125x32xf32, #tpu.memory_space<vmem>>
    %dma_start3A_100 = arith.constant 0 : i32
    %dma_start3A_101 = tpu.memref_slice %arg5[%dma_start3A_94, %dma_start3A_100] : memref<80x125xi32, #tpu.memory_space<vmem>> -> memref<1x125xi32, #tpu.memory_space<vmem>>
    %dma_start3A_102 = tpu.memref_squeeze %dma_start3A_101 : memref<1x125xi32, #tpu.memory_space<vmem>> -> memref<125xi32, #tpu.memory_space<vmem>>
    %dma_start3A_103 = arith.constant 0 : i32
    %dma_start3A_104 = arith.constant 0 : i32
    %dma_start3A_105 = tpu.memref_slice %arg3[%dma_start3A_103, %dma_start3A_104] : memref<10240x32xf32, #tpu.memory_space<hbm>> -> memref<10240x32xf32, #tpu.memory_space<hbm>>
    tpu.enqueue_indirect_dma source(%dma_start3A_105 : memref<10240x32xf32, #tpu.memory_space<hbm>>) target(%dma_start3A_99 : memref<125x32xf32, #tpu.memory_space<vmem>>) offsets(%dma_start3A_102 : memref<125xi32, #tpu.memory_space<vmem>>) semaphore(%arg17 : memref<!tpu.dma_semaphore, #tpu.memory_space<semaphore_mem>>)
    %scan3A_106 = arith.constant 0 : i32
    %scan3A_107 = arith.constant 0 : i32
    %scan3A_108 = arith.constant 9 : i32
    %scan3A_109 = arith.addi %scan3A_107, %scan3A_108 : i32
    %scan3A_110 = arith.constant 1 : i32
    %scan3A_111 = scf.for %scan3A_408 = %scan3A_107 to %scan3A_109 step %scan3A_110 iter_args(%scan3A_409 = %scan3A_106) -> (i32)  : i32 {
      %mul3A_410 = arith.constant 8 : i32
      %mul3A_411 = arith.muli %scan3A_408, %mul3A_410 : i32
      %add3A_412 = arith.constant 0 : i32
      %add3A_413 = arith.addi %mul3A_411, %add3A_412 : i32
      %dma_wait3A_414 = arith.constant 0 : i32
      %dma_wait3A_415 = arith.constant 0 : i32
      %dma_wait3A_416 = arith.constant 0 : i32
      %dma_wait3A_417 = tpu.memref_slice %arg7[%dma_wait3A_414, %dma_wait3A_415, %dma_wait3A_416] : memref<8x125x32xf32, #tpu.memory_space<vmem>> -> memref<1x125x32xf32, #tpu.memory_space<vmem>>
      %dma_wait3A_418 = tpu.memref_squeeze %dma_wait3A_417 : memref<1x125x32xf32, #tpu.memory_space<vmem>> -> memref<125x32xf32, #tpu.memory_space<vmem>>
      %dma_wait3A_419 = arith.constant 0 : i32
      %dma_wait3A_420 = tpu.memref_slice %arg5[%add3A_413, %dma_wait3A_419] : memref<80x125xi32, #tpu.memory_space<vmem>> -> memref<1x125xi32, #tpu.memory_space<vmem>>
      %dma_wait3A_421 = tpu.memref_squeeze %dma_wait3A_420 : memref<1x125xi32, #tpu.memory_space<vmem>> -> memref<125xi32, #tpu.memory_space<vmem>>
      %dma_wait3A_422 = arith.constant 0 : i32
      %dma_wait3A_423 = arith.constant 0 : i32
      %dma_wait3A_424 = tpu.memref_slice %arg3[%dma_wait3A_422, %dma_wait3A_423] : memref<10240x32xf32, #tpu.memory_space<hbm>> -> memref<10240x32xf32, #tpu.memory_space<hbm>>
      tpu.wait_indirect_dma semaphore(%arg10 : memref<!tpu.dma_semaphore, #tpu.memory_space<semaphore_mem>>) src(%dma_wait3A_424 : memref<10240x32xf32, #tpu.memory_space<hbm>>) dst(%dma_wait3A_418 : memref<125x32xf32, #tpu.memory_space<vmem>>)
      %dma_start3A_425 = arith.constant 0 : i32
      %dma_start3A_426 = arith.constant 0 : i32
      %dma_start3A_427 = arith.constant 0 : i32
      %dma_start3A_428 = tpu.memref_slice %arg7[%dma_start3A_425, %dma_start3A_426, %dma_start3A_427] : memref<8x125x32xf32, #tpu.memory_space<vmem>> -> memref<1x125x32xf32, #tpu.memory_space<vmem>>
      %dma_start3A_429 = tpu.memref_squeeze %dma_start3A_428 : memref<1x125x32xf32, #tpu.memory_space<vmem>> -> memref<125x32xf32, #tpu.memory_space<vmem>>
      %dma_start3A_430 = arith.constant 0 : i32
      %dma_start3A_431 = tpu.memref_slice %arg6[%add3A_413, %dma_start3A_430] : memref<80x125xi32, #tpu.memory_space<vmem>> -> memref<1x125xi32, #tpu.memory_space<vmem>>
      %dma_start3A_432 = tpu.memref_squeeze %dma_start3A_431 : memref<1x125xi32, #tpu.memory_space<vmem>> -> memref<125xi32, #tpu.memory_space<vmem>>
      %dma_start3A_433 = arith.constant 0 : i32
      %dma_start3A_434 = arith.constant 0 : i32
      %dma_start3A_435 = tpu.memref_slice %arg9[%dma_start3A_433, %dma_start3A_434] : memref<10240x32xf32, #tpu.memory_space<vmem_shared>> -> memref<10240x32xf32, #tpu.memory_space<vmem_shared>>
      tpu.enqueue_indirect_dma source(%dma_start3A_429 : memref<125x32xf32, #tpu.memory_space<vmem>>) target(%dma_start3A_435 : memref<10240x32xf32, #tpu.memory_space<vmem_shared>>) offsets(%dma_start3A_432 : memref<125xi32, #tpu.memory_space<vmem>>) semaphore(%arg18 : memref<!tpu.dma_semaphore, #tpu.memory_space<semaphore_mem>>) {add = true}
      %mul3A_436 = arith.constant 8 : i32
      %mul3A_437 = arith.muli %scan3A_408, %mul3A_436 : i32
      %add3A_438 = arith.constant 1 : i32
      %add3A_439 = arith.addi %mul3A_437, %add3A_438 : i32
      %dma_wait3A_440 = arith.constant 1 : i32
      %dma_wait3A_441 = arith.constant 0 : i32
      %dma_wait3A_442 = arith.constant 0 : i32
      %dma_wait3A_443 = tpu.memref_slice %arg7[%dma_wait3A_440, %dma_wait3A_441, %dma_wait3A_442] : memref<8x125x32xf32, #tpu.memory_space<vmem>> -> memref<1x125x32xf32, #tpu.memory_space<vmem>>
      %dma_wait3A_444 = tpu.memref_squeeze %dma_wait3A_443 : memref<1x125x32xf32, #tpu.memory_space<vmem>> -> memref<125x32xf32, #tpu.memory_space<vmem>>
      %dma_wait3A_445 = arith.constant 0 : i32
      %dma_wait3A_446 = tpu.memref_slice %arg5[%add3A_439, %dma_wait3A_445] : memref<80x125xi32, #tpu.memory_space<vmem>> -> memref<1x125xi32, #tpu.memory_space<vmem>>
      %dma_wait3A_447 = tpu.memref_squeeze %dma_wait3A_446 : memref<1x125xi32, #tpu.memory_space<vmem>> -> memref<125xi32, #tpu.memory_space<vmem>>
      %dma_wait3A_448 = arith.constant 0 : i32
      %dma_wait3A_449 = arith.constant 0 : i32
      %dma_wait3A_450 = tpu.memref_slice %arg3[%dma_wait3A_448, %dma_wait3A_449] : memref<10240x32xf32, #tpu.memory_space<hbm>> -> memref<10240x32xf32, #tpu.memory_space<hbm>>
      tpu.wait_indirect_dma semaphore(%arg11 : memref<!tpu.dma_semaphore, #tpu.memory_space<semaphore_mem>>) src(%dma_wait3A_450 : memref<10240x32xf32, #tpu.memory_space<hbm>>) dst(%dma_wait3A_444 : memref<125x32xf32, #tpu.memory_space<vmem>>)
      %dma_start3A_451 = arith.constant 1 : i32
      %dma_start3A_452 = arith.constant 0 : i32
      %dma_start3A_453 = arith.constant 0 : i32
      %dma_start3A_454 = tpu.memref_slice %arg7[%dma_start3A_451, %dma_start3A_452, %dma_start3A_453] : memref<8x125x32xf32, #tpu.memory_space<vmem>> -> memref<1x125x32xf32, #tpu.memory_space<vmem>>
      %dma_start3A_455 = tpu.memref_squeeze %dma_start3A_454 : memref<1x125x32xf32, #tpu.memory_space<vmem>> -> memref<125x32xf32, #tpu.memory_space<vmem>>
      %dma_start3A_456 = arith.constant 0 : i32
      %dma_start3A_457 = tpu.memref_slice %arg6[%add3A_439, %dma_start3A_456] : memref<80x125xi32, #tpu.memory_space<vmem>> -> memref<1x125xi32, #tpu.memory_space<vmem>>
      %dma_start3A_458 = tpu.memref_squeeze %dma_start3A_457 : memref<1x125xi32, #tpu.memory_space<vmem>> -> memref<125xi32, #tpu.memory_space<vmem>>
      %dma_start3A_459 = arith.constant 0 : i32
      %dma_start3A_460 = arith.constant 0 : i32
      %dma_start3A_461 = tpu.memref_slice %arg9[%dma_start3A_459, %dma_start3A_460] : memref<10240x32xf32, #tpu.memory_space<vmem_shared>> -> memref<10240x32xf32, #tpu.memory_space<vmem_shared>>
      tpu.enqueue_indirect_dma source(%dma_start3A_455 : memref<125x32xf32, #tpu.memory_space<vmem>>) target(%dma_start3A_461 : memref<10240x32xf32, #tpu.memory_space<vmem_shared>>) offsets(%dma_start3A_458 : memref<125xi32, #tpu.memory_space<vmem>>) semaphore(%arg19 : memref<!tpu.dma_semaphore, #tpu.memory_space<semaphore_mem>>) {add = true}
      %mul3A_462 = arith.constant 8 : i32
      %mul3A_463 = arith.muli %scan3A_408, %mul3A_462 : i32
      %add3A_464 = arith.constant 2 : i32
      %add3A_465 = arith.addi %mul3A_463, %add3A_464 : i32
      %dma_wait3A_466 = arith.constant 2 : i32
      %dma_wait3A_467 = arith.constant 0 : i32
      %dma_wait3A_468 = arith.constant 0 : i32
      %dma_wait3A_469 = tpu.memref_slice %arg7[%dma_wait3A_466, %dma_wait3A_467, %dma_wait3A_468] : memref<8x125x32xf32, #tpu.memory_space<vmem>> -> memref<1x125x32xf32, #tpu.memory_space<vmem>>
      %dma_wait3A_470 = tpu.memref_squeeze %dma_wait3A_469 : memref<1x125x32xf32, #tpu.memory_space<vmem>> -> memref<125x32xf32, #tpu.memory_space<vmem>>
      %dma_wait3A_471 = arith.constant 0 : i32
      %dma_wait3A_472 = tpu.memref_slice %arg5[%add3A_465, %dma_wait3A_471] : memref<80x125xi32, #tpu.memory_space<vmem>> -> memref<1x125xi32, #tpu.memory_space<vmem>>
      %dma_wait3A_473 = tpu.memref_squeeze %dma_wait3A_472 : memref<1x125xi32, #tpu.memory_space<vmem>> -> memref<125xi32, #tpu.memory_space<vmem>>
      %dma_wait3A_474 = arith.constant 0 : i32
      %dma_wait3A_475 = arith.constant 0 : i32
      %dma_wait3A_476 = tpu.memref_slice %arg3[%dma_wait3A_474, %dma_wait3A_475] : memref<10240x32xf32, #tpu.memory_space<hbm>> -> memref<10240x32xf32, #tpu.memory_space<hbm>>
      tpu.wait_indirect_dma semaphore(%arg12 : memref<!tpu.dma_semaphore, #tpu.memory_space<semaphore_mem>>) src(%dma_wait3A_476 : memref<10240x32xf32, #tpu.memory_space<hbm>>) dst(%dma_wait3A_470 : memref<125x32xf32, #tpu.memory_space<vmem>>)
      %dma_start3A_477 = arith.constant 2 : i32
      %dma_start3A_478 = arith.constant 0 : i32
      %dma_start3A_479 = arith.constant 0 : i32
      %dma_start3A_480 = tpu.memref_slice %arg7[%dma_start3A_477, %dma_start3A_478, %dma_start3A_479] : memref<8x125x32xf32, #tpu.memory_space<vmem>> -> memref<1x125x32xf32, #tpu.memory_space<vmem>>
      %dma_start3A_481 = tpu.memref_squeeze %dma_start3A_480 : memref<1x125x32xf32, #tpu.memory_space<vmem>> -> memref<125x32xf32, #tpu.memory_space<vmem>>
      %dma_start3A_482 = arith.constant 0 : i32
      %dma_start3A_483 = tpu.memref_slice %arg6[%add3A_465, %dma_start3A_482] : memref<80x125xi32, #tpu.memory_space<vmem>> -> memref<1x125xi32, #tpu.memory_space<vmem>>
      %dma_start3A_484 = tpu.memref_squeeze %dma_start3A_483 : memref<1x125xi32, #tpu.memory_space<vmem>> -> memref<125xi32, #tpu.memory_space<vmem>>
      %dma_start3A_485 = arith.constant 0 : i32
      %dma_start3A_486 = arith.constant 0 : i32
      %dma_start3A_487 = tpu.memref_slice %arg9[%dma_start3A_485, %dma_start3A_486] : memref<10240x32xf32, #tpu.memory_space<vmem_shared>> -> memref<10240x32xf32, #tpu.memory_space<vmem_shared>>
      tpu.enqueue_indirect_dma source(%dma_start3A_481 : memref<125x32xf32, #tpu.memory_space<vmem>>) target(%dma_start3A_487 : memref<10240x32xf32, #tpu.memory_space<vmem_shared>>) offsets(%dma_start3A_484 : memref<125xi32, #tpu.memory_space<vmem>>) semaphore(%arg20 : memref<!tpu.dma_semaphore, #tpu.memory_space<semaphore_mem>>) {add = true}
      %mul3A_488 = arith.constant 8 : i32
      %mul3A_489 = arith.muli %scan3A_408, %mul3A_488 : i32
      %add3A_490 = arith.constant 3 : i32
      %add3A_491 = arith.addi %mul3A_489, %add3A_490 : i32
      %dma_wait3A_492 = arith.constant 3 : i32
      %dma_wait3A_493 = arith.constant 0 : i32
      %dma_wait3A_494 = arith.constant 0 : i32
      %dma_wait3A_495 = tpu.memref_slice %arg7[%dma_wait3A_492, %dma_wait3A_493, %dma_wait3A_494] : memref<8x125x32xf32, #tpu.memory_space<vmem>> -> memref<1x125x32xf32, #tpu.memory_space<vmem>>
      %dma_wait3A_496 = tpu.memref_squeeze %dma_wait3A_495 : memref<1x125x32xf32, #tpu.memory_space<vmem>> -> memref<125x32xf32, #tpu.memory_space<vmem>>
      %dma_wait3A_497 = arith.constant 0 : i32
      %dma_wait3A_498 = tpu.memref_slice %arg5[%add3A_491, %dma_wait3A_497] : memref<80x125xi32, #tpu.memory_space<vmem>> -> memref<1x125xi32, #tpu.memory_space<vmem>>
      %dma_wait3A_499 = tpu.memref_squeeze %dma_wait3A_498 : memref<1x125xi32, #tpu.memory_space<vmem>> -> memref<125xi32, #tpu.memory_space<vmem>>
      %dma_wait3A_500 = arith.constant 0 : i32
      %dma_wait3A_501 = arith.constant 0 : i32
      %dma_wait3A_502 = tpu.memref_slice %arg3[%dma_wait3A_500, %dma_wait3A_501] : memref<10240x32xf32, #tpu.memory_space<hbm>> -> memref<10240x32xf32, #tpu.memory_space<hbm>>
      tpu.wait_indirect_dma semaphore(%arg13 : memref<!tpu.dma_semaphore, #tpu.memory_space<semaphore_mem>>) src(%dma_wait3A_502 : memref<10240x32xf32, #tpu.memory_space<hbm>>) dst(%dma_wait3A_496 : memref<125x32xf32, #tpu.memory_space<vmem>>)
      %dma_start3A_503 = arith.constant 3 : i32
      %dma_start3A_504 = arith.constant 0 : i32
      %dma_start3A_505 = arith.constant 0 : i32
      %dma_start3A_506 = tpu.memref_slice %arg7[%dma_start3A_503, %dma_start3A_504, %dma_start3A_505] : memref<8x125x32xf32, #tpu.memory_space<vmem>> -> memref<1x125x32xf32, #tpu.memory_space<vmem>>
      %dma_start3A_507 = tpu.memref_squeeze %dma_start3A_506 : memref<1x125x32xf32, #tpu.memory_space<vmem>> -> memref<125x32xf32, #tpu.memory_space<vmem>>
      %dma_start3A_508 = arith.constant 0 : i32
      %dma_start3A_509 = tpu.memref_slice %arg6[%add3A_491, %dma_start3A_508] : memref<80x125xi32, #tpu.memory_space<vmem>> -> memref<1x125xi32, #tpu.memory_space<vmem>>
      %dma_start3A_510 = tpu.memref_squeeze %dma_start3A_509 : memref<1x125xi32, #tpu.memory_space<vmem>> -> memref<125xi32, #tpu.memory_space<vmem>>
      %dma_start3A_511 = arith.constant 0 : i32
      %dma_start3A_512 = arith.constant 0 : i32
      %dma_start3A_513 = tpu.memref_slice %arg9[%dma_start3A_511, %dma_start3A_512] : memref<10240x32xf32, #tpu.memory_space<vmem_shared>> -> memref<10240x32xf32, #tpu.memory_space<vmem_shared>>
      tpu.enqueue_indirect_dma source(%dma_start3A_507 : memref<125x32xf32, #tpu.memory_space<vmem>>) target(%dma_start3A_513 : memref<10240x32xf32, #tpu.memory_space<vmem_shared>>) offsets(%dma_start3A_510 : memref<125xi32, #tpu.memory_space<vmem>>) semaphore(%arg21 : memref<!tpu.dma_semaphore, #tpu.memory_space<semaphore_mem>>) {add = true}
      %mul3A_514 = arith.constant 8 : i32
      %mul3A_515 = arith.muli %scan3A_408, %mul3A_514 : i32
      %add3A_516 = arith.constant 4 : i32
      %add3A_517 = arith.addi %mul3A_515, %add3A_516 : i32
      %dma_wait3A_518 = arith.constant 4 : i32
      %dma_wait3A_519 = arith.constant 0 : i32
      %dma_wait3A_520 = arith.constant 0 : i32
      %dma_wait3A_521 = tpu.memref_slice %arg7[%dma_wait3A_518, %dma_wait3A_519, %dma_wait3A_520] : memref<8x125x32xf32, #tpu.memory_space<vmem>> -> memref<1x125x32xf32, #tpu.memory_space<vmem>>
      %dma_wait3A_522 = tpu.memref_squeeze %dma_wait3A_521 : memref<1x125x32xf32, #tpu.memory_space<vmem>> -> memref<125x32xf32, #tpu.memory_space<vmem>>
      %dma_wait3A_523 = arith.constant 0 : i32
      %dma_wait3A_524 = tpu.memref_slice %arg5[%add3A_517, %dma_wait3A_523] : memref<80x125xi32, #tpu.memory_space<vmem>> -> memref<1x125xi32, #tpu.memory_space<vmem>>
      %dma_wait3A_525 = tpu.memref_squeeze %dma_wait3A_524 : memref<1x125xi32, #tpu.memory_space<vmem>> -> memref<125xi32, #tpu.memory_space<vmem>>
      %dma_wait3A_526 = arith.constant 0 : i32
      %dma_wait3A_527 = arith.constant 0 : i32
      %dma_wait3A_528 = tpu.memref_slice %arg3[%dma_wait3A_526, %dma_wait3A_527] : memref<10240x32xf32, #tpu.memory_space<hbm>> -> memref<10240x32xf32, #tpu.memory_space<hbm>>
      tpu.wait_indirect_dma semaphore(%arg14 : memref<!tpu.dma_semaphore, #tpu.memory_space<semaphore_mem>>) src(%dma_wait3A_528 : memref<10240x32xf32, #tpu.memory_space<hbm>>) dst(%dma_wait3A_522 : memref<125x32xf32, #tpu.memory_space<vmem>>)
      %dma_start3A_529 = arith.constant 4 : i32
      %dma_start3A_530 = arith.constant 0 : i32
      %dma_start3A_531 = arith.constant 0 : i32
      %dma_start3A_532 = tpu.memref_slice %arg7[%dma_start3A_529, %dma_start3A_530, %dma_start3A_531] : memref<8x125x32xf32, #tpu.memory_space<vmem>> -> memref<1x125x32xf32, #tpu.memory_space<vmem>>
      %dma_start3A_533 = tpu.memref_squeeze %dma_start3A_532 : memref<1x125x32xf32, #tpu.memory_space<vmem>> -> memref<125x32xf32, #tpu.memory_space<vmem>>
      %dma_start3A_534 = arith.constant 0 : i32
      %dma_start3A_535 = tpu.memref_slice %arg6[%add3A_517, %dma_start3A_534] : memref<80x125xi32, #tpu.memory_space<vmem>> -> memref<1x125xi32, #tpu.memory_space<vmem>>
      %dma_start3A_536 = tpu.memref_squeeze %dma_start3A_535 : memref<1x125xi32, #tpu.memory_space<vmem>> -> memref<125xi32, #tpu.memory_space<vmem>>
      %dma_start3A_537 = arith.constant 0 : i32
      %dma_start3A_538 = arith.constant 0 : i32
      %dma_start3A_539 = tpu.memref_slice %arg9[%dma_start3A_537, %dma_start3A_538] : memref<10240x32xf32, #tpu.memory_space<vmem_shared>> -> memref<10240x32xf32, #tpu.memory_space<vmem_shared>>
      tpu.enqueue_indirect_dma source(%dma_start3A_533 : memref<125x32xf32, #tpu.memory_space<vmem>>) target(%dma_start3A_539 : memref<10240x32xf32, #tpu.memory_space<vmem_shared>>) offsets(%dma_start3A_536 : memref<125xi32, #tpu.memory_space<vmem>>) semaphore(%arg22 : memref<!tpu.dma_semaphore, #tpu.memory_space<semaphore_mem>>) {add = true}
      %mul3A_540 = arith.constant 8 : i32
      %mul3A_541 = arith.muli %scan3A_408, %mul3A_540 : i32
      %add3A_542 = arith.constant 5 : i32
      %add3A_543 = arith.addi %mul3A_541, %add3A_542 : i32
      %dma_wait3A_544 = arith.constant 5 : i32
      %dma_wait3A_545 = arith.constant 0 : i32
      %dma_wait3A_546 = arith.constant 0 : i32
      %dma_wait3A_547 = tpu.memref_slice %arg7[%dma_wait3A_544, %dma_wait3A_545, %dma_wait3A_546] : memref<8x125x32xf32, #tpu.memory_space<vmem>> -> memref<1x125x32xf32, #tpu.memory_space<vmem>>
      %dma_wait3A_548 = tpu.memref_squeeze %dma_wait3A_547 : memref<1x125x32xf32, #tpu.memory_space<vmem>> -> memref<125x32xf32, #tpu.memory_space<vmem>>
      %dma_wait3A_549 = arith.constant 0 : i32
      %dma_wait3A_550 = tpu.memref_slice %arg5[%add3A_543, %dma_wait3A_549] : memref<80x125xi32, #tpu.memory_space<vmem>> -> memref<1x125xi32, #tpu.memory_space<vmem>>
      %dma_wait3A_551 = tpu.memref_squeeze %dma_wait3A_550 : memref<1x125xi32, #tpu.memory_space<vmem>> -> memref<125xi32, #tpu.memory_space<vmem>>
      %dma_wait3A_552 = arith.constant 0 : i32
      %dma_wait3A_553 = arith.constant 0 : i32
      %dma_wait3A_554 = tpu.memref_slice %arg3[%dma_wait3A_552, %dma_wait3A_553] : memref<10240x32xf32, #tpu.memory_space<hbm>> -> memref<10240x32xf32, #tpu.memory_space<hbm>>
      tpu.wait_indirect_dma semaphore(%arg15 : memref<!tpu.dma_semaphore, #tpu.memory_space<semaphore_mem>>) src(%dma_wait3A_554 : memref<10240x32xf32, #tpu.memory_space<hbm>>) dst(%dma_wait3A_548 : memref<125x32xf32, #tpu.memory_space<vmem>>)
      %dma_start3A_555 = arith.constant 5 : i32
      %dma_start3A_556 = arith.constant 0 : i32
      %dma_start3A_557 = arith.constant 0 : i32
      %dma_start3A_558 = tpu.memref_slice %arg7[%dma_start3A_555, %dma_start3A_556, %dma_start3A_557] : memref<8x125x32xf32, #tpu.memory_space<vmem>> -> memref<1x125x32xf32, #tpu.memory_space<vmem>>
      %dma_start3A_559 = tpu.memref_squeeze %dma_start3A_558 : memref<1x125x32xf32, #tpu.memory_space<vmem>> -> memref<125x32xf32, #tpu.memory_space<vmem>>
      %dma_start3A_560 = arith.constant 0 : i32
      %dma_start3A_561 = tpu.memref_slice %arg6[%add3A_543, %dma_start3A_560] : memref<80x125xi32, #tpu.memory_space<vmem>> -> memref<1x125xi32, #tpu.memory_space<vmem>>
      %dma_start3A_562 = tpu.memref_squeeze %dma_start3A_561 : memref<1x125xi32, #tpu.memory_space<vmem>> -> memref<125xi32, #tpu.memory_space<vmem>>
      %dma_start3A_563 = arith.constant 0 : i32
      %dma_start3A_564 = arith.constant 0 : i32
      %dma_start3A_565 = tpu.memref_slice %arg9[%dma_start3A_563, %dma_start3A_564] : memref<10240x32xf32, #tpu.memory_space<vmem_shared>> -> memref<10240x32xf32, #tpu.memory_space<vmem_shared>>
      tpu.enqueue_indirect_dma source(%dma_start3A_559 : memref<125x32xf32, #tpu.memory_space<vmem>>) target(%dma_start3A_565 : memref<10240x32xf32, #tpu.memory_space<vmem_shared>>) offsets(%dma_start3A_562 : memref<125xi32, #tpu.memory_space<vmem>>) semaphore(%arg23 : memref<!tpu.dma_semaphore, #tpu.memory_space<semaphore_mem>>) {add = true}
      %mul3A_566 = arith.constant 8 : i32
      %mul3A_567 = arith.muli %scan3A_408, %mul3A_566 : i32
      %add3A_568 = arith.constant 6 : i32
      %add3A_569 = arith.addi %mul3A_567, %add3A_568 : i32
      %dma_wait3A_570 = arith.constant 6 : i32
      %dma_wait3A_571 = arith.constant 0 : i32
      %dma_wait3A_572 = arith.constant 0 : i32
      %dma_wait3A_573 = tpu.memref_slice %arg7[%dma_wait3A_570, %dma_wait3A_571, %dma_wait3A_572] : memref<8x125x32xf32, #tpu.memory_space<vmem>> -> memref<1x125x32xf32, #tpu.memory_space<vmem>>
      %dma_wait3A_574 = tpu.memref_squeeze %dma_wait3A_573 : memref<1x125x32xf32, #tpu.memory_space<vmem>> -> memref<125x32xf32, #tpu.memory_space<vmem>>
      %dma_wait3A_575 = arith.constant 0 : i32
      %dma_wait3A_576 = tpu.memref_slice %arg5[%add3A_569, %dma_wait3A_575] : memref<80x125xi32, #tpu.memory_space<vmem>> -> memref<1x125xi32, #tpu.memory_space<vmem>>
      %dma_wait3A_577 = tpu.memref_squeeze %dma_wait3A_576 : memref<1x125xi32, #tpu.memory_space<vmem>> -> memref<125xi32, #tpu.memory_space<vmem>>
      %dma_wait3A_578 = arith.constant 0 : i32
      %dma_wait3A_579 = arith.constant 0 : i32
      %dma_wait3A_580 = tpu.memref_slice %arg3[%dma_wait3A_578, %dma_wait3A_579] : memref<10240x32xf32, #tpu.memory_space<hbm>> -> memref<10240x32xf32, #tpu.memory_space<hbm>>
      tpu.wait_indirect_dma semaphore(%arg16 : memref<!tpu.dma_semaphore, #tpu.memory_space<semaphore_mem>>) src(%dma_wait3A_580 : memref<10240x32xf32, #tpu.memory_space<hbm>>) dst(%dma_wait3A_574 : memref<125x32xf32, #tpu.memory_space<vmem>>)
      %dma_start3A_581 = arith.constant 6 : i32
      %dma_start3A_582 = arith.constant 0 : i32
      %dma_start3A_583 = arith.constant 0 : i32
      %dma_start3A_584 = tpu.memref_slice %arg7[%dma_start3A_581, %dma_start3A_582, %dma_start3A_583] : memref<8x125x32xf32, #tpu.memory_space<vmem>> -> memref<1x125x32xf32, #tpu.memory_space<vmem>>
      %dma_start3A_585 = tpu.memref_squeeze %dma_start3A_584 : memref<1x125x32xf32, #tpu.memory_space<vmem>> -> memref<125x32xf32, #tpu.memory_space<vmem>>
      %dma_start3A_586 = arith.constant 0 : i32
      %dma_start3A_587 = tpu.memref_slice %arg6[%add3A_569, %dma_start3A_586] : memref<80x125xi32, #tpu.memory_space<vmem>> -> memref<1x125xi32, #tpu.memory_space<vmem>>
      %dma_start3A_588 = tpu.memref_squeeze %dma_start3A_587 : memref<1x125xi32, #tpu.memory_space<vmem>> -> memref<125xi32, #tpu.memory_space<vmem>>
      %dma_start3A_589 = arith.constant 0 : i32
      %dma_start3A_590 = arith.constant 0 : i32
      %dma_start3A_591 = tpu.memref_slice %arg9[%dma_start3A_589, %dma_start3A_590] : memref<10240x32xf32, #tpu.memory_space<vmem_shared>> -> memref<10240x32xf32, #tpu.memory_space<vmem_shared>>
      tpu.enqueue_indirect_dma source(%dma_start3A_585 : memref<125x32xf32, #tpu.memory_space<vmem>>) target(%dma_start3A_591 : memref<10240x32xf32, #tpu.memory_space<vmem_shared>>) offsets(%dma_start3A_588 : memref<125xi32, #tpu.memory_space<vmem>>) semaphore(%arg24 : memref<!tpu.dma_semaphore, #tpu.memory_space<semaphore_mem>>) {add = true}
      %mul3A_592 = arith.constant 8 : i32
      %mul3A_593 = arith.muli %scan3A_408, %mul3A_592 : i32
      %add3A_594 = arith.constant 7 : i32
      %add3A_595 = arith.addi %mul3A_593, %add3A_594 : i32
      %dma_wait3A_596 = arith.constant 7 : i32
      %dma_wait3A_597 = arith.constant 0 : i32
      %dma_wait3A_598 = arith.constant 0 : i32
      %dma_wait3A_599 = tpu.memref_slice %arg7[%dma_wait3A_596, %dma_wait3A_597, %dma_wait3A_598] : memref<8x125x32xf32, #tpu.memory_space<vmem>> -> memref<1x125x32xf32, #tpu.memory_space<vmem>>
      %dma_wait3A_600 = tpu.memref_squeeze %dma_wait3A_599 : memref<1x125x32xf32, #tpu.memory_space<vmem>> -> memref<125x32xf32, #tpu.memory_space<vmem>>
      %dma_wait3A_601 = arith.constant 0 : i32
      %dma_wait3A_602 = tpu.memref_slice %arg5[%add3A_595, %dma_wait3A_601] : memref<80x125xi32, #tpu.memory_space<vmem>> -> memref<1x125xi32, #tpu.memory_space<vmem>>
      %dma_wait3A_603 = tpu.memref_squeeze %dma_wait3A_602 : memref<1x125xi32, #tpu.memory_space<vmem>> -> memref<125xi32, #tpu.memory_space<vmem>>
      %dma_wait3A_604 = arith.constant 0 : i32
      %dma_wait3A_605 = arith.constant 0 : i32
      %dma_wait3A_606 = tpu.memref_slice %arg3[%dma_wait3A_604, %dma_wait3A_605] : memref<10240x32xf32, #tpu.memory_space<hbm>> -> memref<10240x32xf32, #tpu.memory_space<hbm>>
      tpu.wait_indirect_dma semaphore(%arg17 : memref<!tpu.dma_semaphore, #tpu.memory_space<semaphore_mem>>) src(%dma_wait3A_606 : memref<10240x32xf32, #tpu.memory_space<hbm>>) dst(%dma_wait3A_600 : memref<125x32xf32, #tpu.memory_space<vmem>>)
      %dma_start3A_607 = arith.constant 7 : i32
      %dma_start3A_608 = arith.constant 0 : i32
      %dma_start3A_609 = arith.constant 0 : i32
      %dma_start3A_610 = tpu.memref_slice %arg7[%dma_start3A_607, %dma_start3A_608, %dma_start3A_609] : memref<8x125x32xf32, #tpu.memory_space<vmem>> -> memref<1x125x32xf32, #tpu.memory_space<vmem>>
      %dma_start3A_611 = tpu.memref_squeeze %dma_start3A_610 : memref<1x125x32xf32, #tpu.memory_space<vmem>> -> memref<125x32xf32, #tpu.memory_space<vmem>>
      %dma_start3A_612 = arith.constant 0 : i32
      %dma_start3A_613 = tpu.memref_slice %arg6[%add3A_595, %dma_start3A_612] : memref<80x125xi32, #tpu.memory_space<vmem>> -> memref<1x125xi32, #tpu.memory_space<vmem>>
      %dma_start3A_614 = tpu.memref_squeeze %dma_start3A_613 : memref<1x125xi32, #tpu.memory_space<vmem>> -> memref<125xi32, #tpu.memory_space<vmem>>
      %dma_start3A_615 = arith.constant 0 : i32
      %dma_start3A_616 = arith.constant 0 : i32
      %dma_start3A_617 = tpu.memref_slice %arg9[%dma_start3A_615, %dma_start3A_616] : memref<10240x32xf32, #tpu.memory_space<vmem_shared>> -> memref<10240x32xf32, #tpu.memory_space<vmem_shared>>
      tpu.enqueue_indirect_dma source(%dma_start3A_611 : memref<125x32xf32, #tpu.memory_space<vmem>>) target(%dma_start3A_617 : memref<10240x32xf32, #tpu.memory_space<vmem_shared>>) offsets(%dma_start3A_614 : memref<125xi32, #tpu.memory_space<vmem>>) semaphore(%arg25 : memref<!tpu.dma_semaphore, #tpu.memory_space<semaphore_mem>>) {add = true}
      %mul3A_618 = arith.constant 8 : i32
      %mul3A_619 = arith.muli %scan3A_408, %mul3A_618 : i32
      %add3A_620 = arith.constant 0 : i32
      %add3A_621 = arith.addi %mul3A_619, %add3A_620 : i32
      %add3A_622 = arith.constant 8 : i32
      %add3A_623 = arith.addi %add3A_621, %add3A_622 : i32
      %dma_wait3A_624 = arith.constant 0 : i32
      %dma_wait3A_625 = arith.constant 0 : i32
      %dma_wait3A_626 = arith.constant 0 : i32
      %dma_wait3A_627 = tpu.memref_slice %arg7[%dma_wait3A_624, %dma_wait3A_625, %dma_wait3A_626] : memref<8x125x32xf32, #tpu.memory_space<vmem>> -> memref<1x125x32xf32, #tpu.memory_space<vmem>>
      %dma_wait3A_628 = tpu.memref_squeeze %dma_wait3A_627 : memref<1x125x32xf32, #tpu.memory_space<vmem>> -> memref<125x32xf32, #tpu.memory_space<vmem>>
      %dma_wait3A_629 = arith.constant 0 : i32
      %dma_wait3A_630 = tpu.memref_slice %arg6[%add3A_621, %dma_wait3A_629] : memref<80x125xi32, #tpu.memory_space<vmem>> -> memref<1x125xi32, #tpu.memory_space<vmem>>
      %dma_wait3A_631 = tpu.memref_squeeze %dma_wait3A_630 : memref<1x125xi32, #tpu.memory_space<vmem>> -> memref<125xi32, #tpu.memory_space<vmem>>
      %dma_wait3A_632 = arith.constant 0 : i32
      %dma_wait3A_633 = arith.constant 0 : i32
      %dma_wait3A_634 = tpu.memref_slice %arg9[%dma_wait3A_632, %dma_wait3A_633] : memref<10240x32xf32, #tpu.memory_space<vmem_shared>> -> memref<10240x32xf32, #tpu.memory_space<vmem_shared>>
      tpu.wait_indirect_dma semaphore(%arg18 : memref<!tpu.dma_semaphore, #tpu.memory_space<semaphore_mem>>) src(%dma_wait3A_628 : memref<125x32xf32, #tpu.memory_space<vmem>>) dst(%dma_wait3A_634 : memref<10240x32xf32, #tpu.memory_space<vmem_shared>>)
      %dma_start3A_635 = arith.constant 0 : i32
      %dma_start3A_636 = arith.constant 0 : i32
      %dma_start3A_637 = arith.constant 0 : i32
      %dma_start3A_638 = tpu.memref_slice %arg7[%dma_start3A_635, %dma_start3A_636, %dma_start3A_637] : memref<8x125x32xf32, #tpu.memory_space<vmem>> -> memref<1x125x32xf32, #tpu.memory_space<vmem>>
      %dma_start3A_639 = tpu.memref_squeeze %dma_start3A_638 : memref<1x125x32xf32, #tpu.memory_space<vmem>> -> memref<125x32xf32, #tpu.memory_space<vmem>>
      %dma_start3A_640 = arith.constant 0 : i32
      %dma_start3A_641 = tpu.memref_slice %arg5[%add3A_623, %dma_start3A_640] : memref<80x125xi32, #tpu.memory_space<vmem>> -> memref<1x125xi32, #tpu.memory_space<vmem>>
      %dma_start3A_642 = tpu.memref_squeeze %dma_start3A_641 : memref<1x125xi32, #tpu.memory_space<vmem>> -> memref<125xi32, #tpu.memory_space<vmem>>
      %dma_start3A_643 = arith.constant 0 : i32
      %dma_start3A_644 = arith.constant 0 : i32
      %dma_start3A_645 = tpu.memref_slice %arg3[%dma_start3A_643, %dma_start3A_644] : memref<10240x32xf32, #tpu.memory_space<hbm>> -> memref<10240x32xf32, #tpu.memory_space<hbm>>
      tpu.enqueue_indirect_dma source(%dma_start3A_645 : memref<10240x32xf32, #tpu.memory_space<hbm>>) target(%dma_start3A_639 : memref<125x32xf32, #tpu.memory_space<vmem>>) offsets(%dma_start3A_642 : memref<125xi32, #tpu.memory_space<vmem>>) semaphore(%arg10 : memref<!tpu.dma_semaphore, #tpu.memory_space<semaphore_mem>>)
      %mul3A_646 = arith.constant 8 : i32
      %mul3A_647 = arith.muli %scan3A_408, %mul3A_646 : i32
      %add3A_648 = arith.constant 1 : i32
      %add3A_649 = arith.addi %mul3A_647, %add3A_648 : i32
      %add3A_650 = arith.constant 8 : i32
      %add3A_651 = arith.addi %add3A_649, %add3A_650 : i32
      %dma_wait3A_652 = arith.constant 1 : i32
      %dma_wait3A_653 = arith.constant 0 : i32
      %dma_wait3A_654 = arith.constant 0 : i32
      %dma_wait3A_655 = tpu.memref_slice %arg7[%dma_wait3A_652, %dma_wait3A_653, %dma_wait3A_654] : memref<8x125x32xf32, #tpu.memory_space<vmem>> -> memref<1x125x32xf32, #tpu.memory_space<vmem>>
      %dma_wait3A_656 = tpu.memref_squeeze %dma_wait3A_655 : memref<1x125x32xf32, #tpu.memory_space<vmem>> -> memref<125x32xf32, #tpu.memory_space<vmem>>
      %dma_wait3A_657 = arith.constant 0 : i32
      %dma_wait3A_658 = tpu.memref_slice %arg6[%add3A_649, %dma_wait3A_657] : memref<80x125xi32, #tpu.memory_space<vmem>> -> memref<1x125xi32, #tpu.memory_space<vmem>>
      %dma_wait3A_659 = tpu.memref_squeeze %dma_wait3A_658 : memref<1x125xi32, #tpu.memory_space<vmem>> -> memref<125xi32, #tpu.memory_space<vmem>>
      %dma_wait3A_660 = arith.constant 0 : i32
      %dma_wait3A_661 = arith.constant 0 : i32
      %dma_wait3A_662 = tpu.memref_slice %arg9[%dma_wait3A_660, %dma_wait3A_661] : memref<10240x32xf32, #tpu.memory_space<vmem_shared>> -> memref<10240x32xf32, #tpu.memory_space<vmem_shared>>
      tpu.wait_indirect_dma semaphore(%arg19 : memref<!tpu.dma_semaphore, #tpu.memory_space<semaphore_mem>>) src(%dma_wait3A_656 : memref<125x32xf32, #tpu.memory_space<vmem>>) dst(%dma_wait3A_662 : memref<10240x32xf32, #tpu.memory_space<vmem_shared>>)
      %dma_start3A_663 = arith.constant 1 : i32
      %dma_start3A_664 = arith.constant 0 : i32
      %dma_start3A_665 = arith.constant 0 : i32
      %dma_start3A_666 = tpu.memref_slice %arg7[%dma_start3A_663, %dma_start3A_664, %dma_start3A_665] : memref<8x125x32xf32, #tpu.memory_space<vmem>> -> memref<1x125x32xf32, #tpu.memory_space<vmem>>
      %dma_start3A_667 = tpu.memref_squeeze %dma_start3A_666 : memref<1x125x32xf32, #tpu.memory_space<vmem>> -> memref<125x32xf32, #tpu.memory_space<vmem>>
      %dma_start3A_668 = arith.constant 0 : i32
      %dma_start3A_669 = tpu.memref_slice %arg5[%add3A_651, %dma_start3A_668] : memref<80x125xi32, #tpu.memory_space<vmem>> -> memref<1x125xi32, #tpu.memory_space<vmem>>
      %dma_start3A_670 = tpu.memref_squeeze %dma_start3A_669 : memref<1x125xi32, #tpu.memory_space<vmem>> -> memref<125xi32, #tpu.memory_space<vmem>>
      %dma_start3A_671 = arith.constant 0 : i32
      %dma_start3A_672 = arith.constant 0 : i32
      %dma_start3A_673 = tpu.memref_slice %arg3[%dma_start3A_671, %dma_start3A_672] : memref<10240x32xf32, #tpu.memory_space<hbm>> -> memref<10240x32xf32, #tpu.memory_space<hbm>>
      tpu.enqueue_indirect_dma source(%dma_start3A_673 : memref<10240x32xf32, #tpu.memory_space<hbm>>) target(%dma_start3A_667 : memref<125x32xf32, #tpu.memory_space<vmem>>) offsets(%dma_start3A_670 : memref<125xi32, #tpu.memory_space<vmem>>) semaphore(%arg11 : memref<!tpu.dma_semaphore, #tpu.memory_space<semaphore_mem>>)
      %mul3A_674 = arith.constant 8 : i32
      %mul3A_675 = arith.muli %scan3A_408, %mul3A_674 : i32
      %add3A_676 = arith.constant 2 : i32
      %add3A_677 = arith.addi %mul3A_675, %add3A_676 : i32
      %add3A_678 = arith.constant 8 : i32
      %add3A_679 = arith.addi %add3A_677, %add3A_678 : i32
      %dma_wait3A_680 = arith.constant 2 : i32
      %dma_wait3A_681 = arith.constant 0 : i32
      %dma_wait3A_682 = arith.constant 0 : i32
      %dma_wait3A_683 = tpu.memref_slice %arg7[%dma_wait3A_680, %dma_wait3A_681, %dma_wait3A_682] : memref<8x125x32xf32, #tpu.memory_space<vmem>> -> memref<1x125x32xf32, #tpu.memory_space<vmem>>
      %dma_wait3A_684 = tpu.memref_squeeze %dma_wait3A_683 : memref<1x125x32xf32, #tpu.memory_space<vmem>> -> memref<125x32xf32, #tpu.memory_space<vmem>>
      %dma_wait3A_685 = arith.constant 0 : i32
      %dma_wait3A_686 = tpu.memref_slice %arg6[%add3A_677, %dma_wait3A_685] : memref<80x125xi32, #tpu.memory_space<vmem>> -> memref<1x125xi32, #tpu.memory_space<vmem>>
      %dma_wait3A_687 = tpu.memref_squeeze %dma_wait3A_686 : memref<1x125xi32, #tpu.memory_space<vmem>> -> memref<125xi32, #tpu.memory_space<vmem>>
      %dma_wait3A_688 = arith.constant 0 : i32
      %dma_wait3A_689 = arith.constant 0 : i32
      %dma_wait3A_690 = tpu.memref_slice %arg9[%dma_wait3A_688, %dma_wait3A_689] : memref<10240x32xf32, #tpu.memory_space<vmem_shared>> -> memref<10240x32xf32, #tpu.memory_space<vmem_shared>>
      tpu.wait_indirect_dma semaphore(%arg20 : memref<!tpu.dma_semaphore, #tpu.memory_space<semaphore_mem>>) src(%dma_wait3A_684 : memref<125x32xf32, #tpu.memory_space<vmem>>) dst(%dma_wait3A_690 : memref<10240x32xf32, #tpu.memory_space<vmem_shared>>)
      %dma_start3A_691 = arith.constant 2 : i32
      %dma_start3A_692 = arith.constant 0 : i32
      %dma_start3A_693 = arith.constant 0 : i32
      %dma_start3A_694 = tpu.memref_slice %arg7[%dma_start3A_691, %dma_start3A_692, %dma_start3A_693] : memref<8x125x32xf32, #tpu.memory_space<vmem>> -> memref<1x125x32xf32, #tpu.memory_space<vmem>>
      %dma_start3A_695 = tpu.memref_squeeze %dma_start3A_694 : memref<1x125x32xf32, #tpu.memory_space<vmem>> -> memref<125x32xf32, #tpu.memory_space<vmem>>
      %dma_start3A_696 = arith.constant 0 : i32
      %dma_start3A_697 = tpu.memref_slice %arg5[%add3A_679, %dma_start3A_696] : memref<80x125xi32, #tpu.memory_space<vmem>> -> memref<1x125xi32, #tpu.memory_space<vmem>>
      %dma_start3A_698 = tpu.memref_squeeze %dma_start3A_697 : memref<1x125xi32, #tpu.memory_space<vmem>> -> memref<125xi32, #tpu.memory_space<vmem>>
      %dma_start3A_699 = arith.constant 0 : i32
      %dma_start3A_700 = arith.constant 0 : i32
      %dma_start3A_701 = tpu.memref_slice %arg3[%dma_start3A_699, %dma_start3A_700] : memref<10240x32xf32, #tpu.memory_space<hbm>> -> memref<10240x32xf32, #tpu.memory_space<hbm>>
      tpu.enqueue_indirect_dma source(%dma_start3A_701 : memref<10240x32xf32, #tpu.memory_space<hbm>>) target(%dma_start3A_695 : memref<125x32xf32, #tpu.memory_space<vmem>>) offsets(%dma_start3A_698 : memref<125xi32, #tpu.memory_space<vmem>>) semaphore(%arg12 : memref<!tpu.dma_semaphore, #tpu.memory_space<semaphore_mem>>)
      %mul3A_702 = arith.constant 8 : i32
      %mul3A_703 = arith.muli %scan3A_408, %mul3A_702 : i32
      %add3A_704 = arith.constant 3 : i32
      %add3A_705 = arith.addi %mul3A_703, %add3A_704 : i32
      %add3A_706 = arith.constant 8 : i32
      %add3A_707 = arith.addi %add3A_705, %add3A_706 : i32
      %dma_wait3A_708 = arith.constant 3 : i32
      %dma_wait3A_709 = arith.constant 0 : i32
      %dma_wait3A_710 = arith.constant 0 : i32
      %dma_wait3A_711 = tpu.memref_slice %arg7[%dma_wait3A_708, %dma_wait3A_709, %dma_wait3A_710] : memref<8x125x32xf32, #tpu.memory_space<vmem>> -> memref<1x125x32xf32, #tpu.memory_space<vmem>>
      %dma_wait3A_712 = tpu.memref_squeeze %dma_wait3A_711 : memref<1x125x32xf32, #tpu.memory_space<vmem>> -> memref<125x32xf32, #tpu.memory_space<vmem>>
      %dma_wait3A_713 = arith.constant 0 : i32
      %dma_wait3A_714 = tpu.memref_slice %arg6[%add3A_705, %dma_wait3A_713] : memref<80x125xi32, #tpu.memory_space<vmem>> -> memref<1x125xi32, #tpu.memory_space<vmem>>
      %dma_wait3A_715 = tpu.memref_squeeze %dma_wait3A_714 : memref<1x125xi32, #tpu.memory_space<vmem>> -> memref<125xi32, #tpu.memory_space<vmem>>
      %dma_wait3A_716 = arith.constant 0 : i32
      %dma_wait3A_717 = arith.constant 0 : i32
      %dma_wait3A_718 = tpu.memref_slice %arg9[%dma_wait3A_716, %dma_wait3A_717] : memref<10240x32xf32, #tpu.memory_space<vmem_shared>> -> memref<10240x32xf32, #tpu.memory_space<vmem_shared>>
      tpu.wait_indirect_dma semaphore(%arg21 : memref<!tpu.dma_semaphore, #tpu.memory_space<semaphore_mem>>) src(%dma_wait3A_712 : memref<125x32xf32, #tpu.memory_space<vmem>>) dst(%dma_wait3A_718 : memref<10240x32xf32, #tpu.memory_space<vmem_shared>>)
      %dma_start3A_719 = arith.constant 3 : i32
      %dma_start3A_720 = arith.constant 0 : i32
      %dma_start3A_721 = arith.constant 0 : i32
      %dma_start3A_722 = tpu.memref_slice %arg7[%dma_start3A_719, %dma_start3A_720, %dma_start3A_721] : memref<8x125x32xf32, #tpu.memory_space<vmem>> -> memref<1x125x32xf32, #tpu.memory_space<vmem>>
      %dma_start3A_723 = tpu.memref_squeeze %dma_start3A_722 : memref<1x125x32xf32, #tpu.memory_space<vmem>> -> memref<125x32xf32, #tpu.memory_space<vmem>>
      %dma_start3A_724 = arith.constant 0 : i32
      %dma_start3A_725 = tpu.memref_slice %arg5[%add3A_707, %dma_start3A_724] : memref<80x125xi32, #tpu.memory_space<vmem>> -> memref<1x125xi32, #tpu.memory_space<vmem>>
      %dma_start3A_726 = tpu.memref_squeeze %dma_start3A_725 : memref<1x125xi32, #tpu.memory_space<vmem>> -> memref<125xi32, #tpu.memory_space<vmem>>
      %dma_start3A_727 = arith.constant 0 : i32
      %dma_start3A_728 = arith.constant 0 : i32
      %dma_start3A_729 = tpu.memref_slice %arg3[%dma_start3A_727, %dma_start3A_728] : memref<10240x32xf32, #tpu.memory_space<hbm>> -> memref<10240x32xf32, #tpu.memory_space<hbm>>
      tpu.enqueue_indirect_dma source(%dma_start3A_729 : memref<10240x32xf32, #tpu.memory_space<hbm>>) target(%dma_start3A_723 : memref<125x32xf32, #tpu.memory_space<vmem>>) offsets(%dma_start3A_726 : memref<125xi32, #tpu.memory_space<vmem>>) semaphore(%arg13 : memref<!tpu.dma_semaphore, #tpu.memory_space<semaphore_mem>>)
      %mul3A_730 = arith.constant 8 : i32
      %mul3A_731 = arith.muli %scan3A_408, %mul3A_730 : i32
      %add3A_732 = arith.constant 4 : i32
      %add3A_733 = arith.addi %mul3A_731, %add3A_732 : i32
      %add3A_734 = arith.constant 8 : i32
      %add3A_735 = arith.addi %add3A_733, %add3A_734 : i32
      %dma_wait3A_736 = arith.constant 4 : i32
      %dma_wait3A_737 = arith.constant 0 : i32
      %dma_wait3A_738 = arith.constant 0 : i32
      %dma_wait3A_739 = tpu.memref_slice %arg7[%dma_wait3A_736, %dma_wait3A_737, %dma_wait3A_738] : memref<8x125x32xf32, #tpu.memory_space<vmem>> -> memref<1x125x32xf32, #tpu.memory_space<vmem>>
      %dma_wait3A_740 = tpu.memref_squeeze %dma_wait3A_739 : memref<1x125x32xf32, #tpu.memory_space<vmem>> -> memref<125x32xf32, #tpu.memory_space<vmem>>
      %dma_wait3A_741 = arith.constant 0 : i32
      %dma_wait3A_742 = tpu.memref_slice %arg6[%add3A_733, %dma_wait3A_741] : memref<80x125xi32, #tpu.memory_space<vmem>> -> memref<1x125xi32, #tpu.memory_space<vmem>>
      %dma_wait3A_743 = tpu.memref_squeeze %dma_wait3A_742 : memref<1x125xi32, #tpu.memory_space<vmem>> -> memref<125xi32, #tpu.memory_space<vmem>>
      %dma_wait3A_744 = arith.constant 0 : i32
      %dma_wait3A_745 = arith.constant 0 : i32
      %dma_wait3A_746 = tpu.memref_slice %arg9[%dma_wait3A_744, %dma_wait3A_745] : memref<10240x32xf32, #tpu.memory_space<vmem_shared>> -> memref<10240x32xf32, #tpu.memory_space<vmem_shared>>
      tpu.wait_indirect_dma semaphore(%arg22 : memref<!tpu.dma_semaphore, #tpu.memory_space<semaphore_mem>>) src(%dma_wait3A_740 : memref<125x32xf32, #tpu.memory_space<vmem>>) dst(%dma_wait3A_746 : memref<10240x32xf32, #tpu.memory_space<vmem_shared>>)
      %dma_start3A_747 = arith.constant 4 : i32
      %dma_start3A_748 = arith.constant 0 : i32
      %dma_start3A_749 = arith.constant 0 : i32
      %dma_start3A_750 = tpu.memref_slice %arg7[%dma_start3A_747, %dma_start3A_748, %dma_start3A_749] : memref<8x125x32xf32, #tpu.memory_space<vmem>> -> memref<1x125x32xf32, #tpu.memory_space<vmem>>
      %dma_start3A_751 = tpu.memref_squeeze %dma_start3A_750 : memref<1x125x32xf32, #tpu.memory_space<vmem>> -> memref<125x32xf32, #tpu.memory_space<vmem>>
      %dma_start3A_752 = arith.constant 0 : i32
      %dma_start3A_753 = tpu.memref_slice %arg5[%add3A_735, %dma_start3A_752] : memref<80x125xi32, #tpu.memory_space<vmem>> -> memref<1x125xi32, #tpu.memory_space<vmem>>
      %dma_start3A_754 = tpu.memref_squeeze %dma_start3A_753 : memref<1x125xi32, #tpu.memory_space<vmem>> -> memref<125xi32, #tpu.memory_space<vmem>>
      %dma_start3A_755 = arith.constant 0 : i32
      %dma_start3A_756 = arith.constant 0 : i32
      %dma_start3A_757 = tpu.memref_slice %arg3[%dma_start3A_755, %dma_start3A_756] : memref<10240x32xf32, #tpu.memory_space<hbm>> -> memref<10240x32xf32, #tpu.memory_space<hbm>>
      tpu.enqueue_indirect_dma source(%dma_start3A_757 : memref<10240x32xf32, #tpu.memory_space<hbm>>) target(%dma_start3A_751 : memref<125x32xf32, #tpu.memory_space<vmem>>) offsets(%dma_start3A_754 : memref<125xi32, #tpu.memory_space<vmem>>) semaphore(%arg14 : memref<!tpu.dma_semaphore, #tpu.memory_space<semaphore_mem>>)
      %mul3A_758 = arith.constant 8 : i32
      %mul3A_759 = arith.muli %scan3A_408, %mul3A_758 : i32
      %add3A_760 = arith.constant 5 : i32
      %add3A_761 = arith.addi %mul3A_759, %add3A_760 : i32
      %add3A_762 = arith.constant 8 : i32
      %add3A_763 = arith.addi %add3A_761, %add3A_762 : i32
      %dma_wait3A_764 = arith.constant 5 : i32
      %dma_wait3A_765 = arith.constant 0 : i32
      %dma_wait3A_766 = arith.constant 0 : i32
      %dma_wait3A_767 = tpu.memref_slice %arg7[%dma_wait3A_764, %dma_wait3A_765, %dma_wait3A_766] : memref<8x125x32xf32, #tpu.memory_space<vmem>> -> memref<1x125x32xf32, #tpu.memory_space<vmem>>
      %dma_wait3A_768 = tpu.memref_squeeze %dma_wait3A_767 : memref<1x125x32xf32, #tpu.memory_space<vmem>> -> memref<125x32xf32, #tpu.memory_space<vmem>>
      %dma_wait3A_769 = arith.constant 0 : i32
      %dma_wait3A_770 = tpu.memref_slice %arg6[%add3A_761, %dma_wait3A_769] : memref<80x125xi32, #tpu.memory_space<vmem>> -> memref<1x125xi32, #tpu.memory_space<vmem>>
      %dma_wait3A_771 = tpu.memref_squeeze %dma_wait3A_770 : memref<1x125xi32, #tpu.memory_space<vmem>> -> memref<125xi32, #tpu.memory_space<vmem>>
      %dma_wait3A_772 = arith.constant 0 : i32
      %dma_wait3A_773 = arith.constant 0 : i32
      %dma_wait3A_774 = tpu.memref_slice %arg9[%dma_wait3A_772, %dma_wait3A_773] : memref<10240x32xf32, #tpu.memory_space<vmem_shared>> -> memref<10240x32xf32, #tpu.memory_space<vmem_shared>>
      tpu.wait_indirect_dma semaphore(%arg23 : memref<!tpu.dma_semaphore, #tpu.memory_space<semaphore_mem>>) src(%dma_wait3A_768 : memref<125x32xf32, #tpu.memory_space<vmem>>) dst(%dma_wait3A_774 : memref<10240x32xf32, #tpu.memory_space<vmem_shared>>)
      %dma_start3A_775 = arith.constant 5 : i32
      %dma_start3A_776 = arith.constant 0 : i32
      %dma_start3A_777 = arith.constant 0 : i32
      %dma_start3A_778 = tpu.memref_slice %arg7[%dma_start3A_775, %dma_start3A_776, %dma_start3A_777] : memref<8x125x32xf32, #tpu.memory_space<vmem>> -> memref<1x125x32xf32, #tpu.memory_space<vmem>>
      %dma_start3A_779 = tpu.memref_squeeze %dma_start3A_778 : memref<1x125x32xf32, #tpu.memory_space<vmem>> -> memref<125x32xf32, #tpu.memory_space<vmem>>
      %dma_start3A_780 = arith.constant 0 : i32
      %dma_start3A_781 = tpu.memref_slice %arg5[%add3A_763, %dma_start3A_780] : memref<80x125xi32, #tpu.memory_space<vmem>> -> memref<1x125xi32, #tpu.memory_space<vmem>>
      %dma_start3A_782 = tpu.memref_squeeze %dma_start3A_781 : memref<1x125xi32, #tpu.memory_space<vmem>> -> memref<125xi32, #tpu.memory_space<vmem>>
      %dma_start3A_783 = arith.constant 0 : i32
      %dma_start3A_784 = arith.constant 0 : i32
      %dma_start3A_785 = tpu.memref_slice %arg3[%dma_start3A_783, %dma_start3A_784] : memref<10240x32xf32, #tpu.memory_space<hbm>> -> memref<10240x32xf32, #tpu.memory_space<hbm>>
      tpu.enqueue_indirect_dma source(%dma_start3A_785 : memref<10240x32xf32, #tpu.memory_space<hbm>>) target(%dma_start3A_779 : memref<125x32xf32, #tpu.memory_space<vmem>>) offsets(%dma_start3A_782 : memref<125xi32, #tpu.memory_space<vmem>>) semaphore(%arg15 : memref<!tpu.dma_semaphore, #tpu.memory_space<semaphore_mem>>)
      %mul3A_786 = arith.constant 8 : i32
      %mul3A_787 = arith.muli %scan3A_408, %mul3A_786 : i32
      %add3A_788 = arith.constant 6 : i32
      %add3A_789 = arith.addi %mul3A_787, %add3A_788 : i32
      %add3A_790 = arith.constant 8 : i32
      %add3A_791 = arith.addi %add3A_789, %add3A_790 : i32
      %dma_wait3A_792 = arith.constant 6 : i32
      %dma_wait3A_793 = arith.constant 0 : i32
      %dma_wait3A_794 = arith.constant 0 : i32
      %dma_wait3A_795 = tpu.memref_slice %arg7[%dma_wait3A_792, %dma_wait3A_793, %dma_wait3A_794] : memref<8x125x32xf32, #tpu.memory_space<vmem>> -> memref<1x125x32xf32, #tpu.memory_space<vmem>>
      %dma_wait3A_796 = tpu.memref_squeeze %dma_wait3A_795 : memref<1x125x32xf32, #tpu.memory_space<vmem>> -> memref<125x32xf32, #tpu.memory_space<vmem>>
      %dma_wait3A_797 = arith.constant 0 : i32
      %dma_wait3A_798 = tpu.memref_slice %arg6[%add3A_789, %dma_wait3A_797] : memref<80x125xi32, #tpu.memory_space<vmem>> -> memref<1x125xi32, #tpu.memory_space<vmem>>
      %dma_wait3A_799 = tpu.memref_squeeze %dma_wait3A_798 : memref<1x125xi32, #tpu.memory_space<vmem>> -> memref<125xi32, #tpu.memory_space<vmem>>
      %dma_wait3A_800 = arith.constant 0 : i32
      %dma_wait3A_801 = arith.constant 0 : i32
      %dma_wait3A_802 = tpu.memref_slice %arg9[%dma_wait3A_800, %dma_wait3A_801] : memref<10240x32xf32, #tpu.memory_space<vmem_shared>> -> memref<10240x32xf32, #tpu.memory_space<vmem_shared>>
      tpu.wait_indirect_dma semaphore(%arg24 : memref<!tpu.dma_semaphore, #tpu.memory_space<semaphore_mem>>) src(%dma_wait3A_796 : memref<125x32xf32, #tpu.memory_space<vmem>>) dst(%dma_wait3A_802 : memref<10240x32xf32, #tpu.memory_space<vmem_shared>>)
      %dma_start3A_803 = arith.constant 6 : i32
      %dma_start3A_804 = arith.constant 0 : i32
      %dma_start3A_805 = arith.constant 0 : i32
      %dma_start3A_806 = tpu.memref_slice %arg7[%dma_start3A_803, %dma_start3A_804, %dma_start3A_805] : memref<8x125x32xf32, #tpu.memory_space<vmem>> -> memref<1x125x32xf32, #tpu.memory_space<vmem>>
      %dma_start3A_807 = tpu.memref_squeeze %dma_start3A_806 : memref<1x125x32xf32, #tpu.memory_space<vmem>> -> memref<125x32xf32, #tpu.memory_space<vmem>>
      %dma_start3A_808 = arith.constant 0 : i32
      %dma_start3A_809 = tpu.memref_slice %arg5[%add3A_791, %dma_start3A_808] : memref<80x125xi32, #tpu.memory_space<vmem>> -> memref<1x125xi32, #tpu.memory_space<vmem>>
      %dma_start3A_810 = tpu.memref_squeeze %dma_start3A_809 : memref<1x125xi32, #tpu.memory_space<vmem>> -> memref<125xi32, #tpu.memory_space<vmem>>
      %dma_start3A_811 = arith.constant 0 : i32
      %dma_start3A_812 = arith.constant 0 : i32
      %dma_start3A_813 = tpu.memref_slice %arg3[%dma_start3A_811, %dma_start3A_812] : memref<10240x32xf32, #tpu.memory_space<hbm>> -> memref<10240x32xf32, #tpu.memory_space<hbm>>
      tpu.enqueue_indirect_dma source(%dma_start3A_813 : memref<10240x32xf32, #tpu.memory_space<hbm>>) target(%dma_start3A_807 : memref<125x32xf32, #tpu.memory_space<vmem>>) offsets(%dma_start3A_810 : memref<125xi32, #tpu.memory_space<vmem>>) semaphore(%arg16 : memref<!tpu.dma_semaphore, #tpu.memory_space<semaphore_mem>>)
      %mul3A_814 = arith.constant 8 : i32
      %mul3A_815 = arith.muli %scan3A_408, %mul3A_814 : i32
      %add3A_816 = arith.constant 7 : i32
      %add3A_817 = arith.addi %mul3A_815, %add3A_816 : i32
      %add3A_818 = arith.constant 8 : i32
      %add3A_819 = arith.addi %add3A_817, %add3A_818 : i32
      %dma_wait3A_820 = arith.constant 7 : i32
      %dma_wait3A_821 = arith.constant 0 : i32
      %dma_wait3A_822 = arith.constant 0 : i32
      %dma_wait3A_823 = tpu.memref_slice %arg7[%dma_wait3A_820, %dma_wait3A_821, %dma_wait3A_822] : memref<8x125x32xf32, #tpu.memory_space<vmem>> -> memref<1x125x32xf32, #tpu.memory_space<vmem>>
      %dma_wait3A_824 = tpu.memref_squeeze %dma_wait3A_823 : memref<1x125x32xf32, #tpu.memory_space<vmem>> -> memref<125x32xf32, #tpu.memory_space<vmem>>
      %dma_wait3A_825 = arith.constant 0 : i32
      %dma_wait3A_826 = tpu.memref_slice %arg6[%add3A_817, %dma_wait3A_825] : memref<80x125xi32, #tpu.memory_space<vmem>> -> memref<1x125xi32, #tpu.memory_space<vmem>>
      %dma_wait3A_827 = tpu.memref_squeeze %dma_wait3A_826 : memref<1x125xi32, #tpu.memory_space<vmem>> -> memref<125xi32, #tpu.memory_space<vmem>>
      %dma_wait3A_828 = arith.constant 0 : i32
      %dma_wait3A_829 = arith.constant 0 : i32
      %dma_wait3A_830 = tpu.memref_slice %arg9[%dma_wait3A_828, %dma_wait3A_829] : memref<10240x32xf32, #tpu.memory_space<vmem_shared>> -> memref<10240x32xf32, #tpu.memory_space<vmem_shared>>
      tpu.wait_indirect_dma semaphore(%arg25 : memref<!tpu.dma_semaphore, #tpu.memory_space<semaphore_mem>>) src(%dma_wait3A_824 : memref<125x32xf32, #tpu.memory_space<vmem>>) dst(%dma_wait3A_830 : memref<10240x32xf32, #tpu.memory_space<vmem_shared>>)
      %dma_start3A_831 = arith.constant 7 : i32
      %dma_start3A_832 = arith.constant 0 : i32
      %dma_start3A_833 = arith.constant 0 : i32
      %dma_start3A_834 = tpu.memref_slice %arg7[%dma_start3A_831, %dma_start3A_832, %dma_start3A_833] : memref<8x125x32xf32, #tpu.memory_space<vmem>> -> memref<1x125x32xf32, #tpu.memory_space<vmem>>
      %dma_start3A_835 = tpu.memref_squeeze %dma_start3A_834 : memref<1x125x32xf32, #tpu.memory_space<vmem>> -> memref<125x32xf32, #tpu.memory_space<vmem>>
      %dma_start3A_836 = arith.constant 0 : i32
      %dma_start3A_837 = tpu.memref_slice %arg5[%add3A_819, %dma_start3A_836] : memref<80x125xi32, #tpu.memory_space<vmem>> -> memref<1x125xi32, #tpu.memory_space<vmem>>
      %dma_start3A_838 = tpu.memref_squeeze %dma_start3A_837 : memref<1x125xi32, #tpu.memory_space<vmem>> -> memref<125xi32, #tpu.memory_space<vmem>>
      %dma_start3A_839 = arith.constant 0 : i32
      %dma_start3A_840 = arith.constant 0 : i32
      %dma_start3A_841 = tpu.memref_slice %arg3[%dma_start3A_839, %dma_start3A_840] : memref<10240x32xf32, #tpu.memory_space<hbm>> -> memref<10240x32xf32, #tpu.memory_space<hbm>>
      tpu.enqueue_indirect_dma source(%dma_start3A_841 : memref<10240x32xf32, #tpu.memory_space<hbm>>) target(%dma_start3A_835 : memref<125x32xf32, #tpu.memory_space<vmem>>) offsets(%dma_start3A_838 : memref<125xi32, #tpu.memory_space<vmem>>) semaphore(%arg17 : memref<!tpu.dma_semaphore, #tpu.memory_space<semaphore_mem>>)
      %scan3A_842 = arith.constant 0 : i32
      scf.yield %scan3A_842 : i32
    }
    %scan3A_112 = arith.constant 9 : i32
    %dma_wait3A = arith.constant 72 : i32
    %dma_wait3A_113 = arith.constant 0 : i32
    %dma_wait3A_114 = arith.constant 0 : i32
    %dma_wait3A_115 = arith.constant 0 : i32
    %dma_wait3A_116 = tpu.memref_slice %arg7[%dma_wait3A_113, %dma_wait3A_114, %dma_wait3A_115] : memref<8x125x32xf32, #tpu.memory_space<vmem>> -> memref<1x125x32xf32, #tpu.memory_space<vmem>>
    %dma_wait3A_117 = tpu.memref_squeeze %dma_wait3A_116 : memref<1x125x32xf32, #tpu.memory_space<vmem>> -> memref<125x32xf32, #tpu.memory_space<vmem>>
    %dma_wait3A_118 = arith.constant 0 : i32
    %dma_wait3A_119 = tpu.memref_slice %arg5[%dma_wait3A, %dma_wait3A_118] : memref<80x125xi32, #tpu.memory_space<vmem>> -> memref<1x125xi32, #tpu.memory_space<vmem>>
    %dma_wait3A_120 = tpu.memref_squeeze %dma_wait3A_119 : memref<1x125xi32, #tpu.memory_space<vmem>> -> memref<125xi32, #tpu.memory_space<vmem>>
    %dma_wait3A_121 = arith.constant 0 : i32
    %dma_wait3A_122 = arith.constant 0 : i32
    %dma_wait3A_123 = tpu.memref_slice %arg3[%dma_wait3A_121, %dma_wait3A_122] : memref<10240x32xf32, #tpu.memory_space<hbm>> -> memref<10240x32xf32, #tpu.memory_space<hbm>>
    tpu.wait_indirect_dma semaphore(%arg10 : memref<!tpu.dma_semaphore, #tpu.memory_space<semaphore_mem>>) src(%dma_wait3A_123 : memref<10240x32xf32, #tpu.memory_space<hbm>>) dst(%dma_wait3A_117 : memref<125x32xf32, #tpu.memory_space<vmem>>)
    %dma_start3A_124 = arith.constant 0 : i32
    %dma_start3A_125 = arith.constant 72 : i32
    %dma_start3A_126 = arith.constant 0 : i32
    %dma_start3A_127 = arith.constant 0 : i32
    %dma_start3A_128 = tpu.memref_slice %arg7[%dma_start3A_124, %dma_start3A_126, %dma_start3A_127] : memref<8x125x32xf32, #tpu.memory_space<vmem>> -> memref<1x125x32xf32, #tpu.memory_space<vmem>>
    %dma_start3A_129 = tpu.memref_squeeze %dma_start3A_128 : memref<1x125x32xf32, #tpu.memory_space<vmem>> -> memref<125x32xf32, #tpu.memory_space<vmem>>
    %dma_start3A_130 = arith.constant 0 : i32
    %dma_start3A_131 = tpu.memref_slice %arg6[%dma_start3A_125, %dma_start3A_130] : memref<80x125xi32, #tpu.memory_space<vmem>> -> memref<1x125xi32, #tpu.memory_space<vmem>>
    %dma_start3A_132 = tpu.memref_squeeze %dma_start3A_131 : memref<1x125xi32, #tpu.memory_space<vmem>> -> memref<125xi32, #tpu.memory_space<vmem>>
    %dma_start3A_133 = arith.constant 0 : i32
    %dma_start3A_134 = arith.constant 0 : i32
    %dma_start3A_135 = tpu.memref_slice %arg9[%dma_start3A_133, %dma_start3A_134] : memref<10240x32xf32, #tpu.memory_space<vmem_shared>> -> memref<10240x32xf32, #tpu.memory_space<vmem_shared>>
    tpu.enqueue_indirect_dma source(%dma_start3A_129 : memref<125x32xf32, #tpu.memory_space<vmem>>) target(%dma_start3A_135 : memref<10240x32xf32, #tpu.memory_space<vmem_shared>>) offsets(%dma_start3A_132 : memref<125xi32, #tpu.memory_space<vmem>>) semaphore(%arg18 : memref<!tpu.dma_semaphore, #tpu.memory_space<semaphore_mem>>) {add = true}
    %dma_wait3A_136 = arith.constant 73 : i32
    %dma_wait3A_137 = arith.constant 1 : i32
    %dma_wait3A_138 = arith.constant 0 : i32
    %dma_wait3A_139 = arith.constant 0 : i32
    %dma_wait3A_140 = tpu.memref_slice %arg7[%dma_wait3A_137, %dma_wait3A_138, %dma_wait3A_139] : memref<8x125x32xf32, #tpu.memory_space<vmem>> -> memref<1x125x32xf32, #tpu.memory_space<vmem>>
    %dma_wait3A_141 = tpu.memref_squeeze %dma_wait3A_140 : memref<1x125x32xf32, #tpu.memory_space<vmem>> -> memref<125x32xf32, #tpu.memory_space<vmem>>
    %dma_wait3A_142 = arith.constant 0 : i32
    %dma_wait3A_143 = tpu.memref_slice %arg5[%dma_wait3A_136, %dma_wait3A_142] : memref<80x125xi32, #tpu.memory_space<vmem>> -> memref<1x125xi32, #tpu.memory_space<vmem>>
    %dma_wait3A_144 = tpu.memref_squeeze %dma_wait3A_143 : memref<1x125xi32, #tpu.memory_space<vmem>> -> memref<125xi32, #tpu.memory_space<vmem>>
    %dma_wait3A_145 = arith.constant 0 : i32
    %dma_wait3A_146 = arith.constant 0 : i32
    %dma_wait3A_147 = tpu.memref_slice %arg3[%dma_wait3A_145, %dma_wait3A_146] : memref<10240x32xf32, #tpu.memory_space<hbm>> -> memref<10240x32xf32, #tpu.memory_space<hbm>>
    tpu.wait_indirect_dma semaphore(%arg11 : memref<!tpu.dma_semaphore, #tpu.memory_space<semaphore_mem>>) src(%dma_wait3A_147 : memref<10240x32xf32, #tpu.memory_space<hbm>>) dst(%dma_wait3A_141 : memref<125x32xf32, #tpu.memory_space<vmem>>)
    %dma_start3A_148 = arith.constant 1 : i32
    %dma_start3A_149 = arith.constant 73 : i32
    %dma_start3A_150 = arith.constant 0 : i32
    %dma_start3A_151 = arith.constant 0 : i32
    %dma_start3A_152 = tpu.memref_slice %arg7[%dma_start3A_148, %dma_start3A_150, %dma_start3A_151] : memref<8x125x32xf32, #tpu.memory_space<vmem>> -> memref<1x125x32xf32, #tpu.memory_space<vmem>>
    %dma_start3A_153 = tpu.memref_squeeze %dma_start3A_152 : memref<1x125x32xf32, #tpu.memory_space<vmem>> -> memref<125x32xf32, #tpu.memory_space<vmem>>
    %dma_start3A_154 = arith.constant 0 : i32
    %dma_start3A_155 = tpu.memref_slice %arg6[%dma_start3A_149, %dma_start3A_154] : memref<80x125xi32, #tpu.memory_space<vmem>> -> memref<1x125xi32, #tpu.memory_space<vmem>>
    %dma_start3A_156 = tpu.memref_squeeze %dma_start3A_155 : memref<1x125xi32, #tpu.memory_space<vmem>> -> memref<125xi32, #tpu.memory_space<vmem>>
    %dma_start3A_157 = arith.constant 0 : i32
    %dma_start3A_158 = arith.constant 0 : i32
    %dma_start3A_159 = tpu.memref_slice %arg9[%dma_start3A_157, %dma_start3A_158] : memref<10240x32xf32, #tpu.memory_space<vmem_shared>> -> memref<10240x32xf32, #tpu.memory_space<vmem_shared>>
    tpu.enqueue_indirect_dma source(%dma_start3A_153 : memref<125x32xf32, #tpu.memory_space<vmem>>) target(%dma_start3A_159 : memref<10240x32xf32, #tpu.memory_space<vmem_shared>>) offsets(%dma_start3A_156 : memref<125xi32, #tpu.memory_space<vmem>>) semaphore(%arg19 : memref<!tpu.dma_semaphore, #tpu.memory_space<semaphore_mem>>) {add = true}
    %dma_wait3A_160 = arith.constant 74 : i32
    %dma_wait3A_161 = arith.constant 2 : i32
    %dma_wait3A_162 = arith.constant 0 : i32
    %dma_wait3A_163 = arith.constant 0 : i32
    %dma_wait3A_164 = tpu.memref_slice %arg7[%dma_wait3A_161, %dma_wait3A_162, %dma_wait3A_163] : memref<8x125x32xf32, #tpu.memory_space<vmem>> -> memref<1x125x32xf32, #tpu.memory_space<vmem>>
    %dma_wait3A_165 = tpu.memref_squeeze %dma_wait3A_164 : memref<1x125x32xf32, #tpu.memory_space<vmem>> -> memref<125x32xf32, #tpu.memory_space<vmem>>
    %dma_wait3A_166 = arith.constant 0 : i32
    %dma_wait3A_167 = tpu.memref_slice %arg5[%dma_wait3A_160, %dma_wait3A_166] : memref<80x125xi32, #tpu.memory_space<vmem>> -> memref<1x125xi32, #tpu.memory_space<vmem>>
    %dma_wait3A_168 = tpu.memref_squeeze %dma_wait3A_167 : memref<1x125xi32, #tpu.memory_space<vmem>> -> memref<125xi32, #tpu.memory_space<vmem>>
    %dma_wait3A_169 = arith.constant 0 : i32
    %dma_wait3A_170 = arith.constant 0 : i32
    %dma_wait3A_171 = tpu.memref_slice %arg3[%dma_wait3A_169, %dma_wait3A_170] : memref<10240x32xf32, #tpu.memory_space<hbm>> -> memref<10240x32xf32, #tpu.memory_space<hbm>>
    tpu.wait_indirect_dma semaphore(%arg12 : memref<!tpu.dma_semaphore, #tpu.memory_space<semaphore_mem>>) src(%dma_wait3A_171 : memref<10240x32xf32, #tpu.memory_space<hbm>>) dst(%dma_wait3A_165 : memref<125x32xf32, #tpu.memory_space<vmem>>)
    %dma_start3A_172 = arith.constant 2 : i32
    %dma_start3A_173 = arith.constant 74 : i32
    %dma_start3A_174 = arith.constant 0 : i32
    %dma_start3A_175 = arith.constant 0 : i32
    %dma_start3A_176 = tpu.memref_slice %arg7[%dma_start3A_172, %dma_start3A_174, %dma_start3A_175] : memref<8x125x32xf32, #tpu.memory_space<vmem>> -> memref<1x125x32xf32, #tpu.memory_space<vmem>>
    %dma_start3A_177 = tpu.memref_squeeze %dma_start3A_176 : memref<1x125x32xf32, #tpu.memory_space<vmem>> -> memref<125x32xf32, #tpu.memory_space<vmem>>
    %dma_start3A_178 = arith.constant 0 : i32
    %dma_start3A_179 = tpu.memref_slice %arg6[%dma_start3A_173, %dma_start3A_178] : memref<80x125xi32, #tpu.memory_space<vmem>> -> memref<1x125xi32, #tpu.memory_space<vmem>>
    %dma_start3A_180 = tpu.memref_squeeze %dma_start3A_179 : memref<1x125xi32, #tpu.memory_space<vmem>> -> memref<125xi32, #tpu.memory_space<vmem>>
    %dma_start3A_181 = arith.constant 0 : i32
    %dma_start3A_182 = arith.constant 0 : i32
    %dma_start3A_183 = tpu.memref_slice %arg9[%dma_start3A_181, %dma_start3A_182] : memref<10240x32xf32, #tpu.memory_space<vmem_shared>> -> memref<10240x32xf32, #tpu.memory_space<vmem_shared>>
    tpu.enqueue_indirect_dma source(%dma_start3A_177 : memref<125x32xf32, #tpu.memory_space<vmem>>) target(%dma_start3A_183 : memref<10240x32xf32, #tpu.memory_space<vmem_shared>>) offsets(%dma_start3A_180 : memref<125xi32, #tpu.memory_space<vmem>>) semaphore(%arg20 : memref<!tpu.dma_semaphore, #tpu.memory_space<semaphore_mem>>) {add = true}
    %dma_wait3A_184 = arith.constant 75 : i32
    %dma_wait3A_185 = arith.constant 3 : i32
    %dma_wait3A_186 = arith.constant 0 : i32
    %dma_wait3A_187 = arith.constant 0 : i32
    %dma_wait3A_188 = tpu.memref_slice %arg7[%dma_wait3A_185, %dma_wait3A_186, %dma_wait3A_187] : memref<8x125x32xf32, #tpu.memory_space<vmem>> -> memref<1x125x32xf32, #tpu.memory_space<vmem>>
    %dma_wait3A_189 = tpu.memref_squeeze %dma_wait3A_188 : memref<1x125x32xf32, #tpu.memory_space<vmem>> -> memref<125x32xf32, #tpu.memory_space<vmem>>
    %dma_wait3A_190 = arith.constant 0 : i32
    %dma_wait3A_191 = tpu.memref_slice %arg5[%dma_wait3A_184, %dma_wait3A_190] : memref<80x125xi32, #tpu.memory_space<vmem>> -> memref<1x125xi32, #tpu.memory_space<vmem>>
    %dma_wait3A_192 = tpu.memref_squeeze %dma_wait3A_191 : memref<1x125xi32, #tpu.memory_space<vmem>> -> memref<125xi32, #tpu.memory_space<vmem>>
    %dma_wait3A_193 = arith.constant 0 : i32
    %dma_wait3A_194 = arith.constant 0 : i32
    %dma_wait3A_195 = tpu.memref_slice %arg3[%dma_wait3A_193, %dma_wait3A_194] : memref<10240x32xf32, #tpu.memory_space<hbm>> -> memref<10240x32xf32, #tpu.memory_space<hbm>>
    tpu.wait_indirect_dma semaphore(%arg13 : memref<!tpu.dma_semaphore, #tpu.memory_space<semaphore_mem>>) src(%dma_wait3A_195 : memref<10240x32xf32, #tpu.memory_space<hbm>>) dst(%dma_wait3A_189 : memref<125x32xf32, #tpu.memory_space<vmem>>)
    %dma_start3A_196 = arith.constant 3 : i32
    %dma_start3A_197 = arith.constant 75 : i32
    %dma_start3A_198 = arith.constant 0 : i32
    %dma_start3A_199 = arith.constant 0 : i32
    %dma_start3A_200 = tpu.memref_slice %arg7[%dma_start3A_196, %dma_start3A_198, %dma_start3A_199] : memref<8x125x32xf32, #tpu.memory_space<vmem>> -> memref<1x125x32xf32, #tpu.memory_space<vmem>>
    %dma_start3A_201 = tpu.memref_squeeze %dma_start3A_200 : memref<1x125x32xf32, #tpu.memory_space<vmem>> -> memref<125x32xf32, #tpu.memory_space<vmem>>
    %dma_start3A_202 = arith.constant 0 : i32
    %dma_start3A_203 = tpu.memref_slice %arg6[%dma_start3A_197, %dma_start3A_202] : memref<80x125xi32, #tpu.memory_space<vmem>> -> memref<1x125xi32, #tpu.memory_space<vmem>>
    %dma_start3A_204 = tpu.memref_squeeze %dma_start3A_203 : memref<1x125xi32, #tpu.memory_space<vmem>> -> memref<125xi32, #tpu.memory_space<vmem>>
    %dma_start3A_205 = arith.constant 0 : i32
    %dma_start3A_206 = arith.constant 0 : i32
    %dma_start3A_207 = tpu.memref_slice %arg9[%dma_start3A_205, %dma_start3A_206] : memref<10240x32xf32, #tpu.memory_space<vmem_shared>> -> memref<10240x32xf32, #tpu.memory_space<vmem_shared>>
    tpu.enqueue_indirect_dma source(%dma_start3A_201 : memref<125x32xf32, #tpu.memory_space<vmem>>) target(%dma_start3A_207 : memref<10240x32xf32, #tpu.memory_space<vmem_shared>>) offsets(%dma_start3A_204 : memref<125xi32, #tpu.memory_space<vmem>>) semaphore(%arg21 : memref<!tpu.dma_semaphore, #tpu.memory_space<semaphore_mem>>) {add = true}
    %dma_wait3A_208 = arith.constant 76 : i32
    %dma_wait3A_209 = arith.constant 4 : i32
    %dma_wait3A_210 = arith.constant 0 : i32
    %dma_wait3A_211 = arith.constant 0 : i32
    %dma_wait3A_212 = tpu.memref_slice %arg7[%dma_wait3A_209, %dma_wait3A_210, %dma_wait3A_211] : memref<8x125x32xf32, #tpu.memory_space<vmem>> -> memref<1x125x32xf32, #tpu.memory_space<vmem>>
    %dma_wait3A_213 = tpu.memref_squeeze %dma_wait3A_212 : memref<1x125x32xf32, #tpu.memory_space<vmem>> -> memref<125x32xf32, #tpu.memory_space<vmem>>
    %dma_wait3A_214 = arith.constant 0 : i32
    %dma_wait3A_215 = tpu.memref_slice %arg5[%dma_wait3A_208, %dma_wait3A_214] : memref<80x125xi32, #tpu.memory_space<vmem>> -> memref<1x125xi32, #tpu.memory_space<vmem>>
    %dma_wait3A_216 = tpu.memref_squeeze %dma_wait3A_215 : memref<1x125xi32, #tpu.memory_space<vmem>> -> memref<125xi32, #tpu.memory_space<vmem>>
    %dma_wait3A_217 = arith.constant 0 : i32
    %dma_wait3A_218 = arith.constant 0 : i32
    %dma_wait3A_219 = tpu.memref_slice %arg3[%dma_wait3A_217, %dma_wait3A_218] : memref<10240x32xf32, #tpu.memory_space<hbm>> -> memref<10240x32xf32, #tpu.memory_space<hbm>>
    tpu.wait_indirect_dma semaphore(%arg14 : memref<!tpu.dma_semaphore, #tpu.memory_space<semaphore_mem>>) src(%dma_wait3A_219 : memref<10240x32xf32, #tpu.memory_space<hbm>>) dst(%dma_wait3A_213 : memref<125x32xf32, #tpu.memory_space<vmem>>)
    %dma_start3A_220 = arith.constant 4 : i32
    %dma_start3A_221 = arith.constant 76 : i32
    %dma_start3A_222 = arith.constant 0 : i32
    %dma_start3A_223 = arith.constant 0 : i32
    %dma_start3A_224 = tpu.memref_slice %arg7[%dma_start3A_220, %dma_start3A_222, %dma_start3A_223] : memref<8x125x32xf32, #tpu.memory_space<vmem>> -> memref<1x125x32xf32, #tpu.memory_space<vmem>>
    %dma_start3A_225 = tpu.memref_squeeze %dma_start3A_224 : memref<1x125x32xf32, #tpu.memory_space<vmem>> -> memref<125x32xf32, #tpu.memory_space<vmem>>
    %dma_start3A_226 = arith.constant 0 : i32
    %dma_start3A_227 = tpu.memref_slice %arg6[%dma_start3A_221, %dma_start3A_226] : memref<80x125xi32, #tpu.memory_space<vmem>> -> memref<1x125xi32, #tpu.memory_space<vmem>>
    %dma_start3A_228 = tpu.memref_squeeze %dma_start3A_227 : memref<1x125xi32, #tpu.memory_space<vmem>> -> memref<125xi32, #tpu.memory_space<vmem>>
    %dma_start3A_229 = arith.constant 0 : i32
    %dma_start3A_230 = arith.constant 0 : i32
    %dma_start3A_231 = tpu.memref_slice %arg9[%dma_start3A_229, %dma_start3A_230] : memref<10240x32xf32, #tpu.memory_space<vmem_shared>> -> memref<10240x32xf32, #tpu.memory_space<vmem_shared>>
    tpu.enqueue_indirect_dma source(%dma_start3A_225 : memref<125x32xf32, #tpu.memory_space<vmem>>) target(%dma_start3A_231 : memref<10240x32xf32, #tpu.memory_space<vmem_shared>>) offsets(%dma_start3A_228 : memref<125xi32, #tpu.memory_space<vmem>>) semaphore(%arg22 : memref<!tpu.dma_semaphore, #tpu.memory_space<semaphore_mem>>) {add = true}
    %dma_wait3A_232 = arith.constant 77 : i32
    %dma_wait3A_233 = arith.constant 5 : i32
    %dma_wait3A_234 = arith.constant 0 : i32
    %dma_wait3A_235 = arith.constant 0 : i32
    %dma_wait3A_236 = tpu.memref_slice %arg7[%dma_wait3A_233, %dma_wait3A_234, %dma_wait3A_235] : memref<8x125x32xf32, #tpu.memory_space<vmem>> -> memref<1x125x32xf32, #tpu.memory_space<vmem>>
    %dma_wait3A_237 = tpu.memref_squeeze %dma_wait3A_236 : memref<1x125x32xf32, #tpu.memory_space<vmem>> -> memref<125x32xf32, #tpu.memory_space<vmem>>
    %dma_wait3A_238 = arith.constant 0 : i32
    %dma_wait3A_239 = tpu.memref_slice %arg5[%dma_wait3A_232, %dma_wait3A_238] : memref<80x125xi32, #tpu.memory_space<vmem>> -> memref<1x125xi32, #tpu.memory_space<vmem>>
    %dma_wait3A_240 = tpu.memref_squeeze %dma_wait3A_239 : memref<1x125xi32, #tpu.memory_space<vmem>> -> memref<125xi32, #tpu.memory_space<vmem>>
    %dma_wait3A_241 = arith.constant 0 : i32
    %dma_wait3A_242 = arith.constant 0 : i32
    %dma_wait3A_243 = tpu.memref_slice %arg3[%dma_wait3A_241, %dma_wait3A_242] : memref<10240x32xf32, #tpu.memory_space<hbm>> -> memref<10240x32xf32, #tpu.memory_space<hbm>>
    tpu.wait_indirect_dma semaphore(%arg15 : memref<!tpu.dma_semaphore, #tpu.memory_space<semaphore_mem>>) src(%dma_wait3A_243 : memref<10240x32xf32, #tpu.memory_space<hbm>>) dst(%dma_wait3A_237 : memref<125x32xf32, #tpu.memory_space<vmem>>)
    %dma_start3A_244 = arith.constant 5 : i32
    %dma_start3A_245 = arith.constant 77 : i32
    %dma_start3A_246 = arith.constant 0 : i32
    %dma_start3A_247 = arith.constant 0 : i32
    %dma_start3A_248 = tpu.memref_slice %arg7[%dma_start3A_244, %dma_start3A_246, %dma_start3A_247] : memref<8x125x32xf32, #tpu.memory_space<vmem>> -> memref<1x125x32xf32, #tpu.memory_space<vmem>>
    %dma_start3A_249 = tpu.memref_squeeze %dma_start3A_248 : memref<1x125x32xf32, #tpu.memory_space<vmem>> -> memref<125x32xf32, #tpu.memory_space<vmem>>
    %dma_start3A_250 = arith.constant 0 : i32
    %dma_start3A_251 = tpu.memref_slice %arg6[%dma_start3A_245, %dma_start3A_250] : memref<80x125xi32, #tpu.memory_space<vmem>> -> memref<1x125xi32, #tpu.memory_space<vmem>>
    %dma_start3A_252 = tpu.memref_squeeze %dma_start3A_251 : memref<1x125xi32, #tpu.memory_space<vmem>> -> memref<125xi32, #tpu.memory_space<vmem>>
    %dma_start3A_253 = arith.constant 0 : i32
    %dma_start3A_254 = arith.constant 0 : i32
    %dma_start3A_255 = tpu.memref_slice %arg9[%dma_start3A_253, %dma_start3A_254] : memref<10240x32xf32, #tpu.memory_space<vmem_shared>> -> memref<10240x32xf32, #tpu.memory_space<vmem_shared>>
    tpu.enqueue_indirect_dma source(%dma_start3A_249 : memref<125x32xf32, #tpu.memory_space<vmem>>) target(%dma_start3A_255 : memref<10240x32xf32, #tpu.memory_space<vmem_shared>>) offsets(%dma_start3A_252 : memref<125xi32, #tpu.memory_space<vmem>>) semaphore(%arg23 : memref<!tpu.dma_semaphore, #tpu.memory_space<semaphore_mem>>) {add = true}
    %dma_wait3A_256 = arith.constant 78 : i32
    %dma_wait3A_257 = arith.constant 6 : i32
    %dma_wait3A_258 = arith.constant 0 : i32
    %dma_wait3A_259 = arith.constant 0 : i32
    %dma_wait3A_260 = tpu.memref_slice %arg7[%dma_wait3A_257, %dma_wait3A_258, %dma_wait3A_259] : memref<8x125x32xf32, #tpu.memory_space<vmem>> -> memref<1x125x32xf32, #tpu.memory_space<vmem>>
    %dma_wait3A_261 = tpu.memref_squeeze %dma_wait3A_260 : memref<1x125x32xf32, #tpu.memory_space<vmem>> -> memref<125x32xf32, #tpu.memory_space<vmem>>
    %dma_wait3A_262 = arith.constant 0 : i32
    %dma_wait3A_263 = tpu.memref_slice %arg5[%dma_wait3A_256, %dma_wait3A_262] : memref<80x125xi32, #tpu.memory_space<vmem>> -> memref<1x125xi32, #tpu.memory_space<vmem>>
    %dma_wait3A_264 = tpu.memref_squeeze %dma_wait3A_263 : memref<1x125xi32, #tpu.memory_space<vmem>> -> memref<125xi32, #tpu.memory_space<vmem>>
    %dma_wait3A_265 = arith.constant 0 : i32
    %dma_wait3A_266 = arith.constant 0 : i32
    %dma_wait3A_267 = tpu.memref_slice %arg3[%dma_wait3A_265, %dma_wait3A_266] : memref<10240x32xf32, #tpu.memory_space<hbm>> -> memref<10240x32xf32, #tpu.memory_space<hbm>>
    tpu.wait_indirect_dma semaphore(%arg16 : memref<!tpu.dma_semaphore, #tpu.memory_space<semaphore_mem>>) src(%dma_wait3A_267 : memref<10240x32xf32, #tpu.memory_space<hbm>>) dst(%dma_wait3A_261 : memref<125x32xf32, #tpu.memory_space<vmem>>)
    %dma_start3A_268 = arith.constant 6 : i32
    %dma_start3A_269 = arith.constant 78 : i32
    %dma_start3A_270 = arith.constant 0 : i32
    %dma_start3A_271 = arith.constant 0 : i32
    %dma_start3A_272 = tpu.memref_slice %arg7[%dma_start3A_268, %dma_start3A_270, %dma_start3A_271] : memref<8x125x32xf32, #tpu.memory_space<vmem>> -> memref<1x125x32xf32, #tpu.memory_space<vmem>>
    %dma_start3A_273 = tpu.memref_squeeze %dma_start3A_272 : memref<1x125x32xf32, #tpu.memory_space<vmem>> -> memref<125x32xf32, #tpu.memory_space<vmem>>
    %dma_start3A_274 = arith.constant 0 : i32
    %dma_start3A_275 = tpu.memref_slice %arg6[%dma_start3A_269, %dma_start3A_274] : memref<80x125xi32, #tpu.memory_space<vmem>> -> memref<1x125xi32, #tpu.memory_space<vmem>>
    %dma_start3A_276 = tpu.memref_squeeze %dma_start3A_275 : memref<1x125xi32, #tpu.memory_space<vmem>> -> memref<125xi32, #tpu.memory_space<vmem>>
    %dma_start3A_277 = arith.constant 0 : i32
    %dma_start3A_278 = arith.constant 0 : i32
    %dma_start3A_279 = tpu.memref_slice %arg9[%dma_start3A_277, %dma_start3A_278] : memref<10240x32xf32, #tpu.memory_space<vmem_shared>> -> memref<10240x32xf32, #tpu.memory_space<vmem_shared>>
    tpu.enqueue_indirect_dma source(%dma_start3A_273 : memref<125x32xf32, #tpu.memory_space<vmem>>) target(%dma_start3A_279 : memref<10240x32xf32, #tpu.memory_space<vmem_shared>>) offsets(%dma_start3A_276 : memref<125xi32, #tpu.memory_space<vmem>>) semaphore(%arg24 : memref<!tpu.dma_semaphore, #tpu.memory_space<semaphore_mem>>) {add = true}
    %dma_wait3A_280 = arith.constant 79 : i32
    %dma_wait3A_281 = arith.constant 7 : i32
    %dma_wait3A_282 = arith.constant 0 : i32
    %dma_wait3A_283 = arith.constant 0 : i32
    %dma_wait3A_284 = tpu.memref_slice %arg7[%dma_wait3A_281, %dma_wait3A_282, %dma_wait3A_283] : memref<8x125x32xf32, #tpu.memory_space<vmem>> -> memref<1x125x32xf32, #tpu.memory_space<vmem>>
    %dma_wait3A_285 = tpu.memref_squeeze %dma_wait3A_284 : memref<1x125x32xf32, #tpu.memory_space<vmem>> -> memref<125x32xf32, #tpu.memory_space<vmem>>
    %dma_wait3A_286 = arith.constant 0 : i32
    %dma_wait3A_287 = tpu.memref_slice %arg5[%dma_wait3A_280, %dma_wait3A_286] : memref<80x125xi32, #tpu.memory_space<vmem>> -> memref<1x125xi32, #tpu.memory_space<vmem>>
    %dma_wait3A_288 = tpu.memref_squeeze %dma_wait3A_287 : memref<1x125xi32, #tpu.memory_space<vmem>> -> memref<125xi32, #tpu.memory_space<vmem>>
    %dma_wait3A_289 = arith.constant 0 : i32
    %dma_wait3A_290 = arith.constant 0 : i32
    %dma_wait3A_291 = tpu.memref_slice %arg3[%dma_wait3A_289, %dma_wait3A_290] : memref<10240x32xf32, #tpu.memory_space<hbm>> -> memref<10240x32xf32, #tpu.memory_space<hbm>>
    tpu.wait_indirect_dma semaphore(%arg17 : memref<!tpu.dma_semaphore, #tpu.memory_space<semaphore_mem>>) src(%dma_wait3A_291 : memref<10240x32xf32, #tpu.memory_space<hbm>>) dst(%dma_wait3A_285 : memref<125x32xf32, #tpu.memory_space<vmem>>)
    %dma_start3A_292 = arith.constant 7 : i32
    %dma_start3A_293 = arith.constant 79 : i32
    %dma_start3A_294 = arith.constant 0 : i32
    %dma_start3A_295 = arith.constant 0 : i32
    %dma_start3A_296 = tpu.memref_slice %arg7[%dma_start3A_292, %dma_start3A_294, %dma_start3A_295] : memref<8x125x32xf32, #tpu.memory_space<vmem>> -> memref<1x125x32xf32, #tpu.memory_space<vmem>>
    %dma_start3A_297 = tpu.memref_squeeze %dma_start3A_296 : memref<1x125x32xf32, #tpu.memory_space<vmem>> -> memref<125x32xf32, #tpu.memory_space<vmem>>
    %dma_start3A_298 = arith.constant 0 : i32
    %dma_start3A_299 = tpu.memref_slice %arg6[%dma_start3A_293, %dma_start3A_298] : memref<80x125xi32, #tpu.memory_space<vmem>> -> memref<1x125xi32, #tpu.memory_space<vmem>>
    %dma_start3A_300 = tpu.memref_squeeze %dma_start3A_299 : memref<1x125xi32, #tpu.memory_space<vmem>> -> memref<125xi32, #tpu.memory_space<vmem>>
    %dma_start3A_301 = arith.constant 0 : i32
    %dma_start3A_302 = arith.constant 0 : i32
    %dma_start3A_303 = tpu.memref_slice %arg9[%dma_start3A_301, %dma_start3A_302] : memref<10240x32xf32, #tpu.memory_space<vmem_shared>> -> memref<10240x32xf32, #tpu.memory_space<vmem_shared>>
    tpu.enqueue_indirect_dma source(%dma_start3A_297 : memref<125x32xf32, #tpu.memory_space<vmem>>) target(%dma_start3A_303 : memref<10240x32xf32, #tpu.memory_space<vmem_shared>>) offsets(%dma_start3A_300 : memref<125xi32, #tpu.memory_space<vmem>>) semaphore(%arg25 : memref<!tpu.dma_semaphore, #tpu.memory_space<semaphore_mem>>) {add = true}
    %dma_wait3A_304 = arith.constant 0 : i32
    %dma_wait3A_305 = arith.constant 72 : i32
    %dma_wait3A_306 = arith.constant 0 : i32
    %dma_wait3A_307 = arith.constant 0 : i32
    %dma_wait3A_308 = tpu.memref_slice %arg7[%dma_wait3A_304, %dma_wait3A_306, %dma_wait3A_307] : memref<8x125x32xf32, #tpu.memory_space<vmem>> -> memref<1x125x32xf32, #tpu.memory_space<vmem>>
    %dma_wait3A_309 = tpu.memref_squeeze %dma_wait3A_308 : memref<1x125x32xf32, #tpu.memory_space<vmem>> -> memref<125x32xf32, #tpu.memory_space<vmem>>
    %dma_wait3A_310 = arith.constant 0 : i32
    %dma_wait3A_311 = tpu.memref_slice %arg6[%dma_wait3A_305, %dma_wait3A_310] : memref<80x125xi32, #tpu.memory_space<vmem>> -> memref<1x125xi32, #tpu.memory_space<vmem>>
    %dma_wait3A_312 = tpu.memref_squeeze %dma_wait3A_311 : memref<1x125xi32, #tpu.memory_space<vmem>> -> memref<125xi32, #tpu.memory_space<vmem>>
    %dma_wait3A_313 = arith.constant 0 : i32
    %dma_wait3A_314 = arith.constant 0 : i32
    %dma_wait3A_315 = tpu.memref_slice %arg9[%dma_wait3A_313, %dma_wait3A_314] : memref<10240x32xf32, #tpu.memory_space<vmem_shared>> -> memref<10240x32xf32, #tpu.memory_space<vmem_shared>>
    tpu.wait_indirect_dma semaphore(%arg18 : memref<!tpu.dma_semaphore, #tpu.memory_space<semaphore_mem>>) src(%dma_wait3A_309 : memref<125x32xf32, #tpu.memory_space<vmem>>) dst(%dma_wait3A_315 : memref<10240x32xf32, #tpu.memory_space<vmem_shared>>)
    %dma_wait3A_316 = arith.constant 1 : i32
    %dma_wait3A_317 = arith.constant 73 : i32
    %dma_wait3A_318 = arith.constant 0 : i32
    %dma_wait3A_319 = arith.constant 0 : i32
    %dma_wait3A_320 = tpu.memref_slice %arg7[%dma_wait3A_316, %dma_wait3A_318, %dma_wait3A_319] : memref<8x125x32xf32, #tpu.memory_space<vmem>> -> memref<1x125x32xf32, #tpu.memory_space<vmem>>
    %dma_wait3A_321 = tpu.memref_squeeze %dma_wait3A_320 : memref<1x125x32xf32, #tpu.memory_space<vmem>> -> memref<125x32xf32, #tpu.memory_space<vmem>>
    %dma_wait3A_322 = arith.constant 0 : i32
    %dma_wait3A_323 = tpu.memref_slice %arg6[%dma_wait3A_317, %dma_wait3A_322] : memref<80x125xi32, #tpu.memory_space<vmem>> -> memref<1x125xi32, #tpu.memory_space<vmem>>
    %dma_wait3A_324 = tpu.memref_squeeze %dma_wait3A_323 : memref<1x125xi32, #tpu.memory_space<vmem>> -> memref<125xi32, #tpu.memory_space<vmem>>
    %dma_wait3A_325 = arith.constant 0 : i32
    %dma_wait3A_326 = arith.constant 0 : i32
    %dma_wait3A_327 = tpu.memref_slice %arg9[%dma_wait3A_325, %dma_wait3A_326] : memref<10240x32xf32, #tpu.memory_space<vmem_shared>> -> memref<10240x32xf32, #tpu.memory_space<vmem_shared>>
    tpu.wait_indirect_dma semaphore(%arg19 : memref<!tpu.dma_semaphore, #tpu.memory_space<semaphore_mem>>) src(%dma_wait3A_321 : memref<125x32xf32, #tpu.memory_space<vmem>>) dst(%dma_wait3A_327 : memref<10240x32xf32, #tpu.memory_space<vmem_shared>>)
    %dma_wait3A_328 = arith.constant 2 : i32
    %dma_wait3A_329 = arith.constant 74 : i32
    %dma_wait3A_330 = arith.constant 0 : i32
    %dma_wait3A_331 = arith.constant 0 : i32
    %dma_wait3A_332 = tpu.memref_slice %arg7[%dma_wait3A_328, %dma_wait3A_330, %dma_wait3A_331] : memref<8x125x32xf32, #tpu.memory_space<vmem>> -> memref<1x125x32xf32, #tpu.memory_space<vmem>>
    %dma_wait3A_333 = tpu.memref_squeeze %dma_wait3A_332 : memref<1x125x32xf32, #tpu.memory_space<vmem>> -> memref<125x32xf32, #tpu.memory_space<vmem>>
    %dma_wait3A_334 = arith.constant 0 : i32
    %dma_wait3A_335 = tpu.memref_slice %arg6[%dma_wait3A_329, %dma_wait3A_334] : memref<80x125xi32, #tpu.memory_space<vmem>> -> memref<1x125xi32, #tpu.memory_space<vmem>>
    %dma_wait3A_336 = tpu.memref_squeeze %dma_wait3A_335 : memref<1x125xi32, #tpu.memory_space<vmem>> -> memref<125xi32, #tpu.memory_space<vmem>>
    %dma_wait3A_337 = arith.constant 0 : i32
    %dma_wait3A_338 = arith.constant 0 : i32
    %dma_wait3A_339 = tpu.memref_slice %arg9[%dma_wait3A_337, %dma_wait3A_338] : memref<10240x32xf32, #tpu.memory_space<vmem_shared>> -> memref<10240x32xf32, #tpu.memory_space<vmem_shared>>
    tpu.wait_indirect_dma semaphore(%arg20 : memref<!tpu.dma_semaphore, #tpu.memory_space<semaphore_mem>>) src(%dma_wait3A_333 : memref<125x32xf32, #tpu.memory_space<vmem>>) dst(%dma_wait3A_339 : memref<10240x32xf32, #tpu.memory_space<vmem_shared>>)
    %dma_wait3A_340 = arith.constant 3 : i32
    %dma_wait3A_341 = arith.constant 75 : i32
    %dma_wait3A_342 = arith.constant 0 : i32
    %dma_wait3A_343 = arith.constant 0 : i32
    %dma_wait3A_344 = tpu.memref_slice %arg7[%dma_wait3A_340, %dma_wait3A_342, %dma_wait3A_343] : memref<8x125x32xf32, #tpu.memory_space<vmem>> -> memref<1x125x32xf32, #tpu.memory_space<vmem>>
    %dma_wait3A_345 = tpu.memref_squeeze %dma_wait3A_344 : memref<1x125x32xf32, #tpu.memory_space<vmem>> -> memref<125x32xf32, #tpu.memory_space<vmem>>
    %dma_wait3A_346 = arith.constant 0 : i32
    %dma_wait3A_347 = tpu.memref_slice %arg6[%dma_wait3A_341, %dma_wait3A_346] : memref<80x125xi32, #tpu.memory_space<vmem>> -> memref<1x125xi32, #tpu.memory_space<vmem>>
    %dma_wait3A_348 = tpu.memref_squeeze %dma_wait3A_347 : memref<1x125xi32, #tpu.memory_space<vmem>> -> memref<125xi32, #tpu.memory_space<vmem>>
    %dma_wait3A_349 = arith.constant 0 : i32
    %dma_wait3A_350 = arith.constant 0 : i32
    %dma_wait3A_351 = tpu.memref_slice %arg9[%dma_wait3A_349, %dma_wait3A_350] : memref<10240x32xf32, #tpu.memory_space<vmem_shared>> -> memref<10240x32xf32, #tpu.memory_space<vmem_shared>>
    tpu.wait_indirect_dma semaphore(%arg21 : memref<!tpu.dma_semaphore, #tpu.memory_space<semaphore_mem>>) src(%dma_wait3A_345 : memref<125x32xf32, #tpu.memory_space<vmem>>) dst(%dma_wait3A_351 : memref<10240x32xf32, #tpu.memory_space<vmem_shared>>)
    %dma_wait3A_352 = arith.constant 4 : i32
    %dma_wait3A_353 = arith.constant 76 : i32
    %dma_wait3A_354 = arith.constant 0 : i32
    %dma_wait3A_355 = arith.constant 0 : i32
    %dma_wait3A_356 = tpu.memref_slice %arg7[%dma_wait3A_352, %dma_wait3A_354, %dma_wait3A_355] : memref<8x125x32xf32, #tpu.memory_space<vmem>> -> memref<1x125x32xf32, #tpu.memory_space<vmem>>
    %dma_wait3A_357 = tpu.memref_squeeze %dma_wait3A_356 : memref<1x125x32xf32, #tpu.memory_space<vmem>> -> memref<125x32xf32, #tpu.memory_space<vmem>>
    %dma_wait3A_358 = arith.constant 0 : i32
    %dma_wait3A_359 = tpu.memref_slice %arg6[%dma_wait3A_353, %dma_wait3A_358] : memref<80x125xi32, #tpu.memory_space<vmem>> -> memref<1x125xi32, #tpu.memory_space<vmem>>
    %dma_wait3A_360 = tpu.memref_squeeze %dma_wait3A_359 : memref<1x125xi32, #tpu.memory_space<vmem>> -> memref<125xi32, #tpu.memory_space<vmem>>
    %dma_wait3A_361 = arith.constant 0 : i32
    %dma_wait3A_362 = arith.constant 0 : i32
    %dma_wait3A_363 = tpu.memref_slice %arg9[%dma_wait3A_361, %dma_wait3A_362] : memref<10240x32xf32, #tpu.memory_space<vmem_shared>> -> memref<10240x32xf32, #tpu.memory_space<vmem_shared>>
    tpu.wait_indirect_dma semaphore(%arg22 : memref<!tpu.dma_semaphore, #tpu.memory_space<semaphore_mem>>) src(%dma_wait3A_357 : memref<125x32xf32, #tpu.memory_space<vmem>>) dst(%dma_wait3A_363 : memref<10240x32xf32, #tpu.memory_space<vmem_shared>>)
    %dma_wait3A_364 = arith.constant 5 : i32
    %dma_wait3A_365 = arith.constant 77 : i32
    %dma_wait3A_366 = arith.constant 0 : i32
    %dma_wait3A_367 = arith.constant 0 : i32
    %dma_wait3A_368 = tpu.memref_slice %arg7[%dma_wait3A_364, %dma_wait3A_366, %dma_wait3A_367] : memref<8x125x32xf32, #tpu.memory_space<vmem>> -> memref<1x125x32xf32, #tpu.memory_space<vmem>>
    %dma_wait3A_369 = tpu.memref_squeeze %dma_wait3A_368 : memref<1x125x32xf32, #tpu.memory_space<vmem>> -> memref<125x32xf32, #tpu.memory_space<vmem>>
    %dma_wait3A_370 = arith.constant 0 : i32
    %dma_wait3A_371 = tpu.memref_slice %arg6[%dma_wait3A_365, %dma_wait3A_370] : memref<80x125xi32, #tpu.memory_space<vmem>> -> memref<1x125xi32, #tpu.memory_space<vmem>>
    %dma_wait3A_372 = tpu.memref_squeeze %dma_wait3A_371 : memref<1x125xi32, #tpu.memory_space<vmem>> -> memref<125xi32, #tpu.memory_space<vmem>>
    %dma_wait3A_373 = arith.constant 0 : i32
    %dma_wait3A_374 = arith.constant 0 : i32
    %dma_wait3A_375 = tpu.memref_slice %arg9[%dma_wait3A_373, %dma_wait3A_374] : memref<10240x32xf32, #tpu.memory_space<vmem_shared>> -> memref<10240x32xf32, #tpu.memory_space<vmem_shared>>
    tpu.wait_indirect_dma semaphore(%arg23 : memref<!tpu.dma_semaphore, #tpu.memory_space<semaphore_mem>>) src(%dma_wait3A_369 : memref<125x32xf32, #tpu.memory_space<vmem>>) dst(%dma_wait3A_375 : memref<10240x32xf32, #tpu.memory_space<vmem_shared>>)
    %dma_wait3A_376 = arith.constant 6 : i32
    %dma_wait3A_377 = arith.constant 78 : i32
    %dma_wait3A_378 = arith.constant 0 : i32
    %dma_wait3A_379 = arith.constant 0 : i32
    %dma_wait3A_380 = tpu.memref_slice %arg7[%dma_wait3A_376, %dma_wait3A_378, %dma_wait3A_379] : memref<8x125x32xf32, #tpu.memory_space<vmem>> -> memref<1x125x32xf32, #tpu.memory_space<vmem>>
    %dma_wait3A_381 = tpu.memref_squeeze %dma_wait3A_380 : memref<1x125x32xf32, #tpu.memory_space<vmem>> -> memref<125x32xf32, #tpu.memory_space<vmem>>
    %dma_wait3A_382 = arith.constant 0 : i32
    %dma_wait3A_383 = tpu.memref_slice %arg6[%dma_wait3A_377, %dma_wait3A_382] : memref<80x125xi32, #tpu.memory_space<vmem>> -> memref<1x125xi32, #tpu.memory_space<vmem>>
    %dma_wait3A_384 = tpu.memref_squeeze %dma_wait3A_383 : memref<1x125xi32, #tpu.memory_space<vmem>> -> memref<125xi32, #tpu.memory_space<vmem>>
    %dma_wait3A_385 = arith.constant 0 : i32
    %dma_wait3A_386 = arith.constant 0 : i32
    %dma_wait3A_387 = tpu.memref_slice %arg9[%dma_wait3A_385, %dma_wait3A_386] : memref<10240x32xf32, #tpu.memory_space<vmem_shared>> -> memref<10240x32xf32, #tpu.memory_space<vmem_shared>>
    tpu.wait_indirect_dma semaphore(%arg24 : memref<!tpu.dma_semaphore, #tpu.memory_space<semaphore_mem>>) src(%dma_wait3A_381 : memref<125x32xf32, #tpu.memory_space<vmem>>) dst(%dma_wait3A_387 : memref<10240x32xf32, #tpu.memory_space<vmem_shared>>)
    %dma_wait3A_388 = arith.constant 7 : i32
    %dma_wait3A_389 = arith.constant 79 : i32
    %dma_wait3A_390 = arith.constant 0 : i32
    %dma_wait3A_391 = arith.constant 0 : i32
    %dma_wait3A_392 = tpu.memref_slice %arg7[%dma_wait3A_388, %dma_wait3A_390, %dma_wait3A_391] : memref<8x125x32xf32, #tpu.memory_space<vmem>> -> memref<1x125x32xf32, #tpu.memory_space<vmem>>
    %dma_wait3A_393 = tpu.memref_squeeze %dma_wait3A_392 : memref<1x125x32xf32, #tpu.memory_space<vmem>> -> memref<125x32xf32, #tpu.memory_space<vmem>>
    %dma_wait3A_394 = arith.constant 0 : i32
    %dma_wait3A_395 = tpu.memref_slice %arg6[%dma_wait3A_389, %dma_wait3A_394] : memref<80x125xi32, #tpu.memory_space<vmem>> -> memref<1x125xi32, #tpu.memory_space<vmem>>
    %dma_wait3A_396 = tpu.memref_squeeze %dma_wait3A_395 : memref<1x125xi32, #tpu.memory_space<vmem>> -> memref<125xi32, #tpu.memory_space<vmem>>
    %dma_wait3A_397 = arith.constant 0 : i32
    %dma_wait3A_398 = arith.constant 0 : i32
    %dma_wait3A_399 = tpu.memref_slice %arg9[%dma_wait3A_397, %dma_wait3A_398] : memref<10240x32xf32, #tpu.memory_space<vmem_shared>> -> memref<10240x32xf32, #tpu.memory_space<vmem_shared>>
    tpu.wait_indirect_dma semaphore(%arg25 : memref<!tpu.dma_semaphore, #tpu.memory_space<semaphore_mem>>) src(%dma_wait3A_393 : memref<125x32xf32, #tpu.memory_space<vmem>>) dst(%dma_wait3A_399 : memref<10240x32xf32, #tpu.memory_space<vmem_shared>>)
    %barrier3A_400 = arith.constant 0 : index
    tpu.barrier barrier_id(%barrier3A_400)
    %mul3A_401 = arith.constant 640 : i32
    %mul3A_402 = arith.muli %arg1, %mul3A_401 : i32
    "tpu.region"() ({
      %run_scoped3A_408 = tpu.sem_alloc : memref<!tpu.dma_semaphore, #tpu.memory_space<semaphore_mem>>
      %dma_start3A_409 = arith.constant 0 : i32
      %dma_start3A_410 = tpu.memref_slice %arg9[%mul3A_402, %dma_start3A_409] : memref<10240x32xf32, #tpu.memory_space<vmem_shared>> -> memref<640x32xf32, #tpu.memory_space<vmem_shared>>
      %dma_start3A_411 = arith.constant 0 : i32
      %dma_start3A_412 = tpu.memref_slice %arg9[%mul3A_402, %dma_start3A_411] : memref<10240x32xf32, #tpu.memory_space<vmem_shared>> -> memref<640x32xf32, #tpu.memory_space<vmem_shared>>
      tpu.enqueue_dma source(%dma_start3A_412 : memref<640x32xf32, #tpu.memory_space<vmem_shared>>) target(%arg8 : memref<640x32xf32, #tpu.memory_space<vmem>>) target_semaphore(%run_scoped3A_408 : memref<!tpu.dma_semaphore, #tpu.memory_space<semaphore_mem>>)
      %dma_wait3A_413 = arith.constant 0 : i32
      %dma_wait3A_414 = tpu.memref_slice %arg9[%mul3A_402, %dma_wait3A_413] : memref<10240x32xf32, #tpu.memory_space<vmem_shared>> -> memref<640x32xf32, #tpu.memory_space<vmem_shared>>
      %dma_wait3A_415 = arith.constant 0 : i32
      %dma_wait3A_416 = tpu.memref_slice %arg9[%mul3A_402, %dma_wait3A_415] : memref<10240x32xf32, #tpu.memory_space<vmem_shared>> -> memref<640x32xf32, #tpu.memory_space<vmem_shared>>
      tpu.wait_dma2 semaphore(%run_scoped3A_408 : memref<!tpu.dma_semaphore, #tpu.memory_space<semaphore_mem>>) src(%dma_wait3A_416 : memref<640x32xf32, #tpu.memory_space<vmem_shared>>) dst(%arg8 : memref<640x32xf32, #tpu.memory_space<vmem>>)
      tpu.yield
    }) : () -> ()
    %mul3A_403 = arith.constant 10240 : i32
    %mul3A_404 = arith.muli %arg0, %mul3A_403 : i32
    %mul3A_405 = arith.constant 640 : i32
    %mul3A_406 = arith.muli %arg1, %mul3A_405 : i32
    %add3A_407 = arith.addi %mul3A_404, %mul3A_406 : i32
    "tpu.region"() ({
      %run_scoped3A_408 = tpu.sem_alloc : memref<!tpu.dma_semaphore, #tpu.memory_space<semaphore_mem>>
      %dma_start3A_409 = arith.constant 0 : i32
      %dma_start3A_410 = tpu.memref_slice %arg4[%add3A_407, %dma_start3A_409] : memref<20480x32xf32, #tpu.memory_space<hbm>> -> memref<640x32xf32, #tpu.memory_space<hbm>>
      %dma_start3A_411 = arith.constant 0 : i32
      %dma_start3A_412 = tpu.memref_slice %arg4[%add3A_407, %dma_start3A_411] : memref<20480x32xf32, #tpu.memory_space<hbm>> -> memref<640x32xf32, #tpu.memory_space<hbm>>
      tpu.enqueue_dma source(%arg8 : memref<640x32xf32, #tpu.memory_space<vmem>>) target(%dma_start3A_412 : memref<640x32xf32, #tpu.memory_space<hbm>>) target_semaphore(%run_scoped3A_408 : memref<!tpu.dma_semaphore, #tpu.memory_space<semaphore_mem>>)
      %dma_wait3A_413 = arith.constant 0 : i32
      %dma_wait3A_414 = tpu.memref_slice %arg4[%add3A_407, %dma_wait3A_413] : memref<20480x32xf32, #tpu.memory_space<hbm>> -> memref<640x32xf32, #tpu.memory_space<hbm>>
      %dma_wait3A_415 = arith.constant 0 : i32
      %dma_wait3A_416 = tpu.memref_slice %arg4[%add3A_407, %dma_wait3A_415] : memref<20480x32xf32, #tpu.memory_space<hbm>> -> memref<640x32xf32, #tpu.memory_space<hbm>>
      tpu.wait_dma2 semaphore(%run_scoped3A_408 : memref<!tpu.dma_semaphore, #tpu.memory_space<semaphore_mem>>) src(%arg8 : memref<640x32xf32, #tpu.memory_space<vmem>>) dst(%dma_wait3A_416 : memref<640x32xf32, #tpu.memory_space<hbm>>)
      tpu.yield
    }) : () -> ()
    return
  }
}

#map = affine_map<(d0, d1) -> (0, 0, 0, 0)>
#map1 = affine_map<(d0, d1) -> (0, 0)>
module attributes {stable_mosaic.version = 14 : i64} {
  func.func @agg_k(%arg0: i32, %arg1: i32, %arg2: memref<2x32x80x125xi32, #tpu.memory_space<hbm>>, %arg3: memref<10240x48xf32, #tpu.memory_space<hbm>>, %arg4: memref<20480x48xf32, #tpu.memory_space<hbm>>, %arg5: memref<80x125xi32, #tpu.memory_space<vmem>>, %arg6: memref<80x125xi32, #tpu.memory_space<vmem>>, %arg7: memref<8x125x48xf32, #tpu.memory_space<vmem>>, %arg8: memref<640x48xf32, #tpu.memory_space<vmem>>, %arg9: memref<10240x48xf32, #tpu.memory_space<vmem_shared>>, %arg10: memref<!tpu.dma_semaphore, #tpu.memory_space<semaphore_mem>>, %arg11: memref<!tpu.dma_semaphore, #tpu.memory_space<semaphore_mem>>, %arg12: memref<!tpu.dma_semaphore, #tpu.memory_space<semaphore_mem>>, %arg13: memref<!tpu.dma_semaphore, #tpu.memory_space<semaphore_mem>>, %arg14: memref<!tpu.dma_semaphore, #tpu.memory_space<semaphore_mem>>, %arg15: memref<!tpu.dma_semaphore, #tpu.memory_space<semaphore_mem>>, %arg16: memref<!tpu.dma_semaphore, #tpu.memory_space<semaphore_mem>>, %arg17: memref<!tpu.dma_semaphore, #tpu.memory_space<semaphore_mem>>, %arg18: memref<!tpu.dma_semaphore, #tpu.memory_space<semaphore_mem>>, %arg19: memref<!tpu.dma_semaphore, #tpu.memory_space<semaphore_mem>>, %arg20: memref<!tpu.dma_semaphore, #tpu.memory_space<semaphore_mem>>, %arg21: memref<!tpu.dma_semaphore, #tpu.memory_space<semaphore_mem>>, %arg22: memref<!tpu.dma_semaphore, #tpu.memory_space<semaphore_mem>>, %arg23: memref<!tpu.dma_semaphore, #tpu.memory_space<semaphore_mem>>, %arg24: memref<!tpu.dma_semaphore, #tpu.memory_space<semaphore_mem>>, %arg25: memref<!tpu.dma_semaphore, #tpu.memory_space<semaphore_mem>>) attributes {dimension_semantics = [#tpu.dimension_semantics<core_parallel>, #tpu.dimension_semantics<subcore_parallel>], iteration_bounds = array<i64: 2, 16>, scalar_prefetch = 0 : i64, scratch_operands = 21 : i64, tpu.core_type = #tpu.core_type<sc_vector_subcore>, window_params = [{transform_indices = #map}, {transform_indices = #map1}, {transform_indices = #map1}]} {
    %mul3A = arith.constant 16 : i32
    %mul3A_0 = arith.muli %arg0, %mul3A : i32
    %add3A = arith.addi %mul3A_0, %arg1 : i32
    %broadcast_in_dim3A = arith.constant 0.000000e+00 : f32
    %broadcast_in_dim3A_1 = vector.broadcast %broadcast_in_dim3A : f32 to vector<16xf32>
    %scan3A = arith.constant 0 : i32
    %scan3A_2 = arith.constant 0 : i32
    %scan3A_3 = arith.constant 640 : i32
    %scan3A_4 = arith.addi %scan3A_2, %scan3A_3 : i32
    %scan3A_5 = arith.constant 1 : i32
    %scan3A_6 = scf.for %scan3A_408 = %scan3A_2 to %scan3A_4 step %scan3A_5 iter_args(%scan3A_409 = %scan3A) -> (i32)  : i32 {
      %swap3A = arith.index_cast %scan3A_408 : i32 to index
      %swap3A_410 = arith.constant 0 : index
      %swap3A_411 = tpu.vector_load %arg8[%swap3A, %swap3A_410] {strides = array<i32>} : memref<640x48xf32, #tpu.memory_space<vmem>>, vector<1x16xf32>,
      %swap3A_412 = vector.shape_cast %swap3A_411 : vector<1x16xf32> to vector<16xf32>
      %swap3A_413 = vector.shape_cast %broadcast_in_dim3A_1 : vector<16xf32> to vector<1x16xf32>
      tpu.vector_store %arg8[%swap3A, %swap3A_410], %swap3A_413 {strides = array<i32>} : memref<640x48xf32, #tpu.memory_space<vmem>>, vector<1x16xf32>,
      %swap3A_414 = arith.index_cast %scan3A_408 : i32 to index
      %swap3A_415 = arith.constant 16 : index
      %swap3A_416 = tpu.vector_load %arg8[%swap3A_414, %swap3A_415] {strides = array<i32>} : memref<640x48xf32, #tpu.memory_space<vmem>>, vector<1x16xf32>,
      %swap3A_417 = vector.shape_cast %swap3A_416 : vector<1x16xf32> to vector<16xf32>
      %swap3A_418 = vector.shape_cast %broadcast_in_dim3A_1 : vector<16xf32> to vector<1x16xf32>
      tpu.vector_store %arg8[%swap3A_414, %swap3A_415], %swap3A_418 {strides = array<i32>} : memref<640x48xf32, #tpu.memory_space<vmem>>, vector<1x16xf32>,
      %swap3A_419 = arith.index_cast %scan3A_408 : i32 to index
      %swap3A_420 = arith.constant 32 : index
      %swap3A_421 = tpu.vector_load %arg8[%swap3A_419, %swap3A_420] {strides = array<i32>} : memref<640x48xf32, #tpu.memory_space<vmem>>, vector<1x16xf32>,
      %swap3A_422 = vector.shape_cast %swap3A_421 : vector<1x16xf32> to vector<16xf32>
      %swap3A_423 = vector.shape_cast %broadcast_in_dim3A_1 : vector<16xf32> to vector<1x16xf32>
      tpu.vector_store %arg8[%swap3A_419, %swap3A_420], %swap3A_423 {strides = array<i32>} : memref<640x48xf32, #tpu.memory_space<vmem>>, vector<1x16xf32>,
      %scan3A_424 = arith.constant 0 : i32
      scf.yield %scan3A_424 : i32
    }
    %scan3A_7 = arith.constant 640 : i32
    %mul3A_8 = arith.constant 640 : i32
    %mul3A_9 = arith.muli %arg1, %mul3A_8 : i32
    "tpu.region"() ({
      %run_scoped3A_408 = tpu.sem_alloc : memref<!tpu.dma_semaphore, #tpu.memory_space<semaphore_mem>>
      %dma_start3A_409 = arith.constant 0 : i32
      %dma_start3A_410 = tpu.memref_slice %arg9[%mul3A_9, %dma_start3A_409] : memref<10240x48xf32, #tpu.memory_space<vmem_shared>> -> memref<640x48xf32, #tpu.memory_space<vmem_shared>>
      %dma_start3A_411 = arith.constant 0 : i32
      %dma_start3A_412 = tpu.memref_slice %arg9[%mul3A_9, %dma_start3A_411] : memref<10240x48xf32, #tpu.memory_space<vmem_shared>> -> memref<640x48xf32, #tpu.memory_space<vmem_shared>>
      tpu.enqueue_dma source(%arg8 : memref<640x48xf32, #tpu.memory_space<vmem>>) target(%dma_start3A_412 : memref<640x48xf32, #tpu.memory_space<vmem_shared>>) target_semaphore(%run_scoped3A_408 : memref<!tpu.dma_semaphore, #tpu.memory_space<semaphore_mem>>)
      %dma_wait3A_413 = arith.constant 0 : i32
      %dma_wait3A_414 = tpu.memref_slice %arg9[%mul3A_9, %dma_wait3A_413] : memref<10240x48xf32, #tpu.memory_space<vmem_shared>> -> memref<640x48xf32, #tpu.memory_space<vmem_shared>>
      %dma_wait3A_415 = arith.constant 0 : i32
      %dma_wait3A_416 = tpu.memref_slice %arg9[%mul3A_9, %dma_wait3A_415] : memref<10240x48xf32, #tpu.memory_space<vmem_shared>> -> memref<640x48xf32, #tpu.memory_space<vmem_shared>>
      tpu.wait_dma2 semaphore(%run_scoped3A_408 : memref<!tpu.dma_semaphore, #tpu.memory_space<semaphore_mem>>) src(%arg8 : memref<640x48xf32, #tpu.memory_space<vmem>>) dst(%dma_wait3A_416 : memref<640x48xf32, #tpu.memory_space<vmem_shared>>)
      tpu.yield
    }) : () -> ()
    %run_scoped3A = arith.constant 0 : i32
    "tpu.region"() ({
      %run_scoped3A_408 = tpu.sem_alloc : memref<!tpu.dma_semaphore, #tpu.memory_space<semaphore_mem>>
      %dma_start3A_409 = arith.constant 0 : i32
      %dma_start3A_410 = arith.constant 0 : i32
      %dma_start3A_411 = tpu.memref_slice %arg2[%run_scoped3A, %add3A, %dma_start3A_409, %dma_start3A_410] : memref<2x32x80x125xi32, #tpu.memory_space<hbm>> -> memref<1x1x80x125xi32, #tpu.memory_space<hbm>>
      %dma_start3A_412 = tpu.memref_squeeze %dma_start3A_411 : memref<1x1x80x125xi32, #tpu.memory_space<hbm>> -> memref<80x125xi32, #tpu.memory_space<hbm>>
      %dma_start3A_413 = arith.constant 0 : i32
      %dma_start3A_414 = arith.constant 0 : i32
      %dma_start3A_415 = tpu.memref_slice %arg2[%run_scoped3A, %add3A, %dma_start3A_413, %dma_start3A_414] : memref<2x32x80x125xi32, #tpu.memory_space<hbm>> -> memref<1x1x80x125xi32, #tpu.memory_space<hbm>>
      %dma_start3A_416 = tpu.memref_squeeze %dma_start3A_415 : memref<1x1x80x125xi32, #tpu.memory_space<hbm>> -> memref<80x125xi32, #tpu.memory_space<hbm>>
      tpu.enqueue_dma source(%dma_start3A_416 : memref<80x125xi32, #tpu.memory_space<hbm>>) target(%arg5 : memref<80x125xi32, #tpu.memory_space<vmem>>) target_semaphore(%run_scoped3A_408 : memref<!tpu.dma_semaphore, #tpu.memory_space<semaphore_mem>>)
      %dma_wait3A_417 = arith.constant 0 : i32
      %dma_wait3A_418 = arith.constant 0 : i32
      %dma_wait3A_419 = tpu.memref_slice %arg2[%run_scoped3A, %add3A, %dma_wait3A_417, %dma_wait3A_418] : memref<2x32x80x125xi32, #tpu.memory_space<hbm>> -> memref<1x1x80x125xi32, #tpu.memory_space<hbm>>
      %dma_wait3A_420 = tpu.memref_squeeze %dma_wait3A_419 : memref<1x1x80x125xi32, #tpu.memory_space<hbm>> -> memref<80x125xi32, #tpu.memory_space<hbm>>
      %dma_wait3A_421 = arith.constant 0 : i32
      %dma_wait3A_422 = arith.constant 0 : i32
      %dma_wait3A_423 = tpu.memref_slice %arg2[%run_scoped3A, %add3A, %dma_wait3A_421, %dma_wait3A_422] : memref<2x32x80x125xi32, #tpu.memory_space<hbm>> -> memref<1x1x80x125xi32, #tpu.memory_space<hbm>>
      %dma_wait3A_424 = tpu.memref_squeeze %dma_wait3A_423 : memref<1x1x80x125xi32, #tpu.memory_space<hbm>> -> memref<80x125xi32, #tpu.memory_space<hbm>>
      tpu.wait_dma2 semaphore(%run_scoped3A_408 : memref<!tpu.dma_semaphore, #tpu.memory_space<semaphore_mem>>) src(%dma_wait3A_424 : memref<80x125xi32, #tpu.memory_space<hbm>>) dst(%arg5 : memref<80x125xi32, #tpu.memory_space<vmem>>)
      tpu.yield
    }) : () -> ()
    %run_scoped3A_10 = arith.constant 1 : i32
    "tpu.region"() ({
      %run_scoped3A_408 = tpu.sem_alloc : memref<!tpu.dma_semaphore, #tpu.memory_space<semaphore_mem>>
      %dma_start3A_409 = arith.constant 0 : i32
      %dma_start3A_410 = arith.constant 0 : i32
      %dma_start3A_411 = tpu.memref_slice %arg2[%run_scoped3A_10, %add3A, %dma_start3A_409, %dma_start3A_410] : memref<2x32x80x125xi32, #tpu.memory_space<hbm>> -> memref<1x1x80x125xi32, #tpu.memory_space<hbm>>
      %dma_start3A_412 = tpu.memref_squeeze %dma_start3A_411 : memref<1x1x80x125xi32, #tpu.memory_space<hbm>> -> memref<80x125xi32, #tpu.memory_space<hbm>>
      %dma_start3A_413 = arith.constant 0 : i32
      %dma_start3A_414 = arith.constant 0 : i32
      %dma_start3A_415 = tpu.memref_slice %arg2[%run_scoped3A_10, %add3A, %dma_start3A_413, %dma_start3A_414] : memref<2x32x80x125xi32, #tpu.memory_space<hbm>> -> memref<1x1x80x125xi32, #tpu.memory_space<hbm>>
      %dma_start3A_416 = tpu.memref_squeeze %dma_start3A_415 : memref<1x1x80x125xi32, #tpu.memory_space<hbm>> -> memref<80x125xi32, #tpu.memory_space<hbm>>
      tpu.enqueue_dma source(%dma_start3A_416 : memref<80x125xi32, #tpu.memory_space<hbm>>) target(%arg6 : memref<80x125xi32, #tpu.memory_space<vmem>>) target_semaphore(%run_scoped3A_408 : memref<!tpu.dma_semaphore, #tpu.memory_space<semaphore_mem>>)
      %dma_wait3A_417 = arith.constant 0 : i32
      %dma_wait3A_418 = arith.constant 0 : i32
      %dma_wait3A_419 = tpu.memref_slice %arg2[%run_scoped3A_10, %add3A, %dma_wait3A_417, %dma_wait3A_418] : memref<2x32x80x125xi32, #tpu.memory_space<hbm>> -> memref<1x1x80x125xi32, #tpu.memory_space<hbm>>
      %dma_wait3A_420 = tpu.memref_squeeze %dma_wait3A_419 : memref<1x1x80x125xi32, #tpu.memory_space<hbm>> -> memref<80x125xi32, #tpu.memory_space<hbm>>
      %dma_wait3A_421 = arith.constant 0 : i32
      %dma_wait3A_422 = arith.constant 0 : i32
      %dma_wait3A_423 = tpu.memref_slice %arg2[%run_scoped3A_10, %add3A, %dma_wait3A_421, %dma_wait3A_422] : memref<2x32x80x125xi32, #tpu.memory_space<hbm>> -> memref<1x1x80x125xi32, #tpu.memory_space<hbm>>
      %dma_wait3A_424 = tpu.memref_squeeze %dma_wait3A_423 : memref<1x1x80x125xi32, #tpu.memory_space<hbm>> -> memref<80x125xi32, #tpu.memory_space<hbm>>
      tpu.wait_dma2 semaphore(%run_scoped3A_408 : memref<!tpu.dma_semaphore, #tpu.memory_space<semaphore_mem>>) src(%dma_wait3A_424 : memref<80x125xi32, #tpu.memory_space<hbm>>) dst(%arg6 : memref<80x125xi32, #tpu.memory_space<vmem>>)
      tpu.yield
    }) : () -> ()
    %barrier3A = arith.constant 0 : index
    tpu.barrier barrier_id(%barrier3A)
    %dma_start3A = arith.constant 0 : i32
    %dma_start3A_11 = arith.constant 0 : i32
    %dma_start3A_12 = arith.constant 0 : i32
    %dma_start3A_13 = arith.constant 0 : i32
    %dma_start3A_14 = tpu.memref_slice %arg7[%dma_start3A_11, %dma_start3A_12, %dma_start3A_13] : memref<8x125x48xf32, #tpu.memory_space<vmem>> -> memref<1x125x48xf32, #tpu.memory_space<vmem>>
    %dma_start3A_15 = tpu.memref_squeeze %dma_start3A_14 : memref<1x125x48xf32, #tpu.memory_space<vmem>> -> memref<125x48xf32, #tpu.memory_space<vmem>>
    %dma_start3A_16 = arith.constant 0 : i32
    %dma_start3A_17 = tpu.memref_slice %arg5[%dma_start3A, %dma_start3A_16] : memref<80x125xi32, #tpu.memory_space<vmem>> -> memref<1x125xi32, #tpu.memory_space<vmem>>
    %dma_start3A_18 = tpu.memref_squeeze %dma_start3A_17 : memref<1x125xi32, #tpu.memory_space<vmem>> -> memref<125xi32, #tpu.memory_space<vmem>>
    %dma_start3A_19 = arith.constant 0 : i32
    %dma_start3A_20 = arith.constant 0 : i32
    %dma_start3A_21 = tpu.memref_slice %arg3[%dma_start3A_19, %dma_start3A_20] : memref<10240x48xf32, #tpu.memory_space<hbm>> -> memref<10240x48xf32, #tpu.memory_space<hbm>>
    tpu.enqueue_indirect_dma source(%dma_start3A_21 : memref<10240x48xf32, #tpu.memory_space<hbm>>) target(%dma_start3A_15 : memref<125x48xf32, #tpu.memory_space<vmem>>) offsets(%dma_start3A_18 : memref<125xi32, #tpu.memory_space<vmem>>) semaphore(%arg10 : memref<!tpu.dma_semaphore, #tpu.memory_space<semaphore_mem>>)
    %dma_start3A_22 = arith.constant 1 : i32
    %dma_start3A_23 = arith.constant 1 : i32
    %dma_start3A_24 = arith.constant 0 : i32
    %dma_start3A_25 = arith.constant 0 : i32
    %dma_start3A_26 = tpu.memref_slice %arg7[%dma_start3A_23, %dma_start3A_24, %dma_start3A_25] : memref<8x125x48xf32, #tpu.memory_space<vmem>> -> memref<1x125x48xf32, #tpu.memory_space<vmem>>
    %dma_start3A_27 = tpu.memref_squeeze %dma_start3A_26 : memref<1x125x48xf32, #tpu.memory_space<vmem>> -> memref<125x48xf32, #tpu.memory_space<vmem>>
    %dma_start3A_28 = arith.constant 0 : i32
    %dma_start3A_29 = tpu.memref_slice %arg5[%dma_start3A_22, %dma_start3A_28] : memref<80x125xi32, #tpu.memory_space<vmem>> -> memref<1x125xi32, #tpu.memory_space<vmem>>
    %dma_start3A_30 = tpu.memref_squeeze %dma_start3A_29 : memref<1x125xi32, #tpu.memory_space<vmem>> -> memref<125xi32, #tpu.memory_space<vmem>>
    %dma_start3A_31 = arith.constant 0 : i32
    %dma_start3A_32 = arith.constant 0 : i32
    %dma_start3A_33 = tpu.memref_slice %arg3[%dma_start3A_31, %dma_start3A_32] : memref<10240x48xf32, #tpu.memory_space<hbm>> -> memref<10240x48xf32, #tpu.memory_space<hbm>>
    tpu.enqueue_indirect_dma source(%dma_start3A_33 : memref<10240x48xf32, #tpu.memory_space<hbm>>) target(%dma_start3A_27 : memref<125x48xf32, #tpu.memory_space<vmem>>) offsets(%dma_start3A_30 : memref<125xi32, #tpu.memory_space<vmem>>) semaphore(%arg11 : memref<!tpu.dma_semaphore, #tpu.memory_space<semaphore_mem>>)
    %dma_start3A_34 = arith.constant 2 : i32
    %dma_start3A_35 = arith.constant 2 : i32
    %dma_start3A_36 = arith.constant 0 : i32
    %dma_start3A_37 = arith.constant 0 : i32
    %dma_start3A_38 = tpu.memref_slice %arg7[%dma_start3A_35, %dma_start3A_36, %dma_start3A_37] : memref<8x125x48xf32, #tpu.memory_space<vmem>> -> memref<1x125x48xf32, #tpu.memory_space<vmem>>
    %dma_start3A_39 = tpu.memref_squeeze %dma_start3A_38 : memref<1x125x48xf32, #tpu.memory_space<vmem>> -> memref<125x48xf32, #tpu.memory_space<vmem>>
    %dma_start3A_40 = arith.constant 0 : i32
    %dma_start3A_41 = tpu.memref_slice %arg5[%dma_start3A_34, %dma_start3A_40] : memref<80x125xi32, #tpu.memory_space<vmem>> -> memref<1x125xi32, #tpu.memory_space<vmem>>
    %dma_start3A_42 = tpu.memref_squeeze %dma_start3A_41 : memref<1x125xi32, #tpu.memory_space<vmem>> -> memref<125xi32, #tpu.memory_space<vmem>>
    %dma_start3A_43 = arith.constant 0 : i32
    %dma_start3A_44 = arith.constant 0 : i32
    %dma_start3A_45 = tpu.memref_slice %arg3[%dma_start3A_43, %dma_start3A_44] : memref<10240x48xf32, #tpu.memory_space<hbm>> -> memref<10240x48xf32, #tpu.memory_space<hbm>>
    tpu.enqueue_indirect_dma source(%dma_start3A_45 : memref<10240x48xf32, #tpu.memory_space<hbm>>) target(%dma_start3A_39 : memref<125x48xf32, #tpu.memory_space<vmem>>) offsets(%dma_start3A_42 : memref<125xi32, #tpu.memory_space<vmem>>) semaphore(%arg12 : memref<!tpu.dma_semaphore, #tpu.memory_space<semaphore_mem>>)
    %dma_start3A_46 = arith.constant 3 : i32
    %dma_start3A_47 = arith.constant 3 : i32
    %dma_start3A_48 = arith.constant 0 : i32
    %dma_start3A_49 = arith.constant 0 : i32
    %dma_start3A_50 = tpu.memref_slice %arg7[%dma_start3A_47, %dma_start3A_48, %dma_start3A_49] : memref<8x125x48xf32, #tpu.memory_space<vmem>> -> memref<1x125x48xf32, #tpu.memory_space<vmem>>
    %dma_start3A_51 = tpu.memref_squeeze %dma_start3A_50 : memref<1x125x48xf32, #tpu.memory_space<vmem>> -> memref<125x48xf32, #tpu.memory_space<vmem>>
    %dma_start3A_52 = arith.constant 0 : i32
    %dma_start3A_53 = tpu.memref_slice %arg5[%dma_start3A_46, %dma_start3A_52] : memref<80x125xi32, #tpu.memory_space<vmem>> -> memref<1x125xi32, #tpu.memory_space<vmem>>
    %dma_start3A_54 = tpu.memref_squeeze %dma_start3A_53 : memref<1x125xi32, #tpu.memory_space<vmem>> -> memref<125xi32, #tpu.memory_space<vmem>>
    %dma_start3A_55 = arith.constant 0 : i32
    %dma_start3A_56 = arith.constant 0 : i32
    %dma_start3A_57 = tpu.memref_slice %arg3[%dma_start3A_55, %dma_start3A_56] : memref<10240x48xf32, #tpu.memory_space<hbm>> -> memref<10240x48xf32, #tpu.memory_space<hbm>>
    tpu.enqueue_indirect_dma source(%dma_start3A_57 : memref<10240x48xf32, #tpu.memory_space<hbm>>) target(%dma_start3A_51 : memref<125x48xf32, #tpu.memory_space<vmem>>) offsets(%dma_start3A_54 : memref<125xi32, #tpu.memory_space<vmem>>) semaphore(%arg13 : memref<!tpu.dma_semaphore, #tpu.memory_space<semaphore_mem>>)
    %dma_start3A_58 = arith.constant 4 : i32
    %dma_start3A_59 = arith.constant 4 : i32
    %dma_start3A_60 = arith.constant 0 : i32
    %dma_start3A_61 = arith.constant 0 : i32
    %dma_start3A_62 = tpu.memref_slice %arg7[%dma_start3A_59, %dma_start3A_60, %dma_start3A_61] : memref<8x125x48xf32, #tpu.memory_space<vmem>> -> memref<1x125x48xf32, #tpu.memory_space<vmem>>
    %dma_start3A_63 = tpu.memref_squeeze %dma_start3A_62 : memref<1x125x48xf32, #tpu.memory_space<vmem>> -> memref<125x48xf32, #tpu.memory_space<vmem>>
    %dma_start3A_64 = arith.constant 0 : i32
    %dma_start3A_65 = tpu.memref_slice %arg5[%dma_start3A_58, %dma_start3A_64] : memref<80x125xi32, #tpu.memory_space<vmem>> -> memref<1x125xi32, #tpu.memory_space<vmem>>
    %dma_start3A_66 = tpu.memref_squeeze %dma_start3A_65 : memref<1x125xi32, #tpu.memory_space<vmem>> -> memref<125xi32, #tpu.memory_space<vmem>>
    %dma_start3A_67 = arith.constant 0 : i32
    %dma_start3A_68 = arith.constant 0 : i32
    %dma_start3A_69 = tpu.memref_slice %arg3[%dma_start3A_67, %dma_start3A_68] : memref<10240x48xf32, #tpu.memory_space<hbm>> -> memref<10240x48xf32, #tpu.memory_space<hbm>>
    tpu.enqueue_indirect_dma source(%dma_start3A_69 : memref<10240x48xf32, #tpu.memory_space<hbm>>) target(%dma_start3A_63 : memref<125x48xf32, #tpu.memory_space<vmem>>) offsets(%dma_start3A_66 : memref<125xi32, #tpu.memory_space<vmem>>) semaphore(%arg14 : memref<!tpu.dma_semaphore, #tpu.memory_space<semaphore_mem>>)
    %dma_start3A_70 = arith.constant 5 : i32
    %dma_start3A_71 = arith.constant 5 : i32
    %dma_start3A_72 = arith.constant 0 : i32
    %dma_start3A_73 = arith.constant 0 : i32
    %dma_start3A_74 = tpu.memref_slice %arg7[%dma_start3A_71, %dma_start3A_72, %dma_start3A_73] : memref<8x125x48xf32, #tpu.memory_space<vmem>> -> memref<1x125x48xf32, #tpu.memory_space<vmem>>
    %dma_start3A_75 = tpu.memref_squeeze %dma_start3A_74 : memref<1x125x48xf32, #tpu.memory_space<vmem>> -> memref<125x48xf32, #tpu.memory_space<vmem>>
    %dma_start3A_76 = arith.constant 0 : i32
    %dma_start3A_77 = tpu.memref_slice %arg5[%dma_start3A_70, %dma_start3A_76] : memref<80x125xi32, #tpu.memory_space<vmem>> -> memref<1x125xi32, #tpu.memory_space<vmem>>
    %dma_start3A_78 = tpu.memref_squeeze %dma_start3A_77 : memref<1x125xi32, #tpu.memory_space<vmem>> -> memref<125xi32, #tpu.memory_space<vmem>>
    %dma_start3A_79 = arith.constant 0 : i32
    %dma_start3A_80 = arith.constant 0 : i32
    %dma_start3A_81 = tpu.memref_slice %arg3[%dma_start3A_79, %dma_start3A_80] : memref<10240x48xf32, #tpu.memory_space<hbm>> -> memref<10240x48xf32, #tpu.memory_space<hbm>>
    tpu.enqueue_indirect_dma source(%dma_start3A_81 : memref<10240x48xf32, #tpu.memory_space<hbm>>) target(%dma_start3A_75 : memref<125x48xf32, #tpu.memory_space<vmem>>) offsets(%dma_start3A_78 : memref<125xi32, #tpu.memory_space<vmem>>) semaphore(%arg15 : memref<!tpu.dma_semaphore, #tpu.memory_space<semaphore_mem>>)
    %dma_start3A_82 = arith.constant 6 : i32
    %dma_start3A_83 = arith.constant 6 : i32
    %dma_start3A_84 = arith.constant 0 : i32
    %dma_start3A_85 = arith.constant 0 : i32
    %dma_start3A_86 = tpu.memref_slice %arg7[%dma_start3A_83, %dma_start3A_84, %dma_start3A_85] : memref<8x125x48xf32, #tpu.memory_space<vmem>> -> memref<1x125x48xf32, #tpu.memory_space<vmem>>
    %dma_start3A_87 = tpu.memref_squeeze %dma_start3A_86 : memref<1x125x48xf32, #tpu.memory_space<vmem>> -> memref<125x48xf32, #tpu.memory_space<vmem>>
    %dma_start3A_88 = arith.constant 0 : i32
    %dma_start3A_89 = tpu.memref_slice %arg5[%dma_start3A_82, %dma_start3A_88] : memref<80x125xi32, #tpu.memory_space<vmem>> -> memref<1x125xi32, #tpu.memory_space<vmem>>
    %dma_start3A_90 = tpu.memref_squeeze %dma_start3A_89 : memref<1x125xi32, #tpu.memory_space<vmem>> -> memref<125xi32, #tpu.memory_space<vmem>>
    %dma_start3A_91 = arith.constant 0 : i32
    %dma_start3A_92 = arith.constant 0 : i32
    %dma_start3A_93 = tpu.memref_slice %arg3[%dma_start3A_91, %dma_start3A_92] : memref<10240x48xf32, #tpu.memory_space<hbm>> -> memref<10240x48xf32, #tpu.memory_space<hbm>>
    tpu.enqueue_indirect_dma source(%dma_start3A_93 : memref<10240x48xf32, #tpu.memory_space<hbm>>) target(%dma_start3A_87 : memref<125x48xf32, #tpu.memory_space<vmem>>) offsets(%dma_start3A_90 : memref<125xi32, #tpu.memory_space<vmem>>) semaphore(%arg16 : memref<!tpu.dma_semaphore, #tpu.memory_space<semaphore_mem>>)
    %dma_start3A_94 = arith.constant 7 : i32
    %dma_start3A_95 = arith.constant 7 : i32
    %dma_start3A_96 = arith.constant 0 : i32
    %dma_start3A_97 = arith.constant 0 : i32
    %dma_start3A_98 = tpu.memref_slice %arg7[%dma_start3A_95, %dma_start3A_96, %dma_start3A_97] : memref<8x125x48xf32, #tpu.memory_space<vmem>> -> memref<1x125x48xf32, #tpu.memory_space<vmem>>
    %dma_start3A_99 = tpu.memref_squeeze %dma_start3A_98 : memref<1x125x48xf32, #tpu.memory_space<vmem>> -> memref<125x48xf32, #tpu.memory_space<vmem>>
    %dma_start3A_100 = arith.constant 0 : i32
    %dma_start3A_101 = tpu.memref_slice %arg5[%dma_start3A_94, %dma_start3A_100] : memref<80x125xi32, #tpu.memory_space<vmem>> -> memref<1x125xi32, #tpu.memory_space<vmem>>
    %dma_start3A_102 = tpu.memref_squeeze %dma_start3A_101 : memref<1x125xi32, #tpu.memory_space<vmem>> -> memref<125xi32, #tpu.memory_space<vmem>>
    %dma_start3A_103 = arith.constant 0 : i32
    %dma_start3A_104 = arith.constant 0 : i32
    %dma_start3A_105 = tpu.memref_slice %arg3[%dma_start3A_103, %dma_start3A_104] : memref<10240x48xf32, #tpu.memory_space<hbm>> -> memref<10240x48xf32, #tpu.memory_space<hbm>>
    tpu.enqueue_indirect_dma source(%dma_start3A_105 : memref<10240x48xf32, #tpu.memory_space<hbm>>) target(%dma_start3A_99 : memref<125x48xf32, #tpu.memory_space<vmem>>) offsets(%dma_start3A_102 : memref<125xi32, #tpu.memory_space<vmem>>) semaphore(%arg17 : memref<!tpu.dma_semaphore, #tpu.memory_space<semaphore_mem>>)
    %scan3A_106 = arith.constant 0 : i32
    %scan3A_107 = arith.constant 0 : i32
    %scan3A_108 = arith.constant 9 : i32
    %scan3A_109 = arith.addi %scan3A_107, %scan3A_108 : i32
    %scan3A_110 = arith.constant 1 : i32
    %scan3A_111 = scf.for %scan3A_408 = %scan3A_107 to %scan3A_109 step %scan3A_110 iter_args(%scan3A_409 = %scan3A_106) -> (i32)  : i32 {
      %mul3A_410 = arith.constant 8 : i32
      %mul3A_411 = arith.muli %scan3A_408, %mul3A_410 : i32
      %add3A_412 = arith.constant 0 : i32
      %add3A_413 = arith.addi %mul3A_411, %add3A_412 : i32
      %dma_wait3A_414 = arith.constant 0 : i32
      %dma_wait3A_415 = arith.constant 0 : i32
      %dma_wait3A_416 = arith.constant 0 : i32
      %dma_wait3A_417 = tpu.memref_slice %arg7[%dma_wait3A_414, %dma_wait3A_415, %dma_wait3A_416] : memref<8x125x48xf32, #tpu.memory_space<vmem>> -> memref<1x125x48xf32, #tpu.memory_space<vmem>>
      %dma_wait3A_418 = tpu.memref_squeeze %dma_wait3A_417 : memref<1x125x48xf32, #tpu.memory_space<vmem>> -> memref<125x48xf32, #tpu.memory_space<vmem>>
      %dma_wait3A_419 = arith.constant 0 : i32
      %dma_wait3A_420 = tpu.memref_slice %arg5[%add3A_413, %dma_wait3A_419] : memref<80x125xi32, #tpu.memory_space<vmem>> -> memref<1x125xi32, #tpu.memory_space<vmem>>
      %dma_wait3A_421 = tpu.memref_squeeze %dma_wait3A_420 : memref<1x125xi32, #tpu.memory_space<vmem>> -> memref<125xi32, #tpu.memory_space<vmem>>
      %dma_wait3A_422 = arith.constant 0 : i32
      %dma_wait3A_423 = arith.constant 0 : i32
      %dma_wait3A_424 = tpu.memref_slice %arg3[%dma_wait3A_422, %dma_wait3A_423] : memref<10240x48xf32, #tpu.memory_space<hbm>> -> memref<10240x48xf32, #tpu.memory_space<hbm>>
      tpu.wait_indirect_dma semaphore(%arg10 : memref<!tpu.dma_semaphore, #tpu.memory_space<semaphore_mem>>) src(%dma_wait3A_424 : memref<10240x48xf32, #tpu.memory_space<hbm>>) dst(%dma_wait3A_418 : memref<125x48xf32, #tpu.memory_space<vmem>>)
      %dma_start3A_425 = arith.constant 0 : i32
      %dma_start3A_426 = arith.constant 0 : i32
      %dma_start3A_427 = arith.constant 0 : i32
      %dma_start3A_428 = tpu.memref_slice %arg7[%dma_start3A_425, %dma_start3A_426, %dma_start3A_427] : memref<8x125x48xf32, #tpu.memory_space<vmem>> -> memref<1x125x48xf32, #tpu.memory_space<vmem>>
      %dma_start3A_429 = tpu.memref_squeeze %dma_start3A_428 : memref<1x125x48xf32, #tpu.memory_space<vmem>> -> memref<125x48xf32, #tpu.memory_space<vmem>>
      %dma_start3A_430 = arith.constant 0 : i32
      %dma_start3A_431 = tpu.memref_slice %arg6[%add3A_413, %dma_start3A_430] : memref<80x125xi32, #tpu.memory_space<vmem>> -> memref<1x125xi32, #tpu.memory_space<vmem>>
      %dma_start3A_432 = tpu.memref_squeeze %dma_start3A_431 : memref<1x125xi32, #tpu.memory_space<vmem>> -> memref<125xi32, #tpu.memory_space<vmem>>
      %dma_start3A_433 = arith.constant 0 : i32
      %dma_start3A_434 = arith.constant 0 : i32
      %dma_start3A_435 = tpu.memref_slice %arg9[%dma_start3A_433, %dma_start3A_434] : memref<10240x48xf32, #tpu.memory_space<vmem_shared>> -> memref<10240x48xf32, #tpu.memory_space<vmem_shared>>
      tpu.enqueue_indirect_dma source(%dma_start3A_429 : memref<125x48xf32, #tpu.memory_space<vmem>>) target(%dma_start3A_435 : memref<10240x48xf32, #tpu.memory_space<vmem_shared>>) offsets(%dma_start3A_432 : memref<125xi32, #tpu.memory_space<vmem>>) semaphore(%arg18 : memref<!tpu.dma_semaphore, #tpu.memory_space<semaphore_mem>>) {add = true}
      %mul3A_436 = arith.constant 8 : i32
      %mul3A_437 = arith.muli %scan3A_408, %mul3A_436 : i32
      %add3A_438 = arith.constant 1 : i32
      %add3A_439 = arith.addi %mul3A_437, %add3A_438 : i32
      %dma_wait3A_440 = arith.constant 1 : i32
      %dma_wait3A_441 = arith.constant 0 : i32
      %dma_wait3A_442 = arith.constant 0 : i32
      %dma_wait3A_443 = tpu.memref_slice %arg7[%dma_wait3A_440, %dma_wait3A_441, %dma_wait3A_442] : memref<8x125x48xf32, #tpu.memory_space<vmem>> -> memref<1x125x48xf32, #tpu.memory_space<vmem>>
      %dma_wait3A_444 = tpu.memref_squeeze %dma_wait3A_443 : memref<1x125x48xf32, #tpu.memory_space<vmem>> -> memref<125x48xf32, #tpu.memory_space<vmem>>
      %dma_wait3A_445 = arith.constant 0 : i32
      %dma_wait3A_446 = tpu.memref_slice %arg5[%add3A_439, %dma_wait3A_445] : memref<80x125xi32, #tpu.memory_space<vmem>> -> memref<1x125xi32, #tpu.memory_space<vmem>>
      %dma_wait3A_447 = tpu.memref_squeeze %dma_wait3A_446 : memref<1x125xi32, #tpu.memory_space<vmem>> -> memref<125xi32, #tpu.memory_space<vmem>>
      %dma_wait3A_448 = arith.constant 0 : i32
      %dma_wait3A_449 = arith.constant 0 : i32
      %dma_wait3A_450 = tpu.memref_slice %arg3[%dma_wait3A_448, %dma_wait3A_449] : memref<10240x48xf32, #tpu.memory_space<hbm>> -> memref<10240x48xf32, #tpu.memory_space<hbm>>
      tpu.wait_indirect_dma semaphore(%arg11 : memref<!tpu.dma_semaphore, #tpu.memory_space<semaphore_mem>>) src(%dma_wait3A_450 : memref<10240x48xf32, #tpu.memory_space<hbm>>) dst(%dma_wait3A_444 : memref<125x48xf32, #tpu.memory_space<vmem>>)
      %dma_start3A_451 = arith.constant 1 : i32
      %dma_start3A_452 = arith.constant 0 : i32
      %dma_start3A_453 = arith.constant 0 : i32
      %dma_start3A_454 = tpu.memref_slice %arg7[%dma_start3A_451, %dma_start3A_452, %dma_start3A_453] : memref<8x125x48xf32, #tpu.memory_space<vmem>> -> memref<1x125x48xf32, #tpu.memory_space<vmem>>
      %dma_start3A_455 = tpu.memref_squeeze %dma_start3A_454 : memref<1x125x48xf32, #tpu.memory_space<vmem>> -> memref<125x48xf32, #tpu.memory_space<vmem>>
      %dma_start3A_456 = arith.constant 0 : i32
      %dma_start3A_457 = tpu.memref_slice %arg6[%add3A_439, %dma_start3A_456] : memref<80x125xi32, #tpu.memory_space<vmem>> -> memref<1x125xi32, #tpu.memory_space<vmem>>
      %dma_start3A_458 = tpu.memref_squeeze %dma_start3A_457 : memref<1x125xi32, #tpu.memory_space<vmem>> -> memref<125xi32, #tpu.memory_space<vmem>>
      %dma_start3A_459 = arith.constant 0 : i32
      %dma_start3A_460 = arith.constant 0 : i32
      %dma_start3A_461 = tpu.memref_slice %arg9[%dma_start3A_459, %dma_start3A_460] : memref<10240x48xf32, #tpu.memory_space<vmem_shared>> -> memref<10240x48xf32, #tpu.memory_space<vmem_shared>>
      tpu.enqueue_indirect_dma source(%dma_start3A_455 : memref<125x48xf32, #tpu.memory_space<vmem>>) target(%dma_start3A_461 : memref<10240x48xf32, #tpu.memory_space<vmem_shared>>) offsets(%dma_start3A_458 : memref<125xi32, #tpu.memory_space<vmem>>) semaphore(%arg19 : memref<!tpu.dma_semaphore, #tpu.memory_space<semaphore_mem>>) {add = true}
      %mul3A_462 = arith.constant 8 : i32
      %mul3A_463 = arith.muli %scan3A_408, %mul3A_462 : i32
      %add3A_464 = arith.constant 2 : i32
      %add3A_465 = arith.addi %mul3A_463, %add3A_464 : i32
      %dma_wait3A_466 = arith.constant 2 : i32
      %dma_wait3A_467 = arith.constant 0 : i32
      %dma_wait3A_468 = arith.constant 0 : i32
      %dma_wait3A_469 = tpu.memref_slice %arg7[%dma_wait3A_466, %dma_wait3A_467, %dma_wait3A_468] : memref<8x125x48xf32, #tpu.memory_space<vmem>> -> memref<1x125x48xf32, #tpu.memory_space<vmem>>
      %dma_wait3A_470 = tpu.memref_squeeze %dma_wait3A_469 : memref<1x125x48xf32, #tpu.memory_space<vmem>> -> memref<125x48xf32, #tpu.memory_space<vmem>>
      %dma_wait3A_471 = arith.constant 0 : i32
      %dma_wait3A_472 = tpu.memref_slice %arg5[%add3A_465, %dma_wait3A_471] : memref<80x125xi32, #tpu.memory_space<vmem>> -> memref<1x125xi32, #tpu.memory_space<vmem>>
      %dma_wait3A_473 = tpu.memref_squeeze %dma_wait3A_472 : memref<1x125xi32, #tpu.memory_space<vmem>> -> memref<125xi32, #tpu.memory_space<vmem>>
      %dma_wait3A_474 = arith.constant 0 : i32
      %dma_wait3A_475 = arith.constant 0 : i32
      %dma_wait3A_476 = tpu.memref_slice %arg3[%dma_wait3A_474, %dma_wait3A_475] : memref<10240x48xf32, #tpu.memory_space<hbm>> -> memref<10240x48xf32, #tpu.memory_space<hbm>>
      tpu.wait_indirect_dma semaphore(%arg12 : memref<!tpu.dma_semaphore, #tpu.memory_space<semaphore_mem>>) src(%dma_wait3A_476 : memref<10240x48xf32, #tpu.memory_space<hbm>>) dst(%dma_wait3A_470 : memref<125x48xf32, #tpu.memory_space<vmem>>)
      %dma_start3A_477 = arith.constant 2 : i32
      %dma_start3A_478 = arith.constant 0 : i32
      %dma_start3A_479 = arith.constant 0 : i32
      %dma_start3A_480 = tpu.memref_slice %arg7[%dma_start3A_477, %dma_start3A_478, %dma_start3A_479] : memref<8x125x48xf32, #tpu.memory_space<vmem>> -> memref<1x125x48xf32, #tpu.memory_space<vmem>>
      %dma_start3A_481 = tpu.memref_squeeze %dma_start3A_480 : memref<1x125x48xf32, #tpu.memory_space<vmem>> -> memref<125x48xf32, #tpu.memory_space<vmem>>
      %dma_start3A_482 = arith.constant 0 : i32
      %dma_start3A_483 = tpu.memref_slice %arg6[%add3A_465, %dma_start3A_482] : memref<80x125xi32, #tpu.memory_space<vmem>> -> memref<1x125xi32, #tpu.memory_space<vmem>>
      %dma_start3A_484 = tpu.memref_squeeze %dma_start3A_483 : memref<1x125xi32, #tpu.memory_space<vmem>> -> memref<125xi32, #tpu.memory_space<vmem>>
      %dma_start3A_485 = arith.constant 0 : i32
      %dma_start3A_486 = arith.constant 0 : i32
      %dma_start3A_487 = tpu.memref_slice %arg9[%dma_start3A_485, %dma_start3A_486] : memref<10240x48xf32, #tpu.memory_space<vmem_shared>> -> memref<10240x48xf32, #tpu.memory_space<vmem_shared>>
      tpu.enqueue_indirect_dma source(%dma_start3A_481 : memref<125x48xf32, #tpu.memory_space<vmem>>) target(%dma_start3A_487 : memref<10240x48xf32, #tpu.memory_space<vmem_shared>>) offsets(%dma_start3A_484 : memref<125xi32, #tpu.memory_space<vmem>>) semaphore(%arg20 : memref<!tpu.dma_semaphore, #tpu.memory_space<semaphore_mem>>) {add = true}
      %mul3A_488 = arith.constant 8 : i32
      %mul3A_489 = arith.muli %scan3A_408, %mul3A_488 : i32
      %add3A_490 = arith.constant 3 : i32
      %add3A_491 = arith.addi %mul3A_489, %add3A_490 : i32
      %dma_wait3A_492 = arith.constant 3 : i32
      %dma_wait3A_493 = arith.constant 0 : i32
      %dma_wait3A_494 = arith.constant 0 : i32
      %dma_wait3A_495 = tpu.memref_slice %arg7[%dma_wait3A_492, %dma_wait3A_493, %dma_wait3A_494] : memref<8x125x48xf32, #tpu.memory_space<vmem>> -> memref<1x125x48xf32, #tpu.memory_space<vmem>>
      %dma_wait3A_496 = tpu.memref_squeeze %dma_wait3A_495 : memref<1x125x48xf32, #tpu.memory_space<vmem>> -> memref<125x48xf32, #tpu.memory_space<vmem>>
      %dma_wait3A_497 = arith.constant 0 : i32
      %dma_wait3A_498 = tpu.memref_slice %arg5[%add3A_491, %dma_wait3A_497] : memref<80x125xi32, #tpu.memory_space<vmem>> -> memref<1x125xi32, #tpu.memory_space<vmem>>
      %dma_wait3A_499 = tpu.memref_squeeze %dma_wait3A_498 : memref<1x125xi32, #tpu.memory_space<vmem>> -> memref<125xi32, #tpu.memory_space<vmem>>
      %dma_wait3A_500 = arith.constant 0 : i32
      %dma_wait3A_501 = arith.constant 0 : i32
      %dma_wait3A_502 = tpu.memref_slice %arg3[%dma_wait3A_500, %dma_wait3A_501] : memref<10240x48xf32, #tpu.memory_space<hbm>> -> memref<10240x48xf32, #tpu.memory_space<hbm>>
      tpu.wait_indirect_dma semaphore(%arg13 : memref<!tpu.dma_semaphore, #tpu.memory_space<semaphore_mem>>) src(%dma_wait3A_502 : memref<10240x48xf32, #tpu.memory_space<hbm>>) dst(%dma_wait3A_496 : memref<125x48xf32, #tpu.memory_space<vmem>>)
      %dma_start3A_503 = arith.constant 3 : i32
      %dma_start3A_504 = arith.constant 0 : i32
      %dma_start3A_505 = arith.constant 0 : i32
      %dma_start3A_506 = tpu.memref_slice %arg7[%dma_start3A_503, %dma_start3A_504, %dma_start3A_505] : memref<8x125x48xf32, #tpu.memory_space<vmem>> -> memref<1x125x48xf32, #tpu.memory_space<vmem>>
      %dma_start3A_507 = tpu.memref_squeeze %dma_start3A_506 : memref<1x125x48xf32, #tpu.memory_space<vmem>> -> memref<125x48xf32, #tpu.memory_space<vmem>>
      %dma_start3A_508 = arith.constant 0 : i32
      %dma_start3A_509 = tpu.memref_slice %arg6[%add3A_491, %dma_start3A_508] : memref<80x125xi32, #tpu.memory_space<vmem>> -> memref<1x125xi32, #tpu.memory_space<vmem>>
      %dma_start3A_510 = tpu.memref_squeeze %dma_start3A_509 : memref<1x125xi32, #tpu.memory_space<vmem>> -> memref<125xi32, #tpu.memory_space<vmem>>
      %dma_start3A_511 = arith.constant 0 : i32
      %dma_start3A_512 = arith.constant 0 : i32
      %dma_start3A_513 = tpu.memref_slice %arg9[%dma_start3A_511, %dma_start3A_512] : memref<10240x48xf32, #tpu.memory_space<vmem_shared>> -> memref<10240x48xf32, #tpu.memory_space<vmem_shared>>
      tpu.enqueue_indirect_dma source(%dma_start3A_507 : memref<125x48xf32, #tpu.memory_space<vmem>>) target(%dma_start3A_513 : memref<10240x48xf32, #tpu.memory_space<vmem_shared>>) offsets(%dma_start3A_510 : memref<125xi32, #tpu.memory_space<vmem>>) semaphore(%arg21 : memref<!tpu.dma_semaphore, #tpu.memory_space<semaphore_mem>>) {add = true}
      %mul3A_514 = arith.constant 8 : i32
      %mul3A_515 = arith.muli %scan3A_408, %mul3A_514 : i32
      %add3A_516 = arith.constant 4 : i32
      %add3A_517 = arith.addi %mul3A_515, %add3A_516 : i32
      %dma_wait3A_518 = arith.constant 4 : i32
      %dma_wait3A_519 = arith.constant 0 : i32
      %dma_wait3A_520 = arith.constant 0 : i32
      %dma_wait3A_521 = tpu.memref_slice %arg7[%dma_wait3A_518, %dma_wait3A_519, %dma_wait3A_520] : memref<8x125x48xf32, #tpu.memory_space<vmem>> -> memref<1x125x48xf32, #tpu.memory_space<vmem>>
      %dma_wait3A_522 = tpu.memref_squeeze %dma_wait3A_521 : memref<1x125x48xf32, #tpu.memory_space<vmem>> -> memref<125x48xf32, #tpu.memory_space<vmem>>
      %dma_wait3A_523 = arith.constant 0 : i32
      %dma_wait3A_524 = tpu.memref_slice %arg5[%add3A_517, %dma_wait3A_523] : memref<80x125xi32, #tpu.memory_space<vmem>> -> memref<1x125xi32, #tpu.memory_space<vmem>>
      %dma_wait3A_525 = tpu.memref_squeeze %dma_wait3A_524 : memref<1x125xi32, #tpu.memory_space<vmem>> -> memref<125xi32, #tpu.memory_space<vmem>>
      %dma_wait3A_526 = arith.constant 0 : i32
      %dma_wait3A_527 = arith.constant 0 : i32
      %dma_wait3A_528 = tpu.memref_slice %arg3[%dma_wait3A_526, %dma_wait3A_527] : memref<10240x48xf32, #tpu.memory_space<hbm>> -> memref<10240x48xf32, #tpu.memory_space<hbm>>
      tpu.wait_indirect_dma semaphore(%arg14 : memref<!tpu.dma_semaphore, #tpu.memory_space<semaphore_mem>>) src(%dma_wait3A_528 : memref<10240x48xf32, #tpu.memory_space<hbm>>) dst(%dma_wait3A_522 : memref<125x48xf32, #tpu.memory_space<vmem>>)
      %dma_start3A_529 = arith.constant 4 : i32
      %dma_start3A_530 = arith.constant 0 : i32
      %dma_start3A_531 = arith.constant 0 : i32
      %dma_start3A_532 = tpu.memref_slice %arg7[%dma_start3A_529, %dma_start3A_530, %dma_start3A_531] : memref<8x125x48xf32, #tpu.memory_space<vmem>> -> memref<1x125x48xf32, #tpu.memory_space<vmem>>
      %dma_start3A_533 = tpu.memref_squeeze %dma_start3A_532 : memref<1x125x48xf32, #tpu.memory_space<vmem>> -> memref<125x48xf32, #tpu.memory_space<vmem>>
      %dma_start3A_534 = arith.constant 0 : i32
      %dma_start3A_535 = tpu.memref_slice %arg6[%add3A_517, %dma_start3A_534] : memref<80x125xi32, #tpu.memory_space<vmem>> -> memref<1x125xi32, #tpu.memory_space<vmem>>
      %dma_start3A_536 = tpu.memref_squeeze %dma_start3A_535 : memref<1x125xi32, #tpu.memory_space<vmem>> -> memref<125xi32, #tpu.memory_space<vmem>>
      %dma_start3A_537 = arith.constant 0 : i32
      %dma_start3A_538 = arith.constant 0 : i32
      %dma_start3A_539 = tpu.memref_slice %arg9[%dma_start3A_537, %dma_start3A_538] : memref<10240x48xf32, #tpu.memory_space<vmem_shared>> -> memref<10240x48xf32, #tpu.memory_space<vmem_shared>>
      tpu.enqueue_indirect_dma source(%dma_start3A_533 : memref<125x48xf32, #tpu.memory_space<vmem>>) target(%dma_start3A_539 : memref<10240x48xf32, #tpu.memory_space<vmem_shared>>) offsets(%dma_start3A_536 : memref<125xi32, #tpu.memory_space<vmem>>) semaphore(%arg22 : memref<!tpu.dma_semaphore, #tpu.memory_space<semaphore_mem>>) {add = true}
      %mul3A_540 = arith.constant 8 : i32
      %mul3A_541 = arith.muli %scan3A_408, %mul3A_540 : i32
      %add3A_542 = arith.constant 5 : i32
      %add3A_543 = arith.addi %mul3A_541, %add3A_542 : i32
      %dma_wait3A_544 = arith.constant 5 : i32
      %dma_wait3A_545 = arith.constant 0 : i32
      %dma_wait3A_546 = arith.constant 0 : i32
      %dma_wait3A_547 = tpu.memref_slice %arg7[%dma_wait3A_544, %dma_wait3A_545, %dma_wait3A_546] : memref<8x125x48xf32, #tpu.memory_space<vmem>> -> memref<1x125x48xf32, #tpu.memory_space<vmem>>
      %dma_wait3A_548 = tpu.memref_squeeze %dma_wait3A_547 : memref<1x125x48xf32, #tpu.memory_space<vmem>> -> memref<125x48xf32, #tpu.memory_space<vmem>>
      %dma_wait3A_549 = arith.constant 0 : i32
      %dma_wait3A_550 = tpu.memref_slice %arg5[%add3A_543, %dma_wait3A_549] : memref<80x125xi32, #tpu.memory_space<vmem>> -> memref<1x125xi32, #tpu.memory_space<vmem>>
      %dma_wait3A_551 = tpu.memref_squeeze %dma_wait3A_550 : memref<1x125xi32, #tpu.memory_space<vmem>> -> memref<125xi32, #tpu.memory_space<vmem>>
      %dma_wait3A_552 = arith.constant 0 : i32
      %dma_wait3A_553 = arith.constant 0 : i32
      %dma_wait3A_554 = tpu.memref_slice %arg3[%dma_wait3A_552, %dma_wait3A_553] : memref<10240x48xf32, #tpu.memory_space<hbm>> -> memref<10240x48xf32, #tpu.memory_space<hbm>>
      tpu.wait_indirect_dma semaphore(%arg15 : memref<!tpu.dma_semaphore, #tpu.memory_space<semaphore_mem>>) src(%dma_wait3A_554 : memref<10240x48xf32, #tpu.memory_space<hbm>>) dst(%dma_wait3A_548 : memref<125x48xf32, #tpu.memory_space<vmem>>)
      %dma_start3A_555 = arith.constant 5 : i32
      %dma_start3A_556 = arith.constant 0 : i32
      %dma_start3A_557 = arith.constant 0 : i32
      %dma_start3A_558 = tpu.memref_slice %arg7[%dma_start3A_555, %dma_start3A_556, %dma_start3A_557] : memref<8x125x48xf32, #tpu.memory_space<vmem>> -> memref<1x125x48xf32, #tpu.memory_space<vmem>>
      %dma_start3A_559 = tpu.memref_squeeze %dma_start3A_558 : memref<1x125x48xf32, #tpu.memory_space<vmem>> -> memref<125x48xf32, #tpu.memory_space<vmem>>
      %dma_start3A_560 = arith.constant 0 : i32
      %dma_start3A_561 = tpu.memref_slice %arg6[%add3A_543, %dma_start3A_560] : memref<80x125xi32, #tpu.memory_space<vmem>> -> memref<1x125xi32, #tpu.memory_space<vmem>>
      %dma_start3A_562 = tpu.memref_squeeze %dma_start3A_561 : memref<1x125xi32, #tpu.memory_space<vmem>> -> memref<125xi32, #tpu.memory_space<vmem>>
      %dma_start3A_563 = arith.constant 0 : i32
      %dma_start3A_564 = arith.constant 0 : i32
      %dma_start3A_565 = tpu.memref_slice %arg9[%dma_start3A_563, %dma_start3A_564] : memref<10240x48xf32, #tpu.memory_space<vmem_shared>> -> memref<10240x48xf32, #tpu.memory_space<vmem_shared>>
      tpu.enqueue_indirect_dma source(%dma_start3A_559 : memref<125x48xf32, #tpu.memory_space<vmem>>) target(%dma_start3A_565 : memref<10240x48xf32, #tpu.memory_space<vmem_shared>>) offsets(%dma_start3A_562 : memref<125xi32, #tpu.memory_space<vmem>>) semaphore(%arg23 : memref<!tpu.dma_semaphore, #tpu.memory_space<semaphore_mem>>) {add = true}
      %mul3A_566 = arith.constant 8 : i32
      %mul3A_567 = arith.muli %scan3A_408, %mul3A_566 : i32
      %add3A_568 = arith.constant 6 : i32
      %add3A_569 = arith.addi %mul3A_567, %add3A_568 : i32
      %dma_wait3A_570 = arith.constant 6 : i32
      %dma_wait3A_571 = arith.constant 0 : i32
      %dma_wait3A_572 = arith.constant 0 : i32
      %dma_wait3A_573 = tpu.memref_slice %arg7[%dma_wait3A_570, %dma_wait3A_571, %dma_wait3A_572] : memref<8x125x48xf32, #tpu.memory_space<vmem>> -> memref<1x125x48xf32, #tpu.memory_space<vmem>>
      %dma_wait3A_574 = tpu.memref_squeeze %dma_wait3A_573 : memref<1x125x48xf32, #tpu.memory_space<vmem>> -> memref<125x48xf32, #tpu.memory_space<vmem>>
      %dma_wait3A_575 = arith.constant 0 : i32
      %dma_wait3A_576 = tpu.memref_slice %arg5[%add3A_569, %dma_wait3A_575] : memref<80x125xi32, #tpu.memory_space<vmem>> -> memref<1x125xi32, #tpu.memory_space<vmem>>
      %dma_wait3A_577 = tpu.memref_squeeze %dma_wait3A_576 : memref<1x125xi32, #tpu.memory_space<vmem>> -> memref<125xi32, #tpu.memory_space<vmem>>
      %dma_wait3A_578 = arith.constant 0 : i32
      %dma_wait3A_579 = arith.constant 0 : i32
      %dma_wait3A_580 = tpu.memref_slice %arg3[%dma_wait3A_578, %dma_wait3A_579] : memref<10240x48xf32, #tpu.memory_space<hbm>> -> memref<10240x48xf32, #tpu.memory_space<hbm>>
      tpu.wait_indirect_dma semaphore(%arg16 : memref<!tpu.dma_semaphore, #tpu.memory_space<semaphore_mem>>) src(%dma_wait3A_580 : memref<10240x48xf32, #tpu.memory_space<hbm>>) dst(%dma_wait3A_574 : memref<125x48xf32, #tpu.memory_space<vmem>>)
      %dma_start3A_581 = arith.constant 6 : i32
      %dma_start3A_582 = arith.constant 0 : i32
      %dma_start3A_583 = arith.constant 0 : i32
      %dma_start3A_584 = tpu.memref_slice %arg7[%dma_start3A_581, %dma_start3A_582, %dma_start3A_583] : memref<8x125x48xf32, #tpu.memory_space<vmem>> -> memref<1x125x48xf32, #tpu.memory_space<vmem>>
      %dma_start3A_585 = tpu.memref_squeeze %dma_start3A_584 : memref<1x125x48xf32, #tpu.memory_space<vmem>> -> memref<125x48xf32, #tpu.memory_space<vmem>>
      %dma_start3A_586 = arith.constant 0 : i32
      %dma_start3A_587 = tpu.memref_slice %arg6[%add3A_569, %dma_start3A_586] : memref<80x125xi32, #tpu.memory_space<vmem>> -> memref<1x125xi32, #tpu.memory_space<vmem>>
      %dma_start3A_588 = tpu.memref_squeeze %dma_start3A_587 : memref<1x125xi32, #tpu.memory_space<vmem>> -> memref<125xi32, #tpu.memory_space<vmem>>
      %dma_start3A_589 = arith.constant 0 : i32
      %dma_start3A_590 = arith.constant 0 : i32
      %dma_start3A_591 = tpu.memref_slice %arg9[%dma_start3A_589, %dma_start3A_590] : memref<10240x48xf32, #tpu.memory_space<vmem_shared>> -> memref<10240x48xf32, #tpu.memory_space<vmem_shared>>
      tpu.enqueue_indirect_dma source(%dma_start3A_585 : memref<125x48xf32, #tpu.memory_space<vmem>>) target(%dma_start3A_591 : memref<10240x48xf32, #tpu.memory_space<vmem_shared>>) offsets(%dma_start3A_588 : memref<125xi32, #tpu.memory_space<vmem>>) semaphore(%arg24 : memref<!tpu.dma_semaphore, #tpu.memory_space<semaphore_mem>>) {add = true}
      %mul3A_592 = arith.constant 8 : i32
      %mul3A_593 = arith.muli %scan3A_408, %mul3A_592 : i32
      %add3A_594 = arith.constant 7 : i32
      %add3A_595 = arith.addi %mul3A_593, %add3A_594 : i32
      %dma_wait3A_596 = arith.constant 7 : i32
      %dma_wait3A_597 = arith.constant 0 : i32
      %dma_wait3A_598 = arith.constant 0 : i32
      %dma_wait3A_599 = tpu.memref_slice %arg7[%dma_wait3A_596, %dma_wait3A_597, %dma_wait3A_598] : memref<8x125x48xf32, #tpu.memory_space<vmem>> -> memref<1x125x48xf32, #tpu.memory_space<vmem>>
      %dma_wait3A_600 = tpu.memref_squeeze %dma_wait3A_599 : memref<1x125x48xf32, #tpu.memory_space<vmem>> -> memref<125x48xf32, #tpu.memory_space<vmem>>
      %dma_wait3A_601 = arith.constant 0 : i32
      %dma_wait3A_602 = tpu.memref_slice %arg5[%add3A_595, %dma_wait3A_601] : memref<80x125xi32, #tpu.memory_space<vmem>> -> memref<1x125xi32, #tpu.memory_space<vmem>>
      %dma_wait3A_603 = tpu.memref_squeeze %dma_wait3A_602 : memref<1x125xi32, #tpu.memory_space<vmem>> -> memref<125xi32, #tpu.memory_space<vmem>>
      %dma_wait3A_604 = arith.constant 0 : i32
      %dma_wait3A_605 = arith.constant 0 : i32
      %dma_wait3A_606 = tpu.memref_slice %arg3[%dma_wait3A_604, %dma_wait3A_605] : memref<10240x48xf32, #tpu.memory_space<hbm>> -> memref<10240x48xf32, #tpu.memory_space<hbm>>
      tpu.wait_indirect_dma semaphore(%arg17 : memref<!tpu.dma_semaphore, #tpu.memory_space<semaphore_mem>>) src(%dma_wait3A_606 : memref<10240x48xf32, #tpu.memory_space<hbm>>) dst(%dma_wait3A_600 : memref<125x48xf32, #tpu.memory_space<vmem>>)
      %dma_start3A_607 = arith.constant 7 : i32
      %dma_start3A_608 = arith.constant 0 : i32
      %dma_start3A_609 = arith.constant 0 : i32
      %dma_start3A_610 = tpu.memref_slice %arg7[%dma_start3A_607, %dma_start3A_608, %dma_start3A_609] : memref<8x125x48xf32, #tpu.memory_space<vmem>> -> memref<1x125x48xf32, #tpu.memory_space<vmem>>
      %dma_start3A_611 = tpu.memref_squeeze %dma_start3A_610 : memref<1x125x48xf32, #tpu.memory_space<vmem>> -> memref<125x48xf32, #tpu.memory_space<vmem>>
      %dma_start3A_612 = arith.constant 0 : i32
      %dma_start3A_613 = tpu.memref_slice %arg6[%add3A_595, %dma_start3A_612] : memref<80x125xi32, #tpu.memory_space<vmem>> -> memref<1x125xi32, #tpu.memory_space<vmem>>
      %dma_start3A_614 = tpu.memref_squeeze %dma_start3A_613 : memref<1x125xi32, #tpu.memory_space<vmem>> -> memref<125xi32, #tpu.memory_space<vmem>>
      %dma_start3A_615 = arith.constant 0 : i32
      %dma_start3A_616 = arith.constant 0 : i32
      %dma_start3A_617 = tpu.memref_slice %arg9[%dma_start3A_615, %dma_start3A_616] : memref<10240x48xf32, #tpu.memory_space<vmem_shared>> -> memref<10240x48xf32, #tpu.memory_space<vmem_shared>>
      tpu.enqueue_indirect_dma source(%dma_start3A_611 : memref<125x48xf32, #tpu.memory_space<vmem>>) target(%dma_start3A_617 : memref<10240x48xf32, #tpu.memory_space<vmem_shared>>) offsets(%dma_start3A_614 : memref<125xi32, #tpu.memory_space<vmem>>) semaphore(%arg25 : memref<!tpu.dma_semaphore, #tpu.memory_space<semaphore_mem>>) {add = true}
      %mul3A_618 = arith.constant 8 : i32
      %mul3A_619 = arith.muli %scan3A_408, %mul3A_618 : i32
      %add3A_620 = arith.constant 0 : i32
      %add3A_621 = arith.addi %mul3A_619, %add3A_620 : i32
      %add3A_622 = arith.constant 8 : i32
      %add3A_623 = arith.addi %add3A_621, %add3A_622 : i32
      %dma_wait3A_624 = arith.constant 0 : i32
      %dma_wait3A_625 = arith.constant 0 : i32
      %dma_wait3A_626 = arith.constant 0 : i32
      %dma_wait3A_627 = tpu.memref_slice %arg7[%dma_wait3A_624, %dma_wait3A_625, %dma_wait3A_626] : memref<8x125x48xf32, #tpu.memory_space<vmem>> -> memref<1x125x48xf32, #tpu.memory_space<vmem>>
      %dma_wait3A_628 = tpu.memref_squeeze %dma_wait3A_627 : memref<1x125x48xf32, #tpu.memory_space<vmem>> -> memref<125x48xf32, #tpu.memory_space<vmem>>
      %dma_wait3A_629 = arith.constant 0 : i32
      %dma_wait3A_630 = tpu.memref_slice %arg6[%add3A_621, %dma_wait3A_629] : memref<80x125xi32, #tpu.memory_space<vmem>> -> memref<1x125xi32, #tpu.memory_space<vmem>>
      %dma_wait3A_631 = tpu.memref_squeeze %dma_wait3A_630 : memref<1x125xi32, #tpu.memory_space<vmem>> -> memref<125xi32, #tpu.memory_space<vmem>>
      %dma_wait3A_632 = arith.constant 0 : i32
      %dma_wait3A_633 = arith.constant 0 : i32
      %dma_wait3A_634 = tpu.memref_slice %arg9[%dma_wait3A_632, %dma_wait3A_633] : memref<10240x48xf32, #tpu.memory_space<vmem_shared>> -> memref<10240x48xf32, #tpu.memory_space<vmem_shared>>
      tpu.wait_indirect_dma semaphore(%arg18 : memref<!tpu.dma_semaphore, #tpu.memory_space<semaphore_mem>>) src(%dma_wait3A_628 : memref<125x48xf32, #tpu.memory_space<vmem>>) dst(%dma_wait3A_634 : memref<10240x48xf32, #tpu.memory_space<vmem_shared>>)
      %dma_start3A_635 = arith.constant 0 : i32
      %dma_start3A_636 = arith.constant 0 : i32
      %dma_start3A_637 = arith.constant 0 : i32
      %dma_start3A_638 = tpu.memref_slice %arg7[%dma_start3A_635, %dma_start3A_636, %dma_start3A_637] : memref<8x125x48xf32, #tpu.memory_space<vmem>> -> memref<1x125x48xf32, #tpu.memory_space<vmem>>
      %dma_start3A_639 = tpu.memref_squeeze %dma_start3A_638 : memref<1x125x48xf32, #tpu.memory_space<vmem>> -> memref<125x48xf32, #tpu.memory_space<vmem>>
      %dma_start3A_640 = arith.constant 0 : i32
      %dma_start3A_641 = tpu.memref_slice %arg5[%add3A_623, %dma_start3A_640] : memref<80x125xi32, #tpu.memory_space<vmem>> -> memref<1x125xi32, #tpu.memory_space<vmem>>
      %dma_start3A_642 = tpu.memref_squeeze %dma_start3A_641 : memref<1x125xi32, #tpu.memory_space<vmem>> -> memref<125xi32, #tpu.memory_space<vmem>>
      %dma_start3A_643 = arith.constant 0 : i32
      %dma_start3A_644 = arith.constant 0 : i32
      %dma_start3A_645 = tpu.memref_slice %arg3[%dma_start3A_643, %dma_start3A_644] : memref<10240x48xf32, #tpu.memory_space<hbm>> -> memref<10240x48xf32, #tpu.memory_space<hbm>>
      tpu.enqueue_indirect_dma source(%dma_start3A_645 : memref<10240x48xf32, #tpu.memory_space<hbm>>) target(%dma_start3A_639 : memref<125x48xf32, #tpu.memory_space<vmem>>) offsets(%dma_start3A_642 : memref<125xi32, #tpu.memory_space<vmem>>) semaphore(%arg10 : memref<!tpu.dma_semaphore, #tpu.memory_space<semaphore_mem>>)
      %mul3A_646 = arith.constant 8 : i32
      %mul3A_647 = arith.muli %scan3A_408, %mul3A_646 : i32
      %add3A_648 = arith.constant 1 : i32
      %add3A_649 = arith.addi %mul3A_647, %add3A_648 : i32
      %add3A_650 = arith.constant 8 : i32
      %add3A_651 = arith.addi %add3A_649, %add3A_650 : i32
      %dma_wait3A_652 = arith.constant 1 : i32
      %dma_wait3A_653 = arith.constant 0 : i32
      %dma_wait3A_654 = arith.constant 0 : i32
      %dma_wait3A_655 = tpu.memref_slice %arg7[%dma_wait3A_652, %dma_wait3A_653, %dma_wait3A_654] : memref<8x125x48xf32, #tpu.memory_space<vmem>> -> memref<1x125x48xf32, #tpu.memory_space<vmem>>
      %dma_wait3A_656 = tpu.memref_squeeze %dma_wait3A_655 : memref<1x125x48xf32, #tpu.memory_space<vmem>> -> memref<125x48xf32, #tpu.memory_space<vmem>>
      %dma_wait3A_657 = arith.constant 0 : i32
      %dma_wait3A_658 = tpu.memref_slice %arg6[%add3A_649, %dma_wait3A_657] : memref<80x125xi32, #tpu.memory_space<vmem>> -> memref<1x125xi32, #tpu.memory_space<vmem>>
      %dma_wait3A_659 = tpu.memref_squeeze %dma_wait3A_658 : memref<1x125xi32, #tpu.memory_space<vmem>> -> memref<125xi32, #tpu.memory_space<vmem>>
      %dma_wait3A_660 = arith.constant 0 : i32
      %dma_wait3A_661 = arith.constant 0 : i32
      %dma_wait3A_662 = tpu.memref_slice %arg9[%dma_wait3A_660, %dma_wait3A_661] : memref<10240x48xf32, #tpu.memory_space<vmem_shared>> -> memref<10240x48xf32, #tpu.memory_space<vmem_shared>>
      tpu.wait_indirect_dma semaphore(%arg19 : memref<!tpu.dma_semaphore, #tpu.memory_space<semaphore_mem>>) src(%dma_wait3A_656 : memref<125x48xf32, #tpu.memory_space<vmem>>) dst(%dma_wait3A_662 : memref<10240x48xf32, #tpu.memory_space<vmem_shared>>)
      %dma_start3A_663 = arith.constant 1 : i32
      %dma_start3A_664 = arith.constant 0 : i32
      %dma_start3A_665 = arith.constant 0 : i32
      %dma_start3A_666 = tpu.memref_slice %arg7[%dma_start3A_663, %dma_start3A_664, %dma_start3A_665] : memref<8x125x48xf32, #tpu.memory_space<vmem>> -> memref<1x125x48xf32, #tpu.memory_space<vmem>>
      %dma_start3A_667 = tpu.memref_squeeze %dma_start3A_666 : memref<1x125x48xf32, #tpu.memory_space<vmem>> -> memref<125x48xf32, #tpu.memory_space<vmem>>
      %dma_start3A_668 = arith.constant 0 : i32
      %dma_start3A_669 = tpu.memref_slice %arg5[%add3A_651, %dma_start3A_668] : memref<80x125xi32, #tpu.memory_space<vmem>> -> memref<1x125xi32, #tpu.memory_space<vmem>>
      %dma_start3A_670 = tpu.memref_squeeze %dma_start3A_669 : memref<1x125xi32, #tpu.memory_space<vmem>> -> memref<125xi32, #tpu.memory_space<vmem>>
      %dma_start3A_671 = arith.constant 0 : i32
      %dma_start3A_672 = arith.constant 0 : i32
      %dma_start3A_673 = tpu.memref_slice %arg3[%dma_start3A_671, %dma_start3A_672] : memref<10240x48xf32, #tpu.memory_space<hbm>> -> memref<10240x48xf32, #tpu.memory_space<hbm>>
      tpu.enqueue_indirect_dma source(%dma_start3A_673 : memref<10240x48xf32, #tpu.memory_space<hbm>>) target(%dma_start3A_667 : memref<125x48xf32, #tpu.memory_space<vmem>>) offsets(%dma_start3A_670 : memref<125xi32, #tpu.memory_space<vmem>>) semaphore(%arg11 : memref<!tpu.dma_semaphore, #tpu.memory_space<semaphore_mem>>)
      %mul3A_674 = arith.constant 8 : i32
      %mul3A_675 = arith.muli %scan3A_408, %mul3A_674 : i32
      %add3A_676 = arith.constant 2 : i32
      %add3A_677 = arith.addi %mul3A_675, %add3A_676 : i32
      %add3A_678 = arith.constant 8 : i32
      %add3A_679 = arith.addi %add3A_677, %add3A_678 : i32
      %dma_wait3A_680 = arith.constant 2 : i32
      %dma_wait3A_681 = arith.constant 0 : i32
      %dma_wait3A_682 = arith.constant 0 : i32
      %dma_wait3A_683 = tpu.memref_slice %arg7[%dma_wait3A_680, %dma_wait3A_681, %dma_wait3A_682] : memref<8x125x48xf32, #tpu.memory_space<vmem>> -> memref<1x125x48xf32, #tpu.memory_space<vmem>>
      %dma_wait3A_684 = tpu.memref_squeeze %dma_wait3A_683 : memref<1x125x48xf32, #tpu.memory_space<vmem>> -> memref<125x48xf32, #tpu.memory_space<vmem>>
      %dma_wait3A_685 = arith.constant 0 : i32
      %dma_wait3A_686 = tpu.memref_slice %arg6[%add3A_677, %dma_wait3A_685] : memref<80x125xi32, #tpu.memory_space<vmem>> -> memref<1x125xi32, #tpu.memory_space<vmem>>
      %dma_wait3A_687 = tpu.memref_squeeze %dma_wait3A_686 : memref<1x125xi32, #tpu.memory_space<vmem>> -> memref<125xi32, #tpu.memory_space<vmem>>
      %dma_wait3A_688 = arith.constant 0 : i32
      %dma_wait3A_689 = arith.constant 0 : i32
      %dma_wait3A_690 = tpu.memref_slice %arg9[%dma_wait3A_688, %dma_wait3A_689] : memref<10240x48xf32, #tpu.memory_space<vmem_shared>> -> memref<10240x48xf32, #tpu.memory_space<vmem_shared>>
      tpu.wait_indirect_dma semaphore(%arg20 : memref<!tpu.dma_semaphore, #tpu.memory_space<semaphore_mem>>) src(%dma_wait3A_684 : memref<125x48xf32, #tpu.memory_space<vmem>>) dst(%dma_wait3A_690 : memref<10240x48xf32, #tpu.memory_space<vmem_shared>>)
      %dma_start3A_691 = arith.constant 2 : i32
      %dma_start3A_692 = arith.constant 0 : i32
      %dma_start3A_693 = arith.constant 0 : i32
      %dma_start3A_694 = tpu.memref_slice %arg7[%dma_start3A_691, %dma_start3A_692, %dma_start3A_693] : memref<8x125x48xf32, #tpu.memory_space<vmem>> -> memref<1x125x48xf32, #tpu.memory_space<vmem>>
      %dma_start3A_695 = tpu.memref_squeeze %dma_start3A_694 : memref<1x125x48xf32, #tpu.memory_space<vmem>> -> memref<125x48xf32, #tpu.memory_space<vmem>>
      %dma_start3A_696 = arith.constant 0 : i32
      %dma_start3A_697 = tpu.memref_slice %arg5[%add3A_679, %dma_start3A_696] : memref<80x125xi32, #tpu.memory_space<vmem>> -> memref<1x125xi32, #tpu.memory_space<vmem>>
      %dma_start3A_698 = tpu.memref_squeeze %dma_start3A_697 : memref<1x125xi32, #tpu.memory_space<vmem>> -> memref<125xi32, #tpu.memory_space<vmem>>
      %dma_start3A_699 = arith.constant 0 : i32
      %dma_start3A_700 = arith.constant 0 : i32
      %dma_start3A_701 = tpu.memref_slice %arg3[%dma_start3A_699, %dma_start3A_700] : memref<10240x48xf32, #tpu.memory_space<hbm>> -> memref<10240x48xf32, #tpu.memory_space<hbm>>
      tpu.enqueue_indirect_dma source(%dma_start3A_701 : memref<10240x48xf32, #tpu.memory_space<hbm>>) target(%dma_start3A_695 : memref<125x48xf32, #tpu.memory_space<vmem>>) offsets(%dma_start3A_698 : memref<125xi32, #tpu.memory_space<vmem>>) semaphore(%arg12 : memref<!tpu.dma_semaphore, #tpu.memory_space<semaphore_mem>>)
      %mul3A_702 = arith.constant 8 : i32
      %mul3A_703 = arith.muli %scan3A_408, %mul3A_702 : i32
      %add3A_704 = arith.constant 3 : i32
      %add3A_705 = arith.addi %mul3A_703, %add3A_704 : i32
      %add3A_706 = arith.constant 8 : i32
      %add3A_707 = arith.addi %add3A_705, %add3A_706 : i32
      %dma_wait3A_708 = arith.constant 3 : i32
      %dma_wait3A_709 = arith.constant 0 : i32
      %dma_wait3A_710 = arith.constant 0 : i32
      %dma_wait3A_711 = tpu.memref_slice %arg7[%dma_wait3A_708, %dma_wait3A_709, %dma_wait3A_710] : memref<8x125x48xf32, #tpu.memory_space<vmem>> -> memref<1x125x48xf32, #tpu.memory_space<vmem>>
      %dma_wait3A_712 = tpu.memref_squeeze %dma_wait3A_711 : memref<1x125x48xf32, #tpu.memory_space<vmem>> -> memref<125x48xf32, #tpu.memory_space<vmem>>
      %dma_wait3A_713 = arith.constant 0 : i32
      %dma_wait3A_714 = tpu.memref_slice %arg6[%add3A_705, %dma_wait3A_713] : memref<80x125xi32, #tpu.memory_space<vmem>> -> memref<1x125xi32, #tpu.memory_space<vmem>>
      %dma_wait3A_715 = tpu.memref_squeeze %dma_wait3A_714 : memref<1x125xi32, #tpu.memory_space<vmem>> -> memref<125xi32, #tpu.memory_space<vmem>>
      %dma_wait3A_716 = arith.constant 0 : i32
      %dma_wait3A_717 = arith.constant 0 : i32
      %dma_wait3A_718 = tpu.memref_slice %arg9[%dma_wait3A_716, %dma_wait3A_717] : memref<10240x48xf32, #tpu.memory_space<vmem_shared>> -> memref<10240x48xf32, #tpu.memory_space<vmem_shared>>
      tpu.wait_indirect_dma semaphore(%arg21 : memref<!tpu.dma_semaphore, #tpu.memory_space<semaphore_mem>>) src(%dma_wait3A_712 : memref<125x48xf32, #tpu.memory_space<vmem>>) dst(%dma_wait3A_718 : memref<10240x48xf32, #tpu.memory_space<vmem_shared>>)
      %dma_start3A_719 = arith.constant 3 : i32
      %dma_start3A_720 = arith.constant 0 : i32
      %dma_start3A_721 = arith.constant 0 : i32
      %dma_start3A_722 = tpu.memref_slice %arg7[%dma_start3A_719, %dma_start3A_720, %dma_start3A_721] : memref<8x125x48xf32, #tpu.memory_space<vmem>> -> memref<1x125x48xf32, #tpu.memory_space<vmem>>
      %dma_start3A_723 = tpu.memref_squeeze %dma_start3A_722 : memref<1x125x48xf32, #tpu.memory_space<vmem>> -> memref<125x48xf32, #tpu.memory_space<vmem>>
      %dma_start3A_724 = arith.constant 0 : i32
      %dma_start3A_725 = tpu.memref_slice %arg5[%add3A_707, %dma_start3A_724] : memref<80x125xi32, #tpu.memory_space<vmem>> -> memref<1x125xi32, #tpu.memory_space<vmem>>
      %dma_start3A_726 = tpu.memref_squeeze %dma_start3A_725 : memref<1x125xi32, #tpu.memory_space<vmem>> -> memref<125xi32, #tpu.memory_space<vmem>>
      %dma_start3A_727 = arith.constant 0 : i32
      %dma_start3A_728 = arith.constant 0 : i32
      %dma_start3A_729 = tpu.memref_slice %arg3[%dma_start3A_727, %dma_start3A_728] : memref<10240x48xf32, #tpu.memory_space<hbm>> -> memref<10240x48xf32, #tpu.memory_space<hbm>>
      tpu.enqueue_indirect_dma source(%dma_start3A_729 : memref<10240x48xf32, #tpu.memory_space<hbm>>) target(%dma_start3A_723 : memref<125x48xf32, #tpu.memory_space<vmem>>) offsets(%dma_start3A_726 : memref<125xi32, #tpu.memory_space<vmem>>) semaphore(%arg13 : memref<!tpu.dma_semaphore, #tpu.memory_space<semaphore_mem>>)
      %mul3A_730 = arith.constant 8 : i32
      %mul3A_731 = arith.muli %scan3A_408, %mul3A_730 : i32
      %add3A_732 = arith.constant 4 : i32
      %add3A_733 = arith.addi %mul3A_731, %add3A_732 : i32
      %add3A_734 = arith.constant 8 : i32
      %add3A_735 = arith.addi %add3A_733, %add3A_734 : i32
      %dma_wait3A_736 = arith.constant 4 : i32
      %dma_wait3A_737 = arith.constant 0 : i32
      %dma_wait3A_738 = arith.constant 0 : i32
      %dma_wait3A_739 = tpu.memref_slice %arg7[%dma_wait3A_736, %dma_wait3A_737, %dma_wait3A_738] : memref<8x125x48xf32, #tpu.memory_space<vmem>> -> memref<1x125x48xf32, #tpu.memory_space<vmem>>
      %dma_wait3A_740 = tpu.memref_squeeze %dma_wait3A_739 : memref<1x125x48xf32, #tpu.memory_space<vmem>> -> memref<125x48xf32, #tpu.memory_space<vmem>>
      %dma_wait3A_741 = arith.constant 0 : i32
      %dma_wait3A_742 = tpu.memref_slice %arg6[%add3A_733, %dma_wait3A_741] : memref<80x125xi32, #tpu.memory_space<vmem>> -> memref<1x125xi32, #tpu.memory_space<vmem>>
      %dma_wait3A_743 = tpu.memref_squeeze %dma_wait3A_742 : memref<1x125xi32, #tpu.memory_space<vmem>> -> memref<125xi32, #tpu.memory_space<vmem>>
      %dma_wait3A_744 = arith.constant 0 : i32
      %dma_wait3A_745 = arith.constant 0 : i32
      %dma_wait3A_746 = tpu.memref_slice %arg9[%dma_wait3A_744, %dma_wait3A_745] : memref<10240x48xf32, #tpu.memory_space<vmem_shared>> -> memref<10240x48xf32, #tpu.memory_space<vmem_shared>>
      tpu.wait_indirect_dma semaphore(%arg22 : memref<!tpu.dma_semaphore, #tpu.memory_space<semaphore_mem>>) src(%dma_wait3A_740 : memref<125x48xf32, #tpu.memory_space<vmem>>) dst(%dma_wait3A_746 : memref<10240x48xf32, #tpu.memory_space<vmem_shared>>)
      %dma_start3A_747 = arith.constant 4 : i32
      %dma_start3A_748 = arith.constant 0 : i32
      %dma_start3A_749 = arith.constant 0 : i32
      %dma_start3A_750 = tpu.memref_slice %arg7[%dma_start3A_747, %dma_start3A_748, %dma_start3A_749] : memref<8x125x48xf32, #tpu.memory_space<vmem>> -> memref<1x125x48xf32, #tpu.memory_space<vmem>>
      %dma_start3A_751 = tpu.memref_squeeze %dma_start3A_750 : memref<1x125x48xf32, #tpu.memory_space<vmem>> -> memref<125x48xf32, #tpu.memory_space<vmem>>
      %dma_start3A_752 = arith.constant 0 : i32
      %dma_start3A_753 = tpu.memref_slice %arg5[%add3A_735, %dma_start3A_752] : memref<80x125xi32, #tpu.memory_space<vmem>> -> memref<1x125xi32, #tpu.memory_space<vmem>>
      %dma_start3A_754 = tpu.memref_squeeze %dma_start3A_753 : memref<1x125xi32, #tpu.memory_space<vmem>> -> memref<125xi32, #tpu.memory_space<vmem>>
      %dma_start3A_755 = arith.constant 0 : i32
      %dma_start3A_756 = arith.constant 0 : i32
      %dma_start3A_757 = tpu.memref_slice %arg3[%dma_start3A_755, %dma_start3A_756] : memref<10240x48xf32, #tpu.memory_space<hbm>> -> memref<10240x48xf32, #tpu.memory_space<hbm>>
      tpu.enqueue_indirect_dma source(%dma_start3A_757 : memref<10240x48xf32, #tpu.memory_space<hbm>>) target(%dma_start3A_751 : memref<125x48xf32, #tpu.memory_space<vmem>>) offsets(%dma_start3A_754 : memref<125xi32, #tpu.memory_space<vmem>>) semaphore(%arg14 : memref<!tpu.dma_semaphore, #tpu.memory_space<semaphore_mem>>)
      %mul3A_758 = arith.constant 8 : i32
      %mul3A_759 = arith.muli %scan3A_408, %mul3A_758 : i32
      %add3A_760 = arith.constant 5 : i32
      %add3A_761 = arith.addi %mul3A_759, %add3A_760 : i32
      %add3A_762 = arith.constant 8 : i32
      %add3A_763 = arith.addi %add3A_761, %add3A_762 : i32
      %dma_wait3A_764 = arith.constant 5 : i32
      %dma_wait3A_765 = arith.constant 0 : i32
      %dma_wait3A_766 = arith.constant 0 : i32
      %dma_wait3A_767 = tpu.memref_slice %arg7[%dma_wait3A_764, %dma_wait3A_765, %dma_wait3A_766] : memref<8x125x48xf32, #tpu.memory_space<vmem>> -> memref<1x125x48xf32, #tpu.memory_space<vmem>>
      %dma_wait3A_768 = tpu.memref_squeeze %dma_wait3A_767 : memref<1x125x48xf32, #tpu.memory_space<vmem>> -> memref<125x48xf32, #tpu.memory_space<vmem>>
      %dma_wait3A_769 = arith.constant 0 : i32
      %dma_wait3A_770 = tpu.memref_slice %arg6[%add3A_761, %dma_wait3A_769] : memref<80x125xi32, #tpu.memory_space<vmem>> -> memref<1x125xi32, #tpu.memory_space<vmem>>
      %dma_wait3A_771 = tpu.memref_squeeze %dma_wait3A_770 : memref<1x125xi32, #tpu.memory_space<vmem>> -> memref<125xi32, #tpu.memory_space<vmem>>
      %dma_wait3A_772 = arith.constant 0 : i32
      %dma_wait3A_773 = arith.constant 0 : i32
      %dma_wait3A_774 = tpu.memref_slice %arg9[%dma_wait3A_772, %dma_wait3A_773] : memref<10240x48xf32, #tpu.memory_space<vmem_shared>> -> memref<10240x48xf32, #tpu.memory_space<vmem_shared>>
      tpu.wait_indirect_dma semaphore(%arg23 : memref<!tpu.dma_semaphore, #tpu.memory_space<semaphore_mem>>) src(%dma_wait3A_768 : memref<125x48xf32, #tpu.memory_space<vmem>>) dst(%dma_wait3A_774 : memref<10240x48xf32, #tpu.memory_space<vmem_shared>>)
      %dma_start3A_775 = arith.constant 5 : i32
      %dma_start3A_776 = arith.constant 0 : i32
      %dma_start3A_777 = arith.constant 0 : i32
      %dma_start3A_778 = tpu.memref_slice %arg7[%dma_start3A_775, %dma_start3A_776, %dma_start3A_777] : memref<8x125x48xf32, #tpu.memory_space<vmem>> -> memref<1x125x48xf32, #tpu.memory_space<vmem>>
      %dma_start3A_779 = tpu.memref_squeeze %dma_start3A_778 : memref<1x125x48xf32, #tpu.memory_space<vmem>> -> memref<125x48xf32, #tpu.memory_space<vmem>>
      %dma_start3A_780 = arith.constant 0 : i32
      %dma_start3A_781 = tpu.memref_slice %arg5[%add3A_763, %dma_start3A_780] : memref<80x125xi32, #tpu.memory_space<vmem>> -> memref<1x125xi32, #tpu.memory_space<vmem>>
      %dma_start3A_782 = tpu.memref_squeeze %dma_start3A_781 : memref<1x125xi32, #tpu.memory_space<vmem>> -> memref<125xi32, #tpu.memory_space<vmem>>
      %dma_start3A_783 = arith.constant 0 : i32
      %dma_start3A_784 = arith.constant 0 : i32
      %dma_start3A_785 = tpu.memref_slice %arg3[%dma_start3A_783, %dma_start3A_784] : memref<10240x48xf32, #tpu.memory_space<hbm>> -> memref<10240x48xf32, #tpu.memory_space<hbm>>
      tpu.enqueue_indirect_dma source(%dma_start3A_785 : memref<10240x48xf32, #tpu.memory_space<hbm>>) target(%dma_start3A_779 : memref<125x48xf32, #tpu.memory_space<vmem>>) offsets(%dma_start3A_782 : memref<125xi32, #tpu.memory_space<vmem>>) semaphore(%arg15 : memref<!tpu.dma_semaphore, #tpu.memory_space<semaphore_mem>>)
      %mul3A_786 = arith.constant 8 : i32
      %mul3A_787 = arith.muli %scan3A_408, %mul3A_786 : i32
      %add3A_788 = arith.constant 6 : i32
      %add3A_789 = arith.addi %mul3A_787, %add3A_788 : i32
      %add3A_790 = arith.constant 8 : i32
      %add3A_791 = arith.addi %add3A_789, %add3A_790 : i32
      %dma_wait3A_792 = arith.constant 6 : i32
      %dma_wait3A_793 = arith.constant 0 : i32
      %dma_wait3A_794 = arith.constant 0 : i32
      %dma_wait3A_795 = tpu.memref_slice %arg7[%dma_wait3A_792, %dma_wait3A_793, %dma_wait3A_794] : memref<8x125x48xf32, #tpu.memory_space<vmem>> -> memref<1x125x48xf32, #tpu.memory_space<vmem>>
      %dma_wait3A_796 = tpu.memref_squeeze %dma_wait3A_795 : memref<1x125x48xf32, #tpu.memory_space<vmem>> -> memref<125x48xf32, #tpu.memory_space<vmem>>
      %dma_wait3A_797 = arith.constant 0 : i32
      %dma_wait3A_798 = tpu.memref_slice %arg6[%add3A_789, %dma_wait3A_797] : memref<80x125xi32, #tpu.memory_space<vmem>> -> memref<1x125xi32, #tpu.memory_space<vmem>>
      %dma_wait3A_799 = tpu.memref_squeeze %dma_wait3A_798 : memref<1x125xi32, #tpu.memory_space<vmem>> -> memref<125xi32, #tpu.memory_space<vmem>>
      %dma_wait3A_800 = arith.constant 0 : i32
      %dma_wait3A_801 = arith.constant 0 : i32
      %dma_wait3A_802 = tpu.memref_slice %arg9[%dma_wait3A_800, %dma_wait3A_801] : memref<10240x48xf32, #tpu.memory_space<vmem_shared>> -> memref<10240x48xf32, #tpu.memory_space<vmem_shared>>
      tpu.wait_indirect_dma semaphore(%arg24 : memref<!tpu.dma_semaphore, #tpu.memory_space<semaphore_mem>>) src(%dma_wait3A_796 : memref<125x48xf32, #tpu.memory_space<vmem>>) dst(%dma_wait3A_802 : memref<10240x48xf32, #tpu.memory_space<vmem_shared>>)
      %dma_start3A_803 = arith.constant 6 : i32
      %dma_start3A_804 = arith.constant 0 : i32
      %dma_start3A_805 = arith.constant 0 : i32
      %dma_start3A_806 = tpu.memref_slice %arg7[%dma_start3A_803, %dma_start3A_804, %dma_start3A_805] : memref<8x125x48xf32, #tpu.memory_space<vmem>> -> memref<1x125x48xf32, #tpu.memory_space<vmem>>
      %dma_start3A_807 = tpu.memref_squeeze %dma_start3A_806 : memref<1x125x48xf32, #tpu.memory_space<vmem>> -> memref<125x48xf32, #tpu.memory_space<vmem>>
      %dma_start3A_808 = arith.constant 0 : i32
      %dma_start3A_809 = tpu.memref_slice %arg5[%add3A_791, %dma_start3A_808] : memref<80x125xi32, #tpu.memory_space<vmem>> -> memref<1x125xi32, #tpu.memory_space<vmem>>
      %dma_start3A_810 = tpu.memref_squeeze %dma_start3A_809 : memref<1x125xi32, #tpu.memory_space<vmem>> -> memref<125xi32, #tpu.memory_space<vmem>>
      %dma_start3A_811 = arith.constant 0 : i32
      %dma_start3A_812 = arith.constant 0 : i32
      %dma_start3A_813 = tpu.memref_slice %arg3[%dma_start3A_811, %dma_start3A_812] : memref<10240x48xf32, #tpu.memory_space<hbm>> -> memref<10240x48xf32, #tpu.memory_space<hbm>>
      tpu.enqueue_indirect_dma source(%dma_start3A_813 : memref<10240x48xf32, #tpu.memory_space<hbm>>) target(%dma_start3A_807 : memref<125x48xf32, #tpu.memory_space<vmem>>) offsets(%dma_start3A_810 : memref<125xi32, #tpu.memory_space<vmem>>) semaphore(%arg16 : memref<!tpu.dma_semaphore, #tpu.memory_space<semaphore_mem>>)
      %mul3A_814 = arith.constant 8 : i32
      %mul3A_815 = arith.muli %scan3A_408, %mul3A_814 : i32
      %add3A_816 = arith.constant 7 : i32
      %add3A_817 = arith.addi %mul3A_815, %add3A_816 : i32
      %add3A_818 = arith.constant 8 : i32
      %add3A_819 = arith.addi %add3A_817, %add3A_818 : i32
      %dma_wait3A_820 = arith.constant 7 : i32
      %dma_wait3A_821 = arith.constant 0 : i32
      %dma_wait3A_822 = arith.constant 0 : i32
      %dma_wait3A_823 = tpu.memref_slice %arg7[%dma_wait3A_820, %dma_wait3A_821, %dma_wait3A_822] : memref<8x125x48xf32, #tpu.memory_space<vmem>> -> memref<1x125x48xf32, #tpu.memory_space<vmem>>
      %dma_wait3A_824 = tpu.memref_squeeze %dma_wait3A_823 : memref<1x125x48xf32, #tpu.memory_space<vmem>> -> memref<125x48xf32, #tpu.memory_space<vmem>>
      %dma_wait3A_825 = arith.constant 0 : i32
      %dma_wait3A_826 = tpu.memref_slice %arg6[%add3A_817, %dma_wait3A_825] : memref<80x125xi32, #tpu.memory_space<vmem>> -> memref<1x125xi32, #tpu.memory_space<vmem>>
      %dma_wait3A_827 = tpu.memref_squeeze %dma_wait3A_826 : memref<1x125xi32, #tpu.memory_space<vmem>> -> memref<125xi32, #tpu.memory_space<vmem>>
      %dma_wait3A_828 = arith.constant 0 : i32
      %dma_wait3A_829 = arith.constant 0 : i32
      %dma_wait3A_830 = tpu.memref_slice %arg9[%dma_wait3A_828, %dma_wait3A_829] : memref<10240x48xf32, #tpu.memory_space<vmem_shared>> -> memref<10240x48xf32, #tpu.memory_space<vmem_shared>>
      tpu.wait_indirect_dma semaphore(%arg25 : memref<!tpu.dma_semaphore, #tpu.memory_space<semaphore_mem>>) src(%dma_wait3A_824 : memref<125x48xf32, #tpu.memory_space<vmem>>) dst(%dma_wait3A_830 : memref<10240x48xf32, #tpu.memory_space<vmem_shared>>)
      %dma_start3A_831 = arith.constant 7 : i32
      %dma_start3A_832 = arith.constant 0 : i32
      %dma_start3A_833 = arith.constant 0 : i32
      %dma_start3A_834 = tpu.memref_slice %arg7[%dma_start3A_831, %dma_start3A_832, %dma_start3A_833] : memref<8x125x48xf32, #tpu.memory_space<vmem>> -> memref<1x125x48xf32, #tpu.memory_space<vmem>>
      %dma_start3A_835 = tpu.memref_squeeze %dma_start3A_834 : memref<1x125x48xf32, #tpu.memory_space<vmem>> -> memref<125x48xf32, #tpu.memory_space<vmem>>
      %dma_start3A_836 = arith.constant 0 : i32
      %dma_start3A_837 = tpu.memref_slice %arg5[%add3A_819, %dma_start3A_836] : memref<80x125xi32, #tpu.memory_space<vmem>> -> memref<1x125xi32, #tpu.memory_space<vmem>>
      %dma_start3A_838 = tpu.memref_squeeze %dma_start3A_837 : memref<1x125xi32, #tpu.memory_space<vmem>> -> memref<125xi32, #tpu.memory_space<vmem>>
      %dma_start3A_839 = arith.constant 0 : i32
      %dma_start3A_840 = arith.constant 0 : i32
      %dma_start3A_841 = tpu.memref_slice %arg3[%dma_start3A_839, %dma_start3A_840] : memref<10240x48xf32, #tpu.memory_space<hbm>> -> memref<10240x48xf32, #tpu.memory_space<hbm>>
      tpu.enqueue_indirect_dma source(%dma_start3A_841 : memref<10240x48xf32, #tpu.memory_space<hbm>>) target(%dma_start3A_835 : memref<125x48xf32, #tpu.memory_space<vmem>>) offsets(%dma_start3A_838 : memref<125xi32, #tpu.memory_space<vmem>>) semaphore(%arg17 : memref<!tpu.dma_semaphore, #tpu.memory_space<semaphore_mem>>)
      %scan3A_842 = arith.constant 0 : i32
      scf.yield %scan3A_842 : i32
    }
    %scan3A_112 = arith.constant 9 : i32
    %dma_wait3A = arith.constant 72 : i32
    %dma_wait3A_113 = arith.constant 0 : i32
    %dma_wait3A_114 = arith.constant 0 : i32
    %dma_wait3A_115 = arith.constant 0 : i32
    %dma_wait3A_116 = tpu.memref_slice %arg7[%dma_wait3A_113, %dma_wait3A_114, %dma_wait3A_115] : memref<8x125x48xf32, #tpu.memory_space<vmem>> -> memref<1x125x48xf32, #tpu.memory_space<vmem>>
    %dma_wait3A_117 = tpu.memref_squeeze %dma_wait3A_116 : memref<1x125x48xf32, #tpu.memory_space<vmem>> -> memref<125x48xf32, #tpu.memory_space<vmem>>
    %dma_wait3A_118 = arith.constant 0 : i32
    %dma_wait3A_119 = tpu.memref_slice %arg5[%dma_wait3A, %dma_wait3A_118] : memref<80x125xi32, #tpu.memory_space<vmem>> -> memref<1x125xi32, #tpu.memory_space<vmem>>
    %dma_wait3A_120 = tpu.memref_squeeze %dma_wait3A_119 : memref<1x125xi32, #tpu.memory_space<vmem>> -> memref<125xi32, #tpu.memory_space<vmem>>
    %dma_wait3A_121 = arith.constant 0 : i32
    %dma_wait3A_122 = arith.constant 0 : i32
    %dma_wait3A_123 = tpu.memref_slice %arg3[%dma_wait3A_121, %dma_wait3A_122] : memref<10240x48xf32, #tpu.memory_space<hbm>> -> memref<10240x48xf32, #tpu.memory_space<hbm>>
    tpu.wait_indirect_dma semaphore(%arg10 : memref<!tpu.dma_semaphore, #tpu.memory_space<semaphore_mem>>) src(%dma_wait3A_123 : memref<10240x48xf32, #tpu.memory_space<hbm>>) dst(%dma_wait3A_117 : memref<125x48xf32, #tpu.memory_space<vmem>>)
    %dma_start3A_124 = arith.constant 0 : i32
    %dma_start3A_125 = arith.constant 72 : i32
    %dma_start3A_126 = arith.constant 0 : i32
    %dma_start3A_127 = arith.constant 0 : i32
    %dma_start3A_128 = tpu.memref_slice %arg7[%dma_start3A_124, %dma_start3A_126, %dma_start3A_127] : memref<8x125x48xf32, #tpu.memory_space<vmem>> -> memref<1x125x48xf32, #tpu.memory_space<vmem>>
    %dma_start3A_129 = tpu.memref_squeeze %dma_start3A_128 : memref<1x125x48xf32, #tpu.memory_space<vmem>> -> memref<125x48xf32, #tpu.memory_space<vmem>>
    %dma_start3A_130 = arith.constant 0 : i32
    %dma_start3A_131 = tpu.memref_slice %arg6[%dma_start3A_125, %dma_start3A_130] : memref<80x125xi32, #tpu.memory_space<vmem>> -> memref<1x125xi32, #tpu.memory_space<vmem>>
    %dma_start3A_132 = tpu.memref_squeeze %dma_start3A_131 : memref<1x125xi32, #tpu.memory_space<vmem>> -> memref<125xi32, #tpu.memory_space<vmem>>
    %dma_start3A_133 = arith.constant 0 : i32
    %dma_start3A_134 = arith.constant 0 : i32
    %dma_start3A_135 = tpu.memref_slice %arg9[%dma_start3A_133, %dma_start3A_134] : memref<10240x48xf32, #tpu.memory_space<vmem_shared>> -> memref<10240x48xf32, #tpu.memory_space<vmem_shared>>
    tpu.enqueue_indirect_dma source(%dma_start3A_129 : memref<125x48xf32, #tpu.memory_space<vmem>>) target(%dma_start3A_135 : memref<10240x48xf32, #tpu.memory_space<vmem_shared>>) offsets(%dma_start3A_132 : memref<125xi32, #tpu.memory_space<vmem>>) semaphore(%arg18 : memref<!tpu.dma_semaphore, #tpu.memory_space<semaphore_mem>>) {add = true}
    %dma_wait3A_136 = arith.constant 73 : i32
    %dma_wait3A_137 = arith.constant 1 : i32
    %dma_wait3A_138 = arith.constant 0 : i32
    %dma_wait3A_139 = arith.constant 0 : i32
    %dma_wait3A_140 = tpu.memref_slice %arg7[%dma_wait3A_137, %dma_wait3A_138, %dma_wait3A_139] : memref<8x125x48xf32, #tpu.memory_space<vmem>> -> memref<1x125x48xf32, #tpu.memory_space<vmem>>
    %dma_wait3A_141 = tpu.memref_squeeze %dma_wait3A_140 : memref<1x125x48xf32, #tpu.memory_space<vmem>> -> memref<125x48xf32, #tpu.memory_space<vmem>>
    %dma_wait3A_142 = arith.constant 0 : i32
    %dma_wait3A_143 = tpu.memref_slice %arg5[%dma_wait3A_136, %dma_wait3A_142] : memref<80x125xi32, #tpu.memory_space<vmem>> -> memref<1x125xi32, #tpu.memory_space<vmem>>
    %dma_wait3A_144 = tpu.memref_squeeze %dma_wait3A_143 : memref<1x125xi32, #tpu.memory_space<vmem>> -> memref<125xi32, #tpu.memory_space<vmem>>
    %dma_wait3A_145 = arith.constant 0 : i32
    %dma_wait3A_146 = arith.constant 0 : i32
    %dma_wait3A_147 = tpu.memref_slice %arg3[%dma_wait3A_145, %dma_wait3A_146] : memref<10240x48xf32, #tpu.memory_space<hbm>> -> memref<10240x48xf32, #tpu.memory_space<hbm>>
    tpu.wait_indirect_dma semaphore(%arg11 : memref<!tpu.dma_semaphore, #tpu.memory_space<semaphore_mem>>) src(%dma_wait3A_147 : memref<10240x48xf32, #tpu.memory_space<hbm>>) dst(%dma_wait3A_141 : memref<125x48xf32, #tpu.memory_space<vmem>>)
    %dma_start3A_148 = arith.constant 1 : i32
    %dma_start3A_149 = arith.constant 73 : i32
    %dma_start3A_150 = arith.constant 0 : i32
    %dma_start3A_151 = arith.constant 0 : i32
    %dma_start3A_152 = tpu.memref_slice %arg7[%dma_start3A_148, %dma_start3A_150, %dma_start3A_151] : memref<8x125x48xf32, #tpu.memory_space<vmem>> -> memref<1x125x48xf32, #tpu.memory_space<vmem>>
    %dma_start3A_153 = tpu.memref_squeeze %dma_start3A_152 : memref<1x125x48xf32, #tpu.memory_space<vmem>> -> memref<125x48xf32, #tpu.memory_space<vmem>>
    %dma_start3A_154 = arith.constant 0 : i32
    %dma_start3A_155 = tpu.memref_slice %arg6[%dma_start3A_149, %dma_start3A_154] : memref<80x125xi32, #tpu.memory_space<vmem>> -> memref<1x125xi32, #tpu.memory_space<vmem>>
    %dma_start3A_156 = tpu.memref_squeeze %dma_start3A_155 : memref<1x125xi32, #tpu.memory_space<vmem>> -> memref<125xi32, #tpu.memory_space<vmem>>
    %dma_start3A_157 = arith.constant 0 : i32
    %dma_start3A_158 = arith.constant 0 : i32
    %dma_start3A_159 = tpu.memref_slice %arg9[%dma_start3A_157, %dma_start3A_158] : memref<10240x48xf32, #tpu.memory_space<vmem_shared>> -> memref<10240x48xf32, #tpu.memory_space<vmem_shared>>
    tpu.enqueue_indirect_dma source(%dma_start3A_153 : memref<125x48xf32, #tpu.memory_space<vmem>>) target(%dma_start3A_159 : memref<10240x48xf32, #tpu.memory_space<vmem_shared>>) offsets(%dma_start3A_156 : memref<125xi32, #tpu.memory_space<vmem>>) semaphore(%arg19 : memref<!tpu.dma_semaphore, #tpu.memory_space<semaphore_mem>>) {add = true}
    %dma_wait3A_160 = arith.constant 74 : i32
    %dma_wait3A_161 = arith.constant 2 : i32
    %dma_wait3A_162 = arith.constant 0 : i32
    %dma_wait3A_163 = arith.constant 0 : i32
    %dma_wait3A_164 = tpu.memref_slice %arg7[%dma_wait3A_161, %dma_wait3A_162, %dma_wait3A_163] : memref<8x125x48xf32, #tpu.memory_space<vmem>> -> memref<1x125x48xf32, #tpu.memory_space<vmem>>
    %dma_wait3A_165 = tpu.memref_squeeze %dma_wait3A_164 : memref<1x125x48xf32, #tpu.memory_space<vmem>> -> memref<125x48xf32, #tpu.memory_space<vmem>>
    %dma_wait3A_166 = arith.constant 0 : i32
    %dma_wait3A_167 = tpu.memref_slice %arg5[%dma_wait3A_160, %dma_wait3A_166] : memref<80x125xi32, #tpu.memory_space<vmem>> -> memref<1x125xi32, #tpu.memory_space<vmem>>
    %dma_wait3A_168 = tpu.memref_squeeze %dma_wait3A_167 : memref<1x125xi32, #tpu.memory_space<vmem>> -> memref<125xi32, #tpu.memory_space<vmem>>
    %dma_wait3A_169 = arith.constant 0 : i32
    %dma_wait3A_170 = arith.constant 0 : i32
    %dma_wait3A_171 = tpu.memref_slice %arg3[%dma_wait3A_169, %dma_wait3A_170] : memref<10240x48xf32, #tpu.memory_space<hbm>> -> memref<10240x48xf32, #tpu.memory_space<hbm>>
    tpu.wait_indirect_dma semaphore(%arg12 : memref<!tpu.dma_semaphore, #tpu.memory_space<semaphore_mem>>) src(%dma_wait3A_171 : memref<10240x48xf32, #tpu.memory_space<hbm>>) dst(%dma_wait3A_165 : memref<125x48xf32, #tpu.memory_space<vmem>>)
    %dma_start3A_172 = arith.constant 2 : i32
    %dma_start3A_173 = arith.constant 74 : i32
    %dma_start3A_174 = arith.constant 0 : i32
    %dma_start3A_175 = arith.constant 0 : i32
    %dma_start3A_176 = tpu.memref_slice %arg7[%dma_start3A_172, %dma_start3A_174, %dma_start3A_175] : memref<8x125x48xf32, #tpu.memory_space<vmem>> -> memref<1x125x48xf32, #tpu.memory_space<vmem>>
    %dma_start3A_177 = tpu.memref_squeeze %dma_start3A_176 : memref<1x125x48xf32, #tpu.memory_space<vmem>> -> memref<125x48xf32, #tpu.memory_space<vmem>>
    %dma_start3A_178 = arith.constant 0 : i32
    %dma_start3A_179 = tpu.memref_slice %arg6[%dma_start3A_173, %dma_start3A_178] : memref<80x125xi32, #tpu.memory_space<vmem>> -> memref<1x125xi32, #tpu.memory_space<vmem>>
    %dma_start3A_180 = tpu.memref_squeeze %dma_start3A_179 : memref<1x125xi32, #tpu.memory_space<vmem>> -> memref<125xi32, #tpu.memory_space<vmem>>
    %dma_start3A_181 = arith.constant 0 : i32
    %dma_start3A_182 = arith.constant 0 : i32
    %dma_start3A_183 = tpu.memref_slice %arg9[%dma_start3A_181, %dma_start3A_182] : memref<10240x48xf32, #tpu.memory_space<vmem_shared>> -> memref<10240x48xf32, #tpu.memory_space<vmem_shared>>
    tpu.enqueue_indirect_dma source(%dma_start3A_177 : memref<125x48xf32, #tpu.memory_space<vmem>>) target(%dma_start3A_183 : memref<10240x48xf32, #tpu.memory_space<vmem_shared>>) offsets(%dma_start3A_180 : memref<125xi32, #tpu.memory_space<vmem>>) semaphore(%arg20 : memref<!tpu.dma_semaphore, #tpu.memory_space<semaphore_mem>>) {add = true}
    %dma_wait3A_184 = arith.constant 75 : i32
    %dma_wait3A_185 = arith.constant 3 : i32
    %dma_wait3A_186 = arith.constant 0 : i32
    %dma_wait3A_187 = arith.constant 0 : i32
    %dma_wait3A_188 = tpu.memref_slice %arg7[%dma_wait3A_185, %dma_wait3A_186, %dma_wait3A_187] : memref<8x125x48xf32, #tpu.memory_space<vmem>> -> memref<1x125x48xf32, #tpu.memory_space<vmem>>
    %dma_wait3A_189 = tpu.memref_squeeze %dma_wait3A_188 : memref<1x125x48xf32, #tpu.memory_space<vmem>> -> memref<125x48xf32, #tpu.memory_space<vmem>>
    %dma_wait3A_190 = arith.constant 0 : i32
    %dma_wait3A_191 = tpu.memref_slice %arg5[%dma_wait3A_184, %dma_wait3A_190] : memref<80x125xi32, #tpu.memory_space<vmem>> -> memref<1x125xi32, #tpu.memory_space<vmem>>
    %dma_wait3A_192 = tpu.memref_squeeze %dma_wait3A_191 : memref<1x125xi32, #tpu.memory_space<vmem>> -> memref<125xi32, #tpu.memory_space<vmem>>
    %dma_wait3A_193 = arith.constant 0 : i32
    %dma_wait3A_194 = arith.constant 0 : i32
    %dma_wait3A_195 = tpu.memref_slice %arg3[%dma_wait3A_193, %dma_wait3A_194] : memref<10240x48xf32, #tpu.memory_space<hbm>> -> memref<10240x48xf32, #tpu.memory_space<hbm>>
    tpu.wait_indirect_dma semaphore(%arg13 : memref<!tpu.dma_semaphore, #tpu.memory_space<semaphore_mem>>) src(%dma_wait3A_195 : memref<10240x48xf32, #tpu.memory_space<hbm>>) dst(%dma_wait3A_189 : memref<125x48xf32, #tpu.memory_space<vmem>>)
    %dma_start3A_196 = arith.constant 3 : i32
    %dma_start3A_197 = arith.constant 75 : i32
    %dma_start3A_198 = arith.constant 0 : i32
    %dma_start3A_199 = arith.constant 0 : i32
    %dma_start3A_200 = tpu.memref_slice %arg7[%dma_start3A_196, %dma_start3A_198, %dma_start3A_199] : memref<8x125x48xf32, #tpu.memory_space<vmem>> -> memref<1x125x48xf32, #tpu.memory_space<vmem>>
    %dma_start3A_201 = tpu.memref_squeeze %dma_start3A_200 : memref<1x125x48xf32, #tpu.memory_space<vmem>> -> memref<125x48xf32, #tpu.memory_space<vmem>>
    %dma_start3A_202 = arith.constant 0 : i32
    %dma_start3A_203 = tpu.memref_slice %arg6[%dma_start3A_197, %dma_start3A_202] : memref<80x125xi32, #tpu.memory_space<vmem>> -> memref<1x125xi32, #tpu.memory_space<vmem>>
    %dma_start3A_204 = tpu.memref_squeeze %dma_start3A_203 : memref<1x125xi32, #tpu.memory_space<vmem>> -> memref<125xi32, #tpu.memory_space<vmem>>
    %dma_start3A_205 = arith.constant 0 : i32
    %dma_start3A_206 = arith.constant 0 : i32
    %dma_start3A_207 = tpu.memref_slice %arg9[%dma_start3A_205, %dma_start3A_206] : memref<10240x48xf32, #tpu.memory_space<vmem_shared>> -> memref<10240x48xf32, #tpu.memory_space<vmem_shared>>
    tpu.enqueue_indirect_dma source(%dma_start3A_201 : memref<125x48xf32, #tpu.memory_space<vmem>>) target(%dma_start3A_207 : memref<10240x48xf32, #tpu.memory_space<vmem_shared>>) offsets(%dma_start3A_204 : memref<125xi32, #tpu.memory_space<vmem>>) semaphore(%arg21 : memref<!tpu.dma_semaphore, #tpu.memory_space<semaphore_mem>>) {add = true}
    %dma_wait3A_208 = arith.constant 76 : i32
    %dma_wait3A_209 = arith.constant 4 : i32
    %dma_wait3A_210 = arith.constant 0 : i32
    %dma_wait3A_211 = arith.constant 0 : i32
    %dma_wait3A_212 = tpu.memref_slice %arg7[%dma_wait3A_209, %dma_wait3A_210, %dma_wait3A_211] : memref<8x125x48xf32, #tpu.memory_space<vmem>> -> memref<1x125x48xf32, #tpu.memory_space<vmem>>
    %dma_wait3A_213 = tpu.memref_squeeze %dma_wait3A_212 : memref<1x125x48xf32, #tpu.memory_space<vmem>> -> memref<125x48xf32, #tpu.memory_space<vmem>>
    %dma_wait3A_214 = arith.constant 0 : i32
    %dma_wait3A_215 = tpu.memref_slice %arg5[%dma_wait3A_208, %dma_wait3A_214] : memref<80x125xi32, #tpu.memory_space<vmem>> -> memref<1x125xi32, #tpu.memory_space<vmem>>
    %dma_wait3A_216 = tpu.memref_squeeze %dma_wait3A_215 : memref<1x125xi32, #tpu.memory_space<vmem>> -> memref<125xi32, #tpu.memory_space<vmem>>
    %dma_wait3A_217 = arith.constant 0 : i32
    %dma_wait3A_218 = arith.constant 0 : i32
    %dma_wait3A_219 = tpu.memref_slice %arg3[%dma_wait3A_217, %dma_wait3A_218] : memref<10240x48xf32, #tpu.memory_space<hbm>> -> memref<10240x48xf32, #tpu.memory_space<hbm>>
    tpu.wait_indirect_dma semaphore(%arg14 : memref<!tpu.dma_semaphore, #tpu.memory_space<semaphore_mem>>) src(%dma_wait3A_219 : memref<10240x48xf32, #tpu.memory_space<hbm>>) dst(%dma_wait3A_213 : memref<125x48xf32, #tpu.memory_space<vmem>>)
    %dma_start3A_220 = arith.constant 4 : i32
    %dma_start3A_221 = arith.constant 76 : i32
    %dma_start3A_222 = arith.constant 0 : i32
    %dma_start3A_223 = arith.constant 0 : i32
    %dma_start3A_224 = tpu.memref_slice %arg7[%dma_start3A_220, %dma_start3A_222, %dma_start3A_223] : memref<8x125x48xf32, #tpu.memory_space<vmem>> -> memref<1x125x48xf32, #tpu.memory_space<vmem>>
    %dma_start3A_225 = tpu.memref_squeeze %dma_start3A_224 : memref<1x125x48xf32, #tpu.memory_space<vmem>> -> memref<125x48xf32, #tpu.memory_space<vmem>>
    %dma_start3A_226 = arith.constant 0 : i32
    %dma_start3A_227 = tpu.memref_slice %arg6[%dma_start3A_221, %dma_start3A_226] : memref<80x125xi32, #tpu.memory_space<vmem>> -> memref<1x125xi32, #tpu.memory_space<vmem>>
    %dma_start3A_228 = tpu.memref_squeeze %dma_start3A_227 : memref<1x125xi32, #tpu.memory_space<vmem>> -> memref<125xi32, #tpu.memory_space<vmem>>
    %dma_start3A_229 = arith.constant 0 : i32
    %dma_start3A_230 = arith.constant 0 : i32
    %dma_start3A_231 = tpu.memref_slice %arg9[%dma_start3A_229, %dma_start3A_230] : memref<10240x48xf32, #tpu.memory_space<vmem_shared>> -> memref<10240x48xf32, #tpu.memory_space<vmem_shared>>
    tpu.enqueue_indirect_dma source(%dma_start3A_225 : memref<125x48xf32, #tpu.memory_space<vmem>>) target(%dma_start3A_231 : memref<10240x48xf32, #tpu.memory_space<vmem_shared>>) offsets(%dma_start3A_228 : memref<125xi32, #tpu.memory_space<vmem>>) semaphore(%arg22 : memref<!tpu.dma_semaphore, #tpu.memory_space<semaphore_mem>>) {add = true}
    %dma_wait3A_232 = arith.constant 77 : i32
    %dma_wait3A_233 = arith.constant 5 : i32
    %dma_wait3A_234 = arith.constant 0 : i32
    %dma_wait3A_235 = arith.constant 0 : i32
    %dma_wait3A_236 = tpu.memref_slice %arg7[%dma_wait3A_233, %dma_wait3A_234, %dma_wait3A_235] : memref<8x125x48xf32, #tpu.memory_space<vmem>> -> memref<1x125x48xf32, #tpu.memory_space<vmem>>
    %dma_wait3A_237 = tpu.memref_squeeze %dma_wait3A_236 : memref<1x125x48xf32, #tpu.memory_space<vmem>> -> memref<125x48xf32, #tpu.memory_space<vmem>>
    %dma_wait3A_238 = arith.constant 0 : i32
    %dma_wait3A_239 = tpu.memref_slice %arg5[%dma_wait3A_232, %dma_wait3A_238] : memref<80x125xi32, #tpu.memory_space<vmem>> -> memref<1x125xi32, #tpu.memory_space<vmem>>
    %dma_wait3A_240 = tpu.memref_squeeze %dma_wait3A_239 : memref<1x125xi32, #tpu.memory_space<vmem>> -> memref<125xi32, #tpu.memory_space<vmem>>
    %dma_wait3A_241 = arith.constant 0 : i32
    %dma_wait3A_242 = arith.constant 0 : i32
    %dma_wait3A_243 = tpu.memref_slice %arg3[%dma_wait3A_241, %dma_wait3A_242] : memref<10240x48xf32, #tpu.memory_space<hbm>> -> memref<10240x48xf32, #tpu.memory_space<hbm>>
    tpu.wait_indirect_dma semaphore(%arg15 : memref<!tpu.dma_semaphore, #tpu.memory_space<semaphore_mem>>) src(%dma_wait3A_243 : memref<10240x48xf32, #tpu.memory_space<hbm>>) dst(%dma_wait3A_237 : memref<125x48xf32, #tpu.memory_space<vmem>>)
    %dma_start3A_244 = arith.constant 5 : i32
    %dma_start3A_245 = arith.constant 77 : i32
    %dma_start3A_246 = arith.constant 0 : i32
    %dma_start3A_247 = arith.constant 0 : i32
    %dma_start3A_248 = tpu.memref_slice %arg7[%dma_start3A_244, %dma_start3A_246, %dma_start3A_247] : memref<8x125x48xf32, #tpu.memory_space<vmem>> -> memref<1x125x48xf32, #tpu.memory_space<vmem>>
    %dma_start3A_249 = tpu.memref_squeeze %dma_start3A_248 : memref<1x125x48xf32, #tpu.memory_space<vmem>> -> memref<125x48xf32, #tpu.memory_space<vmem>>
    %dma_start3A_250 = arith.constant 0 : i32
    %dma_start3A_251 = tpu.memref_slice %arg6[%dma_start3A_245, %dma_start3A_250] : memref<80x125xi32, #tpu.memory_space<vmem>> -> memref<1x125xi32, #tpu.memory_space<vmem>>
    %dma_start3A_252 = tpu.memref_squeeze %dma_start3A_251 : memref<1x125xi32, #tpu.memory_space<vmem>> -> memref<125xi32, #tpu.memory_space<vmem>>
    %dma_start3A_253 = arith.constant 0 : i32
    %dma_start3A_254 = arith.constant 0 : i32
    %dma_start3A_255 = tpu.memref_slice %arg9[%dma_start3A_253, %dma_start3A_254] : memref<10240x48xf32, #tpu.memory_space<vmem_shared>> -> memref<10240x48xf32, #tpu.memory_space<vmem_shared>>
    tpu.enqueue_indirect_dma source(%dma_start3A_249 : memref<125x48xf32, #tpu.memory_space<vmem>>) target(%dma_start3A_255 : memref<10240x48xf32, #tpu.memory_space<vmem_shared>>) offsets(%dma_start3A_252 : memref<125xi32, #tpu.memory_space<vmem>>) semaphore(%arg23 : memref<!tpu.dma_semaphore, #tpu.memory_space<semaphore_mem>>) {add = true}
    %dma_wait3A_256 = arith.constant 78 : i32
    %dma_wait3A_257 = arith.constant 6 : i32
    %dma_wait3A_258 = arith.constant 0 : i32
    %dma_wait3A_259 = arith.constant 0 : i32
    %dma_wait3A_260 = tpu.memref_slice %arg7[%dma_wait3A_257, %dma_wait3A_258, %dma_wait3A_259] : memref<8x125x48xf32, #tpu.memory_space<vmem>> -> memref<1x125x48xf32, #tpu.memory_space<vmem>>
    %dma_wait3A_261 = tpu.memref_squeeze %dma_wait3A_260 : memref<1x125x48xf32, #tpu.memory_space<vmem>> -> memref<125x48xf32, #tpu.memory_space<vmem>>
    %dma_wait3A_262 = arith.constant 0 : i32
    %dma_wait3A_263 = tpu.memref_slice %arg5[%dma_wait3A_256, %dma_wait3A_262] : memref<80x125xi32, #tpu.memory_space<vmem>> -> memref<1x125xi32, #tpu.memory_space<vmem>>
    %dma_wait3A_264 = tpu.memref_squeeze %dma_wait3A_263 : memref<1x125xi32, #tpu.memory_space<vmem>> -> memref<125xi32, #tpu.memory_space<vmem>>
    %dma_wait3A_265 = arith.constant 0 : i32
    %dma_wait3A_266 = arith.constant 0 : i32
    %dma_wait3A_267 = tpu.memref_slice %arg3[%dma_wait3A_265, %dma_wait3A_266] : memref<10240x48xf32, #tpu.memory_space<hbm>> -> memref<10240x48xf32, #tpu.memory_space<hbm>>
    tpu.wait_indirect_dma semaphore(%arg16 : memref<!tpu.dma_semaphore, #tpu.memory_space<semaphore_mem>>) src(%dma_wait3A_267 : memref<10240x48xf32, #tpu.memory_space<hbm>>) dst(%dma_wait3A_261 : memref<125x48xf32, #tpu.memory_space<vmem>>)
    %dma_start3A_268 = arith.constant 6 : i32
    %dma_start3A_269 = arith.constant 78 : i32
    %dma_start3A_270 = arith.constant 0 : i32
    %dma_start3A_271 = arith.constant 0 : i32
    %dma_start3A_272 = tpu.memref_slice %arg7[%dma_start3A_268, %dma_start3A_270, %dma_start3A_271] : memref<8x125x48xf32, #tpu.memory_space<vmem>> -> memref<1x125x48xf32, #tpu.memory_space<vmem>>
    %dma_start3A_273 = tpu.memref_squeeze %dma_start3A_272 : memref<1x125x48xf32, #tpu.memory_space<vmem>> -> memref<125x48xf32, #tpu.memory_space<vmem>>
    %dma_start3A_274 = arith.constant 0 : i32
    %dma_start3A_275 = tpu.memref_slice %arg6[%dma_start3A_269, %dma_start3A_274] : memref<80x125xi32, #tpu.memory_space<vmem>> -> memref<1x125xi32, #tpu.memory_space<vmem>>
    %dma_start3A_276 = tpu.memref_squeeze %dma_start3A_275 : memref<1x125xi32, #tpu.memory_space<vmem>> -> memref<125xi32, #tpu.memory_space<vmem>>
    %dma_start3A_277 = arith.constant 0 : i32
    %dma_start3A_278 = arith.constant 0 : i32
    %dma_start3A_279 = tpu.memref_slice %arg9[%dma_start3A_277, %dma_start3A_278] : memref<10240x48xf32, #tpu.memory_space<vmem_shared>> -> memref<10240x48xf32, #tpu.memory_space<vmem_shared>>
    tpu.enqueue_indirect_dma source(%dma_start3A_273 : memref<125x48xf32, #tpu.memory_space<vmem>>) target(%dma_start3A_279 : memref<10240x48xf32, #tpu.memory_space<vmem_shared>>) offsets(%dma_start3A_276 : memref<125xi32, #tpu.memory_space<vmem>>) semaphore(%arg24 : memref<!tpu.dma_semaphore, #tpu.memory_space<semaphore_mem>>) {add = true}
    %dma_wait3A_280 = arith.constant 79 : i32
    %dma_wait3A_281 = arith.constant 7 : i32
    %dma_wait3A_282 = arith.constant 0 : i32
    %dma_wait3A_283 = arith.constant 0 : i32
    %dma_wait3A_284 = tpu.memref_slice %arg7[%dma_wait3A_281, %dma_wait3A_282, %dma_wait3A_283] : memref<8x125x48xf32, #tpu.memory_space<vmem>> -> memref<1x125x48xf32, #tpu.memory_space<vmem>>
    %dma_wait3A_285 = tpu.memref_squeeze %dma_wait3A_284 : memref<1x125x48xf32, #tpu.memory_space<vmem>> -> memref<125x48xf32, #tpu.memory_space<vmem>>
    %dma_wait3A_286 = arith.constant 0 : i32
    %dma_wait3A_287 = tpu.memref_slice %arg5[%dma_wait3A_280, %dma_wait3A_286] : memref<80x125xi32, #tpu.memory_space<vmem>> -> memref<1x125xi32, #tpu.memory_space<vmem>>
    %dma_wait3A_288 = tpu.memref_squeeze %dma_wait3A_287 : memref<1x125xi32, #tpu.memory_space<vmem>> -> memref<125xi32, #tpu.memory_space<vmem>>
    %dma_wait3A_289 = arith.constant 0 : i32
    %dma_wait3A_290 = arith.constant 0 : i32
    %dma_wait3A_291 = tpu.memref_slice %arg3[%dma_wait3A_289, %dma_wait3A_290] : memref<10240x48xf32, #tpu.memory_space<hbm>> -> memref<10240x48xf32, #tpu.memory_space<hbm>>
    tpu.wait_indirect_dma semaphore(%arg17 : memref<!tpu.dma_semaphore, #tpu.memory_space<semaphore_mem>>) src(%dma_wait3A_291 : memref<10240x48xf32, #tpu.memory_space<hbm>>) dst(%dma_wait3A_285 : memref<125x48xf32, #tpu.memory_space<vmem>>)
    %dma_start3A_292 = arith.constant 7 : i32
    %dma_start3A_293 = arith.constant 79 : i32
    %dma_start3A_294 = arith.constant 0 : i32
    %dma_start3A_295 = arith.constant 0 : i32
    %dma_start3A_296 = tpu.memref_slice %arg7[%dma_start3A_292, %dma_start3A_294, %dma_start3A_295] : memref<8x125x48xf32, #tpu.memory_space<vmem>> -> memref<1x125x48xf32, #tpu.memory_space<vmem>>
    %dma_start3A_297 = tpu.memref_squeeze %dma_start3A_296 : memref<1x125x48xf32, #tpu.memory_space<vmem>> -> memref<125x48xf32, #tpu.memory_space<vmem>>
    %dma_start3A_298 = arith.constant 0 : i32
    %dma_start3A_299 = tpu.memref_slice %arg6[%dma_start3A_293, %dma_start3A_298] : memref<80x125xi32, #tpu.memory_space<vmem>> -> memref<1x125xi32, #tpu.memory_space<vmem>>
    %dma_start3A_300 = tpu.memref_squeeze %dma_start3A_299 : memref<1x125xi32, #tpu.memory_space<vmem>> -> memref<125xi32, #tpu.memory_space<vmem>>
    %dma_start3A_301 = arith.constant 0 : i32
    %dma_start3A_302 = arith.constant 0 : i32
    %dma_start3A_303 = tpu.memref_slice %arg9[%dma_start3A_301, %dma_start3A_302] : memref<10240x48xf32, #tpu.memory_space<vmem_shared>> -> memref<10240x48xf32, #tpu.memory_space<vmem_shared>>
    tpu.enqueue_indirect_dma source(%dma_start3A_297 : memref<125x48xf32, #tpu.memory_space<vmem>>) target(%dma_start3A_303 : memref<10240x48xf32, #tpu.memory_space<vmem_shared>>) offsets(%dma_start3A_300 : memref<125xi32, #tpu.memory_space<vmem>>) semaphore(%arg25 : memref<!tpu.dma_semaphore, #tpu.memory_space<semaphore_mem>>) {add = true}
    %dma_wait3A_304 = arith.constant 0 : i32
    %dma_wait3A_305 = arith.constant 72 : i32
    %dma_wait3A_306 = arith.constant 0 : i32
    %dma_wait3A_307 = arith.constant 0 : i32
    %dma_wait3A_308 = tpu.memref_slice %arg7[%dma_wait3A_304, %dma_wait3A_306, %dma_wait3A_307] : memref<8x125x48xf32, #tpu.memory_space<vmem>> -> memref<1x125x48xf32, #tpu.memory_space<vmem>>
    %dma_wait3A_309 = tpu.memref_squeeze %dma_wait3A_308 : memref<1x125x48xf32, #tpu.memory_space<vmem>> -> memref<125x48xf32, #tpu.memory_space<vmem>>
    %dma_wait3A_310 = arith.constant 0 : i32
    %dma_wait3A_311 = tpu.memref_slice %arg6[%dma_wait3A_305, %dma_wait3A_310] : memref<80x125xi32, #tpu.memory_space<vmem>> -> memref<1x125xi32, #tpu.memory_space<vmem>>
    %dma_wait3A_312 = tpu.memref_squeeze %dma_wait3A_311 : memref<1x125xi32, #tpu.memory_space<vmem>> -> memref<125xi32, #tpu.memory_space<vmem>>
    %dma_wait3A_313 = arith.constant 0 : i32
    %dma_wait3A_314 = arith.constant 0 : i32
    %dma_wait3A_315 = tpu.memref_slice %arg9[%dma_wait3A_313, %dma_wait3A_314] : memref<10240x48xf32, #tpu.memory_space<vmem_shared>> -> memref<10240x48xf32, #tpu.memory_space<vmem_shared>>
    tpu.wait_indirect_dma semaphore(%arg18 : memref<!tpu.dma_semaphore, #tpu.memory_space<semaphore_mem>>) src(%dma_wait3A_309 : memref<125x48xf32, #tpu.memory_space<vmem>>) dst(%dma_wait3A_315 : memref<10240x48xf32, #tpu.memory_space<vmem_shared>>)
    %dma_wait3A_316 = arith.constant 1 : i32
    %dma_wait3A_317 = arith.constant 73 : i32
    %dma_wait3A_318 = arith.constant 0 : i32
    %dma_wait3A_319 = arith.constant 0 : i32
    %dma_wait3A_320 = tpu.memref_slice %arg7[%dma_wait3A_316, %dma_wait3A_318, %dma_wait3A_319] : memref<8x125x48xf32, #tpu.memory_space<vmem>> -> memref<1x125x48xf32, #tpu.memory_space<vmem>>
    %dma_wait3A_321 = tpu.memref_squeeze %dma_wait3A_320 : memref<1x125x48xf32, #tpu.memory_space<vmem>> -> memref<125x48xf32, #tpu.memory_space<vmem>>
    %dma_wait3A_322 = arith.constant 0 : i32
    %dma_wait3A_323 = tpu.memref_slice %arg6[%dma_wait3A_317, %dma_wait3A_322] : memref<80x125xi32, #tpu.memory_space<vmem>> -> memref<1x125xi32, #tpu.memory_space<vmem>>
    %dma_wait3A_324 = tpu.memref_squeeze %dma_wait3A_323 : memref<1x125xi32, #tpu.memory_space<vmem>> -> memref<125xi32, #tpu.memory_space<vmem>>
    %dma_wait3A_325 = arith.constant 0 : i32
    %dma_wait3A_326 = arith.constant 0 : i32
    %dma_wait3A_327 = tpu.memref_slice %arg9[%dma_wait3A_325, %dma_wait3A_326] : memref<10240x48xf32, #tpu.memory_space<vmem_shared>> -> memref<10240x48xf32, #tpu.memory_space<vmem_shared>>
    tpu.wait_indirect_dma semaphore(%arg19 : memref<!tpu.dma_semaphore, #tpu.memory_space<semaphore_mem>>) src(%dma_wait3A_321 : memref<125x48xf32, #tpu.memory_space<vmem>>) dst(%dma_wait3A_327 : memref<10240x48xf32, #tpu.memory_space<vmem_shared>>)
    %dma_wait3A_328 = arith.constant 2 : i32
    %dma_wait3A_329 = arith.constant 74 : i32
    %dma_wait3A_330 = arith.constant 0 : i32
    %dma_wait3A_331 = arith.constant 0 : i32
    %dma_wait3A_332 = tpu.memref_slice %arg7[%dma_wait3A_328, %dma_wait3A_330, %dma_wait3A_331] : memref<8x125x48xf32, #tpu.memory_space<vmem>> -> memref<1x125x48xf32, #tpu.memory_space<vmem>>
    %dma_wait3A_333 = tpu.memref_squeeze %dma_wait3A_332 : memref<1x125x48xf32, #tpu.memory_space<vmem>> -> memref<125x48xf32, #tpu.memory_space<vmem>>
    %dma_wait3A_334 = arith.constant 0 : i32
    %dma_wait3A_335 = tpu.memref_slice %arg6[%dma_wait3A_329, %dma_wait3A_334] : memref<80x125xi32, #tpu.memory_space<vmem>> -> memref<1x125xi32, #tpu.memory_space<vmem>>
    %dma_wait3A_336 = tpu.memref_squeeze %dma_wait3A_335 : memref<1x125xi32, #tpu.memory_space<vmem>> -> memref<125xi32, #tpu.memory_space<vmem>>
    %dma_wait3A_337 = arith.constant 0 : i32
    %dma_wait3A_338 = arith.constant 0 : i32
    %dma_wait3A_339 = tpu.memref_slice %arg9[%dma_wait3A_337, %dma_wait3A_338] : memref<10240x48xf32, #tpu.memory_space<vmem_shared>> -> memref<10240x48xf32, #tpu.memory_space<vmem_shared>>
    tpu.wait_indirect_dma semaphore(%arg20 : memref<!tpu.dma_semaphore, #tpu.memory_space<semaphore_mem>>) src(%dma_wait3A_333 : memref<125x48xf32, #tpu.memory_space<vmem>>) dst(%dma_wait3A_339 : memref<10240x48xf32, #tpu.memory_space<vmem_shared>>)
    %dma_wait3A_340 = arith.constant 3 : i32
    %dma_wait3A_341 = arith.constant 75 : i32
    %dma_wait3A_342 = arith.constant 0 : i32
    %dma_wait3A_343 = arith.constant 0 : i32
    %dma_wait3A_344 = tpu.memref_slice %arg7[%dma_wait3A_340, %dma_wait3A_342, %dma_wait3A_343] : memref<8x125x48xf32, #tpu.memory_space<vmem>> -> memref<1x125x48xf32, #tpu.memory_space<vmem>>
    %dma_wait3A_345 = tpu.memref_squeeze %dma_wait3A_344 : memref<1x125x48xf32, #tpu.memory_space<vmem>> -> memref<125x48xf32, #tpu.memory_space<vmem>>
    %dma_wait3A_346 = arith.constant 0 : i32
    %dma_wait3A_347 = tpu.memref_slice %arg6[%dma_wait3A_341, %dma_wait3A_346] : memref<80x125xi32, #tpu.memory_space<vmem>> -> memref<1x125xi32, #tpu.memory_space<vmem>>
    %dma_wait3A_348 = tpu.memref_squeeze %dma_wait3A_347 : memref<1x125xi32, #tpu.memory_space<vmem>> -> memref<125xi32, #tpu.memory_space<vmem>>
    %dma_wait3A_349 = arith.constant 0 : i32
    %dma_wait3A_350 = arith.constant 0 : i32
    %dma_wait3A_351 = tpu.memref_slice %arg9[%dma_wait3A_349, %dma_wait3A_350] : memref<10240x48xf32, #tpu.memory_space<vmem_shared>> -> memref<10240x48xf32, #tpu.memory_space<vmem_shared>>
    tpu.wait_indirect_dma semaphore(%arg21 : memref<!tpu.dma_semaphore, #tpu.memory_space<semaphore_mem>>) src(%dma_wait3A_345 : memref<125x48xf32, #tpu.memory_space<vmem>>) dst(%dma_wait3A_351 : memref<10240x48xf32, #tpu.memory_space<vmem_shared>>)
    %dma_wait3A_352 = arith.constant 4 : i32
    %dma_wait3A_353 = arith.constant 76 : i32
    %dma_wait3A_354 = arith.constant 0 : i32
    %dma_wait3A_355 = arith.constant 0 : i32
    %dma_wait3A_356 = tpu.memref_slice %arg7[%dma_wait3A_352, %dma_wait3A_354, %dma_wait3A_355] : memref<8x125x48xf32, #tpu.memory_space<vmem>> -> memref<1x125x48xf32, #tpu.memory_space<vmem>>
    %dma_wait3A_357 = tpu.memref_squeeze %dma_wait3A_356 : memref<1x125x48xf32, #tpu.memory_space<vmem>> -> memref<125x48xf32, #tpu.memory_space<vmem>>
    %dma_wait3A_358 = arith.constant 0 : i32
    %dma_wait3A_359 = tpu.memref_slice %arg6[%dma_wait3A_353, %dma_wait3A_358] : memref<80x125xi32, #tpu.memory_space<vmem>> -> memref<1x125xi32, #tpu.memory_space<vmem>>
    %dma_wait3A_360 = tpu.memref_squeeze %dma_wait3A_359 : memref<1x125xi32, #tpu.memory_space<vmem>> -> memref<125xi32, #tpu.memory_space<vmem>>
    %dma_wait3A_361 = arith.constant 0 : i32
    %dma_wait3A_362 = arith.constant 0 : i32
    %dma_wait3A_363 = tpu.memref_slice %arg9[%dma_wait3A_361, %dma_wait3A_362] : memref<10240x48xf32, #tpu.memory_space<vmem_shared>> -> memref<10240x48xf32, #tpu.memory_space<vmem_shared>>
    tpu.wait_indirect_dma semaphore(%arg22 : memref<!tpu.dma_semaphore, #tpu.memory_space<semaphore_mem>>) src(%dma_wait3A_357 : memref<125x48xf32, #tpu.memory_space<vmem>>) dst(%dma_wait3A_363 : memref<10240x48xf32, #tpu.memory_space<vmem_shared>>)
    %dma_wait3A_364 = arith.constant 5 : i32
    %dma_wait3A_365 = arith.constant 77 : i32
    %dma_wait3A_366 = arith.constant 0 : i32
    %dma_wait3A_367 = arith.constant 0 : i32
    %dma_wait3A_368 = tpu.memref_slice %arg7[%dma_wait3A_364, %dma_wait3A_366, %dma_wait3A_367] : memref<8x125x48xf32, #tpu.memory_space<vmem>> -> memref<1x125x48xf32, #tpu.memory_space<vmem>>
    %dma_wait3A_369 = tpu.memref_squeeze %dma_wait3A_368 : memref<1x125x48xf32, #tpu.memory_space<vmem>> -> memref<125x48xf32, #tpu.memory_space<vmem>>
    %dma_wait3A_370 = arith.constant 0 : i32
    %dma_wait3A_371 = tpu.memref_slice %arg6[%dma_wait3A_365, %dma_wait3A_370] : memref<80x125xi32, #tpu.memory_space<vmem>> -> memref<1x125xi32, #tpu.memory_space<vmem>>
    %dma_wait3A_372 = tpu.memref_squeeze %dma_wait3A_371 : memref<1x125xi32, #tpu.memory_space<vmem>> -> memref<125xi32, #tpu.memory_space<vmem>>
    %dma_wait3A_373 = arith.constant 0 : i32
    %dma_wait3A_374 = arith.constant 0 : i32
    %dma_wait3A_375 = tpu.memref_slice %arg9[%dma_wait3A_373, %dma_wait3A_374] : memref<10240x48xf32, #tpu.memory_space<vmem_shared>> -> memref<10240x48xf32, #tpu.memory_space<vmem_shared>>
    tpu.wait_indirect_dma semaphore(%arg23 : memref<!tpu.dma_semaphore, #tpu.memory_space<semaphore_mem>>) src(%dma_wait3A_369 : memref<125x48xf32, #tpu.memory_space<vmem>>) dst(%dma_wait3A_375 : memref<10240x48xf32, #tpu.memory_space<vmem_shared>>)
    %dma_wait3A_376 = arith.constant 6 : i32
    %dma_wait3A_377 = arith.constant 78 : i32
    %dma_wait3A_378 = arith.constant 0 : i32
    %dma_wait3A_379 = arith.constant 0 : i32
    %dma_wait3A_380 = tpu.memref_slice %arg7[%dma_wait3A_376, %dma_wait3A_378, %dma_wait3A_379] : memref<8x125x48xf32, #tpu.memory_space<vmem>> -> memref<1x125x48xf32, #tpu.memory_space<vmem>>
    %dma_wait3A_381 = tpu.memref_squeeze %dma_wait3A_380 : memref<1x125x48xf32, #tpu.memory_space<vmem>> -> memref<125x48xf32, #tpu.memory_space<vmem>>
    %dma_wait3A_382 = arith.constant 0 : i32
    %dma_wait3A_383 = tpu.memref_slice %arg6[%dma_wait3A_377, %dma_wait3A_382] : memref<80x125xi32, #tpu.memory_space<vmem>> -> memref<1x125xi32, #tpu.memory_space<vmem>>
    %dma_wait3A_384 = tpu.memref_squeeze %dma_wait3A_383 : memref<1x125xi32, #tpu.memory_space<vmem>> -> memref<125xi32, #tpu.memory_space<vmem>>
    %dma_wait3A_385 = arith.constant 0 : i32
    %dma_wait3A_386 = arith.constant 0 : i32
    %dma_wait3A_387 = tpu.memref_slice %arg9[%dma_wait3A_385, %dma_wait3A_386] : memref<10240x48xf32, #tpu.memory_space<vmem_shared>> -> memref<10240x48xf32, #tpu.memory_space<vmem_shared>>
    tpu.wait_indirect_dma semaphore(%arg24 : memref<!tpu.dma_semaphore, #tpu.memory_space<semaphore_mem>>) src(%dma_wait3A_381 : memref<125x48xf32, #tpu.memory_space<vmem>>) dst(%dma_wait3A_387 : memref<10240x48xf32, #tpu.memory_space<vmem_shared>>)
    %dma_wait3A_388 = arith.constant 7 : i32
    %dma_wait3A_389 = arith.constant 79 : i32
    %dma_wait3A_390 = arith.constant 0 : i32
    %dma_wait3A_391 = arith.constant 0 : i32
    %dma_wait3A_392 = tpu.memref_slice %arg7[%dma_wait3A_388, %dma_wait3A_390, %dma_wait3A_391] : memref<8x125x48xf32, #tpu.memory_space<vmem>> -> memref<1x125x48xf32, #tpu.memory_space<vmem>>
    %dma_wait3A_393 = tpu.memref_squeeze %dma_wait3A_392 : memref<1x125x48xf32, #tpu.memory_space<vmem>> -> memref<125x48xf32, #tpu.memory_space<vmem>>
    %dma_wait3A_394 = arith.constant 0 : i32
    %dma_wait3A_395 = tpu.memref_slice %arg6[%dma_wait3A_389, %dma_wait3A_394] : memref<80x125xi32, #tpu.memory_space<vmem>> -> memref<1x125xi32, #tpu.memory_space<vmem>>
    %dma_wait3A_396 = tpu.memref_squeeze %dma_wait3A_395 : memref<1x125xi32, #tpu.memory_space<vmem>> -> memref<125xi32, #tpu.memory_space<vmem>>
    %dma_wait3A_397 = arith.constant 0 : i32
    %dma_wait3A_398 = arith.constant 0 : i32
    %dma_wait3A_399 = tpu.memref_slice %arg9[%dma_wait3A_397, %dma_wait3A_398] : memref<10240x48xf32, #tpu.memory_space<vmem_shared>> -> memref<10240x48xf32, #tpu.memory_space<vmem_shared>>
    tpu.wait_indirect_dma semaphore(%arg25 : memref<!tpu.dma_semaphore, #tpu.memory_space<semaphore_mem>>) src(%dma_wait3A_393 : memref<125x48xf32, #tpu.memory_space<vmem>>) dst(%dma_wait3A_399 : memref<10240x48xf32, #tpu.memory_space<vmem_shared>>)
    %barrier3A_400 = arith.constant 0 : index
    tpu.barrier barrier_id(%barrier3A_400)
    %mul3A_401 = arith.constant 640 : i32
    %mul3A_402 = arith.muli %arg1, %mul3A_401 : i32
    "tpu.region"() ({
      %run_scoped3A_408 = tpu.sem_alloc : memref<!tpu.dma_semaphore, #tpu.memory_space<semaphore_mem>>
      %dma_start3A_409 = arith.constant 0 : i32
      %dma_start3A_410 = tpu.memref_slice %arg9[%mul3A_402, %dma_start3A_409] : memref<10240x48xf32, #tpu.memory_space<vmem_shared>> -> memref<640x48xf32, #tpu.memory_space<vmem_shared>>
      %dma_start3A_411 = arith.constant 0 : i32
      %dma_start3A_412 = tpu.memref_slice %arg9[%mul3A_402, %dma_start3A_411] : memref<10240x48xf32, #tpu.memory_space<vmem_shared>> -> memref<640x48xf32, #tpu.memory_space<vmem_shared>>
      tpu.enqueue_dma source(%dma_start3A_412 : memref<640x48xf32, #tpu.memory_space<vmem_shared>>) target(%arg8 : memref<640x48xf32, #tpu.memory_space<vmem>>) target_semaphore(%run_scoped3A_408 : memref<!tpu.dma_semaphore, #tpu.memory_space<semaphore_mem>>)
      %dma_wait3A_413 = arith.constant 0 : i32
      %dma_wait3A_414 = tpu.memref_slice %arg9[%mul3A_402, %dma_wait3A_413] : memref<10240x48xf32, #tpu.memory_space<vmem_shared>> -> memref<640x48xf32, #tpu.memory_space<vmem_shared>>
      %dma_wait3A_415 = arith.constant 0 : i32
      %dma_wait3A_416 = tpu.memref_slice %arg9[%mul3A_402, %dma_wait3A_415] : memref<10240x48xf32, #tpu.memory_space<vmem_shared>> -> memref<640x48xf32, #tpu.memory_space<vmem_shared>>
      tpu.wait_dma2 semaphore(%run_scoped3A_408 : memref<!tpu.dma_semaphore, #tpu.memory_space<semaphore_mem>>) src(%dma_wait3A_416 : memref<640x48xf32, #tpu.memory_space<vmem_shared>>) dst(%arg8 : memref<640x48xf32, #tpu.memory_space<vmem>>)
      tpu.yield
    }) : () -> ()
    %mul3A_403 = arith.constant 10240 : i32
    %mul3A_404 = arith.muli %arg0, %mul3A_403 : i32
    %mul3A_405 = arith.constant 640 : i32
    %mul3A_406 = arith.muli %arg1, %mul3A_405 : i32
    %add3A_407 = arith.addi %mul3A_404, %mul3A_406 : i32
    "tpu.region"() ({
      %run_scoped3A_408 = tpu.sem_alloc : memref<!tpu.dma_semaphore, #tpu.memory_space<semaphore_mem>>
      %dma_start3A_409 = arith.constant 0 : i32
      %dma_start3A_410 = tpu.memref_slice %arg4[%add3A_407, %dma_start3A_409] : memref<20480x48xf32, #tpu.memory_space<hbm>> -> memref<640x48xf32, #tpu.memory_space<hbm>>
      %dma_start3A_411 = arith.constant 0 : i32
      %dma_start3A_412 = tpu.memref_slice %arg4[%add3A_407, %dma_start3A_411] : memref<20480x48xf32, #tpu.memory_space<hbm>> -> memref<640x48xf32, #tpu.memory_space<hbm>>
      tpu.enqueue_dma source(%arg8 : memref<640x48xf32, #tpu.memory_space<vmem>>) target(%dma_start3A_412 : memref<640x48xf32, #tpu.memory_space<hbm>>) target_semaphore(%run_scoped3A_408 : memref<!tpu.dma_semaphore, #tpu.memory_space<semaphore_mem>>)
      %dma_wait3A_413 = arith.constant 0 : i32
      %dma_wait3A_414 = tpu.memref_slice %arg4[%add3A_407, %dma_wait3A_413] : memref<20480x48xf32, #tpu.memory_space<hbm>> -> memref<640x48xf32, #tpu.memory_space<hbm>>
      %dma_wait3A_415 = arith.constant 0 : i32
      %dma_wait3A_416 = tpu.memref_slice %arg4[%add3A_407, %dma_wait3A_415] : memref<20480x48xf32, #tpu.memory_space<hbm>> -> memref<640x48xf32, #tpu.memory_space<hbm>>
      tpu.wait_dma2 semaphore(%run_scoped3A_408 : memref<!tpu.dma_semaphore, #tpu.memory_space<semaphore_mem>>) src(%arg8 : memref<640x48xf32, #tpu.memory_space<vmem>>) dst(%dma_wait3A_416 : memref<640x48xf32, #tpu.memory_space<hbm>>)
      tpu.yield
    }) : () -> ()
    return
  }
}

#map = affine_map<(d0, d1) -> (0, 0, 0, 0)>
#map1 = affine_map<(d0, d1) -> (0)>
module attributes {stable_mosaic.version = 14 : i64} {
  func.func @_deg_sc(%arg0: i32, %arg1: i32, %arg2: memref<2x32x80x125xi32, #tpu.memory_space<hbm>>, %arg3: memref<20480xf32, #tpu.memory_space<hbm>>, %arg4: memref<80x125xi32, #tpu.memory_space<vmem>>, %arg5: memref<128xf32, #tpu.memory_space<vmem>>, %arg6: memref<640xf32, #tpu.memory_space<vmem>>, %arg7: memref<10240xf32, #tpu.memory_space<vmem_shared>>, %arg8: memref<!tpu.dma_semaphore, #tpu.memory_space<semaphore_mem>>, %arg9: memref<!tpu.dma_semaphore, #tpu.memory_space<semaphore_mem>>, %arg10: memref<!tpu.dma_semaphore, #tpu.memory_space<semaphore_mem>>, %arg11: memref<!tpu.dma_semaphore, #tpu.memory_space<semaphore_mem>>, %arg12: memref<!tpu.dma_semaphore, #tpu.memory_space<semaphore_mem>>, %arg13: memref<!tpu.dma_semaphore, #tpu.memory_space<semaphore_mem>>, %arg14: memref<!tpu.dma_semaphore, #tpu.memory_space<semaphore_mem>>, %arg15: memref<!tpu.dma_semaphore, #tpu.memory_space<semaphore_mem>>) attributes {dimension_semantics = [#tpu.dimension_semantics<core_parallel>, #tpu.dimension_semantics<subcore_parallel>], iteration_bounds = array<i64: 2, 16>, scalar_prefetch = 0 : i64, scratch_operands = 12 : i64, tpu.core_type = #tpu.core_type<sc_vector_subcore>, window_params = [{transform_indices = #map}, {transform_indices = #map1}]} {
    %mul3A = arith.constant 16 : i32
    %mul3A_0 = arith.muli %arg0, %mul3A : i32
    %add3A = arith.addi %mul3A_0, %arg1 : i32
    %broadcast_in_dim3A = arith.constant 1.000000e+00 : f32
    %broadcast_in_dim3A_1 = vector.broadcast %broadcast_in_dim3A : f32 to vector<16xf32>
    %broadcast_in_dim3A_2 = arith.constant 0.000000e+00 : f32
    %broadcast_in_dim3A_3 = vector.broadcast %broadcast_in_dim3A_2 : f32 to vector<16xf32>
    %swap3A = arith.constant 0 : index
    %swap3A_4 = tpu.vector_load %arg5[%swap3A] {strides = array<i32>} : memref<128xf32, #tpu.memory_space<vmem>>, vector<16xf32>,
    %swap3A_5 = vector.shape_cast %swap3A_4 : vector<16xf32> to vector<16xf32>
    %swap3A_6 = vector.shape_cast %broadcast_in_dim3A_1 : vector<16xf32> to vector<16xf32>
    tpu.vector_store %arg5[%swap3A], %swap3A_6 {strides = array<i32>} : memref<128xf32, #tpu.memory_space<vmem>>, vector<16xf32>,
    %swap3A_7 = arith.constant 16 : index
    %swap3A_8 = tpu.vector_load %arg5[%swap3A_7] {strides = array<i32>} : memref<128xf32, #tpu.memory_space<vmem>>, vector<16xf32>,
    %swap3A_9 = vector.shape_cast %swap3A_8 : vector<16xf32> to vector<16xf32>
    %swap3A_10 = vector.shape_cast %broadcast_in_dim3A_1 : vector<16xf32> to vector<16xf32>
    tpu.vector_store %arg5[%swap3A_7], %swap3A_10 {strides = array<i32>} : memref<128xf32, #tpu.memory_space<vmem>>, vector<16xf32>,
    %swap3A_11 = arith.constant 32 : index
    %swap3A_12 = tpu.vector_load %arg5[%swap3A_11] {strides = array<i32>} : memref<128xf32, #tpu.memory_space<vmem>>, vector<16xf32>,
    %swap3A_13 = vector.shape_cast %swap3A_12 : vector<16xf32> to vector<16xf32>
    %swap3A_14 = vector.shape_cast %broadcast_in_dim3A_1 : vector<16xf32> to vector<16xf32>
    tpu.vector_store %arg5[%swap3A_11], %swap3A_14 {strides = array<i32>} : memref<128xf32, #tpu.memory_space<vmem>>, vector<16xf32>,
    %swap3A_15 = arith.constant 48 : index
    %swap3A_16 = tpu.vector_load %arg5[%swap3A_15] {strides = array<i32>} : memref<128xf32, #tpu.memory_space<vmem>>, vector<16xf32>,
    %swap3A_17 = vector.shape_cast %swap3A_16 : vector<16xf32> to vector<16xf32>
    %swap3A_18 = vector.shape_cast %broadcast_in_dim3A_1 : vector<16xf32> to vector<16xf32>
    tpu.vector_store %arg5[%swap3A_15], %swap3A_18 {strides = array<i32>} : memref<128xf32, #tpu.memory_space<vmem>>, vector<16xf32>,
    %swap3A_19 = arith.constant 64 : index
    %swap3A_20 = tpu.vector_load %arg5[%swap3A_19] {strides = array<i32>} : memref<128xf32, #tpu.memory_space<vmem>>, vector<16xf32>,
    %swap3A_21 = vector.shape_cast %swap3A_20 : vector<16xf32> to vector<16xf32>
    %swap3A_22 = vector.shape_cast %broadcast_in_dim3A_1 : vector<16xf32> to vector<16xf32>
    tpu.vector_store %arg5[%swap3A_19], %swap3A_22 {strides = array<i32>} : memref<128xf32, #tpu.memory_space<vmem>>, vector<16xf32>,
    %swap3A_23 = arith.constant 80 : index
    %swap3A_24 = tpu.vector_load %arg5[%swap3A_23] {strides = array<i32>} : memref<128xf32, #tpu.memory_space<vmem>>, vector<16xf32>,
    %swap3A_25 = vector.shape_cast %swap3A_24 : vector<16xf32> to vector<16xf32>
    %swap3A_26 = vector.shape_cast %broadcast_in_dim3A_1 : vector<16xf32> to vector<16xf32>
    tpu.vector_store %arg5[%swap3A_23], %swap3A_26 {strides = array<i32>} : memref<128xf32, #tpu.memory_space<vmem>>, vector<16xf32>,
    %swap3A_27 = arith.constant 96 : index
    %swap3A_28 = tpu.vector_load %arg5[%swap3A_27] {strides = array<i32>} : memref<128xf32, #tpu.memory_space<vmem>>, vector<16xf32>,
    %swap3A_29 = vector.shape_cast %swap3A_28 : vector<16xf32> to vector<16xf32>
    %swap3A_30 = vector.shape_cast %broadcast_in_dim3A_1 : vector<16xf32> to vector<16xf32>
    tpu.vector_store %arg5[%swap3A_27], %swap3A_30 {strides = array<i32>} : memref<128xf32, #tpu.memory_space<vmem>>, vector<16xf32>,
    %swap3A_31 = arith.constant 112 : index
    %swap3A_32 = tpu.vector_load %arg5[%swap3A_31] {strides = array<i32>} : memref<128xf32, #tpu.memory_space<vmem>>, vector<16xf32>,
    %swap3A_33 = vector.shape_cast %swap3A_32 : vector<16xf32> to vector<16xf32>
    %swap3A_34 = vector.shape_cast %broadcast_in_dim3A_1 : vector<16xf32> to vector<16xf32>
    tpu.vector_store %arg5[%swap3A_31], %swap3A_34 {strides = array<i32>} : memref<128xf32, #tpu.memory_space<vmem>>, vector<16xf32>,
    %scan3A = arith.constant 0 : i32
    %scan3A_35 = arith.constant 0 : i32
    %scan3A_36 = arith.constant 40 : i32
    %scan3A_37 = arith.addi %scan3A_35, %scan3A_36 : i32
    %scan3A_38 = arith.constant 1 : i32
    %scan3A_39 = scf.for %scan3A_121 = %scan3A_35 to %scan3A_37 step %scan3A_38 iter_args(%scan3A_122 = %scan3A) -> (i32)  : i32 {
      %mul3A_123 = arith.constant 16 : i32
      %mul3A_124 = arith.muli %scan3A_121, %mul3A_123 : i32
      %swap3A_125 = arith.index_cast %mul3A_124 : i32 to index
      %swap3A_126 = tpu.vector_load %arg6[%swap3A_125] {strides = array<i32>} : memref<640xf32, #tpu.memory_space<vmem>>, vector<16xf32>,
      %swap3A_127 = vector.shape_cast %swap3A_126 : vector<16xf32> to vector<16xf32>
      %swap3A_128 = vector.shape_cast %broadcast_in_dim3A_3 : vector<16xf32> to vector<16xf32>
      tpu.vector_store %arg6[%swap3A_125], %swap3A_128 {strides = array<i32>} : memref<640xf32, #tpu.memory_space<vmem>>, vector<16xf32>,
      %scan3A_129 = arith.constant 0 : i32
      scf.yield %scan3A_129 : i32
    }
    %scan3A_40 = arith.constant 40 : i32
    %mul3A_41 = arith.constant 640 : i32
    %mul3A_42 = arith.muli %arg1, %mul3A_41 : i32
    "tpu.region"() ({
      %run_scoped3A_121 = tpu.sem_alloc : memref<!tpu.dma_semaphore, #tpu.memory_space<semaphore_mem>>
      %dma_start3A = tpu.memref_slice %arg7[%mul3A_42] : memref<10240xf32, #tpu.memory_space<vmem_shared>> -> memref<640xf32, #tpu.memory_space<vmem_shared>>
      %dma_start3A_122 = tpu.memref_slice %arg7[%mul3A_42] : memref<10240xf32, #tpu.memory_space<vmem_shared>> -> memref<640xf32, #tpu.memory_space<vmem_shared>>
      tpu.enqueue_dma source(%arg6 : memref<640xf32, #tpu.memory_space<vmem>>) target(%dma_start3A_122 : memref<640xf32, #tpu.memory_space<vmem_shared>>) target_semaphore(%run_scoped3A_121 : memref<!tpu.dma_semaphore, #tpu.memory_space<semaphore_mem>>)
      %dma_wait3A_123 = tpu.memref_slice %arg7[%mul3A_42] : memref<10240xf32, #tpu.memory_space<vmem_shared>> -> memref<640xf32, #tpu.memory_space<vmem_shared>>
      %dma_wait3A_124 = tpu.memref_slice %arg7[%mul3A_42] : memref<10240xf32, #tpu.memory_space<vmem_shared>> -> memref<640xf32, #tpu.memory_space<vmem_shared>>
      tpu.wait_dma2 semaphore(%run_scoped3A_121 : memref<!tpu.dma_semaphore, #tpu.memory_space<semaphore_mem>>) src(%arg6 : memref<640xf32, #tpu.memory_space<vmem>>) dst(%dma_wait3A_124 : memref<640xf32, #tpu.memory_space<vmem_shared>>)
      tpu.yield
    }) : () -> ()
    %run_scoped3A = arith.constant 1 : i32
    "tpu.region"() ({
      %run_scoped3A_121 = tpu.sem_alloc : memref<!tpu.dma_semaphore, #tpu.memory_space<semaphore_mem>>
      %dma_start3A = arith.constant 0 : i32
      %dma_start3A_122 = arith.constant 0 : i32
      %dma_start3A_123 = tpu.memref_slice %arg2[%run_scoped3A, %add3A, %dma_start3A, %dma_start3A_122] : memref<2x32x80x125xi32, #tpu.memory_space<hbm>> -> memref<1x1x80x125xi32, #tpu.memory_space<hbm>>
      %dma_start3A_124 = tpu.memref_squeeze %dma_start3A_123 : memref<1x1x80x125xi32, #tpu.memory_space<hbm>> -> memref<80x125xi32, #tpu.memory_space<hbm>>
      %dma_start3A_125 = arith.constant 0 : i32
      %dma_start3A_126 = arith.constant 0 : i32
      %dma_start3A_127 = tpu.memref_slice %arg2[%run_scoped3A, %add3A, %dma_start3A_125, %dma_start3A_126] : memref<2x32x80x125xi32, #tpu.memory_space<hbm>> -> memref<1x1x80x125xi32, #tpu.memory_space<hbm>>
      %dma_start3A_128 = tpu.memref_squeeze %dma_start3A_127 : memref<1x1x80x125xi32, #tpu.memory_space<hbm>> -> memref<80x125xi32, #tpu.memory_space<hbm>>
      tpu.enqueue_dma source(%dma_start3A_128 : memref<80x125xi32, #tpu.memory_space<hbm>>) target(%arg4 : memref<80x125xi32, #tpu.memory_space<vmem>>) target_semaphore(%run_scoped3A_121 : memref<!tpu.dma_semaphore, #tpu.memory_space<semaphore_mem>>)
      %dma_wait3A_129 = arith.constant 0 : i32
      %dma_wait3A_130 = arith.constant 0 : i32
      %dma_wait3A_131 = tpu.memref_slice %arg2[%run_scoped3A, %add3A, %dma_wait3A_129, %dma_wait3A_130] : memref<2x32x80x125xi32, #tpu.memory_space<hbm>> -> memref<1x1x80x125xi32, #tpu.memory_space<hbm>>
      %dma_wait3A_132 = tpu.memref_squeeze %dma_wait3A_131 : memref<1x1x80x125xi32, #tpu.memory_space<hbm>> -> memref<80x125xi32, #tpu.memory_space<hbm>>
      %dma_wait3A_133 = arith.constant 0 : i32
      %dma_wait3A_134 = arith.constant 0 : i32
      %dma_wait3A_135 = tpu.memref_slice %arg2[%run_scoped3A, %add3A, %dma_wait3A_133, %dma_wait3A_134] : memref<2x32x80x125xi32, #tpu.memory_space<hbm>> -> memref<1x1x80x125xi32, #tpu.memory_space<hbm>>
      %dma_wait3A_136 = tpu.memref_squeeze %dma_wait3A_135 : memref<1x1x80x125xi32, #tpu.memory_space<hbm>> -> memref<80x125xi32, #tpu.memory_space<hbm>>
      tpu.wait_dma2 semaphore(%run_scoped3A_121 : memref<!tpu.dma_semaphore, #tpu.memory_space<semaphore_mem>>) src(%dma_wait3A_136 : memref<80x125xi32, #tpu.memory_space<hbm>>) dst(%arg4 : memref<80x125xi32, #tpu.memory_space<vmem>>)
      tpu.yield
    }) : () -> ()
    %barrier3A = arith.constant 0 : index
    tpu.barrier barrier_id(%barrier3A)
    %scan3A_43 = arith.constant 0 : i32
    %scan3A_44 = arith.constant 0 : i32
    %scan3A_45 = arith.constant 10 : i32
    %scan3A_46 = arith.addi %scan3A_44, %scan3A_45 : i32
    %scan3A_47 = arith.constant 1 : i32
    %scan3A_48 = scf.for %scan3A_121 = %scan3A_44 to %scan3A_46 step %scan3A_47 iter_args(%scan3A_122 = %scan3A_43) -> (i32)  : i32 {
      %mul3A_123 = arith.constant 8 : i32
      %mul3A_124 = arith.muli %scan3A_121, %mul3A_123 : i32
      %add3A_125 = arith.constant 0 : i32
      %add3A_126 = arith.addi %mul3A_124, %add3A_125 : i32
      %gt3A = arith.constant 0 : i32
      %gt3A_127 = arith.cmpi sgt, %scan3A_121, %gt3A : i32
      %convert_element_type3A = arith.extui %gt3A_127 : i1 to i32
      %cond3A = arith.constant 0 : i32
      %cond3A_128 = arith.cmpi ne, %convert_element_type3A, %cond3A : i32
      scf.if %cond3A_128 {
        %dma_wait3A_248 = arith.constant 0 : i32
        %dma_wait3A_249 = tpu.memref_slice %arg5[%dma_wait3A_248] : memref<128xf32, #tpu.memory_space<vmem>> -> memref<125xf32, #tpu.memory_space<vmem>>
        %dma_wait3A_250 = arith.constant 0 : i32
        %dma_wait3A_251 = tpu.memref_slice %arg4[%add3A_126, %dma_wait3A_250] : memref<80x125xi32, #tpu.memory_space<vmem>> -> memref<1x125xi32, #tpu.memory_space<vmem>>
        %dma_wait3A_252 = tpu.memref_squeeze %dma_wait3A_251 : memref<1x125xi32, #tpu.memory_space<vmem>> -> memref<125xi32, #tpu.memory_space<vmem>>
        %dma_wait3A_253 = arith.constant 0 : i32
        %dma_wait3A_254 = tpu.memref_slice %arg7[%dma_wait3A_253] : memref<10240xf32, #tpu.memory_space<vmem_shared>> -> memref<10240xf32, #tpu.memory_space<vmem_shared>>
        tpu.wait_indirect_dma semaphore(%arg8 : memref<!tpu.dma_semaphore, #tpu.memory_space<semaphore_mem>>) src(%dma_wait3A_249 : memref<125xf32, #tpu.memory_space<vmem>>) dst(%dma_wait3A_254 : memref<10240xf32, #tpu.memory_space<vmem_shared>>)
      } else {
      }
      %dma_start3A = arith.constant 0 : i32
      %dma_start3A_129 = tpu.memref_slice %arg5[%dma_start3A] : memref<128xf32, #tpu.memory_space<vmem>> -> memref<125xf32, #tpu.memory_space<vmem>>
      %dma_start3A_130 = arith.constant 0 : i32
      %dma_start3A_131 = tpu.memref_slice %arg4[%add3A_126, %dma_start3A_130] : memref<80x125xi32, #tpu.memory_space<vmem>> -> memref<1x125xi32, #tpu.memory_space<vmem>>
      %dma_start3A_132 = tpu.memref_squeeze %dma_start3A_131 : memref<1x125xi32, #tpu.memory_space<vmem>> -> memref<125xi32, #tpu.memory_space<vmem>>
      %dma_start3A_133 = arith.constant 0 : i32
      %dma_start3A_134 = tpu.memref_slice %arg7[%dma_start3A_133] : memref<10240xf32, #tpu.memory_space<vmem_shared>> -> memref<10240xf32, #tpu.memory_space<vmem_shared>>
      tpu.enqueue_indirect_dma source(%dma_start3A_129 : memref<125xf32, #tpu.memory_space<vmem>>) target(%dma_start3A_134 : memref<10240xf32, #tpu.memory_space<vmem_shared>>) offsets(%dma_start3A_132 : memref<125xi32, #tpu.memory_space<vmem>>) semaphore(%arg8 : memref<!tpu.dma_semaphore, #tpu.memory_space<semaphore_mem>>) {add = true}
      %mul3A_135 = arith.constant 8 : i32
      %mul3A_136 = arith.muli %scan3A_121, %mul3A_135 : i32
      %add3A_137 = arith.constant 1 : i32
      %add3A_138 = arith.addi %mul3A_136, %add3A_137 : i32
      %gt3A_139 = arith.constant 0 : i32
      %gt3A_140 = arith.cmpi sgt, %scan3A_121, %gt3A_139 : i32
      %convert_element_type3A_141 = arith.extui %gt3A_140 : i1 to i32
      %cond3A_142 = arith.constant 0 : i32
      %cond3A_143 = arith.cmpi ne, %convert_element_type3A_141, %cond3A_142 : i32
      scf.if %cond3A_143 {
        %dma_wait3A_248 = arith.constant 0 : i32
        %dma_wait3A_249 = tpu.memref_slice %arg5[%dma_wait3A_248] : memref<128xf32, #tpu.memory_space<vmem>> -> memref<125xf32, #tpu.memory_space<vmem>>
        %dma_wait3A_250 = arith.constant 0 : i32
        %dma_wait3A_251 = tpu.memref_slice %arg4[%add3A_138, %dma_wait3A_250] : memref<80x125xi32, #tpu.memory_space<vmem>> -> memref<1x125xi32, #tpu.memory_space<vmem>>
        %dma_wait3A_252 = tpu.memref_squeeze %dma_wait3A_251 : memref<1x125xi32, #tpu.memory_space<vmem>> -> memref<125xi32, #tpu.memory_space<vmem>>
        %dma_wait3A_253 = arith.constant 0 : i32
        %dma_wait3A_254 = tpu.memref_slice %arg7[%dma_wait3A_253] : memref<10240xf32, #tpu.memory_space<vmem_shared>> -> memref<10240xf32, #tpu.memory_space<vmem_shared>>
        tpu.wait_indirect_dma semaphore(%arg9 : memref<!tpu.dma_semaphore, #tpu.memory_space<semaphore_mem>>) src(%dma_wait3A_249 : memref<125xf32, #tpu.memory_space<vmem>>) dst(%dma_wait3A_254 : memref<10240xf32, #tpu.memory_space<vmem_shared>>)
      } else {
      }
      %dma_start3A_144 = arith.constant 0 : i32
      %dma_start3A_145 = tpu.memref_slice %arg5[%dma_start3A_144] : memref<128xf32, #tpu.memory_space<vmem>> -> memref<125xf32, #tpu.memory_space<vmem>>
      %dma_start3A_146 = arith.constant 0 : i32
      %dma_start3A_147 = tpu.memref_slice %arg4[%add3A_138, %dma_start3A_146] : memref<80x125xi32, #tpu.memory_space<vmem>> -> memref<1x125xi32, #tpu.memory_space<vmem>>
      %dma_start3A_148 = tpu.memref_squeeze %dma_start3A_147 : memref<1x125xi32, #tpu.memory_space<vmem>> -> memref<125xi32, #tpu.memory_space<vmem>>
      %dma_start3A_149 = arith.constant 0 : i32
      %dma_start3A_150 = tpu.memref_slice %arg7[%dma_start3A_149] : memref<10240xf32, #tpu.memory_space<vmem_shared>> -> memref<10240xf32, #tpu.memory_space<vmem_shared>>
      tpu.enqueue_indirect_dma source(%dma_start3A_145 : memref<125xf32, #tpu.memory_space<vmem>>) target(%dma_start3A_150 : memref<10240xf32, #tpu.memory_space<vmem_shared>>) offsets(%dma_start3A_148 : memref<125xi32, #tpu.memory_space<vmem>>) semaphore(%arg9 : memref<!tpu.dma_semaphore, #tpu.memory_space<semaphore_mem>>) {add = true}
      %mul3A_151 = arith.constant 8 : i32
      %mul3A_152 = arith.muli %scan3A_121, %mul3A_151 : i32
      %add3A_153 = arith.constant 2 : i32
      %add3A_154 = arith.addi %mul3A_152, %add3A_153 : i32
      %gt3A_155 = arith.constant 0 : i32
      %gt3A_156 = arith.cmpi sgt, %scan3A_121, %gt3A_155 : i32
      %convert_element_type3A_157 = arith.extui %gt3A_156 : i1 to i32
      %cond3A_158 = arith.constant 0 : i32
      %cond3A_159 = arith.cmpi ne, %convert_element_type3A_157, %cond3A_158 : i32
      scf.if %cond3A_159 {
        %dma_wait3A_248 = arith.constant 0 : i32
        %dma_wait3A_249 = tpu.memref_slice %arg5[%dma_wait3A_248] : memref<128xf32, #tpu.memory_space<vmem>> -> memref<125xf32, #tpu.memory_space<vmem>>
        %dma_wait3A_250 = arith.constant 0 : i32
        %dma_wait3A_251 = tpu.memref_slice %arg4[%add3A_154, %dma_wait3A_250] : memref<80x125xi32, #tpu.memory_space<vmem>> -> memref<1x125xi32, #tpu.memory_space<vmem>>
        %dma_wait3A_252 = tpu.memref_squeeze %dma_wait3A_251 : memref<1x125xi32, #tpu.memory_space<vmem>> -> memref<125xi32, #tpu.memory_space<vmem>>
        %dma_wait3A_253 = arith.constant 0 : i32
        %dma_wait3A_254 = tpu.memref_slice %arg7[%dma_wait3A_253] : memref<10240xf32, #tpu.memory_space<vmem_shared>> -> memref<10240xf32, #tpu.memory_space<vmem_shared>>
        tpu.wait_indirect_dma semaphore(%arg10 : memref<!tpu.dma_semaphore, #tpu.memory_space<semaphore_mem>>) src(%dma_wait3A_249 : memref<125xf32, #tpu.memory_space<vmem>>) dst(%dma_wait3A_254 : memref<10240xf32, #tpu.memory_space<vmem_shared>>)
      } else {
      }
      %dma_start3A_160 = arith.constant 0 : i32
      %dma_start3A_161 = tpu.memref_slice %arg5[%dma_start3A_160] : memref<128xf32, #tpu.memory_space<vmem>> -> memref<125xf32, #tpu.memory_space<vmem>>
      %dma_start3A_162 = arith.constant 0 : i32
      %dma_start3A_163 = tpu.memref_slice %arg4[%add3A_154, %dma_start3A_162] : memref<80x125xi32, #tpu.memory_space<vmem>> -> memref<1x125xi32, #tpu.memory_space<vmem>>
      %dma_start3A_164 = tpu.memref_squeeze %dma_start3A_163 : memref<1x125xi32, #tpu.memory_space<vmem>> -> memref<125xi32, #tpu.memory_space<vmem>>
      %dma_start3A_165 = arith.constant 0 : i32
      %dma_start3A_166 = tpu.memref_slice %arg7[%dma_start3A_165] : memref<10240xf32, #tpu.memory_space<vmem_shared>> -> memref<10240xf32, #tpu.memory_space<vmem_shared>>
      tpu.enqueue_indirect_dma source(%dma_start3A_161 : memref<125xf32, #tpu.memory_space<vmem>>) target(%dma_start3A_166 : memref<10240xf32, #tpu.memory_space<vmem_shared>>) offsets(%dma_start3A_164 : memref<125xi32, #tpu.memory_space<vmem>>) semaphore(%arg10 : memref<!tpu.dma_semaphore, #tpu.memory_space<semaphore_mem>>) {add = true}
      %mul3A_167 = arith.constant 8 : i32
      %mul3A_168 = arith.muli %scan3A_121, %mul3A_167 : i32
      %add3A_169 = arith.constant 3 : i32
      %add3A_170 = arith.addi %mul3A_168, %add3A_169 : i32
      %gt3A_171 = arith.constant 0 : i32
      %gt3A_172 = arith.cmpi sgt, %scan3A_121, %gt3A_171 : i32
      %convert_element_type3A_173 = arith.extui %gt3A_172 : i1 to i32
      %cond3A_174 = arith.constant 0 : i32
      %cond3A_175 = arith.cmpi ne, %convert_element_type3A_173, %cond3A_174 : i32
      scf.if %cond3A_175 {
        %dma_wait3A_248 = arith.constant 0 : i32
        %dma_wait3A_249 = tpu.memref_slice %arg5[%dma_wait3A_248] : memref<128xf32, #tpu.memory_space<vmem>> -> memref<125xf32, #tpu.memory_space<vmem>>
        %dma_wait3A_250 = arith.constant 0 : i32
        %dma_wait3A_251 = tpu.memref_slice %arg4[%add3A_170, %dma_wait3A_250] : memref<80x125xi32, #tpu.memory_space<vmem>> -> memref<1x125xi32, #tpu.memory_space<vmem>>
        %dma_wait3A_252 = tpu.memref_squeeze %dma_wait3A_251 : memref<1x125xi32, #tpu.memory_space<vmem>> -> memref<125xi32, #tpu.memory_space<vmem>>
        %dma_wait3A_253 = arith.constant 0 : i32
        %dma_wait3A_254 = tpu.memref_slice %arg7[%dma_wait3A_253] : memref<10240xf32, #tpu.memory_space<vmem_shared>> -> memref<10240xf32, #tpu.memory_space<vmem_shared>>
        tpu.wait_indirect_dma semaphore(%arg11 : memref<!tpu.dma_semaphore, #tpu.memory_space<semaphore_mem>>) src(%dma_wait3A_249 : memref<125xf32, #tpu.memory_space<vmem>>) dst(%dma_wait3A_254 : memref<10240xf32, #tpu.memory_space<vmem_shared>>)
      } else {
      }
      %dma_start3A_176 = arith.constant 0 : i32
      %dma_start3A_177 = tpu.memref_slice %arg5[%dma_start3A_176] : memref<128xf32, #tpu.memory_space<vmem>> -> memref<125xf32, #tpu.memory_space<vmem>>
      %dma_start3A_178 = arith.constant 0 : i32
      %dma_start3A_179 = tpu.memref_slice %arg4[%add3A_170, %dma_start3A_178] : memref<80x125xi32, #tpu.memory_space<vmem>> -> memref<1x125xi32, #tpu.memory_space<vmem>>
      %dma_start3A_180 = tpu.memref_squeeze %dma_start3A_179 : memref<1x125xi32, #tpu.memory_space<vmem>> -> memref<125xi32, #tpu.memory_space<vmem>>
      %dma_start3A_181 = arith.constant 0 : i32
      %dma_start3A_182 = tpu.memref_slice %arg7[%dma_start3A_181] : memref<10240xf32, #tpu.memory_space<vmem_shared>> -> memref<10240xf32, #tpu.memory_space<vmem_shared>>
      tpu.enqueue_indirect_dma source(%dma_start3A_177 : memref<125xf32, #tpu.memory_space<vmem>>) target(%dma_start3A_182 : memref<10240xf32, #tpu.memory_space<vmem_shared>>) offsets(%dma_start3A_180 : memref<125xi32, #tpu.memory_space<vmem>>) semaphore(%arg11 : memref<!tpu.dma_semaphore, #tpu.memory_space<semaphore_mem>>) {add = true}
      %mul3A_183 = arith.constant 8 : i32
      %mul3A_184 = arith.muli %scan3A_121, %mul3A_183 : i32
      %add3A_185 = arith.constant 4 : i32
      %add3A_186 = arith.addi %mul3A_184, %add3A_185 : i32
      %gt3A_187 = arith.constant 0 : i32
      %gt3A_188 = arith.cmpi sgt, %scan3A_121, %gt3A_187 : i32
      %convert_element_type3A_189 = arith.extui %gt3A_188 : i1 to i32
      %cond3A_190 = arith.constant 0 : i32
      %cond3A_191 = arith.cmpi ne, %convert_element_type3A_189, %cond3A_190 : i32
      scf.if %cond3A_191 {
        %dma_wait3A_248 = arith.constant 0 : i32
        %dma_wait3A_249 = tpu.memref_slice %arg5[%dma_wait3A_248] : memref<128xf32, #tpu.memory_space<vmem>> -> memref<125xf32, #tpu.memory_space<vmem>>
        %dma_wait3A_250 = arith.constant 0 : i32
        %dma_wait3A_251 = tpu.memref_slice %arg4[%add3A_186, %dma_wait3A_250] : memref<80x125xi32, #tpu.memory_space<vmem>> -> memref<1x125xi32, #tpu.memory_space<vmem>>
        %dma_wait3A_252 = tpu.memref_squeeze %dma_wait3A_251 : memref<1x125xi32, #tpu.memory_space<vmem>> -> memref<125xi32, #tpu.memory_space<vmem>>
        %dma_wait3A_253 = arith.constant 0 : i32
        %dma_wait3A_254 = tpu.memref_slice %arg7[%dma_wait3A_253] : memref<10240xf32, #tpu.memory_space<vmem_shared>> -> memref<10240xf32, #tpu.memory_space<vmem_shared>>
        tpu.wait_indirect_dma semaphore(%arg12 : memref<!tpu.dma_semaphore, #tpu.memory_space<semaphore_mem>>) src(%dma_wait3A_249 : memref<125xf32, #tpu.memory_space<vmem>>) dst(%dma_wait3A_254 : memref<10240xf32, #tpu.memory_space<vmem_shared>>)
      } else {
      }
      %dma_start3A_192 = arith.constant 0 : i32
      %dma_start3A_193 = tpu.memref_slice %arg5[%dma_start3A_192] : memref<128xf32, #tpu.memory_space<vmem>> -> memref<125xf32, #tpu.memory_space<vmem>>
      %dma_start3A_194 = arith.constant 0 : i32
      %dma_start3A_195 = tpu.memref_slice %arg4[%add3A_186, %dma_start3A_194] : memref<80x125xi32, #tpu.memory_space<vmem>> -> memref<1x125xi32, #tpu.memory_space<vmem>>
      %dma_start3A_196 = tpu.memref_squeeze %dma_start3A_195 : memref<1x125xi32, #tpu.memory_space<vmem>> -> memref<125xi32, #tpu.memory_space<vmem>>
      %dma_start3A_197 = arith.constant 0 : i32
      %dma_start3A_198 = tpu.memref_slice %arg7[%dma_start3A_197] : memref<10240xf32, #tpu.memory_space<vmem_shared>> -> memref<10240xf32, #tpu.memory_space<vmem_shared>>
      tpu.enqueue_indirect_dma source(%dma_start3A_193 : memref<125xf32, #tpu.memory_space<vmem>>) target(%dma_start3A_198 : memref<10240xf32, #tpu.memory_space<vmem_shared>>) offsets(%dma_start3A_196 : memref<125xi32, #tpu.memory_space<vmem>>) semaphore(%arg12 : memref<!tpu.dma_semaphore, #tpu.memory_space<semaphore_mem>>) {add = true}
      %mul3A_199 = arith.constant 8 : i32
      %mul3A_200 = arith.muli %scan3A_121, %mul3A_199 : i32
      %add3A_201 = arith.constant 5 : i32
      %add3A_202 = arith.addi %mul3A_200, %add3A_201 : i32
      %gt3A_203 = arith.constant 0 : i32
      %gt3A_204 = arith.cmpi sgt, %scan3A_121, %gt3A_203 : i32
      %convert_element_type3A_205 = arith.extui %gt3A_204 : i1 to i32
      %cond3A_206 = arith.constant 0 : i32
      %cond3A_207 = arith.cmpi ne, %convert_element_type3A_205, %cond3A_206 : i32
      scf.if %cond3A_207 {
        %dma_wait3A_248 = arith.constant 0 : i32
        %dma_wait3A_249 = tpu.memref_slice %arg5[%dma_wait3A_248] : memref<128xf32, #tpu.memory_space<vmem>> -> memref<125xf32, #tpu.memory_space<vmem>>
        %dma_wait3A_250 = arith.constant 0 : i32
        %dma_wait3A_251 = tpu.memref_slice %arg4[%add3A_202, %dma_wait3A_250] : memref<80x125xi32, #tpu.memory_space<vmem>> -> memref<1x125xi32, #tpu.memory_space<vmem>>
        %dma_wait3A_252 = tpu.memref_squeeze %dma_wait3A_251 : memref<1x125xi32, #tpu.memory_space<vmem>> -> memref<125xi32, #tpu.memory_space<vmem>>
        %dma_wait3A_253 = arith.constant 0 : i32
        %dma_wait3A_254 = tpu.memref_slice %arg7[%dma_wait3A_253] : memref<10240xf32, #tpu.memory_space<vmem_shared>> -> memref<10240xf32, #tpu.memory_space<vmem_shared>>
        tpu.wait_indirect_dma semaphore(%arg13 : memref<!tpu.dma_semaphore, #tpu.memory_space<semaphore_mem>>) src(%dma_wait3A_249 : memref<125xf32, #tpu.memory_space<vmem>>) dst(%dma_wait3A_254 : memref<10240xf32, #tpu.memory_space<vmem_shared>>)
      } else {
      }
      %dma_start3A_208 = arith.constant 0 : i32
      %dma_start3A_209 = tpu.memref_slice %arg5[%dma_start3A_208] : memref<128xf32, #tpu.memory_space<vmem>> -> memref<125xf32, #tpu.memory_space<vmem>>
      %dma_start3A_210 = arith.constant 0 : i32
      %dma_start3A_211 = tpu.memref_slice %arg4[%add3A_202, %dma_start3A_210] : memref<80x125xi32, #tpu.memory_space<vmem>> -> memref<1x125xi32, #tpu.memory_space<vmem>>
      %dma_start3A_212 = tpu.memref_squeeze %dma_start3A_211 : memref<1x125xi32, #tpu.memory_space<vmem>> -> memref<125xi32, #tpu.memory_space<vmem>>
      %dma_start3A_213 = arith.constant 0 : i32
      %dma_start3A_214 = tpu.memref_slice %arg7[%dma_start3A_213] : memref<10240xf32, #tpu.memory_space<vmem_shared>> -> memref<10240xf32, #tpu.memory_space<vmem_shared>>
      tpu.enqueue_indirect_dma source(%dma_start3A_209 : memref<125xf32, #tpu.memory_space<vmem>>) target(%dma_start3A_214 : memref<10240xf32, #tpu.memory_space<vmem_shared>>) offsets(%dma_start3A_212 : memref<125xi32, #tpu.memory_space<vmem>>) semaphore(%arg13 : memref<!tpu.dma_semaphore, #tpu.memory_space<semaphore_mem>>) {add = true}
      %mul3A_215 = arith.constant 8 : i32
      %mul3A_216 = arith.muli %scan3A_121, %mul3A_215 : i32
      %add3A_217 = arith.constant 6 : i32
      %add3A_218 = arith.addi %mul3A_216, %add3A_217 : i32
      %gt3A_219 = arith.constant 0 : i32
      %gt3A_220 = arith.cmpi sgt, %scan3A_121, %gt3A_219 : i32
      %convert_element_type3A_221 = arith.extui %gt3A_220 : i1 to i32
      %cond3A_222 = arith.constant 0 : i32
      %cond3A_223 = arith.cmpi ne, %convert_element_type3A_221, %cond3A_222 : i32
      scf.if %cond3A_223 {
        %dma_wait3A_248 = arith.constant 0 : i32
        %dma_wait3A_249 = tpu.memref_slice %arg5[%dma_wait3A_248] : memref<128xf32, #tpu.memory_space<vmem>> -> memref<125xf32, #tpu.memory_space<vmem>>
        %dma_wait3A_250 = arith.constant 0 : i32
        %dma_wait3A_251 = tpu.memref_slice %arg4[%add3A_218, %dma_wait3A_250] : memref<80x125xi32, #tpu.memory_space<vmem>> -> memref<1x125xi32, #tpu.memory_space<vmem>>
        %dma_wait3A_252 = tpu.memref_squeeze %dma_wait3A_251 : memref<1x125xi32, #tpu.memory_space<vmem>> -> memref<125xi32, #tpu.memory_space<vmem>>
        %dma_wait3A_253 = arith.constant 0 : i32
        %dma_wait3A_254 = tpu.memref_slice %arg7[%dma_wait3A_253] : memref<10240xf32, #tpu.memory_space<vmem_shared>> -> memref<10240xf32, #tpu.memory_space<vmem_shared>>
        tpu.wait_indirect_dma semaphore(%arg14 : memref<!tpu.dma_semaphore, #tpu.memory_space<semaphore_mem>>) src(%dma_wait3A_249 : memref<125xf32, #tpu.memory_space<vmem>>) dst(%dma_wait3A_254 : memref<10240xf32, #tpu.memory_space<vmem_shared>>)
      } else {
      }
      %dma_start3A_224 = arith.constant 0 : i32
      %dma_start3A_225 = tpu.memref_slice %arg5[%dma_start3A_224] : memref<128xf32, #tpu.memory_space<vmem>> -> memref<125xf32, #tpu.memory_space<vmem>>
      %dma_start3A_226 = arith.constant 0 : i32
      %dma_start3A_227 = tpu.memref_slice %arg4[%add3A_218, %dma_start3A_226] : memref<80x125xi32, #tpu.memory_space<vmem>> -> memref<1x125xi32, #tpu.memory_space<vmem>>
      %dma_start3A_228 = tpu.memref_squeeze %dma_start3A_227 : memref<1x125xi32, #tpu.memory_space<vmem>> -> memref<125xi32, #tpu.memory_space<vmem>>
      %dma_start3A_229 = arith.constant 0 : i32
      %dma_start3A_230 = tpu.memref_slice %arg7[%dma_start3A_229] : memref<10240xf32, #tpu.memory_space<vmem_shared>> -> memref<10240xf32, #tpu.memory_space<vmem_shared>>
      tpu.enqueue_indirect_dma source(%dma_start3A_225 : memref<125xf32, #tpu.memory_space<vmem>>) target(%dma_start3A_230 : memref<10240xf32, #tpu.memory_space<vmem_shared>>) offsets(%dma_start3A_228 : memref<125xi32, #tpu.memory_space<vmem>>) semaphore(%arg14 : memref<!tpu.dma_semaphore, #tpu.memory_space<semaphore_mem>>) {add = true}
      %mul3A_231 = arith.constant 8 : i32
      %mul3A_232 = arith.muli %scan3A_121, %mul3A_231 : i32
      %add3A_233 = arith.constant 7 : i32
      %add3A_234 = arith.addi %mul3A_232, %add3A_233 : i32
      %gt3A_235 = arith.constant 0 : i32
      %gt3A_236 = arith.cmpi sgt, %scan3A_121, %gt3A_235 : i32
      %convert_element_type3A_237 = arith.extui %gt3A_236 : i1 to i32
      %cond3A_238 = arith.constant 0 : i32
      %cond3A_239 = arith.cmpi ne, %convert_element_type3A_237, %cond3A_238 : i32
      scf.if %cond3A_239 {
        %dma_wait3A_248 = arith.constant 0 : i32
        %dma_wait3A_249 = tpu.memref_slice %arg5[%dma_wait3A_248] : memref<128xf32, #tpu.memory_space<vmem>> -> memref<125xf32, #tpu.memory_space<vmem>>
        %dma_wait3A_250 = arith.constant 0 : i32
        %dma_wait3A_251 = tpu.memref_slice %arg4[%add3A_234, %dma_wait3A_250] : memref<80x125xi32, #tpu.memory_space<vmem>> -> memref<1x125xi32, #tpu.memory_space<vmem>>
        %dma_wait3A_252 = tpu.memref_squeeze %dma_wait3A_251 : memref<1x125xi32, #tpu.memory_space<vmem>> -> memref<125xi32, #tpu.memory_space<vmem>>
        %dma_wait3A_253 = arith.constant 0 : i32
        %dma_wait3A_254 = tpu.memref_slice %arg7[%dma_wait3A_253] : memref<10240xf32, #tpu.memory_space<vmem_shared>> -> memref<10240xf32, #tpu.memory_space<vmem_shared>>
        tpu.wait_indirect_dma semaphore(%arg15 : memref<!tpu.dma_semaphore, #tpu.memory_space<semaphore_mem>>) src(%dma_wait3A_249 : memref<125xf32, #tpu.memory_space<vmem>>) dst(%dma_wait3A_254 : memref<10240xf32, #tpu.memory_space<vmem_shared>>)
      } else {
      }
      %dma_start3A_240 = arith.constant 0 : i32
      %dma_start3A_241 = tpu.memref_slice %arg5[%dma_start3A_240] : memref<128xf32, #tpu.memory_space<vmem>> -> memref<125xf32, #tpu.memory_space<vmem>>
      %dma_start3A_242 = arith.constant 0 : i32
      %dma_start3A_243 = tpu.memref_slice %arg4[%add3A_234, %dma_start3A_242] : memref<80x125xi32, #tpu.memory_space<vmem>> -> memref<1x125xi32, #tpu.memory_space<vmem>>
      %dma_start3A_244 = tpu.memref_squeeze %dma_start3A_243 : memref<1x125xi32, #tpu.memory_space<vmem>> -> memref<125xi32, #tpu.memory_space<vmem>>
      %dma_start3A_245 = arith.constant 0 : i32
      %dma_start3A_246 = tpu.memref_slice %arg7[%dma_start3A_245] : memref<10240xf32, #tpu.memory_space<vmem_shared>> -> memref<10240xf32, #tpu.memory_space<vmem_shared>>
      tpu.enqueue_indirect_dma source(%dma_start3A_241 : memref<125xf32, #tpu.memory_space<vmem>>) target(%dma_start3A_246 : memref<10240xf32, #tpu.memory_space<vmem_shared>>) offsets(%dma_start3A_244 : memref<125xi32, #tpu.memory_space<vmem>>) semaphore(%arg15 : memref<!tpu.dma_semaphore, #tpu.memory_space<semaphore_mem>>) {add = true}
      %scan3A_247 = arith.constant 0 : i32
      scf.yield %scan3A_247 : i32
    }
    %scan3A_49 = arith.constant 10 : i32
    %dma_wait3A = arith.constant 0 : i32
    %dma_wait3A_50 = arith.constant 0 : i32
    %dma_wait3A_51 = tpu.memref_slice %arg5[%dma_wait3A_50] : memref<128xf32, #tpu.memory_space<vmem>> -> memref<125xf32, #tpu.memory_space<vmem>>
    %dma_wait3A_52 = arith.constant 0 : i32
    %dma_wait3A_53 = tpu.memref_slice %arg4[%dma_wait3A, %dma_wait3A_52] : memref<80x125xi32, #tpu.memory_space<vmem>> -> memref<1x125xi32, #tpu.memory_space<vmem>>
    %dma_wait3A_54 = tpu.memref_squeeze %dma_wait3A_53 : memref<1x125xi32, #tpu.memory_space<vmem>> -> memref<125xi32, #tpu.memory_space<vmem>>
    %dma_wait3A_55 = arith.constant 0 : i32
    %dma_wait3A_56 = tpu.memref_slice %arg7[%dma_wait3A_55] : memref<10240xf32, #tpu.memory_space<vmem_shared>> -> memref<10240xf32, #tpu.memory_space<vmem_shared>>
    tpu.wait_indirect_dma semaphore(%arg8 : memref<!tpu.dma_semaphore, #tpu.memory_space<semaphore_mem>>) src(%dma_wait3A_51 : memref<125xf32, #tpu.memory_space<vmem>>) dst(%dma_wait3A_56 : memref<10240xf32, #tpu.memory_space<vmem_shared>>)
    %dma_wait3A_57 = arith.constant 1 : i32
    %dma_wait3A_58 = arith.constant 0 : i32
    %dma_wait3A_59 = tpu.memref_slice %arg5[%dma_wait3A_58] : memref<128xf32, #tpu.memory_space<vmem>> -> memref<125xf32, #tpu.memory_space<vmem>>
    %dma_wait3A_60 = arith.constant 0 : i32
    %dma_wait3A_61 = tpu.memref_slice %arg4[%dma_wait3A_57, %dma_wait3A_60] : memref<80x125xi32, #tpu.memory_space<vmem>> -> memref<1x125xi32, #tpu.memory_space<vmem>>
    %dma_wait3A_62 = tpu.memref_squeeze %dma_wait3A_61 : memref<1x125xi32, #tpu.memory_space<vmem>> -> memref<125xi32, #tpu.memory_space<vmem>>
    %dma_wait3A_63 = arith.constant 0 : i32
    %dma_wait3A_64 = tpu.memref_slice %arg7[%dma_wait3A_63] : memref<10240xf32, #tpu.memory_space<vmem_shared>> -> memref<10240xf32, #tpu.memory_space<vmem_shared>>
    tpu.wait_indirect_dma semaphore(%arg9 : memref<!tpu.dma_semaphore, #tpu.memory_space<semaphore_mem>>) src(%dma_wait3A_59 : memref<125xf32, #tpu.memory_space<vmem>>) dst(%dma_wait3A_64 : memref<10240xf32, #tpu.memory_space<vmem_shared>>)
    %dma_wait3A_65 = arith.constant 2 : i32
    %dma_wait3A_66 = arith.constant 0 : i32
    %dma_wait3A_67 = tpu.memref_slice %arg5[%dma_wait3A_66] : memref<128xf32, #tpu.memory_space<vmem>> -> memref<125xf32, #tpu.memory_space<vmem>>
    %dma_wait3A_68 = arith.constant 0 : i32
    %dma_wait3A_69 = tpu.memref_slice %arg4[%dma_wait3A_65, %dma_wait3A_68] : memref<80x125xi32, #tpu.memory_space<vmem>> -> memref<1x125xi32, #tpu.memory_space<vmem>>
    %dma_wait3A_70 = tpu.memref_squeeze %dma_wait3A_69 : memref<1x125xi32, #tpu.memory_space<vmem>> -> memref<125xi32, #tpu.memory_space<vmem>>
    %dma_wait3A_71 = arith.constant 0 : i32
    %dma_wait3A_72 = tpu.memref_slice %arg7[%dma_wait3A_71] : memref<10240xf32, #tpu.memory_space<vmem_shared>> -> memref<10240xf32, #tpu.memory_space<vmem_shared>>
    tpu.wait_indirect_dma semaphore(%arg10 : memref<!tpu.dma_semaphore, #tpu.memory_space<semaphore_mem>>) src(%dma_wait3A_67 : memref<125xf32, #tpu.memory_space<vmem>>) dst(%dma_wait3A_72 : memref<10240xf32, #tpu.memory_space<vmem_shared>>)
    %dma_wait3A_73 = arith.constant 3 : i32
    %dma_wait3A_74 = arith.constant 0 : i32
    %dma_wait3A_75 = tpu.memref_slice %arg5[%dma_wait3A_74] : memref<128xf32, #tpu.memory_space<vmem>> -> memref<125xf32, #tpu.memory_space<vmem>>
    %dma_wait3A_76 = arith.constant 0 : i32
    %dma_wait3A_77 = tpu.memref_slice %arg4[%dma_wait3A_73, %dma_wait3A_76] : memref<80x125xi32, #tpu.memory_space<vmem>> -> memref<1x125xi32, #tpu.memory_space<vmem>>
    %dma_wait3A_78 = tpu.memref_squeeze %dma_wait3A_77 : memref<1x125xi32, #tpu.memory_space<vmem>> -> memref<125xi32, #tpu.memory_space<vmem>>
    %dma_wait3A_79 = arith.constant 0 : i32
    %dma_wait3A_80 = tpu.memref_slice %arg7[%dma_wait3A_79] : memref<10240xf32, #tpu.memory_space<vmem_shared>> -> memref<10240xf32, #tpu.memory_space<vmem_shared>>
    tpu.wait_indirect_dma semaphore(%arg11 : memref<!tpu.dma_semaphore, #tpu.memory_space<semaphore_mem>>) src(%dma_wait3A_75 : memref<125xf32, #tpu.memory_space<vmem>>) dst(%dma_wait3A_80 : memref<10240xf32, #tpu.memory_space<vmem_shared>>)
    %dma_wait3A_81 = arith.constant 4 : i32
    %dma_wait3A_82 = arith.constant 0 : i32
    %dma_wait3A_83 = tpu.memref_slice %arg5[%dma_wait3A_82] : memref<128xf32, #tpu.memory_space<vmem>> -> memref<125xf32, #tpu.memory_space<vmem>>
    %dma_wait3A_84 = arith.constant 0 : i32
    %dma_wait3A_85 = tpu.memref_slice %arg4[%dma_wait3A_81, %dma_wait3A_84] : memref<80x125xi32, #tpu.memory_space<vmem>> -> memref<1x125xi32, #tpu.memory_space<vmem>>
    %dma_wait3A_86 = tpu.memref_squeeze %dma_wait3A_85 : memref<1x125xi32, #tpu.memory_space<vmem>> -> memref<125xi32, #tpu.memory_space<vmem>>
    %dma_wait3A_87 = arith.constant 0 : i32
    %dma_wait3A_88 = tpu.memref_slice %arg7[%dma_wait3A_87] : memref<10240xf32, #tpu.memory_space<vmem_shared>> -> memref<10240xf32, #tpu.memory_space<vmem_shared>>
    tpu.wait_indirect_dma semaphore(%arg12 : memref<!tpu.dma_semaphore, #tpu.memory_space<semaphore_mem>>) src(%dma_wait3A_83 : memref<125xf32, #tpu.memory_space<vmem>>) dst(%dma_wait3A_88 : memref<10240xf32, #tpu.memory_space<vmem_shared>>)
    %dma_wait3A_89 = arith.constant 5 : i32
    %dma_wait3A_90 = arith.constant 0 : i32
    %dma_wait3A_91 = tpu.memref_slice %arg5[%dma_wait3A_90] : memref<128xf32, #tpu.memory_space<vmem>> -> memref<125xf32, #tpu.memory_space<vmem>>
    %dma_wait3A_92 = arith.constant 0 : i32
    %dma_wait3A_93 = tpu.memref_slice %arg4[%dma_wait3A_89, %dma_wait3A_92] : memref<80x125xi32, #tpu.memory_space<vmem>> -> memref<1x125xi32, #tpu.memory_space<vmem>>
    %dma_wait3A_94 = tpu.memref_squeeze %dma_wait3A_93 : memref<1x125xi32, #tpu.memory_space<vmem>> -> memref<125xi32, #tpu.memory_space<vmem>>
    %dma_wait3A_95 = arith.constant 0 : i32
    %dma_wait3A_96 = tpu.memref_slice %arg7[%dma_wait3A_95] : memref<10240xf32, #tpu.memory_space<vmem_shared>> -> memref<10240xf32, #tpu.memory_space<vmem_shared>>
    tpu.wait_indirect_dma semaphore(%arg13 : memref<!tpu.dma_semaphore, #tpu.memory_space<semaphore_mem>>) src(%dma_wait3A_91 : memref<125xf32, #tpu.memory_space<vmem>>) dst(%dma_wait3A_96 : memref<10240xf32, #tpu.memory_space<vmem_shared>>)
    %dma_wait3A_97 = arith.constant 6 : i32
    %dma_wait3A_98 = arith.constant 0 : i32
    %dma_wait3A_99 = tpu.memref_slice %arg5[%dma_wait3A_98] : memref<128xf32, #tpu.memory_space<vmem>> -> memref<125xf32, #tpu.memory_space<vmem>>
    %dma_wait3A_100 = arith.constant 0 : i32
    %dma_wait3A_101 = tpu.memref_slice %arg4[%dma_wait3A_97, %dma_wait3A_100] : memref<80x125xi32, #tpu.memory_space<vmem>> -> memref<1x125xi32, #tpu.memory_space<vmem>>
    %dma_wait3A_102 = tpu.memref_squeeze %dma_wait3A_101 : memref<1x125xi32, #tpu.memory_space<vmem>> -> memref<125xi32, #tpu.memory_space<vmem>>
    %dma_wait3A_103 = arith.constant 0 : i32
    %dma_wait3A_104 = tpu.memref_slice %arg7[%dma_wait3A_103] : memref<10240xf32, #tpu.memory_space<vmem_shared>> -> memref<10240xf32, #tpu.memory_space<vmem_shared>>
    tpu.wait_indirect_dma semaphore(%arg14 : memref<!tpu.dma_semaphore, #tpu.memory_space<semaphore_mem>>) src(%dma_wait3A_99 : memref<125xf32, #tpu.memory_space<vmem>>) dst(%dma_wait3A_104 : memref<10240xf32, #tpu.memory_space<vmem_shared>>)
    %dma_wait3A_105 = arith.constant 7 : i32
    %dma_wait3A_106 = arith.constant 0 : i32
    %dma_wait3A_107 = tpu.memref_slice %arg5[%dma_wait3A_106] : memref<128xf32, #tpu.memory_space<vmem>> -> memref<125xf32, #tpu.memory_space<vmem>>
    %dma_wait3A_108 = arith.constant 0 : i32
    %dma_wait3A_109 = tpu.memref_slice %arg4[%dma_wait3A_105, %dma_wait3A_108] : memref<80x125xi32, #tpu.memory_space<vmem>> -> memref<1x125xi32, #tpu.memory_space<vmem>>
    %dma_wait3A_110 = tpu.memref_squeeze %dma_wait3A_109 : memref<1x125xi32, #tpu.memory_space<vmem>> -> memref<125xi32, #tpu.memory_space<vmem>>
    %dma_wait3A_111 = arith.constant 0 : i32
    %dma_wait3A_112 = tpu.memref_slice %arg7[%dma_wait3A_111] : memref<10240xf32, #tpu.memory_space<vmem_shared>> -> memref<10240xf32, #tpu.memory_space<vmem_shared>>
    tpu.wait_indirect_dma semaphore(%arg15 : memref<!tpu.dma_semaphore, #tpu.memory_space<semaphore_mem>>) src(%dma_wait3A_107 : memref<125xf32, #tpu.memory_space<vmem>>) dst(%dma_wait3A_112 : memref<10240xf32, #tpu.memory_space<vmem_shared>>)
    %barrier3A_113 = arith.constant 0 : index
    tpu.barrier barrier_id(%barrier3A_113)
    %mul3A_114 = arith.constant 640 : i32
    %mul3A_115 = arith.muli %arg1, %mul3A_114 : i32
    "tpu.region"() ({
      %run_scoped3A_121 = tpu.sem_alloc : memref<!tpu.dma_semaphore, #tpu.memory_space<semaphore_mem>>
      %dma_start3A = tpu.memref_slice %arg7[%mul3A_115] : memref<10240xf32, #tpu.memory_space<vmem_shared>> -> memref<640xf32, #tpu.memory_space<vmem_shared>>
      %dma_start3A_122 = tpu.memref_slice %arg7[%mul3A_115] : memref<10240xf32, #tpu.memory_space<vmem_shared>> -> memref<640xf32, #tpu.memory_space<vmem_shared>>
      tpu.enqueue_dma source(%dma_start3A_122 : memref<640xf32, #tpu.memory_space<vmem_shared>>) target(%arg6 : memref<640xf32, #tpu.memory_space<vmem>>) target_semaphore(%run_scoped3A_121 : memref<!tpu.dma_semaphore, #tpu.memory_space<semaphore_mem>>)
      %dma_wait3A_123 = tpu.memref_slice %arg7[%mul3A_115] : memref<10240xf32, #tpu.memory_space<vmem_shared>> -> memref<640xf32, #tpu.memory_space<vmem_shared>>
      %dma_wait3A_124 = tpu.memref_slice %arg7[%mul3A_115] : memref<10240xf32, #tpu.memory_space<vmem_shared>> -> memref<640xf32, #tpu.memory_space<vmem_shared>>
      tpu.wait_dma2 semaphore(%run_scoped3A_121 : memref<!tpu.dma_semaphore, #tpu.memory_space<semaphore_mem>>) src(%dma_wait3A_124 : memref<640xf32, #tpu.memory_space<vmem_shared>>) dst(%arg6 : memref<640xf32, #tpu.memory_space<vmem>>)
      tpu.yield
    }) : () -> ()
    %mul3A_116 = arith.constant 10240 : i32
    %mul3A_117 = arith.muli %arg0, %mul3A_116 : i32
    %mul3A_118 = arith.constant 640 : i32
    %mul3A_119 = arith.muli %arg1, %mul3A_118 : i32
    %add3A_120 = arith.addi %mul3A_117, %mul3A_119 : i32
    "tpu.region"() ({
      %run_scoped3A_121 = tpu.sem_alloc : memref<!tpu.dma_semaphore, #tpu.memory_space<semaphore_mem>>
      %dma_start3A = tpu.memref_slice %arg3[%add3A_120] : memref<20480xf32, #tpu.memory_space<hbm>> -> memref<640xf32, #tpu.memory_space<hbm>>
      %dma_start3A_122 = tpu.memref_slice %arg3[%add3A_120] : memref<20480xf32, #tpu.memory_space<hbm>> -> memref<640xf32, #tpu.memory_space<hbm>>
      tpu.enqueue_dma source(%arg6 : memref<640xf32, #tpu.memory_space<vmem>>) target(%dma_start3A_122 : memref<640xf32, #tpu.memory_space<hbm>>) target_semaphore(%run_scoped3A_121 : memref<!tpu.dma_semaphore, #tpu.memory_space<semaphore_mem>>)
      %dma_wait3A_123 = tpu.memref_slice %arg3[%add3A_120] : memref<20480xf32, #tpu.memory_space<hbm>> -> memref<640xf32, #tpu.memory_space<hbm>>
      %dma_wait3A_124 = tpu.memref_slice %arg3[%add3A_120] : memref<20480xf32, #tpu.memory_space<hbm>> -> memref<640xf32, #tpu.memory_space<hbm>>
      tpu.wait_dma2 semaphore(%run_scoped3A_121 : memref<!tpu.dma_semaphore, #tpu.memory_space<semaphore_mem>>) src(%arg6 : memref<640xf32, #tpu.memory_space<vmem>>) dst(%dma_wait3A_124 : memref<640xf32, #tpu.memory_space<hbm>>)
      tpu.yield
    }) : () -> ()
    return
  }
}

module attributes {stable_mosaic.version = 14 : i64} {
  func.func @_tc1_body(%arg0: memref<20480xf32, #tpu.memory_space<vmem>>, %arg1: memref<10000x128xf32, #tpu.memory_space<vmem>>, %arg2: memref<128x32xf32, #tpu.memory_space<vmem>>, %arg3: memref<10240x32xf32, #tpu.memory_space<vmem>>, %arg4: memref<10240xf32, #tpu.memory_space<vmem>>) attributes {dimension_semantics = [], scalar_prefetch = 0 : i64, scratch_operands = 0 : i64, tpu.core_type = #tpu.core_type<tc>} {
    %get3A = arith.constant 0 : index
    %get3A_0 = vector.load %arg0[%get3A] : memref<20480xf32, #tpu.memory_space<vmem>>, vector<10240xf32>
    %get3A_1 = arith.constant 10240 : index
    %get3A_2 = vector.load %arg0[%get3A_1] : memref<20480xf32, #tpu.memory_space<vmem>>, vector<10240xf32>
    %add3A = arith.addf %get3A_0, %get3A_2 : vector<10240xf32>
    %add3A_3 = arith.constant 1.000000e+00 : f32
    %add3A_4 = vector.broadcast %add3A_3 : f32 to vector<10240xf32>
    %add3A_5 = arith.addf %add3A, %add3A_4 : vector<10240xf32>
    %rsqrt3A = math.rsqrt %add3A_5 : vector<10240xf32>
    %get3A_6 = arith.constant 0 : index
    %get3A_7 = arith.constant 0 : index
    %get3A_8 = vector.load %arg1[%get3A_6, %get3A_7] : memref<10000x128xf32, #tpu.memory_space<vmem>>, vector<10000x128xf32>
    %get3A_9 = arith.constant 0 : index
    %get3A_10 = arith.constant 0 : index
    %get3A_11 = vector.load %arg2[%get3A_9, %get3A_10] : memref<128x32xf32, #tpu.memory_space<vmem>>, vector<128x32xf32>
    %dot_general3A = arith.constant dense<0.000000e+00> : vector<10000x32xf32>
    %dot_general3A_12 = tpu.matmul %get3A_8, %get3A_11, %dot_general3A {dimension_numbers = #tpu.dot_dimension_numbers<[1], [0], [0], [1], [0, 0, 1, 1], [], []>, transpose_lhs_hint = false} : vector<10000x128xf32>, vector<128x32xf32>, vector<10000x32xf32> -> vector<10000x32xf32>
    %slice3A = vector.extract_strided_slice %rsqrt3A {offsets = [0], sizes = [10000], strides = [1]} : vector<10240xf32> to vector<10000xf32>
    %broadcast_in_dim3A = vector.shape_cast %slice3A : vector<10000xf32> to vector<10000x1xf32>
    %mul3A = vector.broadcast %broadcast_in_dim3A : vector<10000x1xf32> to vector<10000x32xf32>
    %mul3A_13 = arith.mulf %dot_general3A_12, %mul3A : vector<10000x32xf32>
    %swap3A = arith.constant 0 : index
    %swap3A_14 = arith.constant 0 : index
    %swap3A_15 = vector.load %arg3[%swap3A, %swap3A_14] : memref<10240x32xf32, #tpu.memory_space<vmem>>, vector<10000x32xf32>
    tpu.vector_store %arg3[%swap3A, %swap3A_14], %mul3A_13 {strides = array<i32>} : memref<10240x32xf32, #tpu.memory_space<vmem>>, vector<10000x32xf32>,
    %broadcast_in_dim3A_16 = arith.constant 0.000000e+00 : f32
    %broadcast_in_dim3A_17 = vector.broadcast %broadcast_in_dim3A_16 : f32 to vector<240x32xf32>
    %swap3A_18 = arith.constant 10000 : index
    %swap3A_19 = arith.constant 0 : index
    %swap3A_20 = vector.load %arg3[%swap3A_18, %swap3A_19] : memref<10240x32xf32, #tpu.memory_space<vmem>>, vector<240x32xf32>
    tpu.vector_store %arg3[%swap3A_18, %swap3A_19], %broadcast_in_dim3A_17 {strides = array<i32>} : memref<10240x32xf32, #tpu.memory_space<vmem>>, vector<240x32xf32>,
    %swap3A_21 = arith.constant 0 : index
    %swap3A_22 = vector.load %arg4[%swap3A_21] : memref<10240xf32, #tpu.memory_space<vmem>>, vector<10240xf32>
    tpu.vector_store %arg4[%swap3A_21], %rsqrt3A {strides = array<i32>} : memref<10240xf32, #tpu.memory_space<vmem>>, vector<10240xf32>,
    return
  }
}

module attributes {stable_mosaic.version = 14 : i64} {
  func.func @_tc2_body(%arg0: memref<20480x32xf32, #tpu.memory_space<vmem>>, %arg1: memref<10240x32xf32, #tpu.memory_space<vmem>>, %arg2: memref<10240xf32, #tpu.memory_space<vmem>>, %arg3: memref<32xf32, #tpu.memory_space<vmem>>, %arg4: memref<32x40xf32, #tpu.memory_space<vmem>>, %arg5: memref<10240x48xf32, #tpu.memory_space<vmem>>) attributes {dimension_semantics = [], scalar_prefetch = 0 : i64, scratch_operands = 0 : i64, tpu.core_type = #tpu.core_type<tc>} {
    %get3A = arith.constant 0 : index
    %get3A_0 = arith.constant 0 : index
    %get3A_1 = vector.load %arg0[%get3A, %get3A_0] : memref<20480x32xf32, #tpu.memory_space<vmem>>, vector<10240x32xf32>
    %get3A_2 = arith.constant 10240 : index
    %get3A_3 = arith.constant 0 : index
    %get3A_4 = vector.load %arg0[%get3A_2, %get3A_3] : memref<20480x32xf32, #tpu.memory_space<vmem>>, vector<10240x32xf32>
    %add3A = arith.addf %get3A_1, %get3A_4 : vector<10240x32xf32>
    %get3A_5 = arith.constant 0 : index
    %get3A_6 = arith.constant 0 : index
    %get3A_7 = vector.load %arg1[%get3A_5, %get3A_6] : memref<10240x32xf32, #tpu.memory_space<vmem>>, vector<10240x32xf32>
    %add3A_8 = arith.addf %add3A, %get3A_7 : vector<10240x32xf32>
    %get3A_9 = arith.constant 0 : index
    %get3A_10 = vector.load %arg2[%get3A_9] : memref<10240xf32, #tpu.memory_space<vmem>>, vector<10240xf32>
    %broadcast_in_dim3A = vector.shape_cast %get3A_10 : vector<10240xf32> to vector<10240x1xf32>
    %mul3A = vector.broadcast %broadcast_in_dim3A : vector<10240x1xf32> to vector<10240x32xf32>
    %mul3A_11 = arith.mulf %add3A_8, %mul3A : vector<10240x32xf32>
    %get3A_12 = arith.constant 0 : index
    %get3A_13 = vector.load %arg3[%get3A_12] : memref<32xf32, #tpu.memory_space<vmem>>, vector<32xf32>
    %broadcast_in_dim3A_14 = vector.shape_cast %get3A_13 : vector<32xf32> to vector<1x32xf32>
    %add3A_15 = vector.broadcast %broadcast_in_dim3A_14 : vector<1x32xf32> to vector<10240x32xf32>
    %add3A_16 = arith.addf %mul3A_11, %add3A_15 : vector<10240x32xf32>
    %logistic3A = arith.negf %add3A_16 : vector<10240x32xf32>
    %logistic3A_17 = math.exp %logistic3A : vector<10240x32xf32>
    %logistic3A_18 = arith.constant 1.000000e+00 : f32
    %logistic3A_19 = vector.broadcast %logistic3A_18 : f32 to vector<10240x32xf32>
    %logistic3A_20 = arith.addf %logistic3A_19, %logistic3A_17 : vector<10240x32xf32>
    %logistic3A_21 = arith.divf %logistic3A_19, %logistic3A_20 : vector<10240x32xf32>
    %get3A_22 = arith.constant 0 : index
    %get3A_23 = arith.constant 0 : index
    %get3A_24 = vector.load %arg4[%get3A_22, %get3A_23] : memref<32x40xf32, #tpu.memory_space<vmem>>, vector<32x40xf32>
    %broadcast_in_dim3A_25 = arith.constant 0.000000e+00 : f32
    %broadcast_in_dim3A_26 = vector.broadcast %broadcast_in_dim3A_25 : f32 to vector<32x8xf32>
    %concatenate3A = tpu.concatenate %get3A_24, %broadcast_in_dim3A_26 in 1 : vector<32x40xf32>, vector<32x8xf32> -> vector<32x48xf32>
    %dot_general3A = arith.constant dense<0.000000e+00> : vector<10240x48xf32>
    %dot_general3A_27 = tpu.matmul %logistic3A_21, %concatenate3A, %dot_general3A {dimension_numbers = #tpu.dot_dimension_numbers<[1], [0], [0], [1], [0, 0, 1, 1], [], []>, transpose_lhs_hint = false} : vector<10240x32xf32>, vector<32x48xf32>, vector<10240x48xf32> -> vector<10240x48xf32>
    %broadcast_in_dim3A_28 = vector.shape_cast %get3A_10 : vector<10240xf32> to vector<10240x1xf32>
    %mul3A_29 = vector.broadcast %broadcast_in_dim3A_28 : vector<10240x1xf32> to vector<10240x48xf32>
    %mul3A_30 = arith.mulf %dot_general3A_27, %mul3A_29 : vector<10240x48xf32>
    %swap3A = arith.constant 0 : index
    %swap3A_31 = arith.constant 0 : index
    %swap3A_32 = vector.load %arg5[%swap3A, %swap3A_31] : memref<10240x48xf32, #tpu.memory_space<vmem>>, vector<10240x48xf32>
    tpu.vector_store %arg5[%swap3A, %swap3A_31], %mul3A_30 {strides = array<i32>} : memref<10240x48xf32, #tpu.memory_space<vmem>>, vector<10240x48xf32>,
    return
  }
}

module attributes {stable_mosaic.version = 14 : i64} {
  func.func @_tc3_body(%arg0: memref<20480x48xf32, #tpu.memory_space<vmem>>, %arg1: memref<10240x48xf32, #tpu.memory_space<vmem>>, %arg2: memref<10240xf32, #tpu.memory_space<vmem>>, %arg3: memref<40xf32, #tpu.memory_space<vmem>>, %arg4: memref<10000x40xf32, #tpu.memory_space<vmem>>) attributes {dimension_semantics = [], scalar_prefetch = 0 : i64, scratch_operands = 0 : i64, tpu.core_type = #tpu.core_type<tc>} {
    %get3A = arith.constant 0 : index
    %get3A_0 = arith.constant 0 : index
    %get3A_1 = vector.load %arg0[%get3A, %get3A_0] : memref<20480x48xf32, #tpu.memory_space<vmem>>, vector<10000x48xf32>
    %get3A_2 = arith.constant 10240 : index
    %get3A_3 = arith.constant 0 : index
    %get3A_4 = vector.load %arg0[%get3A_2, %get3A_3] : memref<20480x48xf32, #tpu.memory_space<vmem>>, vector<10000x48xf32>
    %add3A = arith.addf %get3A_1, %get3A_4 : vector<10000x48xf32>
    %get3A_5 = arith.constant 0 : index
    %get3A_6 = arith.constant 0 : index
    %get3A_7 = vector.load %arg1[%get3A_5, %get3A_6] : memref<10240x48xf32, #tpu.memory_space<vmem>>, vector<10000x48xf32>
    %add3A_8 = arith.addf %add3A, %get3A_7 : vector<10000x48xf32>
    %get3A_9 = arith.constant 0 : index
    %get3A_10 = vector.load %arg2[%get3A_9] : memref<10240xf32, #tpu.memory_space<vmem>>, vector<10000xf32>
    %broadcast_in_dim3A = vector.shape_cast %get3A_10 : vector<10000xf32> to vector<10000x1xf32>
    %mul3A = vector.broadcast %broadcast_in_dim3A : vector<10000x1xf32> to vector<10000x48xf32>
    %mul3A_11 = arith.mulf %add3A_8, %mul3A : vector<10000x48xf32>
    %slice3A = vector.extract_strided_slice %mul3A_11 {offsets = [0, 0], sizes = [10000, 40], strides = [1, 1]} : vector<10000x48xf32> to vector<10000x40xf32>
    %get3A_12 = arith.constant 0 : index
    %get3A_13 = vector.load %arg3[%get3A_12] : memref<40xf32, #tpu.memory_space<vmem>>, vector<40xf32>
    %broadcast_in_dim3A_14 = vector.shape_cast %get3A_13 : vector<40xf32> to vector<1x40xf32>
    %add3A_15 = vector.broadcast %broadcast_in_dim3A_14 : vector<1x40xf32> to vector<10000x40xf32>
    %add3A_16 = arith.addf %slice3A, %add3A_15 : vector<10000x40xf32>
    %swap3A = arith.constant 0 : index
    %swap3A_17 = arith.constant 0 : index
    %swap3A_18 = vector.load %arg4[%swap3A, %swap3A_17] : memref<10000x40xf32, #tpu.memory_space<vmem>>, vector<10000x40xf32>
    tpu.vector_store %arg4[%swap3A, %swap3A_17], %add3A_16 {strides = array<i32>} : memref<10000x40xf32, #tpu.memory_space<vmem>>, vector<10000x40xf32>,
    return
  }
}

</mosaic_0001>

<sc_bundles>
// kernel: kernel.11.cloned.1.call-start
scs
__scs_entry_jumppad:
0x0: {  	(pc) =	sbr.rel $0x88, $3  }
0x1: {  	(tag) =	ssettag $0x0;
	lr =	simm.s32 $0x1  }
0x2: {  	[smem:$0x3F9B] =	sst lr;
	_ =	strace $0xD0000000  }
0x3: {  	_ = 	snop  }
0x4: {  	_ = 	snop  }
0x5: {  	_ = 	snop  }
0x6: {  	_ = 	snop  }
0x7: {  	_ = 	snop  }
__scs_overlays_trampoline_lowered:
0x8: {  	[smem:$0x3FAA] =	sst s0  }
0x9: {  	[smem:$0x3FAB] =	sst s1  }
0xa: {  	[smem:$0x3FAC] =	sst s2  }
0xb: {  	[smem:$0x3FAD] =	sst s3  }
0xc: {  	[smem:$0x3FAE] =	sst s4  }
0xd: {  	[smem:$0x3FAF] =	sst s5  }
0xe: {  	[smem:$0x3FB0] =	sst s6  }
0xf: {  	[smem:$0x3FB1] =	sst s7  }
0x10: {  	[smem:$0x3FB2] =	sst s8  }
0x11: {  	[smem:$0x3FB3] =	sst s9;
	s0 =	simm.s32 @!p0 $0x0  }
0x12: {  	s1 =	sld [smem:$0x3F99];
	s0 =	simm.s32 @p0 $0x1  }
0x13: {  	[smem:$0x3FB4] =	sst s0;
	s0 =	simm.s32 @!p1 $0x0  }
0x14: {  	s2 =	sld [smem:$0x3F98];
	s0 =	simm.s32 @p1 $0x1  }
0x15: {  	[smem:$0x3FB5] =	sst s0;
	s0 =	simm.s32 @!p2 $0x0  }
0x16: {  	s3 =	sld [smem:$0x3FDB];
	s0 =	simm.s32 @p2 $0x1  }
0x17: {  	s4 =	simm.s32 $0x1BF5;
	[smem:$0x3FB7] =	sst s0  }
0x18: {  	s0 =	sld [smem:$0x3F9A];
	_ =	swait.ge [sflag:s4], $0x0  }
0x19: {  	s7 =	sld [smem:$0x3F9B]  }
0x1a: {  	s8 =	sadd.s32 $0xFFFFE003, lr  }
0x1b: {  	s9 =	sadd.s32 $0xFFFFFEF7, lr;
	s5 =	simm.s32 $0xFFFFFFFF;
	p2 =	slt.u32 s8, $0xFFFFF086  }
0x1c: {  	p1 =	slt.u32 s9, $0xF7A;
	s5 =	simm.s32 @!p2 $0x0  }
0x1d: {  	s5 =	simm.s32 @p1 $0x1;
	p0 =	seq.s32 s7, s2  }
0x1e: {  	s7 =	smul.u32 @!p0 $0xF7A, s2;
	p2 =	seq.s32 @!p0 s5, $0x0  }
0x1f: {  	s9 =	smul.u32 $0xF7A, s1;
	s8 =	simm.s32 @!p0 $0x1BF5;
	p2 =	por !p2, p0  }
0x20: {  	[sflag:s8] =	ssyncset.s32 @!p0 $0xFFFFF086;
	s6 =	sadd.s32 @!p0 s3, s7;
	s7 =	simm.s32 @!p0 $0x108  }
0x21: {  	s3 =	sadd.s32 s3, s9;
	s6 =	sadd.s32 @!p0 $0x88, s6;
	s7 =	simm.s32 @p2 $0x1082  }
0x22: {  	[simem:s7], [sflag:s8] =	dma.local @!p0 [hbm:s6], $0xF7A  }
0x23: {  	s9 =	sor.u32 $0xD0000000, s2;
	s6 =	simm.s32 $0x108;
	_ =	swait.ge @!p0 [sflag:s8], $0x0  }
0x24: {  	s3 =	sadd.s32 $0x88, s3;
	s6 =	simm.s32 @!p1 $0x1082;
	[sflag:s4] =	ssyncset.s32 $0xFFFFF086  }
0x25: {  	[simem:s6], [sflag:s4] =	dma.local [hbm:s3], $0xF7A  }
0x26: {  	[smem:$0x3F9B] =	sst s1;
	(tag) =	ssettag s2;
	_ =	strace s9  }
0x27: {  	s1 =	sld [smem:$0x3FAB]  }
0x28: {  	s2 =	sld [smem:$0x3FAC]  }
0x29: {  	s4 =	sld [smem:$0x3FAE]  }
0x2a: {  	p0 =	seq.s32 s5, $0x0;
	s5 =	sld [smem:$0x3FAF]  }
0x2b: {  	s6 =	sld [smem:$0x3FB0]  }
0x2c: {  	s7 =	sld [smem:$0x3FB1]  }
0x2d: {  	s3 =	simm.s32 $0x108;
	s8 =	sld [smem:$0x3FB2]  }
0x2e: {  	s3 =	simm.s32 @!p0 $0x1082;
	s9 =	sld [smem:$0x3FB3]  }
0x2f: {  	lr =	sadd.s32 s0, s3;
	s0 =	sld [smem:$0x3FAA]  }
0x30: {  	s3 =	sld [smem:$0x3FAD]  }
0x31: {  	[smem:$0x3FB6] =	sst s10  }
0x32: {  	s10 =	sld [smem:$0x3FB4];
	_ =	sdelay $0x3  }
0x33: {  	p0 =	seq.s32 s10, $0x1;
	s10 =	sld [smem:$0x3FB6];
	_ =	sdelay $0x3  }
0x34: {  	[smem:$0x3FB6] =	sst s10  }
0x35: {  	s10 =	sld [smem:$0x3FB5];
	_ =	sdelay $0x3  }
0x36: {  	p1 =	seq.s32 s10, $0x1;
	s10 =	sld [smem:$0x3FB6];
	_ =	sdelay $0x3  }
0x37: {  	[smem:$0x3FB6] =	sst s10  }
0x38: {  	s10 =	sld [smem:$0x3FB7]  }
0x39: {  	_ = 	snop;
	(pc) =	sbr.ind lr, $3  }
0x3a: {  	_ = 	snop  }
0x3b: {  	_ = 	snop  }
0x3c: {  	p2 =	seq.s32 s10, $0x1;
	s10 =	sld [smem:$0x3FB6]  }
0x3d: {  	_ =	shalt  }
0x3e: {  	_ =	shalt  }
0x3f: {  	_ =	shalt  }
0x40: {  	_ =	shalt  }
0x41: {  	_ =	shalt  }
0x42: {  	_ =	shalt  }
0x43: {  	_ =	shalt  }
0x44: {  	_ =	shalt  }
0x45: {  	_ =	shalt  }
0x46: {  	_ =	shalt  }
0x47: {  	_ =	shalt  }
0x48: {  	_ =	shalt  }
0x49: {  	_ =	shalt  }
0x4a: {  	_ =	shalt  }
0x4b: {  	_ =	shalt  }
0x4c: {  	_ =	shalt  }
0x4d: {  	_ =	shalt  }
0x4e: {  	_ =	shalt  }
0x4f: {  	_ =	shalt  }
0x50: {  	_ =	shalt  }
0x51: {  	_ =	shalt  }
0x52: {  	_ =	shalt  }
0x53: {  	_ =	shalt  }
0x54: {  	_ =	shalt  }
0x55: {  	_ =	shalt  }
0x56: {  	_ =	shalt  }
0x57: {  	_ =	shalt  }
0x58: {  	_ =	shalt  }
0x59: {  	_ =	shalt  }
0x5a: {  	_ =	shalt  }
0x5b: {  	_ =	shalt  }
0x5c: {  	_ =	shalt  }
0x5d: {  	_ =	shalt  }
0x5e: {  	_ =	shalt  }
0x5f: {  	_ =	shalt  }
0x60: {  	_ =	shalt  }
0x61: {  	_ =	shalt  }
0x62: {  	_ =	shalt  }
0x63: {  	_ =	shalt  }
0x64: {  	_ =	shalt  }
0x65: {  	_ =	shalt  }
0x66: {  	_ =	shalt  }
0x67: {  	_ =	shalt  }
0x68: {  	_ =	shalt  }
0x69: {  	_ =	shalt  }
0x6a: {  	_ =	shalt  }
0x6b: {  	_ =	shalt  }
0x6c: {  	_ =	shalt  }
0x6d: {  	_ =	shalt  }
0x6e: {  	_ =	shalt  }
0x6f: {  	_ =	shalt  }
0x70: {  	_ =	shalt  }
0x71: {  	_ =	shalt  }
0x72: {  	_ =	shalt  }
0x73: {  	_ =	shalt  }
0x74: {  	_ =	shalt  }
0x75: {  	_ =	shalt  }
0x76: {  	_ =	shalt  }
0x77: {  	_ =	shalt  }
0x78: {  	_ =	shalt  }
0x79: {  	_ =	shalt  }
0x7a: {  	_ =	shalt  }
0x7b: {  	_ =	shalt  }
0x7c: {  	_ =	shalt  }
0x7d: {  	_ =	shalt  }
0x7e: {  	_ =	shalt  }
0x7f: {  	_ =	shalt  }
0x80: {  	_ =	shalt  }
0x81: {  	_ =	shalt  }
0x82: {  	_ =	shalt  }
0x83: {  	_ =	shalt  }
0x84: {  	_ =	shalt  }
0x85: {  	_ =	shalt  }
0x86: {  	_ =	shalt  }
0x87: {  	_ =	shalt  }
.Lfunc_end0:
.L_simem_size_0:
called_computation.1_lowered:
.L_overlay_start_0:
0x88: {  	s2 =	sld [smem:$0x3FD9]  }
0x89: {  	s3 =	sld [smem:$0x3FFE];
	_ =	sdelay $0x1  }
0x8a: {  	s1 =	srdreg.scid  }
0x8b: {  	s0 =	sand.u32 $0x1, s1  }
0x8c: {  	s17 =	sshll.u32 s0, $0xA;
	s2 =	sadd.s32 s3, s2  }
0x8d: {  	s2 =	sadd.s32 s2, s17  }
0x8e: {  	[smem:$0x3FC2] =	sst s2  }
0x8f: {  	_ = 	snop  }
0x90: {  	s2 =	sld [smem:$0x3FD0];
	(tm) =	ssettm $0x1  }
0x91: {  	s18 =	sld [smem:$0x3FFB];
	_ =	sdelay $0x3  }
0x92: {  	_ =	strace s18  }
0x93: {  	s3 =	sld [smem:$0x3FFC];
	_ =	sdelay $0x3  }
0x94: {  	_ =	strace s3  }
0x95: {  	s3 =	sld [smem:$0x3FFD];
	_ =	sdelay $0x3  }
0x96: {  	_ =	strace s3  }
0x97: {  	_ =	strace $0x8FFFFFFF  }
0x98: {  	s19 =	sld [smem:$0x3FDB];
	_ =	sdelay $0x1  }
0x99: {  	s4 =	simm.s32 $_scs_section_size  }
0x9a: {  	s5 =	simm.s32 $_size__tile_overlayer_lowered;
	s6 =	simm.s32 $_tile_overlayer_lowered  }
0x9b: {  	s22 =	simm.s32 $0x1BFF;
	s21 =	sshll.u32 s6, $0x1;
	s3 =	sadd.s32 s4, s19  }
0x9c: {  	s7 =	simm.s32 $0x0;
	s20 =	sshll.u32 s5, $0x1;
	s5 =	sadd.s32 s21, s3  }
0x9d: {  	[timem:s7], [sflag:s22] =	dma.local [hbm:s5], s20  }
0x9e: {  	_ =	swait.ge [sflag:s22], s20  }
0x9f: {  	s4 =	ssub.s32 $0x0, s20;
	[sflag:s22] =	ssyncset.done $0x0  }
0xa0: {  	[sflag:s22] =	ssyncadd.s32 s4;
	_ =	sdelay $0x1  }
0xa1: {  	s23 =	simm.s32 $0x1B8B  }
0xa2: {  	_ =	swait.ge [sflag:s23], $0x1  }
0xa3: {  	[sflag:s23] =	ssyncset.done $0x0  }
0xa4: {  	s25 =	simm.s32 $0x1B8E;
	s24 =	sld [smem:$0x3FFE];
	[sflag:s23] =	ssyncadd.s32 $0xFFFFFFFF  }
0xa5: {  	s26 =	simm.s32 $execute0_lowered;
	[smem:$0x3FD2] =	sst s25  }
0xa6: {  	s5 =	sshll.u32 s26, $0x1;
	_ =	strace $0x80000049;
	[dreg:$0x1] =	wrdreg $0xFFFFFFFF  }
0xa7: {  	s28 =	simm.s32 $_size_execute0_lowered;
	s3 =	sadd.s32 s3, s5;
	[dreg:$0x0] =	wrdreg $0x0  }
0xa8: {  	s5 =	sshll.u32 s28, $0x1;
	[dreg:$0x2] =	wrdreg s3  }
0xa9: {  	[dreg:$0x3] =	wrdreg s5  }
0xaa: {  	[dreg:$0x4] =	wrdreg $0xC0  }
0xab: {  	_ =	task [dreg:s7], $0x5FFFF  }
0xac: {  	[dreg:$0x1] =	wrdreg $0xFFFFFFFF  }
0xad: {  	[dreg:$0x0] =	wrdreg $0x60  }
0xae: {  	[dreg:$0x2] =	wrdreg s24  }
0xaf: {  	[dreg:$0x3] =	wrdreg s2  }
0xb0: {  	[dreg:$0x4] =	wrdreg $0x11D000  }
0xb1: {  	[dreg:$0x5] =	wrdreg $0x9  }
0xb2: {  	_ =	task.clear_ibuf [dreg:s7], $0x6FFFF;
	_ =	strace $0x90000049  }
0xb3: {  	s29 =	simm.s32 $0x9;
	_ =	strace $0x8000004B  }
0xb4: {  	_ =	swait.ge [sflag:s29], $0x1  }
0xb5: {  	[sflag:s29] =	ssyncadd.s32 $0xFFFFFFFF  }
0xb6: {  	_ =	strace $0x9000004B  }
0xb7: {  	_ =	sfence  }
0xb8: {  	s30 =	sld [smem:$0x0];
	_ =	sdelay $0x2  }
0xb9: {  	s31 =	sshll.u32 s1, $0xD;
	s1 =	sshrl.u32 s1, $0x2  }
0xba: {  	s3 =	sand.u32 $0x4000, s31;
	s1 =	sadd.s32 s1, s30  }
0xbb: {  	s0 =	sor.u32 s3, s0;
	s1 =	sshll.u32 s1, $0x11  }
0xbc: {  	s0 =	sor.u32 s1, s0  }
0xbd: {  	s0 =	sadd.s32 $0x8F2B, s0  }
0xbe: {  	[sflag:s0] =	ssyncadd.remote.s32 $0x1  }
0xbf: {  	_ =	sfence.sel $0xFFFF  }
0xc0: {  	[dreg:$0x0] =	wrdreg $0xFFFFFFFF;
	(pc) =	sbr.abs _section_cstart, $3  }
0xc1: {  	[dreg:$0x1] =	wrdreg $0xFFFFFFFF  }
0xc2: {  	_ =	task.clear_ibuf [dreg:s7], $0x2FFFF;
	_ =	strace $0x9FFFFFFF  }
0xc3: {  	(tm) =	ssettm $0x7FFFFFFF  }
tec
execute0_lowered:
.L_overlay_start_1:
0x0: {  	(tag) =	ssettag $0x1  }
0x1: {  	s4 =	rddreg [dreg:$0x0]  }
0x2: {  	s0 =	srdreg.scid;
	s2 =	rddreg [dreg:$0x1]  }
0x3: {  	s7 =	stileid.u32;
	s3 =	rddreg [dreg:$0x2]  }
0x4: {  	s8 =	simm.s32 $0x0;
	s13 =	simm.s32 $0x7D;
	s14 =	simm.s32 $0x5000  }
0x5: {  	s16 =	simm.s32 $0x5FA0;
	s18 =	simm.s32 $0x6F40;
	s20 =	simm.s32 $0x7EE0  }
0x6: {  	s22 =	simm.s32 $0x8E80;
	s29 =	simm.s32 $0xBD60;
	s30 =	simm.s32 $0x1  }
0x7: {  	s31 =	simm.s32 $0x2;
	s12 =	simm.s32 $0x6;
	s15 =	simm.s32 $0x7  }
0x8: {  	s17 =	simm.s32 $0x8;
	s19 =	simm.s32 $0x9;
	s21 =	simm.s32 $0xA  }
0x9: {  	s28 =	simm.s32 $0xD;
	s10 =	simm.s32 $0x0;
	s0 =	sand.u32 $0x1, s0  }
0xa: {  	s5 =	smul.u32 $0xA00, s7;
	[smem:$0x7FF] =	sst s8;
	s8 =	simm.s32 $0x10  }
0xb: {  	s1 =	sshll.u32 s0, $0x4;
	s6 =	smul.u32 $0xA000, s0;
	_ =	strace $0x8000004A  }
0xc: {  	s0 =	ssub.s32 $0x2, s0;
	s1 =	sor.u32 s7, s1;
	s7 =	smul.u32 $0x14000, s7  }
0xd: {  	s23 =	sshrl.u32 s0, $0x1;
	s1 =	smul.u32 $0x2800, s1;
	s5 =	sadd.s32 s5, s6  }
0xe: {  	s0 =	ssub.s32 s0, s23;
	s23 =	simm.s32 $0xB;
	s6 =	simm.s32 $0xE  }
0xf: {  	s7 =	sshrl.u32 s7, $0x2;
	s0 =	smax.u32 s0, $0x1;
	s1 =	sshrl.u32 s1, $0x3  }
0x10: {  	s24 =	sadd.s32 s7, s3;
	[dreg:$0x8] =	wrdreg s0;
	s1 =	sadd.s32 s1, s4  }
0x11: {  	s0 =	simm.s32 $0x4;
	[dreg:$0x4] =	wrdreg s24;
	s25 =	sadd.s32 $0x2000, s1  }
0x12: {  	s4 =	sadd.s32 s5, s4;
	s1 =	sadd.s32 $0xC000, s1;
	[dreg:$0x5] =	wrdreg s25  }
0x13: {  	s7 =	simm.s32 $0xF;
	s26 =	sadd.s32 $0x16000, s4;
	[dreg:$0x6] =	wrdreg s1  }
0x14: {  	s24 =	simm.s32 $0x9E20;
	s4 =	simm.s32 $0x5;
	[dreg:$0x7] =	wrdreg s26  }
0x15: {  	v0 =	vimm.f32 $0.0e+00;
	s26 =	simm.s32 $0xADC0;
	s1 =	simm.s32 $0x3;
	s25 =	simm.s32 $0xC  }
.LBB2_1:
0x16: {  	[dreg:$0x9] =	wrdreg s10;
	s5 =	simm.s32 $0x80;
	s10 =	simm.s32 $0x0  }
.LBB2_2:
0x17: {  	p0 =	sne.s32 s5, $0x13F80;
	[tilespmem:s10+$0xCD00] =	vst v0;
	s11 =	smov.u32 s5;
	s5 =	sadd.s32 $0x80, s5  }
.Ltmp0:
0x18: {  	[tilespmem:s10+$0xCD10] =	vst v0;
	(pc) =	sbr.rel @p0 .LBB2_2-.Ltmp0, $2  }
0x19: {  	_ =	sdelay $0x2  }
0x1a: {  	s10 =	sshra.s32 s11, $0x2  }
0x1b: {  	[tilespmem:s10+$0xCD00] =	vst v0  }
0x1c: {  	[tilespmem:s10+$0xCD10] =	vst v0;
	s5 =	rddreg [dreg:$0x4];
	s9 =	simm.s32 $0xCD00  }
0x1d: {  	[spmem:s5] =	stream.linear.scatter [tilespmem:s9], [sflag:$0x11], $0x5000, $0x38;
	[tilespmem:$0x16D00] =	vst v63  }
0x1e: {  	s9 =	simm.s32 $0x11  }
0x1f: {  	_ =	swait.ge [sflag:s9], $0x5000  }
0x20: {  	[sflag:s9] =	ssyncset.done $0x0  }
0x21: {  	s5 =	simm.s32 $0x0;
	s11 =	rddreg [dreg:$0x5];
	[sflag:s9] =	ssyncadd.s32 $0xFFFFB000  }
0x22: {  	[tilespmem:s5], [sflag:$0x11] =	stream.linear.gather [hbm4b:s11+s5], $0x2800, $0x38;
	[tilespmem:$0x16D00] =	vst v63  }
0x23: {  	_ =	swait.ge [sflag:s9], $0x2800  }
0x24: {  	[sflag:s9] =	ssyncset.done $0x0  }
0x25: {  	s11 =	simm.s32 $0x2800;
	s10 =	rddreg [dreg:$0x6];
	[sflag:s9] =	ssyncadd.s32 $0xFFFFD800  }
0x26: {  	[tilespmem:s11], [sflag:$0x11] =	stream.linear.gather [hbm4b:s10+s5], $0x2800, $0x38;
	[tilespmem:$0x16D00] =	vst v63  }
0x27: {  	_ =	swait.ge [sflag:s9], $0x2800  }
0x28: {  	[sflag:s9] =	ssyncset.done $0x0  }
0x29: {  	[sflag:s9] =	ssyncadd.s32 $0xFFFFD800  }
0x2a: {  	[bflag:$0x0] =	sbarrier.arrive $0xFFFF  }
0x2b: {  	[tilespmem:s14], [sflag:$0x1] =	stream.indirect.gather [hbm4b:s2+s13], $0x20, s5, s13, $0xb8;
	[tilespmem:$0x16D00] =	vst v63  }
0x2c: {  	s11 =	simm.s32 $0x80  }
0x2d: {  	[tilespmem:s16], [sflag:$0x2] =	stream.indirect.gather [hbm4b:s2+s13], $0x20, s11, s13, $0xb8;
	[tilespmem:$0x16D00] =	vst v63  }
0x2e: {  	s9 =	simm.s32 $0x100  }
0x2f: {  	[tilespmem:s18], [sflag:$0x3] =	stream.indirect.gather [hbm4b:s2+s13], $0x20, s9, s13, $0xb8;
	[tilespmem:$0x16D00] =	vst v63  }
0x30: {  	s10 =	simm.s32 $0x180  }
0x31: {  	[tilespmem:s20], [sflag:$0x4] =	stream.indirect.gather [hbm4b:s2+s13], $0x20, s10, s13, $0xb8;
	[tilespmem:$0x16D00] =	vst v63  }
0x32: {  	s11 =	simm.s32 $0x200  }
0x33: {  	[tilespmem:s22], [sflag:$0x5] =	stream.indirect.gather [hbm4b:s2+s13], $0x20, s11, s13, $0xb8;
	[tilespmem:$0x16D00] =	vst v63  }
0x34: {  	s9 =	simm.s32 $0x280  }
0x35: {  	[tilespmem:s24], [sflag:$0x6] =	stream.indirect.gather [hbm4b:s2+s13], $0x20, s9, s13, $0xb8;
	[tilespmem:$0x16D00] =	vst v63  }
0x36: {  	s10 =	simm.s32 $0x300  }
0x37: {  	[tilespmem:s26], [sflag:$0x7] =	stream.indirect.gather [hbm4b:s2+s13], $0x20, s10, s13, $0xb8;
	[tilespmem:$0x16D00] =	vst v63  }
0x38: {  	s11 =	simm.s32 $0x380  }
0x39: {  	[tilespmem:s29], [sflag:$0x8] =	stream.indirect.gather [hbm4b:s2+s13], $0x20, s11, s13, $0xb8;
	[tilespmem:$0x16D00] =	vst v63  }
0x3a: {  	_ =	swait.ge [sflag:s30], $0xFA0  }
0x3b: {  	[sflag:s30] =	ssyncset.done $0x0  }
0x3c: {  	s9 =	simm.s32 $0x2800;
	[sflag:s30] =	ssyncadd.s32 $0xFFFFF060  }
0x3d: {  	[spmem:s3] =	stream.indirect.scatter.add.f32 [tilespmem:s14], [sflag:$0x9], $0x20, s9, s13, $0xb8;
	[tilespmem:$0x16D00] =	vst v63  }
0x3e: {  	_ =	swait.ge [sflag:s31], $0xFA0  }
0x3f: {  	[sflag:s31] =	ssyncset.done $0x0  }
0x40: {  	s10 =	simm.s32 $0x2880;
	[sflag:s31] =	ssyncadd.s32 $0xFFFFF060  }
0x41: {  	[spmem:s3] =	stream.indirect.scatter.add.f32 [tilespmem:s16], [sflag:$0xA], $0x20, s10, s13, $0xb8;
	[tilespmem:$0x16D00] =	vst v63  }
0x42: {  	_ =	swait.ge [sflag:s1], $0xFA0  }
0x43: {  	[sflag:s1] =	ssyncset.done $0x0  }
0x44: {  	s11 =	simm.s32 $0x2900;
	[sflag:s1] =	ssyncadd.s32 $0xFFFFF060  }
0x45: {  	[spmem:s3] =	stream.indirect.scatter.add.f32 [tilespmem:s18], [sflag:$0xB], $0x20, s11, s13, $0xb8;
	[tilespmem:$0x16D00] =	vst v63  }
0x46: {  	_ =	swait.ge [sflag:s0], $0xFA0  }
0x47: {  	[sflag:s0] =	ssyncset.done $0x0  }
0x48: {  	s9 =	simm.s32 $0x2980;
	[sflag:s0] =	ssyncadd.s32 $0xFFFFF060  }
0x49: {  	[spmem:s3] =	stream.indirect.scatter.add.f32 [tilespmem:s20], [sflag:$0xC], $0x20, s9, s13, $0xb8;
	[tilespmem:$0x16D00] =	vst v63  }
0x4a: {  	_ =	swait.ge [sflag:s4], $0xFA0  }
0x4b: {  	[sflag:s4] =	ssyncset.done $0x0  }
0x4c: {  	s10 =	simm.s32 $0x2A00;
	[sflag:s4] =	ssyncadd.s32 $0xFFFFF060  }
0x4d: {  	[spmem:s3] =	stream.indirect.scatter.add.f32 [tilespmem:s22], [sflag:$0xD], $0x20, s10, s13, $0xb8;
	[tilespmem:$0x16D00] =	vst v63  }
0x4e: {  	_ =	swait.ge [sflag:s12], $0xFA0  }
0x4f: {  	[sflag:s12] =	ssyncset.done $0x0  }
0x50: {  	s11 =	simm.s32 $0x2A80;
	[sflag:s12] =	ssyncadd.s32 $0xFFFFF060  }
0x51: {  	[spmem:s3] =	stream.indirect.scatter.add.f32 [tilespmem:s24], [sflag:$0xE], $0x20, s11, s13, $0xb8;
	[tilespmem:$0x16D00] =	vst v63  }
0x52: {  	_ =	swait.ge [sflag:s15], $0xFA0  }
0x53: {  	[sflag:s15] =	ssyncset.done $0x0  }
0x54: {  	s9 =	simm.s32 $0x2B00;
	[sflag:s15] =	ssyncadd.s32 $0xFFFFF060  }
0x55: {  	[spmem:s3] =	stream.indirect.scatter.add.f32 [tilespmem:s26], [sflag:$0xF], $0x20, s9, s13, $0xb8;
	[tilespmem:$0x16D00] =	vst v63  }
0x56: {  	_ =	swait.ge [sflag:s17], $0xFA0  }
0x57: {  	[sflag:s17] =	ssyncset.done $0x0  }
0x58: {  	s10 =	simm.s32 $0x2B80;
	[sflag:s17] =	ssyncadd.s32 $0xFFFFF060  }
0x59: {  	[spmem:s3] =	stream.indirect.scatter.add.f32 [tilespmem:s29], [sflag:$0x10], $0x20, s10, s13, $0xb8;
	[tilespmem:$0x16D00] =	vst v63  }
0x5a: {  	_ =	swait.ge [sflag:s19], $0xFA0  }
0x5b: {  	[sflag:s19] =	ssyncset.done $0x0  }
0x5c: {  	s11 =	simm.s32 $0x400;
	[sflag:s19] =	ssyncadd.s32 $0xFFFFF060  }
0x5d: {  	[tilespmem:s14], [sflag:$0x1] =	stream.indirect.gather [hbm4b:s2+s13], $0x20, s11, s13, $0xb8;
	[tilespmem:$0x16D00] =	vst v63  }
0x5e: {  	_ =	swait.ge [sflag:s21], $0xFA0  }
0x5f: {  	[sflag:s21] =	ssyncset.done $0x0  }
0x60: {  	s9 =	simm.s32 $0x480;
	[sflag:s21] =	ssyncadd.s32 $0xFFFFF060  }
0x61: {  	[tilespmem:s16], [sflag:$0x2] =	stream.indirect.gather [hbm4b:s2+s13], $0x20, s9, s13, $0xb8;
	[tilespmem:$0x16D00] =	vst v63  }
0x62: {  	_ =	swait.ge [sflag:s23], $0xFA0  }
0x63: {  	[sflag:s23] =	ssyncset.done $0x0  }
0x64: {  	s10 =	simm.s32 $0x500;
	[sflag:s23] =	ssyncadd.s32 $0xFFFFF060  }
0x65: {  	[tilespmem:s18], [sflag:$0x3] =	stream.indirect.gather [hbm4b:s2+s13], $0x20, s10, s13, $0xb8;
	[tilespmem:$0x16D00] =	vst v63  }
0x66: {  	_ =	swait.ge [sflag:s25], $0xFA0  }
0x67: {  	[sflag:s25] =	ssyncset.done $0x0  }
0x68: {  	s11 =	simm.s32 $0x580;
	[sflag:s25] =	ssyncadd.s32 $0xFFFFF060  }
0x69: {  	[tilespmem:s20], [sflag:$0x4] =	stream.indirect.gather [hbm4b:s2+s13], $0x20, s11, s13, $0xb8;
	[tilespmem:$0x16D00] =	vst v63  }
0x6a: {  	_ =	swait.ge [sflag:s28], $0xFA0  }
0x6b: {  	[sflag:s28] =	ssyncset.done $0x0  }
0x6c: {  	s9 =	simm.s32 $0x600;
	[sflag:s28] =	ssyncadd.s32 $0xFFFFF060  }
0x6d: {  	[tilespmem:s22], [sflag:$0x5] =	stream.indirect.gather [hbm4b:s2+s13], $0x20, s9, s13, $0xb8;
	[tilespmem:$0x16D00] =	vst v63  }
0x6e: {  	_ =	swait.ge [sflag:s6], $0xFA0  }
0x6f: {  	[sflag:s6] =	ssyncset.done $0x0  }
0x70: {  	s10 =	simm.s32 $0x680;
	[sflag:s6] =	ssyncadd.s32 $0xFFFFF060  }
0x71: {  	[tilespmem:s24], [sflag:$0x6] =	stream.indirect.gather [hbm4b:s2+s13], $0x20, s10, s13, $0xb8;
	[tilespmem:$0x16D00] =	vst v63  }
0x72: {  	_ =	swait.ge [sflag:s7], $0xFA0  }
0x73: {  	[sflag:s7] =	ssyncset.done $0x0  }
0x74: {  	s11 =	simm.s32 $0x700;
	[sflag:s7] =	ssyncadd.s32 $0xFFFFF060  }
0x75: {  	[tilespmem:s26], [sflag:$0x7] =	stream.indirect.gather [hbm4b:s2+s13], $0x20, s11, s13, $0xb8;
	[tilespmem:$0x16D00] =	vst v63  }
0x76: {  	_ =	swait.ge [sflag:s8], $0xFA0  }
0x77: {  	[sflag:s8] =	ssyncset.done $0x0  }
0x78: {  	s5 =	simm.s32 $0x780;
	s10 =	simm.s32 $0x1000;
	[sflag:s8] =	ssyncadd.s32 $0xFFFFF060  }
.LBB2_4:
0x79: {  	[tilespmem:s29], [sflag:$0x8] =	stream.indirect.gather [hbm4b:s2+s13], $0x20, s5, s13, $0xb8;
	[tilespmem:$0x16D00] =	vst v63  }
0x7a: {  	s5 =	smov.u32 s10  }
0x7b: {  	p0 =	sne.s32 s10, $0x8000;
	s10 =	sadd.s32 $0x1000, s10;
	_ =	swait.ge [sflag:s30], $0xFA0  }
0x7c: {  	s5 =	sshra.s32 s5, $0x2;
	[sflag:s30] =	ssyncset.done $0x0  }
0x7d: {  	s11 =	sadd.s32 $0x2800, s5;
	[sflag:s30] =	ssyncadd.s32 $0xFFFFF060  }
0x7e: {  	[spmem:s3] =	stream.indirect.scatter.add.f32 [tilespmem:s14], [sflag:$0x9], $0x20, s11, s13, $0xb8;
	[tilespmem:$0x16D00] =	vst v63  }
0x7f: {  	_ =	swait.ge [sflag:s31], $0xFA0  }
0x80: {  	[sflag:s31] =	ssyncset.done $0x0  }
0x81: {  	s11 =	sadd.s32 $0x2880, s5;
	[sflag:s31] =	ssyncadd.s32 $0xFFFFF060  }
0x82: {  	[spmem:s3] =	stream.indirect.scatter.add.f32 [tilespmem:s16], [sflag:$0xA], $0x20, s11, s13, $0xb8;
	[tilespmem:$0x16D00] =	vst v63  }
0x83: {  	_ =	swait.ge [sflag:s1], $0xFA0  }
0x84: {  	[sflag:s1] =	ssyncset.done $0x0  }
0x85: {  	s11 =	sadd.s32 $0x2900, s5;
	[sflag:s1] =	ssyncadd.s32 $0xFFFFF060  }
0x86: {  	[spmem:s3] =	stream.indirect.scatter.add.f32 [tilespmem:s18], [sflag:$0xB], $0x20, s11, s13, $0xb8;
	[tilespmem:$0x16D00] =	vst v63  }
0x87: {  	_ =	swait.ge [sflag:s0], $0xFA0  }
0x88: {  	[sflag:s0] =	ssyncset.done $0x0  }
0x89: {  	s11 =	sadd.s32 $0x2980, s5;
	[sflag:s0] =	ssyncadd.s32 $0xFFFFF060  }
0x8a: {  	[spmem:s3] =	stream.indirect.scatter.add.f32 [tilespmem:s20], [sflag:$0xC], $0x20, s11, s13, $0xb8;
	[tilespmem:$0x16D00] =	vst v63  }
0x8b: {  	_ =	swait.ge [sflag:s4], $0xFA0  }
0x8c: {  	[sflag:s4] =	ssyncset.done $0x0  }
0x8d: {  	s11 =	sadd.s32 $0x2A00, s5;
	[sflag:s4] =	ssyncadd.s32 $0xFFFFF060  }
0x8e: {  	[spmem:s3] =	stream.indirect.scatter.add.f32 [tilespmem:s22], [sflag:$0xD], $0x20, s11, s13, $0xb8;
	[tilespmem:$0x16D00] =	vst v63  }
0x8f: {  	_ =	swait.ge [sflag:s12], $0xFA0  }
0x90: {  	[sflag:s12] =	ssyncset.done $0x0  }
0x91: {  	s11 =	sadd.s32 $0x2A80, s5;
	[sflag:s12] =	ssyncadd.s32 $0xFFFFF060  }
0x92: {  	[spmem:s3] =	stream.indirect.scatter.add.f32 [tilespmem:s24], [sflag:$0xE], $0x20, s11, s13, $0xb8;
	[tilespmem:$0x16D00] =	vst v63  }
0x93: {  	_ =	swait.ge [sflag:s15], $0xFA0  }
0x94: {  	[sflag:s15] =	ssyncset.done $0x0  }
0x95: {  	s11 =	sadd.s32 $0x2B00, s5;
	[sflag:s15] =	ssyncadd.s32 $0xFFFFF060  }
0x96: {  	[spmem:s3] =	stream.indirect.scatter.add.f32 [tilespmem:s26], [sflag:$0xF], $0x20, s11, s13, $0xb8;
	[tilespmem:$0x16D00] =	vst v63  }
0x97: {  	_ =	swait.ge [sflag:s17], $0xFA0  }
0x98: {  	[sflag:s17] =	ssyncset.done $0x0  }
0x99: {  	s11 =	sadd.s32 $0x2B80, s5;
	[sflag:s17] =	ssyncadd.s32 $0xFFFFF060  }
0x9a: {  	[spmem:s3] =	stream.indirect.scatter.add.f32 [tilespmem:s29], [sflag:$0x10], $0x20, s11, s13, $0xb8;
	[tilespmem:$0x16D00] =	vst v63  }
0x9b: {  	_ =	swait.ge [sflag:s19], $0xFA0  }
0x9c: {  	[sflag:s19] =	ssyncset.done $0x0  }
0x9d: {  	s11 =	sadd.s32 $0x400, s5;
	[sflag:s19] =	ssyncadd.s32 $0xFFFFF060  }
0x9e: {  	[tilespmem:s14], [sflag:$0x1] =	stream.indirect.gather [hbm4b:s2+s13], $0x20, s11, s13, $0xb8;
	[tilespmem:$0x16D00] =	vst v63  }
0x9f: {  	_ =	swait.ge [sflag:s21], $0xFA0  }
0xa0: {  	[sflag:s21] =	ssyncset.done $0x0  }
0xa1: {  	s11 =	sadd.s32 $0x480, s5;
	[sflag:s21] =	ssyncadd.s32 $0xFFFFF060  }
0xa2: {  	[tilespmem:s16], [sflag:$0x2] =	stream.indirect.gather [hbm4b:s2+s13], $0x20, s11, s13, $0xb8;
	[tilespmem:$0x16D00] =	vst v63  }
0xa3: {  	_ =	swait.ge [sflag:s23], $0xFA0  }
0xa4: {  	[sflag:s23] =	ssyncset.done $0x0  }
0xa5: {  	s11 =	sadd.s32 $0x500, s5;
	[sflag:s23] =	ssyncadd.s32 $0xFFFFF060  }
0xa6: {  	[tilespmem:s18], [sflag:$0x3] =	stream.indirect.gather [hbm4b:s2+s13], $0x20, s11, s13, $0xb8;
	[tilespmem:$0x16D00] =	vst v63  }
0xa7: {  	_ =	swait.ge [sflag:s25], $0xFA0  }
0xa8: {  	[sflag:s25] =	ssyncset.done $0x0  }
0xa9: {  	s11 =	sadd.s32 $0x580, s5;
	[sflag:s25] =	ssyncadd.s32 $0xFFFFF060  }
0xaa: {  	[tilespmem:s20], [sflag:$0x4] =	stream.indirect.gather [hbm4b:s2+s13], $0x20, s11, s13, $0xb8;
	[tilespmem:$0x16D00] =	vst v63  }
0xab: {  	_ =	swait.ge [sflag:s28], $0xFA0  }
0xac: {  	[sflag:s28] =	ssyncset.done $0x0  }
0xad: {  	s11 =	sadd.s32 $0x600, s5;
	[sflag:s28] =	ssyncadd.s32 $0xFFFFF060  }
0xae: {  	[tilespmem:s22], [sflag:$0x5] =	stream.indirect.gather [hbm4b:s2+s13], $0x20, s11, s13, $0xb8;
	[tilespmem:$0x16D00] =	vst v63  }
0xaf: {  	_ =	swait.ge [sflag:s6], $0xFA0  }
0xb0: {  	[sflag:s6] =	ssyncset.done $0x0  }
0xb1: {  	s11 =	sadd.s32 $0x680, s5;
	[sflag:s6] =	ssyncadd.s32 $0xFFFFF060  }
0xb2: {  	[tilespmem:s24], [sflag:$0x6] =	stream.indirect.gather [hbm4b:s2+s13], $0x20, s11, s13, $0xb8;
	[tilespmem:$0x16D00] =	vst v63  }
0xb3: {  	_ =	swait.ge [sflag:s7], $0xFA0  }
0xb4: {  	[sflag:s7] =	ssyncset.done $0x0  }
.Ltmp1:
0xb5: {  	s11 =	sadd.s32 $0x700, s5;
	[sflag:s7] =	ssyncadd.s32 $0xFFFFF060;
	(pc) =	sbr.rel @p0 .LBB2_4-.Ltmp1, $4  }
0xb6: {  	[tilespmem:s26], [sflag:$0x7] =	stream.indirect.gather [hbm4b:s2+s13], $0x20, s11, s13, $0xb8;
	[tilespmem:$0x16D00] =	vst v63  }
0xb7: {  	_ =	swait.ge [sflag:s8], $0xFA0  }
0xb8: {  	[sflag:s8] =	ssyncset.done $0x0  }
0xb9: {  	s5 =	sadd.s32 $0x780, s5;
	[sflag:s8] =	ssyncadd.s32 $0xFFFFF060  }
0xba: {  	[tilespmem:s29], [sflag:$0x8] =	stream.indirect.gather [hbm4b:s2+s13], $0x20, s5, s13, $0xb8;
	[tilespmem:$0x16D00] =	vst v63  }
0xbb: {  	_ =	swait.ge [sflag:s30], $0xFA0  }
0xbc: {  	[sflag:s30] =	ssyncset.done $0x0  }
0xbd: {  	s11 =	simm.s32 $0x4C00;
	[sflag:s30] =	ssyncadd.s32 $0xFFFFF060  }
0xbe: {  	[spmem:s3] =	stream.indirect.scatter.add.f32 [tilespmem:s14], [sflag:$0x9], $0x20, s11, s13, $0xb8;
	[tilespmem:$0x16D00] =	vst v63  }
0xbf: {  	_ =	swait.ge [sflag:s31], $0xFA0  }
0xc0: {  	[sflag:s31] =	ssyncset.done $0x0  }
0xc1: {  	s9 =	simm.s32 $0x4C80;
	[sflag:s31] =	ssyncadd.s32 $0xFFFFF060  }
0xc2: {  	[spmem:s3] =	stream.indirect.scatter.add.f32 [tilespmem:s16], [sflag:$0xA], $0x20, s9, s13, $0xb8;
	[tilespmem:$0x16D00] =	vst v63  }
0xc3: {  	_ =	swait.ge [sflag:s1], $0xFA0  }
0xc4: {  	[sflag:s1] =	ssyncset.done $0x0  }
0xc5: {  	s10 =	simm.s32 $0x4D00;
	[sflag:s1] =	ssyncadd.s32 $0xFFFFF060  }
0xc6: {  	[spmem:s3] =	stream.indirect.scatter.add.f32 [tilespmem:s18], [sflag:$0xB], $0x20, s10, s13, $0xb8;
	[tilespmem:$0x16D00] =	vst v63  }
0xc7: {  	_ =	swait.ge [sflag:s0], $0xFA0  }
0xc8: {  	[sflag:s0] =	ssyncset.done $0x0  }
0xc9: {  	s11 =	simm.s32 $0x4D80;
	[sflag:s0] =	ssyncadd.s32 $0xFFFFF060  }
0xca: {  	[spmem:s3] =	stream.indirect.scatter.add.f32 [tilespmem:s20], [sflag:$0xC], $0x20, s11, s13, $0xb8;
	[tilespmem:$0x16D00] =	vst v63  }
0xcb: {  	_ =	swait.ge [sflag:s4], $0xFA0  }
0xcc: {  	[sflag:s4] =	ssyncset.done $0x0  }
0xcd: {  	s9 =	simm.s32 $0x4E00;
	[sflag:s4] =	ssyncadd.s32 $0xFFFFF060  }
0xce: {  	[spmem:s3] =	stream.indirect.scatter.add.f32 [tilespmem:s22], [sflag:$0xD], $0x20, s9, s13, $0xb8;
	[tilespmem:$0x16D00] =	vst v63  }
0xcf: {  	_ =	swait.ge [sflag:s12], $0xFA0  }
0xd0: {  	[sflag:s12] =	ssyncset.done $0x0  }
0xd1: {  	s10 =	simm.s32 $0x4E80;
	[sflag:s12] =	ssyncadd.s32 $0xFFFFF060  }
0xd2: {  	[spmem:s3] =	stream.indirect.scatter.add.f32 [tilespmem:s24], [sflag:$0xE], $0x20, s10, s13, $0xb8;
	[tilespmem:$0x16D00] =	vst v63  }
0xd3: {  	_ =	swait.ge [sflag:s15], $0xFA0  }
0xd4: {  	[sflag:s15] =	ssyncset.done $0x0  }
0xd5: {  	s11 =	simm.s32 $0x4F00;
	[sflag:s15] =	ssyncadd.s32 $0xFFFFF060  }
0xd6: {  	[spmem:s3] =	stream.indirect.scatter.add.f32 [tilespmem:s26], [sflag:$0xF], $0x20, s11, s13, $0xb8;
	[tilespmem:$0x16D00] =	vst v63  }
0xd7: {  	_ =	swait.ge [sflag:s17], $0xFA0  }
0xd8: {  	[sflag:s17] =	ssyncset.done $0x0  }
0xd9: {  	s9 =	simm.s32 $0x4F80;
	[sflag:s17] =	ssyncadd.s32 $0xFFFFF060  }
0xda: {  	[spmem:s3] =	stream.indirect.scatter.add.f32 [tilespmem:s29], [sflag:$0x10], $0x20, s9, s13, $0xb8;
	[tilespmem:$0x16D00] =	vst v63  }
0xdb: {  	_ =	swait.ge [sflag:s19], $0xFA0  }
0xdc: {  	[sflag:s19] =	ssyncset.done $0x0  }
0xdd: {  	[sflag:s19] =	ssyncadd.s32 $0xFFFFF060  }
0xde: {  	_ =	swait.ge [sflag:s21], $0xFA0  }
0xdf: {  	[sflag:s21] =	ssyncset.done $0x0  }
0xe0: {  	[sflag:s21] =	ssyncadd.s32 $0xFFFFF060  }
0xe1: {  	_ =	swait.ge [sflag:s23], $0xFA0  }
0xe2: {  	[sflag:s23] =	ssyncset.done $0x0  }
0xe3: {  	[sflag:s23] =	ssyncadd.s32 $0xFFFFF060  }
0xe4: {  	_ =	swait.ge [sflag:s25], $0xFA0  }
0xe5: {  	[sflag:s25] =	ssyncset.done $0x0  }
0xe6: {  	[sflag:s25] =	ssyncadd.s32 $0xFFFFF060  }
0xe7: {  	_ =	swait.ge [sflag:s28], $0xFA0  }
0xe8: {  	[sflag:s28] =	ssyncset.done $0x0  }
0xe9: {  	[sflag:s28] =	ssyncadd.s32 $0xFFFFF060  }
0xea: {  	_ =	swait.ge [sflag:s6], $0xFA0  }
0xeb: {  	[sflag:s6] =	ssyncset.done $0x0  }
0xec: {  	[sflag:s6] =	ssyncadd.s32 $0xFFFFF060  }
0xed: {  	_ =	swait.ge [sflag:s7], $0xFA0  }
0xee: {  	[sflag:s7] =	ssyncset.done $0x0  }
0xef: {  	[sflag:s7] =	ssyncadd.s32 $0xFFFFF060  }
0xf0: {  	_ =	swait.ge [sflag:s8], $0xFA0  }
0xf1: {  	[sflag:s8] =	ssyncset.done $0x0  }
0xf2: {  	[sflag:s8] =	ssyncadd.s32 $0xFFFFF060  }
0xf3: {  	[bflag:$0x0] =	sbarrier.arrive $0xFFFF  }
0xf4: {  	s11 =	simm.s32 $0xCD00;
	s9 =	simm.s32 $0x11;
	s10 =	rddreg [dreg:$0x4]  }
0xf5: {  	[tilespmem:s11], [sflag:$0x11] =	stream.linear.gather [spmem:s10], $0x5000, $0x38;
	[tilespmem:$0x16D00] =	vst v63  }
0xf6: {  	_ =	swait.ge [sflag:s9], $0x5000  }
0xf7: {  	[sflag:s9] =	ssyncset.done $0x0  }
0xf8: {  	s5 =	simm.s32 $0x0;
	s10 =	rddreg [dreg:$0x7];
	[sflag:s9] =	ssyncadd.s32 $0xFFFFB000  }
0xf9: {  	[hbm4b:s10+s5] =	stream.linear.scatter [tilespmem:s11], [sflag:$0x11], $0x5000, $0x38;
	[tilespmem:$0x16D00] =	vst v63  }
0xfa: {  	_ =	swait.ge [sflag:s9], $0x5000  }
0xfb: {  	s5 =	rddreg [dreg:$0x9]  }
0xfc: {  	s11 =	rddreg [dreg:$0x8];
	s10 =	sadd.s32 $0x1, s5  }
0xfd: {  	p0 =	sne.s32 s10, s11  }
.Ltmp2:
0xfe: {  	_ = 	snop;
	(pc) =	sbr.rel @p0 .LBB2_1-.Ltmp2, $3  }
0xff: {  	_ =	sdelay $0x1  }
0x100: {  	[sflag:s9] =	ssyncset.done $0x0  }
0x101: {  	[sflag:s9] =	ssyncadd.s32 $0xFFFFB000  }
0x102: {  	_ =	sfence.sel $0x180000  }
0x103: {  	[bflag:$0x0] =	sbarrier.arrive $0xFFFF  }
0x104: {  	_ =	strace $0x9000004A  }
0x105: {  	s0 =	stileid.u32;
	[bflag:$0x2] =	sbarrier.arrive $0xFFFF  }
0x106: {  	p0 =	sne.s32 s0, $0x0;
	s0 =	rddreg [dreg:$0x3]  }
0x107: {  	s0 =	sadd.s32 @!p0 $0x100000, s0  }
0x108: {  	[sflag:s0] =	ssyncadd.tile.s32 @!p0 $0x1;
	_ =	shalt  }
.Lfunc_end2:
_tile_overlayer_lowered:
.L_overlay_start_2:
0x109: {  	(tag) =	ssettag $0x2  }
0x10a: {  	s0 =	rddreg [dreg:$0x0];
	s2 =	stileid.u32  }
0x10b: {  	s1 =	rddreg [dreg:$0x1];
	p0 =	sne.s32 s2, $0x0  }
0x10c: {  	s3 =	rddreg [dreg:$0x2];
	[bflag:$0x3] =	sbarrier.arrive $0xFFFF;
	s2 =	simm.s32 @!p0 $0x1C11  }
0x10d: {  	[timem:s3], [sflag:s2] =	dma.local @!p0 [hbm:s0], s1  }
0x10e: {  	s0 =	simm.s32 @!p0 $0x11  }
0x10f: {  	_ =	swait.ge @!p0 [sflag:s0], s1  }
0x110: {  	s1 =	ssub.s32 @!p0 $0x0, s1;
	[sflag:s0] =	ssyncset.done @!p0 $0x0  }
0x111: {  	[sflag:s0] =	ssyncadd.s32 @!p0 s1  }
0x112: {  	[bflag:$0x3] =	sbarrier.arrive $0xFFFF  }
0x113: {  	_ =	shalt  }

// kernel: kernel.14.cloned.1.call-start
scs
__scs_entry_jumppad:
0x0: {  	(pc) =	sbr.rel $0x88, $3  }
0x1: {  	(tag) =	ssettag $0x0;
	lr =	simm.s32 $0x1  }
0x2: {  	[smem:$0x3F9B] =	sst lr;
	_ =	strace $0xD0000000  }
0x3: {  	_ = 	snop  }
0x4: {  	_ = 	snop  }
0x5: {  	_ = 	snop  }
0x6: {  	_ = 	snop  }
0x7: {  	_ = 	snop  }
__scs_overlays_trampoline_lowered:
0x8: {  	[smem:$0x3FAA] =	sst s0  }
0x9: {  	[smem:$0x3FAB] =	sst s1  }
0xa: {  	[smem:$0x3FAC] =	sst s2  }
0xb: {  	[smem:$0x3FAD] =	sst s3  }
0xc: {  	[smem:$0x3FAE] =	sst s4  }
0xd: {  	[smem:$0x3FAF] =	sst s5  }
0xe: {  	[smem:$0x3FB0] =	sst s6  }
0xf: {  	[smem:$0x3FB1] =	sst s7  }
0x10: {  	[smem:$0x3FB2] =	sst s8  }
0x11: {  	[smem:$0x3FB3] =	sst s9;
	s0 =	simm.s32 @!p0 $0x0  }
0x12: {  	s1 =	sld [smem:$0x3F99];
	s0 =	simm.s32 @p0 $0x1  }
0x13: {  	[smem:$0x3FB4] =	sst s0;
	s0 =	simm.s32 @!p1 $0x0  }
0x14: {  	s2 =	sld [smem:$0x3F98];
	s0 =	simm.s32 @p1 $0x1  }
0x15: {  	[smem:$0x3FB5] =	sst s0;
	s0 =	simm.s32 @!p2 $0x0  }
0x16: {  	s3 =	sld [smem:$0x3FDB];
	s0 =	simm.s32 @p2 $0x1  }
0x17: {  	s4 =	simm.s32 $0x1BF5;
	[smem:$0x3FB7] =	sst s0  }
0x18: {  	s0 =	sld [smem:$0x3F9A];
	_ =	swait.ge [sflag:s4], $0x0  }
0x19: {  	s7 =	sld [smem:$0x3F9B]  }
0x1a: {  	s8 =	sadd.s32 $0xFFFFE003, lr  }
0x1b: {  	s9 =	sadd.s32 $0xFFFFFEF7, lr;
	s5 =	simm.s32 $0xFFFFFFFF;
	p2 =	slt.u32 s8, $0xFFFFF086  }
0x1c: {  	p1 =	slt.u32 s9, $0xF7A;
	s5 =	simm.s32 @!p2 $0x0  }
0x1d: {  	s5 =	simm.s32 @p1 $0x1;
	p0 =	seq.s32 s7, s2  }
0x1e: {  	s7 =	smul.u32 @!p0 $0xF7A, s2;
	p2 =	seq.s32 @!p0 s5, $0x0  }
0x1f: {  	s9 =	smul.u32 $0xF7A, s1;
	s8 =	simm.s32 @!p0 $0x1BF5;
	p2 =	por !p2, p0  }
0x20: {  	[sflag:s8] =	ssyncset.s32 @!p0 $0xFFFFF086;
	s6 =	sadd.s32 @!p0 s3, s7;
	s7 =	simm.s32 @!p0 $0x108  }
0x21: {  	s3 =	sadd.s32 s3, s9;
	s6 =	sadd.s32 @!p0 $0x88, s6;
	s7 =	simm.s32 @p2 $0x1082  }
0x22: {  	[simem:s7], [sflag:s8] =	dma.local @!p0 [hbm:s6], $0xF7A  }
0x23: {  	s9 =	sor.u32 $0xD0000000, s2;
	s6 =	simm.s32 $0x108;
	_ =	swait.ge @!p0 [sflag:s8], $0x0  }
0x24: {  	s3 =	sadd.s32 $0x88, s3;
	s6 =	simm.s32 @!p1 $0x1082;
	[sflag:s4] =	ssyncset.s32 $0xFFFFF086  }
0x25: {  	[simem:s6], [sflag:s4] =	dma.local [hbm:s3], $0xF7A  }
0x26: {  	[smem:$0x3F9B] =	sst s1;
	(tag) =	ssettag s2;
	_ =	strace s9  }
0x27: {  	s1 =	sld [smem:$0x3FAB]  }
0x28: {  	s2 =	sld [smem:$0x3FAC]  }
0x29: {  	s4 =	sld [smem:$0x3FAE]  }
0x2a: {  	p0 =	seq.s32 s5, $0x0;
	s5 =	sld [smem:$0x3FAF]  }
0x2b: {  	s6 =	sld [smem:$0x3FB0]  }
0x2c: {  	s7 =	sld [smem:$0x3FB1]  }
0x2d: {  	s3 =	simm.s32 $0x108;
	s8 =	sld [smem:$0x3FB2]  }
0x2e: {  	s3 =	simm.s32 @!p0 $0x1082;
	s9 =	sld [smem:$0x3FB3]  }
0x2f: {  	lr =	sadd.s32 s0, s3;
	s0 =	sld [smem:$0x3FAA]  }
0x30: {  	s3 =	sld [smem:$0x3FAD]  }
0x31: {  	[smem:$0x3FB6] =	sst s10  }
0x32: {  	s10 =	sld [smem:$0x3FB4];
	_ =	sdelay $0x3  }
0x33: {  	p0 =	seq.s32 s10, $0x1;
	s10 =	sld [smem:$0x3FB6];
	_ =	sdelay $0x3  }
0x34: {  	[smem:$0x3FB6] =	sst s10  }
0x35: {  	s10 =	sld [smem:$0x3FB5];
	_ =	sdelay $0x3  }
0x36: {  	p1 =	seq.s32 s10, $0x1;
	s10 =	sld [smem:$0x3FB6];
	_ =	sdelay $0x3  }
0x37: {  	[smem:$0x3FB6] =	sst s10  }
0x38: {  	s10 =	sld [smem:$0x3FB7]  }
0x39: {  	_ = 	snop;
	(pc) =	sbr.ind lr, $3  }
0x3a: {  	_ = 	snop  }
0x3b: {  	_ = 	snop  }
0x3c: {  	p2 =	seq.s32 s10, $0x1;
	s10 =	sld [smem:$0x3FB6]  }
0x3d: {  	_ =	shalt  }
0x3e: {  	_ =	shalt  }
0x3f: {  	_ =	shalt  }
0x40: {  	_ =	shalt  }
0x41: {  	_ =	shalt  }
0x42: {  	_ =	shalt  }
0x43: {  	_ =	shalt  }
0x44: {  	_ =	shalt  }
0x45: {  	_ =	shalt  }
0x46: {  	_ =	shalt  }
0x47: {  	_ =	shalt  }
0x48: {  	_ =	shalt  }
0x49: {  	_ =	shalt  }
0x4a: {  	_ =	shalt  }
0x4b: {  	_ =	shalt  }
0x4c: {  	_ =	shalt  }
0x4d: {  	_ =	shalt  }
0x4e: {  	_ =	shalt  }
0x4f: {  	_ =	shalt  }
0x50: {  	_ =	shalt  }
0x51: {  	_ =	shalt  }
0x52: {  	_ =	shalt  }
0x53: {  	_ =	shalt  }
0x54: {  	_ =	shalt  }
0x55: {  	_ =	shalt  }
0x56: {  	_ =	shalt  }
0x57: {  	_ =	shalt  }
0x58: {  	_ =	shalt  }
0x59: {  	_ =	shalt  }
0x5a: {  	_ =	shalt  }
0x5b: {  	_ =	shalt  }
0x5c: {  	_ =	shalt  }
0x5d: {  	_ =	shalt  }
0x5e: {  	_ =	shalt  }
0x5f: {  	_ =	shalt  }
0x60: {  	_ =	shalt  }
0x61: {  	_ =	shalt  }
0x62: {  	_ =	shalt  }
0x63: {  	_ =	shalt  }
0x64: {  	_ =	shalt  }
0x65: {  	_ =	shalt  }
0x66: {  	_ =	shalt  }
0x67: {  	_ =	shalt  }
0x68: {  	_ =	shalt  }
0x69: {  	_ =	shalt  }
0x6a: {  	_ =	shalt  }
0x6b: {  	_ =	shalt  }
0x6c: {  	_ =	shalt  }
0x6d: {  	_ =	shalt  }
0x6e: {  	_ =	shalt  }
0x6f: {  	_ =	shalt  }
0x70: {  	_ =	shalt  }
0x71: {  	_ =	shalt  }
0x72: {  	_ =	shalt  }
0x73: {  	_ =	shalt  }
0x74: {  	_ =	shalt  }
0x75: {  	_ =	shalt  }
0x76: {  	_ =	shalt  }
0x77: {  	_ =	shalt  }
0x78: {  	_ =	shalt  }
0x79: {  	_ =	shalt  }
0x7a: {  	_ =	shalt  }
0x7b: {  	_ =	shalt  }
0x7c: {  	_ =	shalt  }
0x7d: {  	_ =	shalt  }
0x7e: {  	_ =	shalt  }
0x7f: {  	_ =	shalt  }
0x80: {  	_ =	shalt  }
0x81: {  	_ =	shalt  }
0x82: {  	_ =	shalt  }
0x83: {  	_ =	shalt  }
0x84: {  	_ =	shalt  }
0x85: {  	_ =	shalt  }
0x86: {  	_ =	shalt  }
0x87: {  	_ =	shalt  }
.Lfunc_end0:
.L_simem_size_0:
called_computation.2_lowered:
.L_overlay_start_0:
0x88: {  	s2 =	sld [smem:$0x3FD9]  }
0x89: {  	s3 =	sld [smem:$0x3FFE];
	_ =	sdelay $0x1  }
0x8a: {  	s1 =	srdreg.scid  }
0x8b: {  	s0 =	sand.u32 $0x1, s1  }
0x8c: {  	s16 =	sshll.u32 s0, $0xA;
	s2 =	sadd.s32 s3, s2  }
0x8d: {  	s2 =	sadd.s32 s2, s16  }
0x8e: {  	[smem:$0x3FC2] =	sst s2  }
0x8f: {  	_ = 	snop  }
0x90: {  	(tm) =	ssettm $0x1  }
0x91: {  	s17 =	sld [smem:$0x3FFB];
	_ =	sdelay $0x3  }
0x92: {  	_ =	strace s17  }
0x93: {  	s2 =	sld [smem:$0x3FFC];
	_ =	sdelay $0x3  }
0x94: {  	_ =	strace s2  }
0x95: {  	s2 =	sld [smem:$0x3FFD];
	_ =	sdelay $0x3  }
0x96: {  	_ =	strace s2  }
0x97: {  	_ =	strace $0x8FFFFFFF  }
0x98: {  	s18 =	sld [smem:$0x3FDB];
	_ =	sdelay $0x1  }
0x99: {  	s19 =	simm.s32 $_scs_section_size  }
0x9a: {  	s4 =	simm.s32 $_size__tile_overlayer_lowered;
	s5 =	simm.s32 $_tile_overlayer_lowered  }
0x9b: {  	s22 =	simm.s32 $0x1BFF;
	s21 =	sshll.u32 s5, $0x1;
	s2 =	sadd.s32 s19, s18  }
0x9c: {  	s6 =	simm.s32 $0x0;
	s20 =	sshll.u32 s4, $0x1;
	s4 =	sadd.s32 s21, s2  }
0x9d: {  	[timem:s6], [sflag:s22] =	dma.local [hbm:s4], s20  }
0x9e: {  	_ =	swait.ge [sflag:s22], s20  }
0x9f: {  	s3 =	ssub.s32 $0x0, s20;
	[sflag:s22] =	ssyncset.done $0x0  }
0xa0: {  	[sflag:s22] =	ssyncadd.s32 s3;
	_ =	sdelay $0x1  }
0xa1: {  	s23 =	simm.s32 $0x1B8B  }
0xa2: {  	_ =	swait.ge [sflag:s23], $0x1  }
0xa3: {  	[sflag:s23] =	ssyncset.done $0x0  }
0xa4: {  	s25 =	simm.s32 $0x1B8E;
	s24 =	sld [smem:$0x3FFE];
	[sflag:s23] =	ssyncadd.s32 $0xFFFFFFFF  }
0xa5: {  	s26 =	simm.s32 $execute0_lowered;
	[smem:$0x3FD2] =	sst s25  }
0xa6: {  	s4 =	sshll.u32 s26, $0x1;
	_ =	strace $0x8000004C;
	[dreg:$0x1] =	wrdreg $0xFFFFFFFF  }
0xa7: {  	s28 =	simm.s32 $_size_execute0_lowered;
	s2 =	sadd.s32 s2, s4;
	[dreg:$0x0] =	wrdreg $0x0  }
0xa8: {  	s4 =	sshll.u32 s28, $0x1;
	[dreg:$0x2] =	wrdreg s2  }
0xa9: {  	[dreg:$0x3] =	wrdreg s4  }
0xaa: {  	[dreg:$0x4] =	wrdreg $0xC0  }
0xab: {  	_ =	task [dreg:s6], $0x5FFFF  }
0xac: {  	[dreg:$0x1] =	wrdreg $0xFFFFFFFF  }
0xad: {  	[dreg:$0x0] =	wrdreg $0x60  }
0xae: {  	[dreg:$0x2] =	wrdreg s24  }
0xaf: {  	[dreg:$0x3] =	wrdreg $0x183800  }
0xb0: {  	[dreg:$0x4] =	wrdreg $0x9  }
0xb1: {  	_ =	task.clear_ibuf [dreg:s6], $0x5FFFF;
	_ =	strace $0x9000004C  }
0xb2: {  	s29 =	simm.s32 $0x9;
	_ =	strace $0x8000004E  }
0xb3: {  	_ =	swait.ge [sflag:s29], $0x1  }
0xb4: {  	[sflag:s29] =	ssyncadd.s32 $0xFFFFFFFF  }
0xb5: {  	_ =	strace $0x9000004E  }
0xb6: {  	_ =	sfence  }
0xb7: {  	s30 =	sld [smem:$0x0];
	_ =	sdelay $0x2  }
0xb8: {  	s31 =	sshll.u32 s1, $0xD;
	s1 =	sshrl.u32 s1, $0x2  }
0xb9: {  	s3 =	sand.u32 $0x4000, s31;
	s1 =	sadd.s32 s1, s30  }
0xba: {  	s0 =	sor.u32 s3, s0;
	s1 =	sshll.u32 s1, $0x11  }
0xbb: {  	s0 =	sor.u32 s1, s0  }
0xbc: {  	s0 =	sadd.s32 $0x8F2B, s0  }
0xbd: {  	[sflag:s0] =	ssyncadd.remote.s32 $0x1  }
0xbe: {  	_ =	sfence.sel $0xFFFF  }
0xbf: {  	[dreg:$0x0] =	wrdreg $0xFFFFFFFF;
	(pc) =	sbr.abs _section_cstart, $3  }
0xc0: {  	[dreg:$0x1] =	wrdreg $0xFFFFFFFF  }
0xc1: {  	_ =	task.clear_ibuf [dreg:s6], $0x2FFFF;
	_ =	strace $0x9FFFFFFF  }
0xc2: {  	(tm) =	ssettm $0x7FFFFFFF  }
0xc3: {  	_ =	shalt  }
tec
execute0_lowered:
.L_overlay_start_1:
0x0: {  	(tag) =	ssettag $0x1  }
0x1: {  	s0 =	srdreg.scid;
	s3 =	rddreg [dreg:$0x0]  }
0x2: {  	s4 =	stileid.u32;
	s2 =	rddreg [dreg:$0x1];
	s6 =	simm.s32 $0x0  }
0x3: {  	s13 =	simm.s32 $0x7D;
	s14 =	simm.s32 $0x5000;
	s16 =	simm.s32 $0x6770  }
0x4: {  	s18 =	simm.s32 $0x7EE0;
	s20 =	simm.s32 $0x9650;
	s29 =	simm.s32 $0xF410  }
0x5: {  	s30 =	simm.s32 $0x1;
	s31 =	simm.s32 $0x2;
	s12 =	simm.s32 $0x6  }
0x6: {  	s15 =	simm.s32 $0x7;
	s17 =	simm.s32 $0x8;
	s19 =	simm.s32 $0x9  }
0x7: {  	s21 =	simm.s32 $0xA;
	s28 =	simm.s32 $0xD;
	s8 =	simm.s32 $0x10  }
0x8: {  	s10 =	simm.s32 $0x0;
	s0 =	sand.u32 $0x1, s0;
	s5 =	smul.u32 $0xF00, s4  }
0x9: {  	[smem:$0x7FF] =	sst s6;
	s7 =	smul.u32 $0x1E000, s4;
	s6 =	simm.s32 $0xE  }
0xa: {  	s1 =	sshll.u32 s0, $0x4;
	s22 =	smul.u32 $0xF000, s0;
	_ =	strace $0x8000004D  }
0xb: {  	s0 =	ssub.s32 $0x2, s0;
	s1 =	sor.u32 s4, s1;
	s4 =	sadd.s32 $0x16000, s3  }
0xc: {  	s23 =	sshrl.u32 s0, $0x1;
	s7 =	sshrl.u32 s7, $0x2;
	s1 =	smul.u32 $0x2800, s1  }
0xd: {  	s5 =	sadd.s32 s5, s22;
	s0 =	ssub.s32 s0, s23;
	s24 =	sadd.s32 s7, s2  }
0xe: {  	s22 =	simm.s32 $0xADC0;
	s23 =	simm.s32 $0xB;
	s1 =	sshrl.u32 s1, $0x3  }
0xf: {  	[dreg:$0x3] =	wrdreg s24;
	s0 =	smax.u32 s0, $0x1;
	s1 =	sadd.s32 s1, s3  }
0x10: {  	s7 =	simm.s32 $0xF;
	[dreg:$0x7] =	wrdreg s0;
	s25 =	sadd.s32 $0x2000, s1  }
0x11: {  	s3 =	sadd.s32 s5, s3;
	s1 =	sadd.s32 $0xC000, s1;
	[dreg:$0x4] =	wrdreg s25  }
0x12: {  	s24 =	simm.s32 $0xC530;
	s26 =	sadd.s32 $0x25000, s3;
	[dreg:$0x5] =	wrdreg s1  }
0x13: {  	s0 =	simm.s32 $0x4;
	s3 =	simm.s32 $0x5;
	[dreg:$0x6] =	wrdreg s26  }
0x14: {  	v0 =	vimm.f32 $0.0e+00;
	s26 =	simm.s32 $0xDCA0;
	s1 =	simm.s32 $0x3;
	s25 =	simm.s32 $0xC  }
.LBB2_1:
0x15: {  	[dreg:$0x8] =	wrdreg s10;
	s5 =	simm.s32 $0xC0;
	s10 =	simm.s32 $0x0  }
.LBB2_2:
0x16: {  	p0 =	sne.s32 s5, $0x1DF40;
	[tilespmem:s10+$0x10BA0] =	vst v0;
	s11 =	smov.u32 s5;
	s5 =	sadd.s32 $0xC0, s5  }
.Ltmp0:
0x17: {  	[tilespmem:s10+$0x10B80] =	vst v0;
	(pc) =	sbr.rel @p0 .LBB2_2-.Ltmp0, $2  }
0x18: {  	[tilespmem:s10+$0x10B90] =	vst v0;
	_ =	sdelay $0x2  }
0x19: {  	s10 =	sshra.s32 s11, $0x2  }
0x1a: {  	[tilespmem:s10+$0x10BA0] =	vst v0  }
0x1b: {  	[tilespmem:s10+$0x10B80] =	vst v0  }
0x1c: {  	[tilespmem:s10+$0x10B90] =	vst v0;
	s5 =	rddreg [dreg:$0x3];
	s9 =	simm.s32 $0x10B80  }
0x1d: {  	[spmem:s5] =	stream.linear.scatter [tilespmem:s9], [sflag:$0x11], $0x7800, $0x38;
	[tilespmem:$0x1FB80] =	vst v63  }
0x1e: {  	s9 =	simm.s32 $0x11  }
0x1f: {  	_ =	swait.ge [sflag:s9], $0x7800  }
0x20: {  	[sflag:s9] =	ssyncset.done $0x0  }
0x21: {  	s5 =	simm.s32 $0x0;
	s11 =	rddreg [dreg:$0x4];
	[sflag:s9] =	ssyncadd.s32 $0xFFFF8800  }
0x22: {  	[tilespmem:s5], [sflag:$0x11] =	stream.linear.gather [hbm4b:s11+s5], $0x2800, $0x38;
	[tilespmem:$0x1FB80] =	vst v63  }
0x23: {  	_ =	swait.ge [sflag:s9], $0x2800  }
0x24: {  	[sflag:s9] =	ssyncset.done $0x0  }
0x25: {  	s11 =	simm.s32 $0x2800;
	s10 =	rddreg [dreg:$0x5];
	[sflag:s9] =	ssyncadd.s32 $0xFFFFD800  }
0x26: {  	[tilespmem:s11], [sflag:$0x11] =	stream.linear.gather [hbm4b:s10+s5], $0x2800, $0x38;
	[tilespmem:$0x1FB80] =	vst v63  }
0x27: {  	_ =	swait.ge [sflag:s9], $0x2800  }
0x28: {  	[sflag:s9] =	ssyncset.done $0x0  }
0x29: {  	[sflag:s9] =	ssyncadd.s32 $0xFFFFD800  }
0x2a: {  	[bflag:$0x0] =	sbarrier.arrive $0xFFFF  }
0x2b: {  	[tilespmem:s14], [sflag:$0x1] =	stream.indirect.gather [hbm4b:s4+s13], $0x30, s5, s13, $0xb8;
	[tilespmem:$0x1FB80] =	vst v63  }
0x2c: {  	s11 =	simm.s32 $0x80  }
0x2d: {  	[tilespmem:s16], [sflag:$0x2] =	stream.indirect.gather [hbm4b:s4+s13], $0x30, s11, s13, $0xb8;
	[tilespmem:$0x1FB80] =	vst v63  }
0x2e: {  	s9 =	simm.s32 $0x100  }
0x2f: {  	[tilespmem:s18], [sflag:$0x3] =	stream.indirect.gather [hbm4b:s4+s13], $0x30, s9, s13, $0xb8;
	[tilespmem:$0x1FB80] =	vst v63  }
0x30: {  	s10 =	simm.s32 $0x180  }
0x31: {  	[tilespmem:s20], [sflag:$0x4] =	stream.indirect.gather [hbm4b:s4+s13], $0x30, s10, s13, $0xb8;
	[tilespmem:$0x1FB80] =	vst v63  }
0x32: {  	s11 =	simm.s32 $0x200  }
0x33: {  	[tilespmem:s22], [sflag:$0x5] =	stream.indirect.gather [hbm4b:s4+s13], $0x30, s11, s13, $0xb8;
	[tilespmem:$0x1FB80] =	vst v63  }
0x34: {  	s9 =	simm.s32 $0x280  }
0x35: {  	[tilespmem:s24], [sflag:$0x6] =	stream.indirect.gather [hbm4b:s4+s13], $0x30, s9, s13, $0xb8;
	[tilespmem:$0x1FB80] =	vst v63  }
0x36: {  	s10 =	simm.s32 $0x300  }
0x37: {  	[tilespmem:s26], [sflag:$0x7] =	stream.indirect.gather [hbm4b:s4+s13], $0x30, s10, s13, $0xb8;
	[tilespmem:$0x1FB80] =	vst v63  }
0x38: {  	s11 =	simm.s32 $0x380  }
0x39: {  	[tilespmem:s29], [sflag:$0x8] =	stream.indirect.gather [hbm4b:s4+s13], $0x30, s11, s13, $0xb8;
	[tilespmem:$0x1FB80] =	vst v63  }
0x3a: {  	_ =	swait.ge [sflag:s30], $0x1770  }
0x3b: {  	[sflag:s30] =	ssyncset.done $0x0  }
0x3c: {  	s9 =	simm.s32 $0x2800;
	[sflag:s30] =	ssyncadd.s32 $0xFFFFE890  }
0x3d: {  	[spmem:s2] =	stream.indirect.scatter.add.f32 [tilespmem:s14], [sflag:$0x9], $0x30, s9, s13, $0xb8;
	[tilespmem:$0x1FB80] =	vst v63  }
0x3e: {  	_ =	swait.ge [sflag:s31], $0x1770  }
0x3f: {  	[sflag:s31] =	ssyncset.done $0x0  }
0x40: {  	s10 =	simm.s32 $0x2880;
	[sflag:s31] =	ssyncadd.s32 $0xFFFFE890  }
0x41: {  	[spmem:s2] =	stream.indirect.scatter.add.f32 [tilespmem:s16], [sflag:$0xA], $0x30, s10, s13, $0xb8;
	[tilespmem:$0x1FB80] =	vst v63  }
0x42: {  	_ =	swait.ge [sflag:s1], $0x1770  }
0x43: {  	[sflag:s1] =	ssyncset.done $0x0  }
0x44: {  	s11 =	simm.s32 $0x2900;
	[sflag:s1] =	ssyncadd.s32 $0xFFFFE890  }
0x45: {  	[spmem:s2] =	stream.indirect.scatter.add.f32 [tilespmem:s18], [sflag:$0xB], $0x30, s11, s13, $0xb8;
	[tilespmem:$0x1FB80] =	vst v63  }
0x46: {  	_ =	swait.ge [sflag:s0], $0x1770  }
0x47: {  	[sflag:s0] =	ssyncset.done $0x0  }
0x48: {  	s9 =	simm.s32 $0x2980;
	[sflag:s0] =	ssyncadd.s32 $0xFFFFE890  }
0x49: {  	[spmem:s2] =	stream.indirect.scatter.add.f32 [tilespmem:s20], [sflag:$0xC], $0x30, s9, s13, $0xb8;
	[tilespmem:$0x1FB80] =	vst v63  }
0x4a: {  	_ =	swait.ge [sflag:s3], $0x1770  }
0x4b: {  	[sflag:s3] =	ssyncset.done $0x0  }
0x4c: {  	s10 =	simm.s32 $0x2A00;
	[sflag:s3] =	ssyncadd.s32 $0xFFFFE890  }
0x4d: {  	[spmem:s2] =	stream.indirect.scatter.add.f32 [tilespmem:s22], [sflag:$0xD], $0x30, s10, s13, $0xb8;
	[tilespmem:$0x1FB80] =	vst v63  }
0x4e: {  	_ =	swait.ge [sflag:s12], $0x1770  }
0x4f: {  	[sflag:s12] =	ssyncset.done $0x0  }
0x50: {  	s11 =	simm.s32 $0x2A80;
	[sflag:s12] =	ssyncadd.s32 $0xFFFFE890  }
0x51: {  	[spmem:s2] =	stream.indirect.scatter.add.f32 [tilespmem:s24], [sflag:$0xE], $0x30, s11, s13, $0xb8;
	[tilespmem:$0x1FB80] =	vst v63  }
0x52: {  	_ =	swait.ge [sflag:s15], $0x1770  }
0x53: {  	[sflag:s15] =	ssyncset.done $0x0  }
0x54: {  	s9 =	simm.s32 $0x2B00;
	[sflag:s15] =	ssyncadd.s32 $0xFFFFE890  }
0x55: {  	[spmem:s2] =	stream.indirect.scatter.add.f32 [tilespmem:s26], [sflag:$0xF], $0x30, s9, s13, $0xb8;
	[tilespmem:$0x1FB80] =	vst v63  }
0x56: {  	_ =	swait.ge [sflag:s17], $0x1770  }
0x57: {  	[sflag:s17] =	ssyncset.done $0x0  }
0x58: {  	s10 =	simm.s32 $0x2B80;
	[sflag:s17] =	ssyncadd.s32 $0xFFFFE890  }
0x59: {  	[spmem:s2] =	stream.indirect.scatter.add.f32 [tilespmem:s29], [sflag:$0x10], $0x30, s10, s13, $0xb8;
	[tilespmem:$0x1FB80] =	vst v63  }
0x5a: {  	_ =	swait.ge [sflag:s19], $0x1770  }
0x5b: {  	[sflag:s19] =	ssyncset.done $0x0  }
0x5c: {  	s11 =	simm.s32 $0x400;
	[sflag:s19] =	ssyncadd.s32 $0xFFFFE890  }
0x5d: {  	[tilespmem:s14], [sflag:$0x1] =	stream.indirect.gather [hbm4b:s4+s13], $0x30, s11, s13, $0xb8;
	[tilespmem:$0x1FB80] =	vst v63  }
0x5e: {  	_ =	swait.ge [sflag:s21], $0x1770  }
0x5f: {  	[sflag:s21] =	ssyncset.done $0x0  }
0x60: {  	s9 =	simm.s32 $0x480;
	[sflag:s21] =	ssyncadd.s32 $0xFFFFE890  }
0x61: {  	[tilespmem:s16], [sflag:$0x2] =	stream.indirect.gather [hbm4b:s4+s13], $0x30, s9, s13, $0xb8;
	[tilespmem:$0x1FB80] =	vst v63  }
0x62: {  	_ =	swait.ge [sflag:s23], $0x1770  }
0x63: {  	[sflag:s23] =	ssyncset.done $0x0  }
0x64: {  	s10 =	simm.s32 $0x500;
	[sflag:s23] =	ssyncadd.s32 $0xFFFFE890  }
0x65: {  	[tilespmem:s18], [sflag:$0x3] =	stream.indirect.gather [hbm4b:s4+s13], $0x30, s10, s13, $0xb8;
	[tilespmem:$0x1FB80] =	vst v63  }
0x66: {  	_ =	swait.ge [sflag:s25], $0x1770  }
0x67: {  	[sflag:s25] =	ssyncset.done $0x0  }
0x68: {  	s11 =	simm.s32 $0x580;
	[sflag:s25] =	ssyncadd.s32 $0xFFFFE890  }
0x69: {  	[tilespmem:s20], [sflag:$0x4] =	stream.indirect.gather [hbm4b:s4+s13], $0x30, s11, s13, $0xb8;
	[tilespmem:$0x1FB80] =	vst v63  }
0x6a: {  	_ =	swait.ge [sflag:s28], $0x1770  }
0x6b: {  	[sflag:s28] =	ssyncset.done $0x0  }
0x6c: {  	s9 =	simm.s32 $0x600;
	[sflag:s28] =	ssyncadd.s32 $0xFFFFE890  }
0x6d: {  	[tilespmem:s22], [sflag:$0x5] =	stream.indirect.gather [hbm4b:s4+s13], $0x30, s9, s13, $0xb8;
	[tilespmem:$0x1FB80] =	vst v63  }
0x6e: {  	_ =	swait.ge [sflag:s6], $0x1770  }
0x6f: {  	[sflag:s6] =	ssyncset.done $0x0  }
0x70: {  	s10 =	simm.s32 $0x680;
	[sflag:s6] =	ssyncadd.s32 $0xFFFFE890  }
0x71: {  	[tilespmem:s24], [sflag:$0x6] =	stream.indirect.gather [hbm4b:s4+s13], $0x30, s10, s13, $0xb8;
	[tilespmem:$0x1FB80] =	vst v63  }
0x72: {  	_ =	swait.ge [sflag:s7], $0x1770  }
0x73: {  	[sflag:s7] =	ssyncset.done $0x0  }
0x74: {  	s11 =	simm.s32 $0x700;
	[sflag:s7] =	ssyncadd.s32 $0xFFFFE890  }
0x75: {  	[tilespmem:s26], [sflag:$0x7] =	stream.indirect.gather [hbm4b:s4+s13], $0x30, s11, s13, $0xb8;
	[tilespmem:$0x1FB80] =	vst v63  }
0x76: {  	_ =	swait.ge [sflag:s8], $0x1770  }
0x77: {  	[sflag:s8] =	ssyncset.done $0x0  }
0x78: {  	s5 =	simm.s32 $0x780;
	s10 =	simm.s32 $0x1000;
	[sflag:s8] =	ssyncadd.s32 $0xFFFFE890  }
.LBB2_4:
0x79: {  	[tilespmem:s29], [sflag:$0x8] =	stream.indirect.gather [hbm4b:s4+s13], $0x30, s5, s13, $0xb8;
	[tilespmem:$0x1FB80] =	vst v63  }
0x7a: {  	s5 =	smov.u32 s10  }
0x7b: {  	p0 =	sne.s32 s10, $0x8000;
	s10 =	sadd.s32 $0x1000, s10;
	_ =	swait.ge [sflag:s30], $0x1770  }
0x7c: {  	s5 =	sshra.s32 s5, $0x2;
	[sflag:s30] =	ssyncset.done $0x0  }
0x7d: {  	s11 =	sadd.s32 $0x2800, s5;
	[sflag:s30] =	ssyncadd.s32 $0xFFFFE890  }
0x7e: {  	[spmem:s2] =	stream.indirect.scatter.add.f32 [tilespmem:s14], [sflag:$0x9], $0x30, s11, s13, $0xb8;
	[tilespmem:$0x1FB80] =	vst v63  }
0x7f: {  	_ =	swait.ge [sflag:s31], $0x1770  }
0x80: {  	[sflag:s31] =	ssyncset.done $0x0  }
0x81: {  	s11 =	sadd.s32 $0x2880, s5;
	[sflag:s31] =	ssyncadd.s32 $0xFFFFE890  }
0x82: {  	[spmem:s2] =	stream.indirect.scatter.add.f32 [tilespmem:s16], [sflag:$0xA], $0x30, s11, s13, $0xb8;
	[tilespmem:$0x1FB80] =	vst v63  }
0x83: {  	_ =	swait.ge [sflag:s1], $0x1770  }
0x84: {  	[sflag:s1] =	ssyncset.done $0x0  }
0x85: {  	s11 =	sadd.s32 $0x2900, s5;
	[sflag:s1] =	ssyncadd.s32 $0xFFFFE890  }
0x86: {  	[spmem:s2] =	stream.indirect.scatter.add.f32 [tilespmem:s18], [sflag:$0xB], $0x30, s11, s13, $0xb8;
	[tilespmem:$0x1FB80] =	vst v63  }
0x87: {  	_ =	swait.ge [sflag:s0], $0x1770  }
0x88: {  	[sflag:s0] =	ssyncset.done $0x0  }
0x89: {  	s11 =	sadd.s32 $0x2980, s5;
	[sflag:s0] =	ssyncadd.s32 $0xFFFFE890  }
0x8a: {  	[spmem:s2] =	stream.indirect.scatter.add.f32 [tilespmem:s20], [sflag:$0xC], $0x30, s11, s13, $0xb8;
	[tilespmem:$0x1FB80] =	vst v63  }
0x8b: {  	_ =	swait.ge [sflag:s3], $0x1770  }
0x8c: {  	[sflag:s3] =	ssyncset.done $0x0  }
0x8d: {  	s11 =	sadd.s32 $0x2A00, s5;
	[sflag:s3] =	ssyncadd.s32 $0xFFFFE890  }
0x8e: {  	[spmem:s2] =	stream.indirect.scatter.add.f32 [tilespmem:s22], [sflag:$0xD], $0x30, s11, s13, $0xb8;
	[tilespmem:$0x1FB80] =	vst v63  }
0x8f: {  	_ =	swait.ge [sflag:s12], $0x1770  }
0x90: {  	[sflag:s12] =	ssyncset.done $0x0  }
0x91: {  	s11 =	sadd.s32 $0x2A80, s5;
	[sflag:s12] =	ssyncadd.s32 $0xFFFFE890  }
0x92: {  	[spmem:s2] =	stream.indirect.scatter.add.f32 [tilespmem:s24], [sflag:$0xE], $0x30, s11, s13, $0xb8;
	[tilespmem:$0x1FB80] =	vst v63  }
0x93: {  	_ =	swait.ge [sflag:s15], $0x1770  }
0x94: {  	[sflag:s15] =	ssyncset.done $0x0  }
0x95: {  	s11 =	sadd.s32 $0x2B00, s5;
	[sflag:s15] =	ssyncadd.s32 $0xFFFFE890  }
0x96: {  	[spmem:s2] =	stream.indirect.scatter.add.f32 [tilespmem:s26], [sflag:$0xF], $0x30, s11, s13, $0xb8;
	[tilespmem:$0x1FB80] =	vst v63  }
0x97: {  	_ =	swait.ge [sflag:s17], $0x1770  }
0x98: {  	[sflag:s17] =	ssyncset.done $0x0  }
0x99: {  	s11 =	sadd.s32 $0x2B80, s5;
	[sflag:s17] =	ssyncadd.s32 $0xFFFFE890  }
0x9a: {  	[spmem:s2] =	stream.indirect.scatter.add.f32 [tilespmem:s29], [sflag:$0x10], $0x30, s11, s13, $0xb8;
	[tilespmem:$0x1FB80] =	vst v63  }
0x9b: {  	_ =	swait.ge [sflag:s19], $0x1770  }
0x9c: {  	[sflag:s19] =	ssyncset.done $0x0  }
0x9d: {  	s11 =	sadd.s32 $0x400, s5;
	[sflag:s19] =	ssyncadd.s32 $0xFFFFE890  }
0x9e: {  	[tilespmem:s14], [sflag:$0x1] =	stream.indirect.gather [hbm4b:s4+s13], $0x30, s11, s13, $0xb8;
	[tilespmem:$0x1FB80] =	vst v63  }
0x9f: {  	_ =	swait.ge [sflag:s21], $0x1770  }
0xa0: {  	[sflag:s21] =	ssyncset.done $0x0  }
0xa1: {  	s11 =	sadd.s32 $0x480, s5;
	[sflag:s21] =	ssyncadd.s32 $0xFFFFE890  }
0xa2: {  	[tilespmem:s16], [sflag:$0x2] =	stream.indirect.gather [hbm4b:s4+s13], $0x30, s11, s13, $0xb8;
	[tilespmem:$0x1FB80] =	vst v63  }
0xa3: {  	_ =	swait.ge [sflag:s23], $0x1770  }
0xa4: {  	[sflag:s23] =	ssyncset.done $0x0  }
0xa5: {  	s11 =	sadd.s32 $0x500, s5;
	[sflag:s23] =	ssyncadd.s32 $0xFFFFE890  }
0xa6: {  	[tilespmem:s18], [sflag:$0x3] =	stream.indirect.gather [hbm4b:s4+s13], $0x30, s11, s13, $0xb8;
	[tilespmem:$0x1FB80] =	vst v63  }
0xa7: {  	_ =	swait.ge [sflag:s25], $0x1770  }
0xa8: {  	[sflag:s25] =	ssyncset.done $0x0  }
0xa9: {  	s11 =	sadd.s32 $0x580, s5;
	[sflag:s25] =	ssyncadd.s32 $0xFFFFE890  }
0xaa: {  	[tilespmem:s20], [sflag:$0x4] =	stream.indirect.gather [hbm4b:s4+s13], $0x30, s11, s13, $0xb8;
	[tilespmem:$0x1FB80] =	vst v63  }
0xab: {  	_ =	swait.ge [sflag:s28], $0x1770  }
0xac: {  	[sflag:s28] =	ssyncset.done $0x0  }
0xad: {  	s11 =	sadd.s32 $0x600, s5;
	[sflag:s28] =	ssyncadd.s32 $0xFFFFE890  }
0xae: {  	[tilespmem:s22], [sflag:$0x5] =	stream.indirect.gather [hbm4b:s4+s13], $0x30, s11, s13, $0xb8;
	[tilespmem:$0x1FB80] =	vst v63  }
0xaf: {  	_ =	swait.ge [sflag:s6], $0x1770  }
0xb0: {  	[sflag:s6] =	ssyncset.done $0x0  }
0xb1: {  	s11 =	sadd.s32 $0x680, s5;
	[sflag:s6] =	ssyncadd.s32 $0xFFFFE890  }
0xb2: {  	[tilespmem:s24], [sflag:$0x6] =	stream.indirect.gather [hbm4b:s4+s13], $0x30, s11, s13, $0xb8;
	[tilespmem:$0x1FB80] =	vst v63  }
0xb3: {  	_ =	swait.ge [sflag:s7], $0x1770  }
0xb4: {  	[sflag:s7] =	ssyncset.done $0x0  }
.Ltmp1:
0xb5: {  	s11 =	sadd.s32 $0x700, s5;
	[sflag:s7] =	ssyncadd.s32 $0xFFFFE890;
	(pc) =	sbr.rel @p0 .LBB2_4-.Ltmp1, $4  }
0xb6: {  	[tilespmem:s26], [sflag:$0x7] =	stream.indirect.gather [hbm4b:s4+s13], $0x30, s11, s13, $0xb8;
	[tilespmem:$0x1FB80] =	vst v63  }
0xb7: {  	_ =	swait.ge [sflag:s8], $0x1770  }
0xb8: {  	[sflag:s8] =	ssyncset.done $0x0  }
0xb9: {  	s5 =	sadd.s32 $0x780, s5;
	[sflag:s8] =	ssyncadd.s32 $0xFFFFE890  }
0xba: {  	[tilespmem:s29], [sflag:$0x8] =	stream.indirect.gather [hbm4b:s4+s13], $0x30, s5, s13, $0xb8;
	[tilespmem:$0x1FB80] =	vst v63  }
0xbb: {  	_ =	swait.ge [sflag:s30], $0x1770  }
0xbc: {  	[sflag:s30] =	ssyncset.done $0x0  }
0xbd: {  	s11 =	simm.s32 $0x4C00;
	[sflag:s30] =	ssyncadd.s32 $0xFFFFE890  }
0xbe: {  	[spmem:s2] =	stream.indirect.scatter.add.f32 [tilespmem:s14], [sflag:$0x9], $0x30, s11, s13, $0xb8;
	[tilespmem:$0x1FB80] =	vst v63  }
0xbf: {  	_ =	swait.ge [sflag:s31], $0x1770  }
0xc0: {  	[sflag:s31] =	ssyncset.done $0x0  }
0xc1: {  	s9 =	simm.s32 $0x4C80;
	[sflag:s31] =	ssyncadd.s32 $0xFFFFE890  }
0xc2: {  	[spmem:s2] =	stream.indirect.scatter.add.f32 [tilespmem:s16], [sflag:$0xA], $0x30, s9, s13, $0xb8;
	[tilespmem:$0x1FB80] =	vst v63  }
0xc3: {  	_ =	swait.ge [sflag:s1], $0x1770  }
0xc4: {  	[sflag:s1] =	ssyncset.done $0x0  }
0xc5: {  	s10 =	simm.s32 $0x4D00;
	[sflag:s1] =	ssyncadd.s32 $0xFFFFE890  }
0xc6: {  	[spmem:s2] =	stream.indirect.scatter.add.f32 [tilespmem:s18], [sflag:$0xB], $0x30, s10, s13, $0xb8;
	[tilespmem:$0x1FB80] =	vst v63  }
0xc7: {  	_ =	swait.ge [sflag:s0], $0x1770  }
0xc8: {  	[sflag:s0] =	ssyncset.done $0x0  }
0xc9: {  	s11 =	simm.s32 $0x4D80;
	[sflag:s0] =	ssyncadd.s32 $0xFFFFE890  }
0xca: {  	[spmem:s2] =	stream.indirect.scatter.add.f32 [tilespmem:s20], [sflag:$0xC], $0x30, s11, s13, $0xb8;
	[tilespmem:$0x1FB80] =	vst v63  }
0xcb: {  	_ =	swait.ge [sflag:s3], $0x1770  }
0xcc: {  	[sflag:s3] =	ssyncset.done $0x0  }
0xcd: {  	s9 =	simm.s32 $0x4E00;
	[sflag:s3] =	ssyncadd.s32 $0xFFFFE890  }
0xce: {  	[spmem:s2] =	stream.indirect.scatter.add.f32 [tilespmem:s22], [sflag:$0xD], $0x30, s9, s13, $0xb8;
	[tilespmem:$0x1FB80] =	vst v63  }
0xcf: {  	_ =	swait.ge [sflag:s12], $0x1770  }
0xd0: {  	[sflag:s12] =	ssyncset.done $0x0  }
0xd1: {  	s10 =	simm.s32 $0x4E80;
	[sflag:s12] =	ssyncadd.s32 $0xFFFFE890  }
0xd2: {  	[spmem:s2] =	stream.indirect.scatter.add.f32 [tilespmem:s24], [sflag:$0xE], $0x30, s10, s13, $0xb8;
	[tilespmem:$0x1FB80] =	vst v63  }
0xd3: {  	_ =	swait.ge [sflag:s15], $0x1770  }
0xd4: {  	[sflag:s15] =	ssyncset.done $0x0  }
0xd5: {  	s11 =	simm.s32 $0x4F00;
	[sflag:s15] =	ssyncadd.s32 $0xFFFFE890  }
0xd6: {  	[spmem:s2] =	stream.indirect.scatter.add.f32 [tilespmem:s26], [sflag:$0xF], $0x30, s11, s13, $0xb8;
	[tilespmem:$0x1FB80] =	vst v63  }
0xd7: {  	_ =	swait.ge [sflag:s17], $0x1770  }
0xd8: {  	[sflag:s17] =	ssyncset.done $0x0  }
0xd9: {  	s9 =	simm.s32 $0x4F80;
	[sflag:s17] =	ssyncadd.s32 $0xFFFFE890  }
0xda: {  	[spmem:s2] =	stream.indirect.scatter.add.f32 [tilespmem:s29], [sflag:$0x10], $0x30, s9, s13, $0xb8;
	[tilespmem:$0x1FB80] =	vst v63  }
0xdb: {  	_ =	swait.ge [sflag:s19], $0x1770  }
0xdc: {  	[sflag:s19] =	ssyncset.done $0x0  }
0xdd: {  	[sflag:s19] =	ssyncadd.s32 $0xFFFFE890  }
0xde: {  	_ =	swait.ge [sflag:s21], $0x1770  }
0xdf: {  	[sflag:s21] =	ssyncset.done $0x0  }
0xe0: {  	[sflag:s21] =	ssyncadd.s32 $0xFFFFE890  }
0xe1: {  	_ =	swait.ge [sflag:s23], $0x1770  }
0xe2: {  	[sflag:s23] =	ssyncset.done $0x0  }
0xe3: {  	[sflag:s23] =	ssyncadd.s32 $0xFFFFE890  }
0xe4: {  	_ =	swait.ge [sflag:s25], $0x1770  }
0xe5: {  	[sflag:s25] =	ssyncset.done $0x0  }
0xe6: {  	[sflag:s25] =	ssyncadd.s32 $0xFFFFE890  }
0xe7: {  	_ =	swait.ge [sflag:s28], $0x1770  }
0xe8: {  	[sflag:s28] =	ssyncset.done $0x0  }
0xe9: {  	[sflag:s28] =	ssyncadd.s32 $0xFFFFE890  }
0xea: {  	_ =	swait.ge [sflag:s6], $0x1770  }
0xeb: {  	[sflag:s6] =	ssyncset.done $0x0  }
0xec: {  	[sflag:s6] =	ssyncadd.s32 $0xFFFFE890  }
0xed: {  	_ =	swait.ge [sflag:s7], $0x1770  }
0xee: {  	[sflag:s7] =	ssyncset.done $0x0  }
0xef: {  	[sflag:s7] =	ssyncadd.s32 $0xFFFFE890  }
0xf0: {  	_ =	swait.ge [sflag:s8], $0x1770  }
0xf1: {  	[sflag:s8] =	ssyncset.done $0x0  }
0xf2: {  	[sflag:s8] =	ssyncadd.s32 $0xFFFFE890  }
0xf3: {  	[bflag:$0x0] =	sbarrier.arrive $0xFFFF  }
0xf4: {  	s11 =	simm.s32 $0x10B80;
	s9 =	simm.s32 $0x11;
	s10 =	rddreg [dreg:$0x3]  }
0xf5: {  	[tilespmem:s11], [sflag:$0x11] =	stream.linear.gather [spmem:s10], $0x7800, $0x38;
	[tilespmem:$0x1FB80] =	vst v63  }
0xf6: {  	_ =	swait.ge [sflag:s9], $0x7800  }
0xf7: {  	[sflag:s9] =	ssyncset.done $0x0  }
0xf8: {  	s5 =	simm.s32 $0x0;
	s10 =	rddreg [dreg:$0x6];
	[sflag:s9] =	ssyncadd.s32 $0xFFFF8800  }
0xf9: {  	[hbm4b:s10+s5] =	stream.linear.scatter [tilespmem:s11], [sflag:$0x11], $0x7800, $0x38;
	[tilespmem:$0x1FB80] =	vst v63  }
0xfa: {  	_ =	swait.ge [sflag:s9], $0x7800  }
0xfb: {  	s5 =	rddreg [dreg:$0x8]  }
0xfc: {  	s11 =	rddreg [dreg:$0x7];
	s10 =	sadd.s32 $0x1, s5  }
0xfd: {  	p0 =	sne.s32 s10, s11  }
.Ltmp2:
0xfe: {  	_ = 	snop;
	(pc) =	sbr.rel @p0 .LBB2_1-.Ltmp2, $3  }
0xff: {  	_ =	sdelay $0x1  }
0x100: {  	[sflag:s9] =	ssyncset.done $0x0  }
0x101: {  	[sflag:s9] =	ssyncadd.s32 $0xFFFF8800  }
0x102: {  	_ =	sfence.sel $0x180000  }
0x103: {  	[bflag:$0x0] =	sbarrier.arrive $0xFFFF  }
0x104: {  	_ =	strace $0x9000004D  }
0x105: {  	s0 =	stileid.u32;
	[bflag:$0x2] =	sbarrier.arrive $0xFFFF  }
0x106: {  	p0 =	sne.s32 s0, $0x0;
	s0 =	rddreg [dreg:$0x2]  }
0x107: {  	s0 =	sadd.s32 @!p0 $0x100000, s0  }
0x108: {  	[sflag:s0] =	ssyncadd.tile.s32 @!p0 $0x1;
	_ =	shalt  }
.Lfunc_end2:
_tile_overlayer_lowered:
.L_overlay_start_2:
0x109: {  	(tag) =	ssettag $0x2  }
0x10a: {  	s0 =	rddreg [dreg:$0x0];
	s2 =	stileid.u32  }
0x10b: {  	s1 =	rddreg [dreg:$0x1];
	p0 =	sne.s32 s2, $0x0  }
0x10c: {  	s3 =	rddreg [dreg:$0x2];
	[bflag:$0x3] =	sbarrier.arrive $0xFFFF;
	s2 =	simm.s32 @!p0 $0x1C11  }
0x10d: {  	[timem:s3], [sflag:s2] =	dma.local @!p0 [hbm:s0], s1  }
0x10e: {  	s0 =	simm.s32 @!p0 $0x11  }
0x10f: {  	_ =	swait.ge @!p0 [sflag:s0], s1  }
0x110: {  	s1 =	ssub.s32 @!p0 $0x0, s1;
	[sflag:s0] =	ssyncset.done @!p0 $0x0  }
0x111: {  	[sflag:s0] =	ssyncadd.s32 @!p0 s1  }
0x112: {  	[bflag:$0x3] =	sbarrier.arrive $0xFFFF  }
0x113: {  	_ =	shalt  }

// kernel: kernel.8.cloned.1.call-start
scs
__scs_entry_jumppad:
0x0: {  	(pc) =	sbr.rel $0x88, $3  }
0x1: {  	(tag) =	ssettag $0x0;
	lr =	simm.s32 $0x1  }
0x2: {  	[smem:$0x3F9B] =	sst lr;
	_ =	strace $0xD0000000  }
0x3: {  	_ = 	snop  }
0x4: {  	_ = 	snop  }
0x5: {  	_ = 	snop  }
0x6: {  	_ = 	snop  }
0x7: {  	_ = 	snop  }
__scs_overlays_trampoline_lowered:
0x8: {  	[smem:$0x3FAA] =	sst s0  }
0x9: {  	[smem:$0x3FAB] =	sst s1  }
0xa: {  	[smem:$0x3FAC] =	sst s2  }
0xb: {  	[smem:$0x3FAD] =	sst s3  }
0xc: {  	[smem:$0x3FAE] =	sst s4  }
0xd: {  	[smem:$0x3FAF] =	sst s5  }
0xe: {  	[smem:$0x3FB0] =	sst s6  }
0xf: {  	[smem:$0x3FB1] =	sst s7  }
0x10: {  	[smem:$0x3FB2] =	sst s8  }
0x11: {  	[smem:$0x3FB3] =	sst s9;
	s0 =	simm.s32 @!p0 $0x0  }
0x12: {  	s1 =	sld [smem:$0x3F99];
	s0 =	simm.s32 @p0 $0x1  }
0x13: {  	[smem:$0x3FB4] =	sst s0;
	s0 =	simm.s32 @!p1 $0x0  }
0x14: {  	s2 =	sld [smem:$0x3F98];
	s0 =	simm.s32 @p1 $0x1  }
0x15: {  	[smem:$0x3FB5] =	sst s0;
	s0 =	simm.s32 @!p2 $0x0  }
0x16: {  	s3 =	sld [smem:$0x3FDB];
	s0 =	simm.s32 @p2 $0x1  }
0x17: {  	s4 =	simm.s32 $0x1BF5;
	[smem:$0x3FB7] =	sst s0  }
0x18: {  	s0 =	sld [smem:$0x3F9A];
	_ =	swait.ge [sflag:s4], $0x0  }
0x19: {  	s7 =	sld [smem:$0x3F9B]  }
0x1a: {  	s8 =	sadd.s32 $0xFFFFE003, lr  }
0x1b: {  	s9 =	sadd.s32 $0xFFFFFEF7, lr;
	s5 =	simm.s32 $0xFFFFFFFF;
	p2 =	slt.u32 s8, $0xFFFFF086  }
0x1c: {  	p1 =	slt.u32 s9, $0xF7A;
	s5 =	simm.s32 @!p2 $0x0  }
0x1d: {  	s5 =	simm.s32 @p1 $0x1;
	p0 =	seq.s32 s7, s2  }
0x1e: {  	s7 =	smul.u32 @!p0 $0xF7A, s2;
	p2 =	seq.s32 @!p0 s5, $0x0  }
0x1f: {  	s9 =	smul.u32 $0xF7A, s1;
	s8 =	simm.s32 @!p0 $0x1BF5;
	p2 =	por !p2, p0  }
0x20: {  	[sflag:s8] =	ssyncset.s32 @!p0 $0xFFFFF086;
	s6 =	sadd.s32 @!p0 s3, s7;
	s7 =	simm.s32 @!p0 $0x108  }
0x21: {  	s3 =	sadd.s32 s3, s9;
	s6 =	sadd.s32 @!p0 $0x88, s6;
	s7 =	simm.s32 @p2 $0x1082  }
0x22: {  	[simem:s7], [sflag:s8] =	dma.local @!p0 [hbm:s6], $0xF7A  }
0x23: {  	s9 =	sor.u32 $0xD0000000, s2;
	s6 =	simm.s32 $0x108;
	_ =	swait.ge @!p0 [sflag:s8], $0x0  }
0x24: {  	s3 =	sadd.s32 $0x88, s3;
	s6 =	simm.s32 @!p1 $0x1082;
	[sflag:s4] =	ssyncset.s32 $0xFFFFF086  }
0x25: {  	[simem:s6], [sflag:s4] =	dma.local [hbm:s3], $0xF7A  }
0x26: {  	[smem:$0x3F9B] =	sst s1;
	(tag) =	ssettag s2;
	_ =	strace s9  }
0x27: {  	s1 =	sld [smem:$0x3FAB]  }
0x28: {  	s2 =	sld [smem:$0x3FAC]  }
0x29: {  	s4 =	sld [smem:$0x3FAE]  }
0x2a: {  	p0 =	seq.s32 s5, $0x0;
	s5 =	sld [smem:$0x3FAF]  }
0x2b: {  	s6 =	sld [smem:$0x3FB0]  }
0x2c: {  	s7 =	sld [smem:$0x3FB1]  }
0x2d: {  	s3 =	simm.s32 $0x108;
	s8 =	sld [smem:$0x3FB2]  }
0x2e: {  	s3 =	simm.s32 @!p0 $0x1082;
	s9 =	sld [smem:$0x3FB3]  }
0x2f: {  	lr =	sadd.s32 s0, s3;
	s0 =	sld [smem:$0x3FAA]  }
0x30: {  	s3 =	sld [smem:$0x3FAD]  }
0x31: {  	[smem:$0x3FB6] =	sst s10  }
0x32: {  	s10 =	sld [smem:$0x3FB4];
	_ =	sdelay $0x3  }
0x33: {  	p0 =	seq.s32 s10, $0x1;
	s10 =	sld [smem:$0x3FB6];
	_ =	sdelay $0x3  }
0x34: {  	[smem:$0x3FB6] =	sst s10  }
0x35: {  	s10 =	sld [smem:$0x3FB5];
	_ =	sdelay $0x3  }
0x36: {  	p1 =	seq.s32 s10, $0x1;
	s10 =	sld [smem:$0x3FB6];
	_ =	sdelay $0x3  }
0x37: {  	[smem:$0x3FB6] =	sst s10  }
0x38: {  	s10 =	sld [smem:$0x3FB7]  }
0x39: {  	_ = 	snop;
	(pc) =	sbr.ind lr, $3  }
0x3a: {  	_ = 	snop  }
0x3b: {  	_ = 	snop  }
0x3c: {  	p2 =	seq.s32 s10, $0x1;
	s10 =	sld [smem:$0x3FB6]  }
0x3d: {  	_ =	shalt  }
0x3e: {  	_ =	shalt  }
0x3f: {  	_ =	shalt  }
0x40: {  	_ =	shalt  }
0x41: {  	_ =	shalt  }
0x42: {  	_ =	shalt  }
0x43: {  	_ =	shalt  }
0x44: {  	_ =	shalt  }
0x45: {  	_ =	shalt  }
0x46: {  	_ =	shalt  }
0x47: {  	_ =	shalt  }
0x48: {  	_ =	shalt  }
0x49: {  	_ =	shalt  }
0x4a: {  	_ =	shalt  }
0x4b: {  	_ =	shalt  }
0x4c: {  	_ =	shalt  }
0x4d: {  	_ =	shalt  }
0x4e: {  	_ =	shalt  }
0x4f: {  	_ =	shalt  }
0x50: {  	_ =	shalt  }
0x51: {  	_ =	shalt  }
0x52: {  	_ =	shalt  }
0x53: {  	_ =	shalt  }
0x54: {  	_ =	shalt  }
0x55: {  	_ =	shalt  }
0x56: {  	_ =	shalt  }
0x57: {  	_ =	shalt  }
0x58: {  	_ =	shalt  }
0x59: {  	_ =	shalt  }
0x5a: {  	_ =	shalt  }
0x5b: {  	_ =	shalt  }
0x5c: {  	_ =	shalt  }
0x5d: {  	_ =	shalt  }
0x5e: {  	_ =	shalt  }
0x5f: {  	_ =	shalt  }
0x60: {  	_ =	shalt  }
0x61: {  	_ =	shalt  }
0x62: {  	_ =	shalt  }
0x63: {  	_ =	shalt  }
0x64: {  	_ =	shalt  }
0x65: {  	_ =	shalt  }
0x66: {  	_ =	shalt  }
0x67: {  	_ =	shalt  }
0x68: {  	_ =	shalt  }
0x69: {  	_ =	shalt  }
0x6a: {  	_ =	shalt  }
0x6b: {  	_ =	shalt  }
0x6c: {  	_ =	shalt  }
0x6d: {  	_ =	shalt  }
0x6e: {  	_ =	shalt  }
0x6f: {  	_ =	shalt  }
0x70: {  	_ =	shalt  }
0x71: {  	_ =	shalt  }
0x72: {  	_ =	shalt  }
0x73: {  	_ =	shalt  }
0x74: {  	_ =	shalt  }
0x75: {  	_ =	shalt  }
0x76: {  	_ =	shalt  }
0x77: {  	_ =	shalt  }
0x78: {  	_ =	shalt  }
0x79: {  	_ =	shalt  }
0x7a: {  	_ =	shalt  }
0x7b: {  	_ =	shalt  }
0x7c: {  	_ =	shalt  }
0x7d: {  	_ =	shalt  }
0x7e: {  	_ =	shalt  }
0x7f: {  	_ =	shalt  }
0x80: {  	_ =	shalt  }
0x81: {  	_ =	shalt  }
0x82: {  	_ =	shalt  }
0x83: {  	_ =	shalt  }
0x84: {  	_ =	shalt  }
0x85: {  	_ =	shalt  }
0x86: {  	_ =	shalt  }
0x87: {  	_ =	shalt  }
.Lfunc_end0:
.L_simem_size_0:
called_computation_lowered:
.L_overlay_start_0:
0x88: {  	s2 =	sld [smem:$0x3FD9]  }
0x89: {  	s3 =	sld [smem:$0x3FFE];
	_ =	sdelay $0x1  }
0x8a: {  	s1 =	srdreg.scid  }
0x8b: {  	s0 =	sand.u32 $0x1, s1  }
0x8c: {  	s17 =	sshll.u32 s0, $0xA;
	s2 =	sadd.s32 s3, s2  }
0x8d: {  	s2 =	sadd.s32 s2, s17  }
0x8e: {  	[smem:$0x3FC2] =	sst s2  }
0x8f: {  	_ = 	snop  }
0x90: {  	s2 =	sld [smem:$0x3FD0];
	(tm) =	ssettm $0x1  }
0x91: {  	s18 =	sld [smem:$0x3FFB];
	_ =	sdelay $0x3  }
0x92: {  	_ =	strace s18  }
0x93: {  	s3 =	sld [smem:$0x3FFC];
	_ =	sdelay $0x3  }
0x94: {  	_ =	strace s3  }
0x95: {  	s3 =	sld [smem:$0x3FFD];
	_ =	sdelay $0x3  }
0x96: {  	_ =	strace s3  }
0x97: {  	_ =	strace $0x8FFFFFFF  }
0x98: {  	s19 =	sld [smem:$0x3FDB];
	_ =	sdelay $0x1  }
0x99: {  	s4 =	simm.s32 $_scs_section_size  }
0x9a: {  	s5 =	simm.s32 $_size__tile_overlayer_lowered;
	s6 =	simm.s32 $_tile_overlayer_lowered  }
0x9b: {  	s22 =	simm.s32 $0x1BFF;
	s21 =	sshll.u32 s6, $0x1;
	s3 =	sadd.s32 s4, s19  }
0x9c: {  	s7 =	simm.s32 $0x0;
	s20 =	sshll.u32 s5, $0x1;
	s5 =	sadd.s32 s21, s3  }
0x9d: {  	[timem:s7], [sflag:s22] =	dma.local [hbm:s5], s20  }
0x9e: {  	_ =	swait.ge [sflag:s22], s20  }
0x9f: {  	s4 =	ssub.s32 $0x0, s20;
	[sflag:s22] =	ssyncset.done $0x0  }
0xa0: {  	[sflag:s22] =	ssyncadd.s32 s4;
	_ =	sdelay $0x1  }
0xa1: {  	s23 =	simm.s32 $0x1B8B  }
0xa2: {  	_ =	swait.ge [sflag:s23], $0x1  }
0xa3: {  	[sflag:s23] =	ssyncset.done $0x0  }
0xa4: {  	s25 =	simm.s32 $0x1B8E;
	s24 =	sld [smem:$0x3FFE];
	[sflag:s23] =	ssyncadd.s32 $0xFFFFFFFF  }
0xa5: {  	s26 =	simm.s32 $execute0_lowered;
	[smem:$0x3FD2] =	sst s25  }
0xa6: {  	s5 =	sshll.u32 s26, $0x1;
	_ =	strace $0x80000046;
	[dreg:$0x1] =	wrdreg $0xFFFFFFFF  }
0xa7: {  	s28 =	simm.s32 $_size_execute0_lowered;
	s3 =	sadd.s32 s3, s5;
	[dreg:$0x0] =	wrdreg $0x0  }
0xa8: {  	s5 =	sshll.u32 s28, $0x1;
	[dreg:$0x2] =	wrdreg s3  }
0xa9: {  	[dreg:$0x3] =	wrdreg s5  }
0xaa: {  	[dreg:$0x4] =	wrdreg $0xC0  }
0xab: {  	_ =	task [dreg:s7], $0x5FFFF  }
0xac: {  	[dreg:$0x1] =	wrdreg $0xFFFFFFFF  }
0xad: {  	[dreg:$0x0] =	wrdreg $0x60  }
0xae: {  	[dreg:$0x2] =	wrdreg s24  }
0xaf: {  	[dreg:$0x3] =	wrdreg s2  }
0xb0: {  	[dreg:$0x4] =	wrdreg $0x2B000  }
0xb1: {  	[dreg:$0x5] =	wrdreg $0x9  }
0xb2: {  	_ =	task.clear_ibuf [dreg:s7], $0x6FFFF;
	_ =	strace $0x90000046  }
0xb3: {  	s29 =	simm.s32 $0x9;
	_ =	strace $0x80000048  }
0xb4: {  	_ =	swait.ge [sflag:s29], $0x1  }
0xb5: {  	[sflag:s29] =	ssyncadd.s32 $0xFFFFFFFF  }
0xb6: {  	_ =	strace $0x90000048  }
0xb7: {  	_ =	sfence  }
0xb8: {  	s30 =	sld [smem:$0x0];
	_ =	sdelay $0x2  }
0xb9: {  	s31 =	sshll.u32 s1, $0xD;
	s1 =	sshrl.u32 s1, $0x2  }
0xba: {  	s3 =	sand.u32 $0x4000, s31;
	s1 =	sadd.s32 s1, s30  }
0xbb: {  	s0 =	sor.u32 s3, s0;
	s1 =	sshll.u32 s1, $0x11  }
0xbc: {  	s0 =	sor.u32 s1, s0  }
0xbd: {  	s0 =	sadd.s32 $0x8F2B, s0  }
0xbe: {  	[sflag:s0] =	ssyncadd.remote.s32 $0x1  }
0xbf: {  	_ =	sfence.sel $0xFFFF  }
0xc0: {  	[dreg:$0x0] =	wrdreg $0xFFFFFFFF;
	(pc) =	sbr.abs _section_cstart, $3  }
0xc1: {  	[dreg:$0x1] =	wrdreg $0xFFFFFFFF  }
0xc2: {  	_ =	task.clear_ibuf [dreg:s7], $0x2FFFF;
	_ =	strace $0x9FFFFFFF  }
0xc3: {  	(tm) =	ssettm $0x7FFFFFFF  }
tec
execute0_lowered:
.L_overlay_start_1:
0x0: {  	(tag) =	ssettag $0x1  }
0x1: {  	s4 =	rddreg [dreg:$0x0]  }
0x2: {  	s6 =	rddreg [dreg:$0x1]  }
0x3: {  	s0 =	srdreg.scid;
	s2 =	rddreg [dreg:$0x2]  }
0x4: {  	s3 =	simm.s32 $0x0;
	s11 =	simm.s32 $0x2800;
	s12 =	simm.s32 $0x80  }
0x5: {  	s13 =	simm.s32 $0x100;
	s14 =	simm.s32 $0x180;
	s15 =	simm.s32 $0x200  }
0x6: {  	s16 =	simm.s32 $0x280;
	s17 =	simm.s32 $0x300;
	s18 =	simm.s32 $0x380  }
0x7: {  	s19 =	simm.s32 $0x1;
	s20 =	simm.s32 $0x2;
	s21 =	simm.s32 $0x3  }
0x8: {  	s22 =	simm.s32 $0x4;
	s23 =	simm.s32 $0x5;
	s24 =	simm.s32 $0x6  }
0x9: {  	s25 =	simm.s32 $0x7;
	s5 =	sand.u32 $0x1, s0;
	s0 =	stileid.u32  }
0xa: {  	s26 =	simm.s32 $0x8;
	s28 =	simm.s32 $0x0;
	s8 =	smul.u32 $0x280, s0  }
0xb: {  	[smem:$0x7FF] =	sst s3;
	s1 =	sshll.u32 s5, $0x4;
	s9 =	smul.u32 $0x2800, s5  }
0xc: {  	s5 =	ssub.s32 $0x2, s5;
	s7 =	sor.u32 s0, s1;
	s1 =	rddreg [dreg:$0x3]  }
0xd: {  	s10 =	sshrl.u32 s5, $0x1;
	s7 =	smul.u32 $0x2800, s7;
	s9 =	sadd.s32 s8, s9  }
0xe: {  	_ =	strace $0x80000047;
	s10 =	ssub.s32 s5, s10;
	s31 =	sshrl.u32 s9, $0x3  }
0xf: {  	s9 =	simm.s32 $0x9;
	s7 =	sshrl.u32 s7, $0x3;
	s6 =	sadd.s32 s6, s31  }
0x10: {  	s30 =	sadd.s32 s4, s7;
	s4 =	sadd.s32 s8, s2;
	s7 =	smax.u32 s10, $0x1  }
0x11: {  	v0 =	vimm.f32 $1.000000000e+00;
	v1 =	vimm.f32 $0.0e+00;
	s8 =	simm.s32 $0x2880;
	s10 =	simm.s32 $0x7D;
	s5 =	sadd.s32 $0xC000, s30  }
.LBB2_1:
0x12: {  	[tilespmem:$0x2800] =	vst v0  }
0x13: {  	[tilespmem:$0x2810] =	vst v0  }
0x14: {  	[tilespmem:$0x2820] =	vst v0  }
0x15: {  	[tilespmem:$0x2830] =	vst v0  }
0x16: {  	[tilespmem:$0x2840] =	vst v0  }
0x17: {  	[tilespmem:$0x2850] =	vst v0  }
0x18: {  	[tilespmem:$0x2860] =	vst v0  }
0x19: {  	[tilespmem:$0x2870] =	vst v0  }
0x1a: {  	[tilespmem:$0x2880] =	vst v1  }
0x1b: {  	[tilespmem:$0x2890] =	vst v1  }
0x1c: {  	[tilespmem:$0x28A0] =	vst v1  }
0x1d: {  	[tilespmem:$0x28B0] =	vst v1  }
0x1e: {  	[tilespmem:$0x28C0] =	vst v1  }
0x1f: {  	[tilespmem:$0x28D0] =	vst v1  }
0x20: {  	[tilespmem:$0x28E0] =	vst v1  }
0x21: {  	[tilespmem:$0x28F0] =	vst v1  }
0x22: {  	[tilespmem:$0x2900] =	vst v1  }
0x23: {  	[tilespmem:$0x2910] =	vst v1  }
0x24: {  	[tilespmem:$0x2920] =	vst v1  }
0x25: {  	[tilespmem:$0x2930] =	vst v1  }
0x26: {  	[tilespmem:$0x2940] =	vst v1  }
0x27: {  	[tilespmem:$0x2950] =	vst v1  }
0x28: {  	[tilespmem:$0x2960] =	vst v1  }
0x29: {  	[tilespmem:$0x2970] =	vst v1  }
0x2a: {  	[tilespmem:$0x2980] =	vst v1  }
0x2b: {  	[tilespmem:$0x2990] =	vst v1  }
0x2c: {  	[tilespmem:$0x29A0] =	vst v1  }
0x2d: {  	[tilespmem:$0x29B0] =	vst v1  }
0x2e: {  	[tilespmem:$0x29C0] =	vst v1  }
0x2f: {  	[tilespmem:$0x29D0] =	vst v1  }
0x30: {  	[tilespmem:$0x29E0] =	vst v1  }
0x31: {  	[tilespmem:$0x29F0] =	vst v1  }
0x32: {  	[tilespmem:$0x2A00] =	vst v1  }
0x33: {  	[tilespmem:$0x2A10] =	vst v1  }
0x34: {  	[tilespmem:$0x2A20] =	vst v1  }
0x35: {  	[tilespmem:$0x2A30] =	vst v1  }
0x36: {  	[tilespmem:$0x2A40] =	vst v1  }
0x37: {  	[tilespmem:$0x2A50] =	vst v1  }
0x38: {  	[tilespmem:$0x2A60] =	vst v1  }
0x39: {  	[tilespmem:$0x2A70] =	vst v1  }
0x3a: {  	[tilespmem:$0x2A80] =	vst v1  }
0x3b: {  	[tilespmem:$0x2A90] =	vst v1  }
0x3c: {  	[tilespmem:$0x2AA0] =	vst v1  }
0x3d: {  	[tilespmem:$0x2AB0] =	vst v1  }
0x3e: {  	[tilespmem:$0x2AC0] =	vst v1  }
0x3f: {  	[tilespmem:$0x2AD0] =	vst v1  }
0x40: {  	[tilespmem:$0x2AE0] =	vst v1  }
0x41: {  	[tilespmem:$0x2AF0] =	vst v1  }
0x42: {  	[spmem:s4] =	stream.linear.scatter [tilespmem:s8], [sflag:$0x9], $0x280, $0x38;
	[tilespmem:$0x2D80] =	vst v63  }
0x43: {  	_ =	swait.ge [sflag:s9], $0x280  }
0x44: {  	[sflag:s9] =	ssyncset.done $0x0  }
0x45: {  	[sflag:s9] =	ssyncadd.s32 $0xFFFFFD80  }
0x46: {  	[tilespmem:s3], [sflag:$0x9] =	stream.linear.gather [hbm4b:s5+s3], $0x2800, $0x38;
	[tilespmem:$0x2D80] =	vst v63  }
0x47: {  	_ =	swait.ge [sflag:s9], $0x2800  }
0x48: {  	[sflag:s9] =	ssyncset.done $0x0  }
0x49: {  	[sflag:s9] =	ssyncadd.s32 $0xFFFFD800  }
0x4a: {  	[bflag:$0x0] =	sbarrier.arrive $0xFFFF  }
0x4b: {  	[spmem:s2] =	stream.indirect.scatter.add.f32 [tilespmem:s11], [sflag:$0x1], $0x1, s3, s10, $0xb8;
	[tilespmem:$0x2D80] =	vst v63  }
0x4c: {  	_ = 	snop  }
0x4d: {  	[spmem:s2] =	stream.indirect.scatter.add.f32 [tilespmem:s11], [sflag:$0x2], $0x1, s12, s10, $0xb8;
	[tilespmem:$0x2D80] =	vst v63  }
0x4e: {  	_ = 	snop  }
0x4f: {  	[spmem:s2] =	stream.indirect.scatter.add.f32 [tilespmem:s11], [sflag:$0x3], $0x1, s13, s10, $0xb8;
	[tilespmem:$0x2D80] =	vst v63  }
0x50: {  	_ = 	snop  }
0x51: {  	[spmem:s2] =	stream.indirect.scatter.add.f32 [tilespmem:s11], [sflag:$0x4], $0x1, s14, s10, $0xb8;
	[tilespmem:$0x2D80] =	vst v63  }
0x52: {  	_ = 	snop  }
0x53: {  	[spmem:s2] =	stream.indirect.scatter.add.f32 [tilespmem:s11], [sflag:$0x5], $0x1, s15, s10, $0xb8;
	[tilespmem:$0x2D80] =	vst v63  }
0x54: {  	_ = 	snop  }
0x55: {  	[spmem:s2] =	stream.indirect.scatter.add.f32 [tilespmem:s11], [sflag:$0x6], $0x1, s16, s10, $0xb8;
	[tilespmem:$0x2D80] =	vst v63  }
0x56: {  	_ = 	snop  }
0x57: {  	[spmem:s2] =	stream.indirect.scatter.add.f32 [tilespmem:s11], [sflag:$0x7], $0x1, s17, s10, $0xb8;
	[tilespmem:$0x2D80] =	vst v63  }
0x58: {  	_ = 	snop  }
0x59: {  	[spmem:s2] =	stream.indirect.scatter.add.f32 [tilespmem:s11], [sflag:$0x8], $0x1, s18, s10, $0xb8;
	[tilespmem:$0x2D80] =	vst v63  }
0x5a: {  	_ =	swait.ge [sflag:s19], $0x7D  }
0x5b: {  	[sflag:s19] =	ssyncset.done $0x0  }
0x5c: {  	s29 =	simm.s32 $0x400;
	[sflag:s19] =	ssyncadd.s32 $0xFFFFFF83  }
0x5d: {  	[spmem:s2] =	stream.indirect.scatter.add.f32 [tilespmem:s11], [sflag:$0x1], $0x1, s29, s10, $0xb8;
	[tilespmem:$0x2D80] =	vst v63  }
0x5e: {  	_ =	swait.ge [sflag:s20], $0x7D  }
0x5f: {  	[sflag:s20] =	ssyncset.done $0x0  }
0x60: {  	s29 =	simm.s32 $0x480;
	[sflag:s20] =	ssyncadd.s32 $0xFFFFFF83  }
0x61: {  	[spmem:s2] =	stream.indirect.scatter.add.f32 [tilespmem:s11], [sflag:$0x2], $0x1, s29, s10, $0xb8;
	[tilespmem:$0x2D80] =	vst v63  }
0x62: {  	_ =	swait.ge [sflag:s21], $0x7D  }
0x63: {  	[sflag:s21] =	ssyncset.done $0x0  }
0x64: {  	s29 =	simm.s32 $0x500;
	[sflag:s21] =	ssyncadd.s32 $0xFFFFFF83  }
0x65: {  	[spmem:s2] =	stream.indirect.scatter.add.f32 [tilespmem:s11], [sflag:$0x3], $0x1, s29, s10, $0xb8;
	[tilespmem:$0x2D80] =	vst v63  }
0x66: {  	_ =	swait.ge [sflag:s22], $0x7D  }
0x67: {  	[sflag:s22] =	ssyncset.done $0x0  }
0x68: {  	s29 =	simm.s32 $0x580;
	[sflag:s22] =	ssyncadd.s32 $0xFFFFFF83  }
0x69: {  	[spmem:s2] =	stream.indirect.scatter.add.f32 [tilespmem:s11], [sflag:$0x4], $0x1, s29, s10, $0xb8;
	[tilespmem:$0x2D80] =	vst v63  }
0x6a: {  	_ =	swait.ge [sflag:s23], $0x7D  }
0x6b: {  	[sflag:s23] =	ssyncset.done $0x0  }
0x6c: {  	s29 =	simm.s32 $0x600;
	[sflag:s23] =	ssyncadd.s32 $0xFFFFFF83  }
0x6d: {  	[spmem:s2] =	stream.indirect.scatter.add.f32 [tilespmem:s11], [sflag:$0x5], $0x1, s29, s10, $0xb8;
	[tilespmem:$0x2D80] =	vst v63  }
0x6e: {  	_ =	swait.ge [sflag:s24], $0x7D  }
0x6f: {  	[sflag:s24] =	ssyncset.done $0x0  }
0x70: {  	s29 =	simm.s32 $0x680;
	[sflag:s24] =	ssyncadd.s32 $0xFFFFFF83  }
0x71: {  	[spmem:s2] =	stream.indirect.scatter.add.f32 [tilespmem:s11], [sflag:$0x6], $0x1, s29, s10, $0xb8;
	[tilespmem:$0x2D80] =	vst v63  }
0x72: {  	_ =	swait.ge [sflag:s25], $0x7D  }
0x73: {  	[sflag:s25] =	ssyncset.done $0x0  }
0x74: {  	s29 =	simm.s32 $0x700;
	[sflag:s25] =	ssyncadd.s32 $0xFFFFFF83  }
0x75: {  	[spmem:s2] =	stream.indirect.scatter.add.f32 [tilespmem:s11], [sflag:$0x7], $0x1, s29, s10, $0xb8;
	[tilespmem:$0x2D80] =	vst v63  }
0x76: {  	_ =	swait.ge [sflag:s26], $0x7D  }
0x77: {  	[sflag:s26] =	ssyncset.done $0x0  }
0x78: {  	s30 =	simm.s32 $0x780;
	s29 =	simm.s32 $0x1000;
	[sflag:s26] =	ssyncadd.s32 $0xFFFFFF83  }
.LBB2_2:
0x79: {  	[spmem:s2] =	stream.indirect.scatter.add.f32 [tilespmem:s11], [sflag:$0x8], $0x1, s30, s10, $0xb8;
	[tilespmem:$0x2D80] =	vst v63  }
0x7a: {  	s30 =	smov.u32 s29  }
0x7b: {  	p0 =	sne.s32 s29, $0x8000;
	s29 =	sadd.s32 $0x1000, s29;
	_ =	swait.ge [sflag:s19], $0x7D  }
0x7c: {  	s30 =	sshra.s32 s30, $0x2;
	[sflag:s19] =	ssyncset.done $0x0  }
0x7d: {  	s31 =	sadd.s32 $0x400, s30;
	[sflag:s19] =	ssyncadd.s32 $0xFFFFFF83  }
0x7e: {  	[spmem:s2] =	stream.indirect.scatter.add.f32 [tilespmem:s11], [sflag:$0x1], $0x1, s31, s10, $0xb8;
	[tilespmem:$0x2D80] =	vst v63  }
0x7f: {  	_ =	swait.ge [sflag:s20], $0x7D  }
0x80: {  	[sflag:s20] =	ssyncset.done $0x0  }
0x81: {  	s31 =	sadd.s32 $0x480, s30;
	[sflag:s20] =	ssyncadd.s32 $0xFFFFFF83  }
0x82: {  	[spmem:s2] =	stream.indirect.scatter.add.f32 [tilespmem:s11], [sflag:$0x2], $0x1, s31, s10, $0xb8;
	[tilespmem:$0x2D80] =	vst v63  }
0x83: {  	_ =	swait.ge [sflag:s21], $0x7D  }
0x84: {  	[sflag:s21] =	ssyncset.done $0x0  }
0x85: {  	s31 =	sadd.s32 $0x500, s30;
	[sflag:s21] =	ssyncadd.s32 $0xFFFFFF83  }
0x86: {  	[spmem:s2] =	stream.indirect.scatter.add.f32 [tilespmem:s11], [sflag:$0x3], $0x1, s31, s10, $0xb8;
	[tilespmem:$0x2D80] =	vst v63  }
0x87: {  	_ =	swait.ge [sflag:s22], $0x7D  }
0x88: {  	[sflag:s22] =	ssyncset.done $0x0  }
0x89: {  	s31 =	sadd.s32 $0x580, s30;
	[sflag:s22] =	ssyncadd.s32 $0xFFFFFF83  }
0x8a: {  	[spmem:s2] =	stream.indirect.scatter.add.f32 [tilespmem:s11], [sflag:$0x4], $0x1, s31, s10, $0xb8;
	[tilespmem:$0x2D80] =	vst v63  }
0x8b: {  	_ =	swait.ge [sflag:s23], $0x7D  }
0x8c: {  	[sflag:s23] =	ssyncset.done $0x0  }
0x8d: {  	s31 =	sadd.s32 $0x600, s30;
	[sflag:s23] =	ssyncadd.s32 $0xFFFFFF83  }
0x8e: {  	[spmem:s2] =	stream.indirect.scatter.add.f32 [tilespmem:s11], [sflag:$0x5], $0x1, s31, s10, $0xb8;
	[tilespmem:$0x2D80] =	vst v63  }
0x8f: {  	_ =	swait.ge [sflag:s24], $0x7D  }
0x90: {  	[sflag:s24] =	ssyncset.done $0x0  }
0x91: {  	s31 =	sadd.s32 $0x680, s30;
	[sflag:s24] =	ssyncadd.s32 $0xFFFFFF83  }
0x92: {  	[spmem:s2] =	stream.indirect.scatter.add.f32 [tilespmem:s11], [sflag:$0x6], $0x1, s31, s10, $0xb8;
	[tilespmem:$0x2D80] =	vst v63  }
0x93: {  	_ =	swait.ge [sflag:s25], $0x7D  }
0x94: {  	[sflag:s25] =	ssyncset.done $0x0  }
.Ltmp0:
0x95: {  	s31 =	sadd.s32 $0x700, s30;
	[sflag:s25] =	ssyncadd.s32 $0xFFFFFF83;
	(pc) =	sbr.rel @p0 .LBB2_2-.Ltmp0, $4  }
0x96: {  	[spmem:s2] =	stream.indirect.scatter.add.f32 [tilespmem:s11], [sflag:$0x7], $0x1, s31, s10, $0xb8;
	[tilespmem:$0x2D80] =	vst v63  }
0x97: {  	_ =	swait.ge [sflag:s26], $0x7D  }
0x98: {  	[sflag:s26] =	ssyncset.done $0x0  }
0x99: {  	s30 =	sadd.s32 $0x780, s30;
	[sflag:s26] =	ssyncadd.s32 $0xFFFFFF83  }
0x9a: {  	[spmem:s2] =	stream.indirect.scatter.add.f32 [tilespmem:s11], [sflag:$0x8], $0x1, s30, s10, $0xb8;
	[tilespmem:$0x2D80] =	vst v63  }
0x9b: {  	_ =	swait.ge [sflag:s19], $0x7D  }
0x9c: {  	[sflag:s19] =	ssyncset.done $0x0  }
0x9d: {  	[sflag:s19] =	ssyncadd.s32 $0xFFFFFF83  }
0x9e: {  	_ =	swait.ge [sflag:s20], $0x7D  }
0x9f: {  	[sflag:s20] =	ssyncset.done $0x0  }
0xa0: {  	[sflag:s20] =	ssyncadd.s32 $0xFFFFFF83  }
0xa1: {  	_ =	swait.ge [sflag:s21], $0x7D  }
0xa2: {  	[sflag:s21] =	ssyncset.done $0x0  }
0xa3: {  	[sflag:s21] =	ssyncadd.s32 $0xFFFFFF83  }
0xa4: {  	_ =	swait.ge [sflag:s22], $0x7D  }
0xa5: {  	[sflag:s22] =	ssyncset.done $0x0  }
0xa6: {  	[sflag:s22] =	ssyncadd.s32 $0xFFFFFF83  }
0xa7: {  	_ =	swait.ge [sflag:s23], $0x7D  }
0xa8: {  	[sflag:s23] =	ssyncset.done $0x0  }
0xa9: {  	[sflag:s23] =	ssyncadd.s32 $0xFFFFFF83  }
0xaa: {  	_ =	swait.ge [sflag:s24], $0x7D  }
0xab: {  	[sflag:s24] =	ssyncset.done $0x0  }
0xac: {  	[sflag:s24] =	ssyncadd.s32 $0xFFFFFF83  }
0xad: {  	_ =	swait.ge [sflag:s25], $0x7D  }
0xae: {  	[sflag:s25] =	ssyncset.done $0x0  }
0xaf: {  	[sflag:s25] =	ssyncadd.s32 $0xFFFFFF83  }
0xb0: {  	_ =	swait.ge [sflag:s26], $0x7D  }
0xb1: {  	[sflag:s26] =	ssyncset.done $0x0  }
0xb2: {  	[sflag:s26] =	ssyncadd.s32 $0xFFFFFF83  }
0xb3: {  	[bflag:$0x0] =	sbarrier.arrive $0xFFFF  }
0xb4: {  	[tilespmem:s8], [sflag:$0x9] =	stream.linear.gather [spmem:s4], $0x280, $0x38;
	[tilespmem:$0x2D80] =	vst v63  }
0xb5: {  	s28 =	sadd.s32 $0x1, s28;
	_ =	swait.ge [sflag:s9], $0x280  }
0xb6: {  	p0 =	sne.s32 s28, s7;
	[sflag:s9] =	ssyncset.done $0x0  }
.Ltmp1:
0xb7: {  	[sflag:s9] =	ssyncadd.s32 $0xFFFFFD80;
	(pc) =	sbr.rel @p0 .LBB2_1-.Ltmp1, $4  }
0xb8: {  	[hbm4b:s6+s3] =	stream.linear.scatter [tilespmem:s8], [sflag:$0x9], $0x280, $0x38;
	[tilespmem:$0x2D80] =	vst v63  }
0xb9: {  	_ =	swait.ge [sflag:s9], $0x280  }
0xba: {  	[sflag:s9] =	ssyncset.done $0x0  }
0xbb: {  	[sflag:s9] =	ssyncadd.s32 $0xFFFFFD80  }
0xbc: {  	_ =	sfence.sel $0x180000  }
0xbd: {  	[bflag:$0x0] =	sbarrier.arrive $0xFFFF  }
0xbe: {  	p0 =	sne.s32 s0, $0x0;
	_ =	strace $0x90000047  }
0xbf: {  	s0 =	sadd.s32 @!p0 $0x100000, s1;
	[bflag:$0x2] =	sbarrier.arrive $0xFFFF  }
0xc0: {  	[sflag:s0] =	ssyncadd.tile.s32 @!p0 $0x1;
	_ =	shalt  }
.Lfunc_end2:
_tile_overlayer_lowered:
.L_overlay_start_2:
0xc1: {  	(tag) =	ssettag $0x2  }
0xc2: {  	s0 =	rddreg [dreg:$0x0];
	s2 =	stileid.u32  }
0xc3: {  	s1 =	rddreg [dreg:$0x1];
	p0 =	sne.s32 s2, $0x0  }
0xc4: {  	s3 =	rddreg [dreg:$0x2];
	[bflag:$0x3] =	sbarrier.arrive $0xFFFF;
	s2 =	simm.s32 @!p0 $0x1C09  }
0xc5: {  	[timem:s3], [sflag:s2] =	dma.local @!p0 [hbm:s0], s1  }
0xc6: {  	s0 =	simm.s32 @!p0 $0x9  }
0xc7: {  	_ =	swait.ge @!p0 [sflag:s0], s1  }
0xc8: {  	s1 =	ssub.s32 @!p0 $0x0, s1;
	[sflag:s0] =	ssyncset.done @!p0 $0x0  }
0xc9: {  	[sflag:s0] =	ssyncadd.s32 @!p0 s1  }
0xca: {  	[bflag:$0x3] =	sbarrier.arrive $0xFFFF  }
0xcb: {  	_ =	shalt  }

</sc_bundles>
